<compile_context>
chip_gen: v7x
topology: tpu7x:2x2x1
jax: 0.10.2.dev20260603
libtpu: 0.0.44.dev20260713+nightly
codegen_flags: <defaults>
</compile_context>

<pallas_src>
import functools

import jax
import jax.numpy as jnp
from jax import lax
from jax.experimental import pallas as pl
from jax.experimental.pallas import tpu as pltpu
from jax.experimental.pallas import tpu_sc as plsc

VOCAB = 1000000
EMBED = 32
B_TOTAL = 16384 * 50

_info = plsc.get_sparse_core_info()
_NC, _NS = _info.num_cores, _info.num_subcores
_NW = _NC * _NS
_B_PER_W = B_TOTAL // _NW
_CHUNK = 800
_NCHUNK = _B_PER_W // _CHUNK
_NBUF = 4
_GDEPTH = 2
_NIBUF = 4


def _make_gather():
  mesh = plsc.VectorSubcoreMesh(core_axis_name="c", subcore_axis_name="s")

  @functools.partial(
      pl.kernel,
      mesh=mesh,
      out_type=jax.ShapeDtypeStruct((B_TOTAL, EMBED), jnp.float32),
      scratch_types=[
          pltpu.VMEM((_NIBUF, _CHUNK), jnp.int32),
          pltpu.VMEM((_NBUF, _CHUNK, EMBED), jnp.float32),
      ] + [pltpu.SemaphoreType.DMA] * (_NIBUF + 2 * _NBUF),
      compiler_params=pltpu.CompilerParams(use_tc_tiling_on_sc=False),
  )
  def gather_k(table_hbm, idx_hbm, out_hbm, idx_v, rows_v, *sems):
    isem = list(sems[:_NIBUF])
    gsem = list(sems[_NIBUF:_NIBUF + _NBUF])
    ssem = list(sems[_NIBUF + _NBUF:])
    wid = lax.axis_index("s") * _NC + lax.axis_index("c")
    base = wid * _B_PER_W

    idxd = [None] * _NCHUNK
    gd = [None] * _NCHUNK
    sd = [None] * _NCHUNK

    def start_idx(c):
      i = c % _NIBUF
      idxd[c] = pltpu.async_copy(
          idx_hbm.at[pl.ds(base + c * _CHUNK, _CHUNK)], idx_v.at[i],
          isem[i])

    def start_store(c):
      b = c % _NBUF
      sd[c] = pltpu.async_copy(
          rows_v.at[b], out_hbm.at[pl.ds(base + c * _CHUNK, _CHUNK)],
          ssem[b])

    for c in range(min(_NIBUF, _NCHUNK)):
      start_idx(c)

    for c in range(_NCHUNK):
      b = c % _NBUF
      if c >= _NBUF:
        sd[c - _NBUF].wait()
      idxd[c].wait()
      gd[c] = pltpu.async_copy(
          table_hbm.at[idx_v.at[c % _NIBUF]], rows_v.at[b], gsem[b])
      if c >= _GDEPTH:
        gd[c - _GDEPTH].wait()
        start_store(c - _GDEPTH)
        nxt = c - _GDEPTH + _NIBUF
        if _NIBUF <= nxt < _NCHUNK:
          start_idx(nxt)

    for c in range(_NCHUNK - _GDEPTH, _NCHUNK):
      gd[c].wait()
      start_store(c)
    for c in range(max(0, _NCHUNK - _NBUF), _NCHUNK):
      sd[c].wait()

  return gather_k


_gather = _make_gather()


@jax.jit
def kernel(x, embedding_table):
  idx = x.reshape(-1).astype(jnp.int32)
  out = _gather(embedding_table, idx)
  return out.reshape(x.shape[0], x.shape[1], EMBED)

# --- scband reference (transcript-rebuilt; emitter-appended) ---
"""Pipeline reference for scband-embedding-layer-9912784519767 (READ-ONLY COPY).

The authoritative reference and input builder live on the scoring server;
editing this copy changes nothing except your own understanding.
"""

import jax, jax.numpy as jnp
import numpy as np

VOCAB = 1000000
EMBED = 32

def setup_inputs(seed: int = 0) -> dict:
    key = jax.random.key(seed)
    k1, k2 = jax.random.split(key)
    x = jax.random.randint(k1, (16384, 50), 0, VOCAB, dtype=jnp.int64)
    embedding_table = jax.random.uniform(k2, (VOCAB, EMBED), dtype=jnp.float32, minval=-0.02, maxval=0.02)
    return {"x": x, "embedding_table": embedding_table}

def reference(x, embedding_table):
    # tf.nn.embedding_lookup(table, x) -> gather along axis 0
    return jnp.take(embedding_table, x, axis=0)

if __name__ == "__main__":
    import jax
    _d = setup_inputs()
    print(jax.jit(kernel)(*tuple(_d.values())))

</pallas_src>

<mosaic_0001>
#map = affine_map<(d0, d1) -> (0, 0)>
#map1 = affine_map<(d0, d1) -> (0)>
module attributes {stable_mosaic.version = 14 : i64} {
  func.func @gather_k(%arg0: i32, %arg1: i32, %arg2: memref<1000000x32xf32, #tpu.memory_space<hbm>>, %arg3: memref<819200xi32, #tpu.memory_space<hbm>>, %arg4: memref<819200x32xf32, #tpu.memory_space<hbm>>, %arg5: memref<4x800xi32, #tpu.memory_space<vmem>>, %arg6: memref<4x800x32xf32, #tpu.memory_space<vmem>>, %arg7: memref<!tpu.dma_semaphore, #tpu.memory_space<semaphore_mem>>, %arg8: memref<!tpu.dma_semaphore, #tpu.memory_space<semaphore_mem>>, %arg9: memref<!tpu.dma_semaphore, #tpu.memory_space<semaphore_mem>>, %arg10: memref<!tpu.dma_semaphore, #tpu.memory_space<semaphore_mem>>, %arg11: memref<!tpu.dma_semaphore, #tpu.memory_space<semaphore_mem>>, %arg12: memref<!tpu.dma_semaphore, #tpu.memory_space<semaphore_mem>>, %arg13: memref<!tpu.dma_semaphore, #tpu.memory_space<semaphore_mem>>, %arg14: memref<!tpu.dma_semaphore, #tpu.memory_space<semaphore_mem>>, %arg15: memref<!tpu.dma_semaphore, #tpu.memory_space<semaphore_mem>>, %arg16: memref<!tpu.dma_semaphore, #tpu.memory_space<semaphore_mem>>, %arg17: memref<!tpu.dma_semaphore, #tpu.memory_space<semaphore_mem>>, %arg18: memref<!tpu.dma_semaphore, #tpu.memory_space<semaphore_mem>>) attributes {dimension_semantics = [#tpu.dimension_semantics<core_parallel>, #tpu.dimension_semantics<subcore_parallel>], iteration_bounds = array<i64: 2, 16>, scalar_prefetch = 0 : i64, scratch_operands = 14 : i64, tpu.core_type = #tpu.core_type<sc_vector_subcore>, window_params = [{transform_indices = #map}, {transform_indices = #map1}, {transform_indices = #map}]} {
    %mul3A = arith.constant 2 : i32
    %mul3A_0 = arith.muli %arg1, %mul3A : i32
    %add3A = arith.addi %mul3A_0, %arg0 : i32
    %mul3A_1 = arith.constant 25600 : i32
    %mul3A_2 = arith.muli %add3A, %mul3A_1 : i32
    %add3A_3 = arith.constant 0 : i32
    %add3A_4 = arith.addi %mul3A_2, %add3A_3 : i32
    %dma_start3A = arith.constant 0 : i32
    %dma_start3A_5 = arith.constant 0 : i32
    %dma_start3A_6 = tpu.memref_slice %arg5[%dma_start3A, %dma_start3A_5] : memref<4x800xi32, #tpu.memory_space<vmem>> -> memref<1x800xi32, #tpu.memory_space<vmem>>
    %dma_start3A_7 = tpu.memref_squeeze %dma_start3A_6 : memref<1x800xi32, #tpu.memory_space<vmem>> -> memref<800xi32, #tpu.memory_space<vmem>>
    %dma_start3A_8 = tpu.memref_slice %arg3[%add3A_4] : memref<819200xi32, #tpu.memory_space<hbm>> -> memref<800xi32, #tpu.memory_space<hbm>>
    %dma_start3A_9 = arith.constant 0 : i32
    %dma_start3A_10 = tpu.memref_slice %arg5[%dma_start3A, %dma_start3A_9] : memref<4x800xi32, #tpu.memory_space<vmem>> -> memref<1x800xi32, #tpu.memory_space<vmem>>
    %dma_start3A_11 = tpu.memref_squeeze %dma_start3A_10 : memref<1x800xi32, #tpu.memory_space<vmem>> -> memref<800xi32, #tpu.memory_space<vmem>>
    %dma_start3A_12 = tpu.memref_slice %arg3[%add3A_4] : memref<819200xi32, #tpu.memory_space<hbm>> -> memref<800xi32, #tpu.memory_space<hbm>>
    tpu.enqueue_dma source(%dma_start3A_12 : memref<800xi32, #tpu.memory_space<hbm>>) target(%dma_start3A_11 : memref<800xi32, #tpu.memory_space<vmem>>) target_semaphore(%arg7 : memref<!tpu.dma_semaphore, #tpu.memory_space<semaphore_mem>>)
    %add3A_13 = arith.constant 800 : i32
    %add3A_14 = arith.addi %mul3A_2, %add3A_13 : i32
    %dma_start3A_15 = arith.constant 1 : i32
    %dma_start3A_16 = arith.constant 0 : i32
    %dma_start3A_17 = tpu.memref_slice %arg5[%dma_start3A_15, %dma_start3A_16] : memref<4x800xi32, #tpu.memory_space<vmem>> -> memref<1x800xi32, #tpu.memory_space<vmem>>
    %dma_start3A_18 = tpu.memref_squeeze %dma_start3A_17 : memref<1x800xi32, #tpu.memory_space<vmem>> -> memref<800xi32, #tpu.memory_space<vmem>>
    %dma_start3A_19 = tpu.memref_slice %arg3[%add3A_14] : memref<819200xi32, #tpu.memory_space<hbm>> -> memref<800xi32, #tpu.memory_space<hbm>>
    %dma_start3A_20 = arith.constant 0 : i32
    %dma_start3A_21 = tpu.memref_slice %arg5[%dma_start3A_15, %dma_start3A_20] : memref<4x800xi32, #tpu.memory_space<vmem>> -> memref<1x800xi32, #tpu.memory_space<vmem>>
    %dma_start3A_22 = tpu.memref_squeeze %dma_start3A_21 : memref<1x800xi32, #tpu.memory_space<vmem>> -> memref<800xi32, #tpu.memory_space<vmem>>
    %dma_start3A_23 = tpu.memref_slice %arg3[%add3A_14] : memref<819200xi32, #tpu.memory_space<hbm>> -> memref<800xi32, #tpu.memory_space<hbm>>
    tpu.enqueue_dma source(%dma_start3A_23 : memref<800xi32, #tpu.memory_space<hbm>>) target(%dma_start3A_22 : memref<800xi32, #tpu.memory_space<vmem>>) target_semaphore(%arg8 : memref<!tpu.dma_semaphore, #tpu.memory_space<semaphore_mem>>)
    %add3A_24 = arith.constant 1600 : i32
    %add3A_25 = arith.addi %mul3A_2, %add3A_24 : i32
    %dma_start3A_26 = arith.constant 2 : i32
    %dma_start3A_27 = arith.constant 0 : i32
    %dma_start3A_28 = tpu.memref_slice %arg5[%dma_start3A_26, %dma_start3A_27] : memref<4x800xi32, #tpu.memory_space<vmem>> -> memref<1x800xi32, #tpu.memory_space<vmem>>
    %dma_start3A_29 = tpu.memref_squeeze %dma_start3A_28 : memref<1x800xi32, #tpu.memory_space<vmem>> -> memref<800xi32, #tpu.memory_space<vmem>>
    %dma_start3A_30 = tpu.memref_slice %arg3[%add3A_25] : memref<819200xi32, #tpu.memory_space<hbm>> -> memref<800xi32, #tpu.memory_space<hbm>>
    %dma_start3A_31 = arith.constant 0 : i32
    %dma_start3A_32 = tpu.memref_slice %arg5[%dma_start3A_26, %dma_start3A_31] : memref<4x800xi32, #tpu.memory_space<vmem>> -> memref<1x800xi32, #tpu.memory_space<vmem>>
    %dma_start3A_33 = tpu.memref_squeeze %dma_start3A_32 : memref<1x800xi32, #tpu.memory_space<vmem>> -> memref<800xi32, #tpu.memory_space<vmem>>
    %dma_start3A_34 = tpu.memref_slice %arg3[%add3A_25] : memref<819200xi32, #tpu.memory_space<hbm>> -> memref<800xi32, #tpu.memory_space<hbm>>
    tpu.enqueue_dma source(%dma_start3A_34 : memref<800xi32, #tpu.memory_space<hbm>>) target(%dma_start3A_33 : memref<800xi32, #tpu.memory_space<vmem>>) target_semaphore(%arg9 : memref<!tpu.dma_semaphore, #tpu.memory_space<semaphore_mem>>)
    %add3A_35 = arith.constant 2400 : i32
    %add3A_36 = arith.addi %mul3A_2, %add3A_35 : i32
    %dma_start3A_37 = arith.constant 3 : i32
    %dma_start3A_38 = arith.constant 0 : i32
    %dma_start3A_39 = tpu.memref_slice %arg5[%dma_start3A_37, %dma_start3A_38] : memref<4x800xi32, #tpu.memory_space<vmem>> -> memref<1x800xi32, #tpu.memory_space<vmem>>
    %dma_start3A_40 = tpu.memref_squeeze %dma_start3A_39 : memref<1x800xi32, #tpu.memory_space<vmem>> -> memref<800xi32, #tpu.memory_space<vmem>>
    %dma_start3A_41 = tpu.memref_slice %arg3[%add3A_36] : memref<819200xi32, #tpu.memory_space<hbm>> -> memref<800xi32, #tpu.memory_space<hbm>>
    %dma_start3A_42 = arith.constant 0 : i32
    %dma_start3A_43 = tpu.memref_slice %arg5[%dma_start3A_37, %dma_start3A_42] : memref<4x800xi32, #tpu.memory_space<vmem>> -> memref<1x800xi32, #tpu.memory_space<vmem>>
    %dma_start3A_44 = tpu.memref_squeeze %dma_start3A_43 : memref<1x800xi32, #tpu.memory_space<vmem>> -> memref<800xi32, #tpu.memory_space<vmem>>
    %dma_start3A_45 = tpu.memref_slice %arg3[%add3A_36] : memref<819200xi32, #tpu.memory_space<hbm>> -> memref<800xi32, #tpu.memory_space<hbm>>
    tpu.enqueue_dma source(%dma_start3A_45 : memref<800xi32, #tpu.memory_space<hbm>>) target(%dma_start3A_44 : memref<800xi32, #tpu.memory_space<vmem>>) target_semaphore(%arg10 : memref<!tpu.dma_semaphore, #tpu.memory_space<semaphore_mem>>)
    %dma_wait3A = arith.constant 0 : i32
    %dma_wait3A_46 = arith.constant 0 : i32
    %dma_wait3A_47 = tpu.memref_slice %arg5[%dma_wait3A, %dma_wait3A_46] : memref<4x800xi32, #tpu.memory_space<vmem>> -> memref<1x800xi32, #tpu.memory_space<vmem>>
    %dma_wait3A_48 = tpu.memref_squeeze %dma_wait3A_47 : memref<1x800xi32, #tpu.memory_space<vmem>> -> memref<800xi32, #tpu.memory_space<vmem>>
    %dma_wait3A_49 = tpu.memref_slice %arg3[%add3A_4] : memref<819200xi32, #tpu.memory_space<hbm>> -> memref<800xi32, #tpu.memory_space<hbm>>
    %dma_wait3A_50 = arith.constant 0 : i32
    %dma_wait3A_51 = tpu.memref_slice %arg5[%dma_wait3A, %dma_wait3A_50] : memref<4x800xi32, #tpu.memory_space<vmem>> -> memref<1x800xi32, #tpu.memory_space<vmem>>
    %dma_wait3A_52 = tpu.memref_squeeze %dma_wait3A_51 : memref<1x800xi32, #tpu.memory_space<vmem>> -> memref<800xi32, #tpu.memory_space<vmem>>
    %dma_wait3A_53 = tpu.memref_slice %arg3[%add3A_4] : memref<819200xi32, #tpu.memory_space<hbm>> -> memref<800xi32, #tpu.memory_space<hbm>>
    tpu.wait_dma2 semaphore(%arg7 : memref<!tpu.dma_semaphore, #tpu.memory_space<semaphore_mem>>) src(%dma_wait3A_53 : memref<800xi32, #tpu.memory_space<hbm>>) dst(%dma_wait3A_52 : memref<800xi32, #tpu.memory_space<vmem>>)
    %dma_start3A_54 = arith.constant 0 : i32
    %dma_start3A_55 = arith.constant 0 : i32
    %dma_start3A_56 = arith.constant 0 : i32
    %dma_start3A_57 = arith.constant 0 : i32
    %dma_start3A_58 = tpu.memref_slice %arg6[%dma_start3A_55, %dma_start3A_56, %dma_start3A_57] : memref<4x800x32xf32, #tpu.memory_space<vmem>> -> memref<1x800x32xf32, #tpu.memory_space<vmem>>
    %dma_start3A_59 = tpu.memref_squeeze %dma_start3A_58 : memref<1x800x32xf32, #tpu.memory_space<vmem>> -> memref<800x32xf32, #tpu.memory_space<vmem>>
    %dma_start3A_60 = arith.constant 0 : i32
    %dma_start3A_61 = tpu.memref_slice %arg5[%dma_start3A_54, %dma_start3A_60] : memref<4x800xi32, #tpu.memory_space<vmem>> -> memref<1x800xi32, #tpu.memory_space<vmem>>
    %dma_start3A_62 = tpu.memref_squeeze %dma_start3A_61 : memref<1x800xi32, #tpu.memory_space<vmem>> -> memref<800xi32, #tpu.memory_space<vmem>>
    %dma_start3A_63 = arith.constant 0 : i32
    %dma_start3A_64 = arith.constant 0 : i32
    %dma_start3A_65 = tpu.memref_slice %arg2[%dma_start3A_63, %dma_start3A_64] : memref<1000000x32xf32, #tpu.memory_space<hbm>> -> memref<1000000x32xf32, #tpu.memory_space<hbm>>
    tpu.enqueue_indirect_dma source(%dma_start3A_65 : memref<1000000x32xf32, #tpu.memory_space<hbm>>) target(%dma_start3A_59 : memref<800x32xf32, #tpu.memory_space<vmem>>) offsets(%dma_start3A_62 : memref<800xi32, #tpu.memory_space<vmem>>) semaphore(%arg11 : memref<!tpu.dma_semaphore, #tpu.memory_space<semaphore_mem>>)
    %dma_wait3A_66 = arith.constant 1 : i32
    %dma_wait3A_67 = arith.constant 0 : i32
    %dma_wait3A_68 = tpu.memref_slice %arg5[%dma_wait3A_66, %dma_wait3A_67] : memref<4x800xi32, #tpu.memory_space<vmem>> -> memref<1x800xi32, #tpu.memory_space<vmem>>
    %dma_wait3A_69 = tpu.memref_squeeze %dma_wait3A_68 : memref<1x800xi32, #tpu.memory_space<vmem>> -> memref<800xi32, #tpu.memory_space<vmem>>
    %dma_wait3A_70 = tpu.memref_slice %arg3[%add3A_14] : memref<819200xi32, #tpu.memory_space<hbm>> -> memref<800xi32, #tpu.memory_space<hbm>>
    %dma_wait3A_71 = arith.constant 0 : i32
    %dma_wait3A_72 = tpu.memref_slice %arg5[%dma_wait3A_66, %dma_wait3A_71] : memref<4x800xi32, #tpu.memory_space<vmem>> -> memref<1x800xi32, #tpu.memory_space<vmem>>
    %dma_wait3A_73 = tpu.memref_squeeze %dma_wait3A_72 : memref<1x800xi32, #tpu.memory_space<vmem>> -> memref<800xi32, #tpu.memory_space<vmem>>
    %dma_wait3A_74 = tpu.memref_slice %arg3[%add3A_14] : memref<819200xi32, #tpu.memory_space<hbm>> -> memref<800xi32, #tpu.memory_space<hbm>>
    tpu.wait_dma2 semaphore(%arg8 : memref<!tpu.dma_semaphore, #tpu.memory_space<semaphore_mem>>) src(%dma_wait3A_74 : memref<800xi32, #tpu.memory_space<hbm>>) dst(%dma_wait3A_73 : memref<800xi32, #tpu.memory_space<vmem>>)
    %dma_start3A_75 = arith.constant 1 : i32
    %dma_start3A_76 = arith.constant 1 : i32
    %dma_start3A_77 = arith.constant 0 : i32
    %dma_start3A_78 = arith.constant 0 : i32
    %dma_start3A_79 = tpu.memref_slice %arg6[%dma_start3A_76, %dma_start3A_77, %dma_start3A_78] : memref<4x800x32xf32, #tpu.memory_space<vmem>> -> memref<1x800x32xf32, #tpu.memory_space<vmem>>
    %dma_start3A_80 = tpu.memref_squeeze %dma_start3A_79 : memref<1x800x32xf32, #tpu.memory_space<vmem>> -> memref<800x32xf32, #tpu.memory_space<vmem>>
    %dma_start3A_81 = arith.constant 0 : i32
    %dma_start3A_82 = tpu.memref_slice %arg5[%dma_start3A_75, %dma_start3A_81] : memref<4x800xi32, #tpu.memory_space<vmem>> -> memref<1x800xi32, #tpu.memory_space<vmem>>
    %dma_start3A_83 = tpu.memref_squeeze %dma_start3A_82 : memref<1x800xi32, #tpu.memory_space<vmem>> -> memref<800xi32, #tpu.memory_space<vmem>>
    %dma_start3A_84 = arith.constant 0 : i32
    %dma_start3A_85 = arith.constant 0 : i32
    %dma_start3A_86 = tpu.memref_slice %arg2[%dma_start3A_84, %dma_start3A_85] : memref<1000000x32xf32, #tpu.memory_space<hbm>> -> memref<1000000x32xf32, #tpu.memory_space<hbm>>
    tpu.enqueue_indirect_dma source(%dma_start3A_86 : memref<1000000x32xf32, #tpu.memory_space<hbm>>) target(%dma_start3A_80 : memref<800x32xf32, #tpu.memory_space<vmem>>) offsets(%dma_start3A_83 : memref<800xi32, #tpu.memory_space<vmem>>) semaphore(%arg12 : memref<!tpu.dma_semaphore, #tpu.memory_space<semaphore_mem>>)
    %dma_wait3A_87 = arith.constant 2 : i32
    %dma_wait3A_88 = arith.constant 0 : i32
    %dma_wait3A_89 = tpu.memref_slice %arg5[%dma_wait3A_87, %dma_wait3A_88] : memref<4x800xi32, #tpu.memory_space<vmem>> -> memref<1x800xi32, #tpu.memory_space<vmem>>
    %dma_wait3A_90 = tpu.memref_squeeze %dma_wait3A_89 : memref<1x800xi32, #tpu.memory_space<vmem>> -> memref<800xi32, #tpu.memory_space<vmem>>
    %dma_wait3A_91 = tpu.memref_slice %arg3[%add3A_25] : memref<819200xi32, #tpu.memory_space<hbm>> -> memref<800xi32, #tpu.memory_space<hbm>>
    %dma_wait3A_92 = arith.constant 0 : i32
    %dma_wait3A_93 = tpu.memref_slice %arg5[%dma_wait3A_87, %dma_wait3A_92] : memref<4x800xi32, #tpu.memory_space<vmem>> -> memref<1x800xi32, #tpu.memory_space<vmem>>
    %dma_wait3A_94 = tpu.memref_squeeze %dma_wait3A_93 : memref<1x800xi32, #tpu.memory_space<vmem>> -> memref<800xi32, #tpu.memory_space<vmem>>
    %dma_wait3A_95 = tpu.memref_slice %arg3[%add3A_25] : memref<819200xi32, #tpu.memory_space<hbm>> -> memref<800xi32, #tpu.memory_space<hbm>>
    tpu.wait_dma2 semaphore(%arg9 : memref<!tpu.dma_semaphore, #tpu.memory_space<semaphore_mem>>) src(%dma_wait3A_95 : memref<800xi32, #tpu.memory_space<hbm>>) dst(%dma_wait3A_94 : memref<800xi32, #tpu.memory_space<vmem>>)
    %dma_start3A_96 = arith.constant 2 : i32
    %dma_start3A_97 = arith.constant 2 : i32
    %dma_start3A_98 = arith.constant 0 : i32
    %dma_start3A_99 = arith.constant 0 : i32
    %dma_start3A_100 = tpu.memref_slice %arg6[%dma_start3A_97, %dma_start3A_98, %dma_start3A_99] : memref<4x800x32xf32, #tpu.memory_space<vmem>> -> memref<1x800x32xf32, #tpu.memory_space<vmem>>
    %dma_start3A_101 = tpu.memref_squeeze %dma_start3A_100 : memref<1x800x32xf32, #tpu.memory_space<vmem>> -> memref<800x32xf32, #tpu.memory_space<vmem>>
    %dma_start3A_102 = arith.constant 0 : i32
    %dma_start3A_103 = tpu.memref_slice %arg5[%dma_start3A_96, %dma_start3A_102] : memref<4x800xi32, #tpu.memory_space<vmem>> -> memref<1x800xi32, #tpu.memory_space<vmem>>
    %dma_start3A_104 = tpu.memref_squeeze %dma_start3A_103 : memref<1x800xi32, #tpu.memory_space<vmem>> -> memref<800xi32, #tpu.memory_space<vmem>>
    %dma_start3A_105 = arith.constant 0 : i32
    %dma_start3A_106 = arith.constant 0 : i32
    %dma_start3A_107 = tpu.memref_slice %arg2[%dma_start3A_105, %dma_start3A_106] : memref<1000000x32xf32, #tpu.memory_space<hbm>> -> memref<1000000x32xf32, #tpu.memory_space<hbm>>
    tpu.enqueue_indirect_dma source(%dma_start3A_107 : memref<1000000x32xf32, #tpu.memory_space<hbm>>) target(%dma_start3A_101 : memref<800x32xf32, #tpu.memory_space<vmem>>) offsets(%dma_start3A_104 : memref<800xi32, #tpu.memory_space<vmem>>) semaphore(%arg13 : memref<!tpu.dma_semaphore, #tpu.memory_space<semaphore_mem>>)
    %dma_wait3A_108 = arith.constant 0 : i32
    %dma_wait3A_109 = arith.constant 0 : i32
    %dma_wait3A_110 = arith.constant 0 : i32
    %dma_wait3A_111 = arith.constant 0 : i32
    %dma_wait3A_112 = tpu.memref_slice %arg6[%dma_wait3A_109, %dma_wait3A_110, %dma_wait3A_111] : memref<4x800x32xf32, #tpu.memory_space<vmem>> -> memref<1x800x32xf32, #tpu.memory_space<vmem>>
    %dma_wait3A_113 = tpu.memref_squeeze %dma_wait3A_112 : memref<1x800x32xf32, #tpu.memory_space<vmem>> -> memref<800x32xf32, #tpu.memory_space<vmem>>
    %dma_wait3A_114 = arith.constant 0 : i32
    %dma_wait3A_115 = tpu.memref_slice %arg5[%dma_wait3A_108, %dma_wait3A_114] : memref<4x800xi32, #tpu.memory_space<vmem>> -> memref<1x800xi32, #tpu.memory_space<vmem>>
    %dma_wait3A_116 = tpu.memref_squeeze %dma_wait3A_115 : memref<1x800xi32, #tpu.memory_space<vmem>> -> memref<800xi32, #tpu.memory_space<vmem>>
    %dma_wait3A_117 = arith.constant 0 : i32
    %dma_wait3A_118 = arith.constant 0 : i32
    %dma_wait3A_119 = tpu.memref_slice %arg2[%dma_wait3A_117, %dma_wait3A_118] : memref<1000000x32xf32, #tpu.memory_space<hbm>> -> memref<1000000x32xf32, #tpu.memory_space<hbm>>
    tpu.wait_indirect_dma semaphore(%arg11 : memref<!tpu.dma_semaphore, #tpu.memory_space<semaphore_mem>>) src(%dma_wait3A_119 : memref<1000000x32xf32, #tpu.memory_space<hbm>>) dst(%dma_wait3A_113 : memref<800x32xf32, #tpu.memory_space<vmem>>)
    %add3A_120 = arith.constant 0 : i32
    %add3A_121 = arith.addi %mul3A_2, %add3A_120 : i32
    %dma_start3A_122 = arith.constant 0 : i32
    %dma_start3A_123 = arith.constant 0 : i32
    %dma_start3A_124 = arith.constant 0 : i32
    %dma_start3A_125 = tpu.memref_slice %arg6[%dma_start3A_122, %dma_start3A_123, %dma_start3A_124] : memref<4x800x32xf32, #tpu.memory_space<vmem>> -> memref<1x800x32xf32, #tpu.memory_space<vmem>>
    %dma_start3A_126 = tpu.memref_squeeze %dma_start3A_125 : memref<1x800x32xf32, #tpu.memory_space<vmem>> -> memref<800x32xf32, #tpu.memory_space<vmem>>
    %dma_start3A_127 = arith.constant 0 : i32
    %dma_start3A_128 = tpu.memref_slice %arg4[%add3A_121, %dma_start3A_127] : memref<819200x32xf32, #tpu.memory_space<hbm>> -> memref<800x32xf32, #tpu.memory_space<hbm>>
    %dma_start3A_129 = arith.constant 0 : i32
    %dma_start3A_130 = tpu.memref_slice %arg4[%add3A_121, %dma_start3A_129] : memref<819200x32xf32, #tpu.memory_space<hbm>> -> memref<800x32xf32, #tpu.memory_space<hbm>>
    %dma_start3A_131 = arith.constant 0 : i32
    %dma_start3A_132 = arith.constant 0 : i32
    %dma_start3A_133 = tpu.memref_slice %arg6[%dma_start3A_122, %dma_start3A_131, %dma_start3A_132] : memref<4x800x32xf32, #tpu.memory_space<vmem>> -> memref<1x800x32xf32, #tpu.memory_space<vmem>>
    %dma_start3A_134 = tpu.memref_squeeze %dma_start3A_133 : memref<1x800x32xf32, #tpu.memory_space<vmem>> -> memref<800x32xf32, #tpu.memory_space<vmem>>
    tpu.enqueue_dma source(%dma_start3A_134 : memref<800x32xf32, #tpu.memory_space<vmem>>) target(%dma_start3A_130 : memref<800x32xf32, #tpu.memory_space<hbm>>) target_semaphore(%arg15 : memref<!tpu.dma_semaphore, #tpu.memory_space<semaphore_mem>>)
    %add3A_135 = arith.constant 3200 : i32
    %add3A_136 = arith.addi %mul3A_2, %add3A_135 : i32
    %dma_start3A_137 = arith.constant 0 : i32
    %dma_start3A_138 = arith.constant 0 : i32
    %dma_start3A_139 = tpu.memref_slice %arg5[%dma_start3A_137, %dma_start3A_138] : memref<4x800xi32, #tpu.memory_space<vmem>> -> memref<1x800xi32, #tpu.memory_space<vmem>>
    %dma_start3A_140 = tpu.memref_squeeze %dma_start3A_139 : memref<1x800xi32, #tpu.memory_space<vmem>> -> memref<800xi32, #tpu.memory_space<vmem>>
    %dma_start3A_141 = tpu.memref_slice %arg3[%add3A_136] : memref<819200xi32, #tpu.memory_space<hbm>> -> memref<800xi32, #tpu.memory_space<hbm>>
    %dma_start3A_142 = arith.constant 0 : i32
    %dma_start3A_143 = tpu.memref_slice %arg5[%dma_start3A_137, %dma_start3A_142] : memref<4x800xi32, #tpu.memory_space<vmem>> -> memref<1x800xi32, #tpu.memory_space<vmem>>
    %dma_start3A_144 = tpu.memref_squeeze %dma_start3A_143 : memref<1x800xi32, #tpu.memory_space<vmem>> -> memref<800xi32, #tpu.memory_space<vmem>>
    %dma_start3A_145 = tpu.memref_slice %arg3[%add3A_136] : memref<819200xi32, #tpu.memory_space<hbm>> -> memref<800xi32, #tpu.memory_space<hbm>>
    tpu.enqueue_dma source(%dma_start3A_145 : memref<800xi32, #tpu.memory_space<hbm>>) target(%dma_start3A_144 : memref<800xi32, #tpu.memory_space<vmem>>) target_semaphore(%arg7 : memref<!tpu.dma_semaphore, #tpu.memory_space<semaphore_mem>>)
    %dma_wait3A_146 = arith.constant 3 : i32
    %dma_wait3A_147 = arith.constant 0 : i32
    %dma_wait3A_148 = tpu.memref_slice %arg5[%dma_wait3A_146, %dma_wait3A_147] : memref<4x800xi32, #tpu.memory_space<vmem>> -> memref<1x800xi32, #tpu.memory_space<vmem>>
    %dma_wait3A_149 = tpu.memref_squeeze %dma_wait3A_148 : memref<1x800xi32, #tpu.memory_space<vmem>> -> memref<800xi32, #tpu.memory_space<vmem>>
    %dma_wait3A_150 = tpu.memref_slice %arg3[%add3A_36] : memref<819200xi32, #tpu.memory_space<hbm>> -> memref<800xi32, #tpu.memory_space<hbm>>
    %dma_wait3A_151 = arith.constant 0 : i32
    %dma_wait3A_152 = tpu.memref_slice %arg5[%dma_wait3A_146, %dma_wait3A_151] : memref<4x800xi32, #tpu.memory_space<vmem>> -> memref<1x800xi32, #tpu.memory_space<vmem>>
    %dma_wait3A_153 = tpu.memref_squeeze %dma_wait3A_152 : memref<1x800xi32, #tpu.memory_space<vmem>> -> memref<800xi32, #tpu.memory_space<vmem>>
    %dma_wait3A_154 = tpu.memref_slice %arg3[%add3A_36] : memref<819200xi32, #tpu.memory_space<hbm>> -> memref<800xi32, #tpu.memory_space<hbm>>
    tpu.wait_dma2 semaphore(%arg10 : memref<!tpu.dma_semaphore, #tpu.memory_space<semaphore_mem>>) src(%dma_wait3A_154 : memref<800xi32, #tpu.memory_space<hbm>>) dst(%dma_wait3A_153 : memref<800xi32, #tpu.memory_space<vmem>>)
    %dma_start3A_155 = arith.constant 3 : i32
    %dma_start3A_156 = arith.constant 3 : i32
    %dma_start3A_157 = arith.constant 0 : i32
    %dma_start3A_158 = arith.constant 0 : i32
    %dma_start3A_159 = tpu.memref_slice %arg6[%dma_start3A_156, %dma_start3A_157, %dma_start3A_158] : memref<4x800x32xf32, #tpu.memory_space<vmem>> -> memref<1x800x32xf32, #tpu.memory_space<vmem>>
    %dma_start3A_160 = tpu.memref_squeeze %dma_start3A_159 : memref<1x800x32xf32, #tpu.memory_space<vmem>> -> memref<800x32xf32, #tpu.memory_space<vmem>>
    %dma_start3A_161 = arith.constant 0 : i32
    %dma_start3A_162 = tpu.memref_slice %arg5[%dma_start3A_155, %dma_start3A_161] : memref<4x800xi32, #tpu.memory_space<vmem>> -> memref<1x800xi32, #tpu.memory_space<vmem>>
    %dma_start3A_163 = tpu.memref_squeeze %dma_start3A_162 : memref<1x800xi32, #tpu.memory_space<vmem>> -> memref<800xi32, #tpu.memory_space<vmem>>
    %dma_start3A_164 = arith.constant 0 : i32
    %dma_start3A_165 = arith.constant 0 : i32
    %dma_start3A_166 = tpu.memref_slice %arg2[%dma_start3A_164, %dma_start3A_165] : memref<1000000x32xf32, #tpu.memory_space<hbm>> -> memref<1000000x32xf32, #tpu.memory_space<hbm>>
    tpu.enqueue_indirect_dma source(%dma_start3A_166 : memref<1000000x32xf32, #tpu.memory_space<hbm>>) target(%dma_start3A_160 : memref<800x32xf32, #tpu.memory_space<vmem>>) offsets(%dma_start3A_163 : memref<800xi32, #tpu.memory_space<vmem>>) semaphore(%arg14 : memref<!tpu.dma_semaphore, #tpu.memory_space<semaphore_mem>>)
    %dma_wait3A_167 = arith.constant 1 : i32
    %dma_wait3A_168 = arith.constant 1 : i32
    %dma_wait3A_169 = arith.constant 0 : i32
    %dma_wait3A_170 = arith.constant 0 : i32
    %dma_wait3A_171 = tpu.memref_slice %arg6[%dma_wait3A_168, %dma_wait3A_169, %dma_wait3A_170] : memref<4x800x32xf32, #tpu.memory_space<vmem>> -> memref<1x800x32xf32, #tpu.memory_space<vmem>>
    %dma_wait3A_172 = tpu.memref_squeeze %dma_wait3A_171 : memref<1x800x32xf32, #tpu.memory_space<vmem>> -> memref<800x32xf32, #tpu.memory_space<vmem>>
    %dma_wait3A_173 = arith.constant 0 : i32
    %dma_wait3A_174 = tpu.memref_slice %arg5[%dma_wait3A_167, %dma_wait3A_173] : memref<4x800xi32, #tpu.memory_space<vmem>> -> memref<1x800xi32, #tpu.memory_space<vmem>>
    %dma_wait3A_175 = tpu.memref_squeeze %dma_wait3A_174 : memref<1x800xi32, #tpu.memory_space<vmem>> -> memref<800xi32, #tpu.memory_space<vmem>>
    %dma_wait3A_176 = arith.constant 0 : i32
    %dma_wait3A_177 = arith.constant 0 : i32
    %dma_wait3A_178 = tpu.memref_slice %arg2[%dma_wait3A_176, %dma_wait3A_177] : memref<1000000x32xf32, #tpu.memory_space<hbm>> -> memref<1000000x32xf32, #tpu.memory_space<hbm>>
    tpu.wait_indirect_dma semaphore(%arg12 : memref<!tpu.dma_semaphore, #tpu.memory_space<semaphore_mem>>) src(%dma_wait3A_178 : memref<1000000x32xf32, #tpu.memory_space<hbm>>) dst(%dma_wait3A_172 : memref<800x32xf32, #tpu.memory_space<vmem>>)
    %add3A_179 = arith.constant 800 : i32
    %add3A_180 = arith.addi %mul3A_2, %add3A_179 : i32
    %dma_start3A_181 = arith.constant 1 : i32
    %dma_start3A_182 = arith.constant 0 : i32
    %dma_start3A_183 = arith.constant 0 : i32
    %dma_start3A_184 = tpu.memref_slice %arg6[%dma_start3A_181, %dma_start3A_182, %dma_start3A_183] : memref<4x800x32xf32, #tpu.memory_space<vmem>> -> memref<1x800x32xf32, #tpu.memory_space<vmem>>
    %dma_start3A_185 = tpu.memref_squeeze %dma_start3A_184 : memref<1x800x32xf32, #tpu.memory_space<vmem>> -> memref<800x32xf32, #tpu.memory_space<vmem>>
    %dma_start3A_186 = arith.constant 0 : i32
    %dma_start3A_187 = tpu.memref_slice %arg4[%add3A_180, %dma_start3A_186] : memref<819200x32xf32, #tpu.memory_space<hbm>> -> memref<800x32xf32, #tpu.memory_space<hbm>>
    %dma_start3A_188 = arith.constant 0 : i32
    %dma_start3A_189 = tpu.memref_slice %arg4[%add3A_180, %dma_start3A_188] : memref<819200x32xf32, #tpu.memory_space<hbm>> -> memref<800x32xf32, #tpu.memory_space<hbm>>
    %dma_start3A_190 = arith.constant 0 : i32
    %dma_start3A_191 = arith.constant 0 : i32
    %dma_start3A_192 = tpu.memref_slice %arg6[%dma_start3A_181, %dma_start3A_190, %dma_start3A_191] : memref<4x800x32xf32, #tpu.memory_space<vmem>> -> memref<1x800x32xf32, #tpu.memory_space<vmem>>
    %dma_start3A_193 = tpu.memref_squeeze %dma_start3A_192 : memref<1x800x32xf32, #tpu.memory_space<vmem>> -> memref<800x32xf32, #tpu.memory_space<vmem>>
    tpu.enqueue_dma source(%dma_start3A_193 : memref<800x32xf32, #tpu.memory_space<vmem>>) target(%dma_start3A_189 : memref<800x32xf32, #tpu.memory_space<hbm>>) target_semaphore(%arg16 : memref<!tpu.dma_semaphore, #tpu.memory_space<semaphore_mem>>)
    %add3A_194 = arith.constant 4000 : i32
    %add3A_195 = arith.addi %mul3A_2, %add3A_194 : i32
    %dma_start3A_196 = arith.constant 1 : i32
    %dma_start3A_197 = arith.constant 0 : i32
    %dma_start3A_198 = tpu.memref_slice %arg5[%dma_start3A_196, %dma_start3A_197] : memref<4x800xi32, #tpu.memory_space<vmem>> -> memref<1x800xi32, #tpu.memory_space<vmem>>
    %dma_start3A_199 = tpu.memref_squeeze %dma_start3A_198 : memref<1x800xi32, #tpu.memory_space<vmem>> -> memref<800xi32, #tpu.memory_space<vmem>>
    %dma_start3A_200 = tpu.memref_slice %arg3[%add3A_195] : memref<819200xi32, #tpu.memory_space<hbm>> -> memref<800xi32, #tpu.memory_space<hbm>>
    %dma_start3A_201 = arith.constant 0 : i32
    %dma_start3A_202 = tpu.memref_slice %arg5[%dma_start3A_196, %dma_start3A_201] : memref<4x800xi32, #tpu.memory_space<vmem>> -> memref<1x800xi32, #tpu.memory_space<vmem>>
    %dma_start3A_203 = tpu.memref_squeeze %dma_start3A_202 : memref<1x800xi32, #tpu.memory_space<vmem>> -> memref<800xi32, #tpu.memory_space<vmem>>
    %dma_start3A_204 = tpu.memref_slice %arg3[%add3A_195] : memref<819200xi32, #tpu.memory_space<hbm>> -> memref<800xi32, #tpu.memory_space<hbm>>
    tpu.enqueue_dma source(%dma_start3A_204 : memref<800xi32, #tpu.memory_space<hbm>>) target(%dma_start3A_203 : memref<800xi32, #tpu.memory_space<vmem>>) target_semaphore(%arg8 : memref<!tpu.dma_semaphore, #tpu.memory_space<semaphore_mem>>)
    %dma_wait3A_205 = arith.constant 0 : i32
    %dma_wait3A_206 = arith.constant 0 : i32
    %dma_wait3A_207 = arith.constant 0 : i32
    %dma_wait3A_208 = tpu.memref_slice %arg6[%dma_wait3A_205, %dma_wait3A_206, %dma_wait3A_207] : memref<4x800x32xf32, #tpu.memory_space<vmem>> -> memref<1x800x32xf32, #tpu.memory_space<vmem>>
    %dma_wait3A_209 = tpu.memref_squeeze %dma_wait3A_208 : memref<1x800x32xf32, #tpu.memory_space<vmem>> -> memref<800x32xf32, #tpu.memory_space<vmem>>
    %dma_wait3A_210 = arith.constant 0 : i32
    %dma_wait3A_211 = tpu.memref_slice %arg4[%add3A_121, %dma_wait3A_210] : memref<819200x32xf32, #tpu.memory_space<hbm>> -> memref<800x32xf32, #tpu.memory_space<hbm>>
    %dma_wait3A_212 = arith.constant 0 : i32
    %dma_wait3A_213 = tpu.memref_slice %arg4[%add3A_121, %dma_wait3A_212] : memref<819200x32xf32, #tpu.memory_space<hbm>> -> memref<800x32xf32, #tpu.memory_space<hbm>>
    %dma_wait3A_214 = arith.constant 0 : i32
    %dma_wait3A_215 = arith.constant 0 : i32
    %dma_wait3A_216 = tpu.memref_slice %arg6[%dma_wait3A_205, %dma_wait3A_214, %dma_wait3A_215] : memref<4x800x32xf32, #tpu.memory_space<vmem>> -> memref<1x800x32xf32, #tpu.memory_space<vmem>>
    %dma_wait3A_217 = tpu.memref_squeeze %dma_wait3A_216 : memref<1x800x32xf32, #tpu.memory_space<vmem>> -> memref<800x32xf32, #tpu.memory_space<vmem>>
    tpu.wait_dma2 semaphore(%arg15 : memref<!tpu.dma_semaphore, #tpu.memory_space<semaphore_mem>>) src(%dma_wait3A_217 : memref<800x32xf32, #tpu.memory_space<vmem>>) dst(%dma_wait3A_213 : memref<800x32xf32, #tpu.memory_space<hbm>>)
    %dma_wait3A_218 = arith.constant 0 : i32
    %dma_wait3A_219 = arith.constant 0 : i32
    %dma_wait3A_220 = tpu.memref_slice %arg5[%dma_wait3A_218, %dma_wait3A_219] : memref<4x800xi32, #tpu.memory_space<vmem>> -> memref<1x800xi32, #tpu.memory_space<vmem>>
    %dma_wait3A_221 = tpu.memref_squeeze %dma_wait3A_220 : memref<1x800xi32, #tpu.memory_space<vmem>> -> memref<800xi32, #tpu.memory_space<vmem>>
    %dma_wait3A_222 = tpu.memref_slice %arg3[%add3A_136] : memref<819200xi32, #tpu.memory_space<hbm>> -> memref<800xi32, #tpu.memory_space<hbm>>
    %dma_wait3A_223 = arith.constant 0 : i32
    %dma_wait3A_224 = tpu.memref_slice %arg5[%dma_wait3A_218, %dma_wait3A_223] : memref<4x800xi32, #tpu.memory_space<vmem>> -> memref<1x800xi32, #tpu.memory_space<vmem>>
    %dma_wait3A_225 = tpu.memref_squeeze %dma_wait3A_224 : memref<1x800xi32, #tpu.memory_space<vmem>> -> memref<800xi32, #tpu.memory_space<vmem>>
    %dma_wait3A_226 = tpu.memref_slice %arg3[%add3A_136] : memref<819200xi32, #tpu.memory_space<hbm>> -> memref<800xi32, #tpu.memory_space<hbm>>
    tpu.wait_dma2 semaphore(%arg7 : memref<!tpu.dma_semaphore, #tpu.memory_space<semaphore_mem>>) src(%dma_wait3A_226 : memref<800xi32, #tpu.memory_space<hbm>>) dst(%dma_wait3A_225 : memref<800xi32, #tpu.memory_space<vmem>>)
    %dma_start3A_227 = arith.constant 0 : i32
    %dma_start3A_228 = arith.constant 0 : i32
    %dma_start3A_229 = arith.constant 0 : i32
    %dma_start3A_230 = arith.constant 0 : i32
    %dma_start3A_231 = tpu.memref_slice %arg6[%dma_start3A_228, %dma_start3A_229, %dma_start3A_230] : memref<4x800x32xf32, #tpu.memory_space<vmem>> -> memref<1x800x32xf32, #tpu.memory_space<vmem>>
    %dma_start3A_232 = tpu.memref_squeeze %dma_start3A_231 : memref<1x800x32xf32, #tpu.memory_space<vmem>> -> memref<800x32xf32, #tpu.memory_space<vmem>>
    %dma_start3A_233 = arith.constant 0 : i32
    %dma_start3A_234 = tpu.memref_slice %arg5[%dma_start3A_227, %dma_start3A_233] : memref<4x800xi32, #tpu.memory_space<vmem>> -> memref<1x800xi32, #tpu.memory_space<vmem>>
    %dma_start3A_235 = tpu.memref_squeeze %dma_start3A_234 : memref<1x800xi32, #tpu.memory_space<vmem>> -> memref<800xi32, #tpu.memory_space<vmem>>
    %dma_start3A_236 = arith.constant 0 : i32
    %dma_start3A_237 = arith.constant 0 : i32
    %dma_start3A_238 = tpu.memref_slice %arg2[%dma_start3A_236, %dma_start3A_237] : memref<1000000x32xf32, #tpu.memory_space<hbm>> -> memref<1000000x32xf32, #tpu.memory_space<hbm>>
    tpu.enqueue_indirect_dma source(%dma_start3A_238 : memref<1000000x32xf32, #tpu.memory_space<hbm>>) target(%dma_start3A_232 : memref<800x32xf32, #tpu.memory_space<vmem>>) offsets(%dma_start3A_235 : memref<800xi32, #tpu.memory_space<vmem>>) semaphore(%arg11 : memref<!tpu.dma_semaphore, #tpu.memory_space<semaphore_mem>>)
    %dma_wait3A_239 = arith.constant 2 : i32
    %dma_wait3A_240 = arith.constant 2 : i32
    %dma_wait3A_241 = arith.constant 0 : i32
    %dma_wait3A_242 = arith.constant 0 : i32
    %dma_wait3A_243 = tpu.memref_slice %arg6[%dma_wait3A_240, %dma_wait3A_241, %dma_wait3A_242] : memref<4x800x32xf32, #tpu.memory_space<vmem>> -> memref<1x800x32xf32, #tpu.memory_space<vmem>>
    %dma_wait3A_244 = tpu.memref_squeeze %dma_wait3A_243 : memref<1x800x32xf32, #tpu.memory_space<vmem>> -> memref<800x32xf32, #tpu.memory_space<vmem>>
    %dma_wait3A_245 = arith.constant 0 : i32
    %dma_wait3A_246 = tpu.memref_slice %arg5[%dma_wait3A_239, %dma_wait3A_245] : memref<4x800xi32, #tpu.memory_space<vmem>> -> memref<1x800xi32, #tpu.memory_space<vmem>>
    %dma_wait3A_247 = tpu.memref_squeeze %dma_wait3A_246 : memref<1x800xi32, #tpu.memory_space<vmem>> -> memref<800xi32, #tpu.memory_space<vmem>>
    %dma_wait3A_248 = arith.constant 0 : i32
    %dma_wait3A_249 = arith.constant 0 : i32
    %dma_wait3A_250 = tpu.memref_slice %arg2[%dma_wait3A_248, %dma_wait3A_249] : memref<1000000x32xf32, #tpu.memory_space<hbm>> -> memref<1000000x32xf32, #tpu.memory_space<hbm>>
    tpu.wait_indirect_dma semaphore(%arg13 : memref<!tpu.dma_semaphore, #tpu.memory_space<semaphore_mem>>) src(%dma_wait3A_250 : memref<1000000x32xf32, #tpu.memory_space<hbm>>) dst(%dma_wait3A_244 : memref<800x32xf32, #tpu.memory_space<vmem>>)
    %add3A_251 = arith.constant 1600 : i32
    %add3A_252 = arith.addi %mul3A_2, %add3A_251 : i32
    %dma_start3A_253 = arith.constant 2 : i32
    %dma_start3A_254 = arith.constant 0 : i32
    %dma_start3A_255 = arith.constant 0 : i32
    %dma_start3A_256 = tpu.memref_slice %arg6[%dma_start3A_253, %dma_start3A_254, %dma_start3A_255] : memref<4x800x32xf32, #tpu.memory_space<vmem>> -> memref<1x800x32xf32, #tpu.memory_space<vmem>>
    %dma_start3A_257 = tpu.memref_squeeze %dma_start3A_256 : memref<1x800x32xf32, #tpu.memory_space<vmem>> -> memref<800x32xf32, #tpu.memory_space<vmem>>
    %dma_start3A_258 = arith.constant 0 : i32
    %dma_start3A_259 = tpu.memref_slice %arg4[%add3A_252, %dma_start3A_258] : memref<819200x32xf32, #tpu.memory_space<hbm>> -> memref<800x32xf32, #tpu.memory_space<hbm>>
    %dma_start3A_260 = arith.constant 0 : i32
    %dma_start3A_261 = tpu.memref_slice %arg4[%add3A_252, %dma_start3A_260] : memref<819200x32xf32, #tpu.memory_space<hbm>> -> memref<800x32xf32, #tpu.memory_space<hbm>>
    %dma_start3A_262 = arith.constant 0 : i32
    %dma_start3A_263 = arith.constant 0 : i32
    %dma_start3A_264 = tpu.memref_slice %arg6[%dma_start3A_253, %dma_start3A_262, %dma_start3A_263] : memref<4x800x32xf32, #tpu.memory_space<vmem>> -> memref<1x800x32xf32, #tpu.memory_space<vmem>>
    %dma_start3A_265 = tpu.memref_squeeze %dma_start3A_264 : memref<1x800x32xf32, #tpu.memory_space<vmem>> -> memref<800x32xf32, #tpu.memory_space<vmem>>
    tpu.enqueue_dma source(%dma_start3A_265 : memref<800x32xf32, #tpu.memory_space<vmem>>) target(%dma_start3A_261 : memref<800x32xf32, #tpu.memory_space<hbm>>) target_semaphore(%arg17 : memref<!tpu.dma_semaphore, #tpu.memory_space<semaphore_mem>>)
    %add3A_266 = arith.constant 4800 : i32
    %add3A_267 = arith.addi %mul3A_2, %add3A_266 : i32
    %dma_start3A_268 = arith.constant 2 : i32
    %dma_start3A_269 = arith.constant 0 : i32
    %dma_start3A_270 = tpu.memref_slice %arg5[%dma_start3A_268, %dma_start3A_269] : memref<4x800xi32, #tpu.memory_space<vmem>> -> memref<1x800xi32, #tpu.memory_space<vmem>>
    %dma_start3A_271 = tpu.memref_squeeze %dma_start3A_270 : memref<1x800xi32, #tpu.memory_space<vmem>> -> memref<800xi32, #tpu.memory_space<vmem>>
    %dma_start3A_272 = tpu.memref_slice %arg3[%add3A_267] : memref<819200xi32, #tpu.memory_space<hbm>> -> memref<800xi32, #tpu.memory_space<hbm>>
    %dma_start3A_273 = arith.constant 0 : i32
    %dma_start3A_274 = tpu.memref_slice %arg5[%dma_start3A_268, %dma_start3A_273] : memref<4x800xi32, #tpu.memory_space<vmem>> -> memref<1x800xi32, #tpu.memory_space<vmem>>
    %dma_start3A_275 = tpu.memref_squeeze %dma_start3A_274 : memref<1x800xi32, #tpu.memory_space<vmem>> -> memref<800xi32, #tpu.memory_space<vmem>>
    %dma_start3A_276 = tpu.memref_slice %arg3[%add3A_267] : memref<819200xi32, #tpu.memory_space<hbm>> -> memref<800xi32, #tpu.memory_space<hbm>>
    tpu.enqueue_dma source(%dma_start3A_276 : memref<800xi32, #tpu.memory_space<hbm>>) target(%dma_start3A_275 : memref<800xi32, #tpu.memory_space<vmem>>) target_semaphore(%arg9 : memref<!tpu.dma_semaphore, #tpu.memory_space<semaphore_mem>>)
    %dma_wait3A_277 = arith.constant 1 : i32
    %dma_wait3A_278 = arith.constant 0 : i32
    %dma_wait3A_279 = arith.constant 0 : i32
    %dma_wait3A_280 = tpu.memref_slice %arg6[%dma_wait3A_277, %dma_wait3A_278, %dma_wait3A_279] : memref<4x800x32xf32, #tpu.memory_space<vmem>> -> memref<1x800x32xf32, #tpu.memory_space<vmem>>
    %dma_wait3A_281 = tpu.memref_squeeze %dma_wait3A_280 : memref<1x800x32xf32, #tpu.memory_space<vmem>> -> memref<800x32xf32, #tpu.memory_space<vmem>>
    %dma_wait3A_282 = arith.constant 0 : i32
    %dma_wait3A_283 = tpu.memref_slice %arg4[%add3A_180, %dma_wait3A_282] : memref<819200x32xf32, #tpu.memory_space<hbm>> -> memref<800x32xf32, #tpu.memory_space<hbm>>
    %dma_wait3A_284 = arith.constant 0 : i32
    %dma_wait3A_285 = tpu.memref_slice %arg4[%add3A_180, %dma_wait3A_284] : memref<819200x32xf32, #tpu.memory_space<hbm>> -> memref<800x32xf32, #tpu.memory_space<hbm>>
    %dma_wait3A_286 = arith.constant 0 : i32
    %dma_wait3A_287 = arith.constant 0 : i32
    %dma_wait3A_288 = tpu.memref_slice %arg6[%dma_wait3A_277, %dma_wait3A_286, %dma_wait3A_287] : memref<4x800x32xf32, #tpu.memory_space<vmem>> -> memref<1x800x32xf32, #tpu.memory_space<vmem>>
    %dma_wait3A_289 = tpu.memref_squeeze %dma_wait3A_288 : memref<1x800x32xf32, #tpu.memory_space<vmem>> -> memref<800x32xf32, #tpu.memory_space<vmem>>
    tpu.wait_dma2 semaphore(%arg16 : memref<!tpu.dma_semaphore, #tpu.memory_space<semaphore_mem>>) src(%dma_wait3A_289 : memref<800x32xf32, #tpu.memory_space<vmem>>) dst(%dma_wait3A_285 : memref<800x32xf32, #tpu.memory_space<hbm>>)
    %dma_wait3A_290 = arith.constant 1 : i32
    %dma_wait3A_291 = arith.constant 0 : i32
    %dma_wait3A_292 = tpu.memref_slice %arg5[%dma_wait3A_290, %dma_wait3A_291] : memref<4x800xi32, #tpu.memory_space<vmem>> -> memref<1x800xi32, #tpu.memory_space<vmem>>
    %dma_wait3A_293 = tpu.memref_squeeze %dma_wait3A_292 : memref<1x800xi32, #tpu.memory_space<vmem>> -> memref<800xi32, #tpu.memory_space<vmem>>
    %dma_wait3A_294 = tpu.memref_slice %arg3[%add3A_195] : memref<819200xi32, #tpu.memory_space<hbm>> -> memref<800xi32, #tpu.memory_space<hbm>>
    %dma_wait3A_295 = arith.constant 0 : i32
    %dma_wait3A_296 = tpu.memref_slice %arg5[%dma_wait3A_290, %dma_wait3A_295] : memref<4x800xi32, #tpu.memory_space<vmem>> -> memref<1x800xi32, #tpu.memory_space<vmem>>
    %dma_wait3A_297 = tpu.memref_squeeze %dma_wait3A_296 : memref<1x800xi32, #tpu.memory_space<vmem>> -> memref<800xi32, #tpu.memory_space<vmem>>
    %dma_wait3A_298 = tpu.memref_slice %arg3[%add3A_195] : memref<819200xi32, #tpu.memory_space<hbm>> -> memref<800xi32, #tpu.memory_space<hbm>>
    tpu.wait_dma2 semaphore(%arg8 : memref<!tpu.dma_semaphore, #tpu.memory_space<semaphore_mem>>) src(%dma_wait3A_298 : memref<800xi32, #tpu.memory_space<hbm>>) dst(%dma_wait3A_297 : memref<800xi32, #tpu.memory_space<vmem>>)
    %dma_start3A_299 = arith.constant 1 : i32
    %dma_start3A_300 = arith.constant 1 : i32
    %dma_start3A_301 = arith.constant 0 : i32
    %dma_start3A_302 = arith.constant 0 : i32
    %dma_start3A_303 = tpu.memref_slice %arg6[%dma_start3A_300, %dma_start3A_301, %dma_start3A_302] : memref<4x800x32xf32, #tpu.memory_space<vmem>> -> memref<1x800x32xf32, #tpu.memory_space<vmem>>
    %dma_start3A_304 = tpu.memref_squeeze %dma_start3A_303 : memref<1x800x32xf32, #tpu.memory_space<vmem>> -> memref<800x32xf32, #tpu.memory_space<vmem>>
    %dma_start3A_305 = arith.constant 0 : i32
    %dma_start3A_306 = tpu.memref_slice %arg5[%dma_start3A_299, %dma_start3A_305] : memref<4x800xi32, #tpu.memory_space<vmem>> -> memref<1x800xi32, #tpu.memory_space<vmem>>
    %dma_start3A_307 = tpu.memref_squeeze %dma_start3A_306 : memref<1x800xi32, #tpu.memory_space<vmem>> -> memref<800xi32, #tpu.memory_space<vmem>>
    %dma_start3A_308 = arith.constant 0 : i32
    %dma_start3A_309 = arith.constant 0 : i32
    %dma_start3A_310 = tpu.memref_slice %arg2[%dma_start3A_308, %dma_start3A_309] : memref<1000000x32xf32, #tpu.memory_space<hbm>> -> memref<1000000x32xf32, #tpu.memory_space<hbm>>
    tpu.enqueue_indirect_dma source(%dma_start3A_310 : memref<1000000x32xf32, #tpu.memory_space<hbm>>) target(%dma_start3A_304 : memref<800x32xf32, #tpu.memory_space<vmem>>) offsets(%dma_start3A_307 : memref<800xi32, #tpu.memory_space<vmem>>) semaphore(%arg12 : memref<!tpu.dma_semaphore, #tpu.memory_space<semaphore_mem>>)
    %dma_wait3A_311 = arith.constant 3 : i32
    %dma_wait3A_312 = arith.constant 3 : i32
    %dma_wait3A_313 = arith.constant 0 : i32
    %dma_wait3A_314 = arith.constant 0 : i32
    %dma_wait3A_315 = tpu.memref_slice %arg6[%dma_wait3A_312, %dma_wait3A_313, %dma_wait3A_314] : memref<4x800x32xf32, #tpu.memory_space<vmem>> -> memref<1x800x32xf32, #tpu.memory_space<vmem>>
    %dma_wait3A_316 = tpu.memref_squeeze %dma_wait3A_315 : memref<1x800x32xf32, #tpu.memory_space<vmem>> -> memref<800x32xf32, #tpu.memory_space<vmem>>
    %dma_wait3A_317 = arith.constant 0 : i32
    %dma_wait3A_318 = tpu.memref_slice %arg5[%dma_wait3A_311, %dma_wait3A_317] : memref<4x800xi32, #tpu.memory_space<vmem>> -> memref<1x800xi32, #tpu.memory_space<vmem>>
    %dma_wait3A_319 = tpu.memref_squeeze %dma_wait3A_318 : memref<1x800xi32, #tpu.memory_space<vmem>> -> memref<800xi32, #tpu.memory_space<vmem>>
    %dma_wait3A_320 = arith.constant 0 : i32
    %dma_wait3A_321 = arith.constant 0 : i32
    %dma_wait3A_322 = tpu.memref_slice %arg2[%dma_wait3A_320, %dma_wait3A_321] : memref<1000000x32xf32, #tpu.memory_space<hbm>> -> memref<1000000x32xf32, #tpu.memory_space<hbm>>
    tpu.wait_indirect_dma semaphore(%arg14 : memref<!tpu.dma_semaphore, #tpu.memory_space<semaphore_mem>>) src(%dma_wait3A_322 : memref<1000000x32xf32, #tpu.memory_space<hbm>>) dst(%dma_wait3A_316 : memref<800x32xf32, #tpu.memory_space<vmem>>)
    %add3A_323 = arith.constant 2400 : i32
    %add3A_324 = arith.addi %mul3A_2, %add3A_323 : i32
    %dma_start3A_325 = arith.constant 3 : i32
    %dma_start3A_326 = arith.constant 0 : i32
    %dma_start3A_327 = arith.constant 0 : i32
    %dma_start3A_328 = tpu.memref_slice %arg6[%dma_start3A_325, %dma_start3A_326, %dma_start3A_327] : memref<4x800x32xf32, #tpu.memory_space<vmem>> -> memref<1x800x32xf32, #tpu.memory_space<vmem>>
    %dma_start3A_329 = tpu.memref_squeeze %dma_start3A_328 : memref<1x800x32xf32, #tpu.memory_space<vmem>> -> memref<800x32xf32, #tpu.memory_space<vmem>>
    %dma_start3A_330 = arith.constant 0 : i32
    %dma_start3A_331 = tpu.memref_slice %arg4[%add3A_324, %dma_start3A_330] : memref<819200x32xf32, #tpu.memory_space<hbm>> -> memref<800x32xf32, #tpu.memory_space<hbm>>
    %dma_start3A_332 = arith.constant 0 : i32
    %dma_start3A_333 = tpu.memref_slice %arg4[%add3A_324, %dma_start3A_332] : memref<819200x32xf32, #tpu.memory_space<hbm>> -> memref<800x32xf32, #tpu.memory_space<hbm>>
    %dma_start3A_334 = arith.constant 0 : i32
    %dma_start3A_335 = arith.constant 0 : i32
    %dma_start3A_336 = tpu.memref_slice %arg6[%dma_start3A_325, %dma_start3A_334, %dma_start3A_335] : memref<4x800x32xf32, #tpu.memory_space<vmem>> -> memref<1x800x32xf32, #tpu.memory_space<vmem>>
    %dma_start3A_337 = tpu.memref_squeeze %dma_start3A_336 : memref<1x800x32xf32, #tpu.memory_space<vmem>> -> memref<800x32xf32, #tpu.memory_space<vmem>>
    tpu.enqueue_dma source(%dma_start3A_337 : memref<800x32xf32, #tpu.memory_space<vmem>>) target(%dma_start3A_333 : memref<800x32xf32, #tpu.memory_space<hbm>>) target_semaphore(%arg18 : memref<!tpu.dma_semaphore, #tpu.memory_space<semaphore_mem>>)
    %add3A_338 = arith.constant 5600 : i32
    %add3A_339 = arith.addi %mul3A_2, %add3A_338 : i32
    %dma_start3A_340 = arith.constant 3 : i32
    %dma_start3A_341 = arith.constant 0 : i32
    %dma_start3A_342 = tpu.memref_slice %arg5[%dma_start3A_340, %dma_start3A_341] : memref<4x800xi32, #tpu.memory_space<vmem>> -> memref<1x800xi32, #tpu.memory_space<vmem>>
    %dma_start3A_343 = tpu.memref_squeeze %dma_start3A_342 : memref<1x800xi32, #tpu.memory_space<vmem>> -> memref<800xi32, #tpu.memory_space<vmem>>
    %dma_start3A_344 = tpu.memref_slice %arg3[%add3A_339] : memref<819200xi32, #tpu.memory_space<hbm>> -> memref<800xi32, #tpu.memory_space<hbm>>
    %dma_start3A_345 = arith.constant 0 : i32
    %dma_start3A_346 = tpu.memref_slice %arg5[%dma_start3A_340, %dma_start3A_345] : memref<4x800xi32, #tpu.memory_space<vmem>> -> memref<1x800xi32, #tpu.memory_space<vmem>>
    %dma_start3A_347 = tpu.memref_squeeze %dma_start3A_346 : memref<1x800xi32, #tpu.memory_space<vmem>> -> memref<800xi32, #tpu.memory_space<vmem>>
    %dma_start3A_348 = tpu.memref_slice %arg3[%add3A_339] : memref<819200xi32, #tpu.memory_space<hbm>> -> memref<800xi32, #tpu.memory_space<hbm>>
    tpu.enqueue_dma source(%dma_start3A_348 : memref<800xi32, #tpu.memory_space<hbm>>) target(%dma_start3A_347 : memref<800xi32, #tpu.memory_space<vmem>>) target_semaphore(%arg10 : memref<!tpu.dma_semaphore, #tpu.memory_space<semaphore_mem>>)
    %dma_wait3A_349 = arith.constant 2 : i32
    %dma_wait3A_350 = arith.constant 0 : i32
    %dma_wait3A_351 = arith.constant 0 : i32
    %dma_wait3A_352 = tpu.memref_slice %arg6[%dma_wait3A_349, %dma_wait3A_350, %dma_wait3A_351] : memref<4x800x32xf32, #tpu.memory_space<vmem>> -> memref<1x800x32xf32, #tpu.memory_space<vmem>>
    %dma_wait3A_353 = tpu.memref_squeeze %dma_wait3A_352 : memref<1x800x32xf32, #tpu.memory_space<vmem>> -> memref<800x32xf32, #tpu.memory_space<vmem>>
    %dma_wait3A_354 = arith.constant 0 : i32
    %dma_wait3A_355 = tpu.memref_slice %arg4[%add3A_252, %dma_wait3A_354] : memref<819200x32xf32, #tpu.memory_space<hbm>> -> memref<800x32xf32, #tpu.memory_space<hbm>>
    %dma_wait3A_356 = arith.constant 0 : i32
    %dma_wait3A_357 = tpu.memref_slice %arg4[%add3A_252, %dma_wait3A_356] : memref<819200x32xf32, #tpu.memory_space<hbm>> -> memref<800x32xf32, #tpu.memory_space<hbm>>
    %dma_wait3A_358 = arith.constant 0 : i32
    %dma_wait3A_359 = arith.constant 0 : i32
    %dma_wait3A_360 = tpu.memref_slice %arg6[%dma_wait3A_349, %dma_wait3A_358, %dma_wait3A_359] : memref<4x800x32xf32, #tpu.memory_space<vmem>> -> memref<1x800x32xf32, #tpu.memory_space<vmem>>
    %dma_wait3A_361 = tpu.memref_squeeze %dma_wait3A_360 : memref<1x800x32xf32, #tpu.memory_space<vmem>> -> memref<800x32xf32, #tpu.memory_space<vmem>>
    tpu.wait_dma2 semaphore(%arg17 : memref<!tpu.dma_semaphore, #tpu.memory_space<semaphore_mem>>) src(%dma_wait3A_361 : memref<800x32xf32, #tpu.memory_space<vmem>>) dst(%dma_wait3A_357 : memref<800x32xf32, #tpu.memory_space<hbm>>)
    %dma_wait3A_362 = arith.constant 2 : i32
    %dma_wait3A_363 = arith.constant 0 : i32
    %dma_wait3A_364 = tpu.memref_slice %arg5[%dma_wait3A_362, %dma_wait3A_363] : memref<4x800xi32, #tpu.memory_space<vmem>> -> memref<1x800xi32, #tpu.memory_space<vmem>>
    %dma_wait3A_365 = tpu.memref_squeeze %dma_wait3A_364 : memref<1x800xi32, #tpu.memory_space<vmem>> -> memref<800xi32, #tpu.memory_space<vmem>>
    %dma_wait3A_366 = tpu.memref_slice %arg3[%add3A_267] : memref<819200xi32, #tpu.memory_space<hbm>> -> memref<800xi32, #tpu.memory_space<hbm>>
    %dma_wait3A_367 = arith.constant 0 : i32
    %dma_wait3A_368 = tpu.memref_slice %arg5[%dma_wait3A_362, %dma_wait3A_367] : memref<4x800xi32, #tpu.memory_space<vmem>> -> memref<1x800xi32, #tpu.memory_space<vmem>>
    %dma_wait3A_369 = tpu.memref_squeeze %dma_wait3A_368 : memref<1x800xi32, #tpu.memory_space<vmem>> -> memref<800xi32, #tpu.memory_space<vmem>>
    %dma_wait3A_370 = tpu.memref_slice %arg3[%add3A_267] : memref<819200xi32, #tpu.memory_space<hbm>> -> memref<800xi32, #tpu.memory_space<hbm>>
    tpu.wait_dma2 semaphore(%arg9 : memref<!tpu.dma_semaphore, #tpu.memory_space<semaphore_mem>>) src(%dma_wait3A_370 : memref<800xi32, #tpu.memory_space<hbm>>) dst(%dma_wait3A_369 : memref<800xi32, #tpu.memory_space<vmem>>)
    %dma_start3A_371 = arith.constant 2 : i32
    %dma_start3A_372 = arith.constant 2 : i32
    %dma_start3A_373 = arith.constant 0 : i32
    %dma_start3A_374 = arith.constant 0 : i32
    %dma_start3A_375 = tpu.memref_slice %arg6[%dma_start3A_372, %dma_start3A_373, %dma_start3A_374] : memref<4x800x32xf32, #tpu.memory_space<vmem>> -> memref<1x800x32xf32, #tpu.memory_space<vmem>>
    %dma_start3A_376 = tpu.memref_squeeze %dma_start3A_375 : memref<1x800x32xf32, #tpu.memory_space<vmem>> -> memref<800x32xf32, #tpu.memory_space<vmem>>
    %dma_start3A_377 = arith.constant 0 : i32
    %dma_start3A_378 = tpu.memref_slice %arg5[%dma_start3A_371, %dma_start3A_377] : memref<4x800xi32, #tpu.memory_space<vmem>> -> memref<1x800xi32, #tpu.memory_space<vmem>>
    %dma_start3A_379 = tpu.memref_squeeze %dma_start3A_378 : memref<1x800xi32, #tpu.memory_space<vmem>> -> memref<800xi32, #tpu.memory_space<vmem>>
    %dma_start3A_380 = arith.constant 0 : i32
    %dma_start3A_381 = arith.constant 0 : i32
    %dma_start3A_382 = tpu.memref_slice %arg2[%dma_start3A_380, %dma_start3A_381] : memref<1000000x32xf32, #tpu.memory_space<hbm>> -> memref<1000000x32xf32, #tpu.memory_space<hbm>>
    tpu.enqueue_indirect_dma source(%dma_start3A_382 : memref<1000000x32xf32, #tpu.memory_space<hbm>>) target(%dma_start3A_376 : memref<800x32xf32, #tpu.memory_space<vmem>>) offsets(%dma_start3A_379 : memref<800xi32, #tpu.memory_space<vmem>>) semaphore(%arg13 : memref<!tpu.dma_semaphore, #tpu.memory_space<semaphore_mem>>)
    %dma_wait3A_383 = arith.constant 0 : i32
    %dma_wait3A_384 = arith.constant 0 : i32
    %dma_wait3A_385 = arith.constant 0 : i32
    %dma_wait3A_386 = arith.constant 0 : i32
    %dma_wait3A_387 = tpu.memref_slice %arg6[%dma_wait3A_384, %dma_wait3A_385, %dma_wait3A_386] : memref<4x800x32xf32, #tpu.memory_space<vmem>> -> memref<1x800x32xf32, #tpu.memory_space<vmem>>
    %dma_wait3A_388 = tpu.memref_squeeze %dma_wait3A_387 : memref<1x800x32xf32, #tpu.memory_space<vmem>> -> memref<800x32xf32, #tpu.memory_space<vmem>>
    %dma_wait3A_389 = arith.constant 0 : i32
    %dma_wait3A_390 = tpu.memref_slice %arg5[%dma_wait3A_383, %dma_wait3A_389] : memref<4x800xi32, #tpu.memory_space<vmem>> -> memref<1x800xi32, #tpu.memory_space<vmem>>
    %dma_wait3A_391 = tpu.memref_squeeze %dma_wait3A_390 : memref<1x800xi32, #tpu.memory_space<vmem>> -> memref<800xi32, #tpu.memory_space<vmem>>
    %dma_wait3A_392 = arith.constant 0 : i32
    %dma_wait3A_393 = arith.constant 0 : i32
    %dma_wait3A_394 = tpu.memref_slice %arg2[%dma_wait3A_392, %dma_wait3A_393] : memref<1000000x32xf32, #tpu.memory_space<hbm>> -> memref<1000000x32xf32, #tpu.memory_space<hbm>>
    tpu.wait_indirect_dma semaphore(%arg11 : memref<!tpu.dma_semaphore, #tpu.memory_space<semaphore_mem>>) src(%dma_wait3A_394 : memref<1000000x32xf32, #tpu.memory_space<hbm>>) dst(%dma_wait3A_388 : memref<800x32xf32, #tpu.memory_space<vmem>>)
    %add3A_395 = arith.constant 3200 : i32
    %add3A_396 = arith.addi %mul3A_2, %add3A_395 : i32
    %dma_start3A_397 = arith.constant 0 : i32
    %dma_start3A_398 = arith.constant 0 : i32
    %dma_start3A_399 = arith.constant 0 : i32
    %dma_start3A_400 = tpu.memref_slice %arg6[%dma_start3A_397, %dma_start3A_398, %dma_start3A_399] : memref<4x800x32xf32, #tpu.memory_space<vmem>> -> memref<1x800x32xf32, #tpu.memory_space<vmem>>
    %dma_start3A_401 = tpu.memref_squeeze %dma_start3A_400 : memref<1x800x32xf32, #tpu.memory_space<vmem>> -> memref<800x32xf32, #tpu.memory_space<vmem>>
    %dma_start3A_402 = arith.constant 0 : i32
    %dma_start3A_403 = tpu.memref_slice %arg4[%add3A_396, %dma_start3A_402] : memref<819200x32xf32, #tpu.memory_space<hbm>> -> memref<800x32xf32, #tpu.memory_space<hbm>>
    %dma_start3A_404 = arith.constant 0 : i32
    %dma_start3A_405 = tpu.memref_slice %arg4[%add3A_396, %dma_start3A_404] : memref<819200x32xf32, #tpu.memory_space<hbm>> -> memref<800x32xf32, #tpu.memory_space<hbm>>
    %dma_start3A_406 = arith.constant 0 : i32
    %dma_start3A_407 = arith.constant 0 : i32
    %dma_start3A_408 = tpu.memref_slice %arg6[%dma_start3A_397, %dma_start3A_406, %dma_start3A_407] : memref<4x800x32xf32, #tpu.memory_space<vmem>> -> memref<1x800x32xf32, #tpu.memory_space<vmem>>
    %dma_start3A_409 = tpu.memref_squeeze %dma_start3A_408 : memref<1x800x32xf32, #tpu.memory_space<vmem>> -> memref<800x32xf32, #tpu.memory_space<vmem>>
    tpu.enqueue_dma source(%dma_start3A_409 : memref<800x32xf32, #tpu.memory_space<vmem>>) target(%dma_start3A_405 : memref<800x32xf32, #tpu.memory_space<hbm>>) target_semaphore(%arg15 : memref<!tpu.dma_semaphore, #tpu.memory_space<semaphore_mem>>)
    %add3A_410 = arith.constant 6400 : i32
    %add3A_411 = arith.addi %mul3A_2, %add3A_410 : i32
    %dma_start3A_412 = arith.constant 0 : i32
    %dma_start3A_413 = arith.constant 0 : i32
    %dma_start3A_414 = tpu.memref_slice %arg5[%dma_start3A_412, %dma_start3A_413] : memref<4x800xi32, #tpu.memory_space<vmem>> -> memref<1x800xi32, #tpu.memory_space<vmem>>
    %dma_start3A_415 = tpu.memref_squeeze %dma_start3A_414 : memref<1x800xi32, #tpu.memory_space<vmem>> -> memref<800xi32, #tpu.memory_space<vmem>>
    %dma_start3A_416 = tpu.memref_slice %arg3[%add3A_411] : memref<819200xi32, #tpu.memory_space<hbm>> -> memref<800xi32, #tpu.memory_space<hbm>>
    %dma_start3A_417 = arith.constant 0 : i32
    %dma_start3A_418 = tpu.memref_slice %arg5[%dma_start3A_412, %dma_start3A_417] : memref<4x800xi32, #tpu.memory_space<vmem>> -> memref<1x800xi32, #tpu.memory_space<vmem>>
    %dma_start3A_419 = tpu.memref_squeeze %dma_start3A_418 : memref<1x800xi32, #tpu.memory_space<vmem>> -> memref<800xi32, #tpu.memory_space<vmem>>
    %dma_start3A_420 = tpu.memref_slice %arg3[%add3A_411] : memref<819200xi32, #tpu.memory_space<hbm>> -> memref<800xi32, #tpu.memory_space<hbm>>
    tpu.enqueue_dma source(%dma_start3A_420 : memref<800xi32, #tpu.memory_space<hbm>>) target(%dma_start3A_419 : memref<800xi32, #tpu.memory_space<vmem>>) target_semaphore(%arg7 : memref<!tpu.dma_semaphore, #tpu.memory_space<semaphore_mem>>)
    %dma_wait3A_421 = arith.constant 3 : i32
    %dma_wait3A_422 = arith.constant 0 : i32
    %dma_wait3A_423 = arith.constant 0 : i32
    %dma_wait3A_424 = tpu.memref_slice %arg6[%dma_wait3A_421, %dma_wait3A_422, %dma_wait3A_423] : memref<4x800x32xf32, #tpu.memory_space<vmem>> -> memref<1x800x32xf32, #tpu.memory_space<vmem>>
    %dma_wait3A_425 = tpu.memref_squeeze %dma_wait3A_424 : memref<1x800x32xf32, #tpu.memory_space<vmem>> -> memref<800x32xf32, #tpu.memory_space<vmem>>
    %dma_wait3A_426 = arith.constant 0 : i32
    %dma_wait3A_427 = tpu.memref_slice %arg4[%add3A_324, %dma_wait3A_426] : memref<819200x32xf32, #tpu.memory_space<hbm>> -> memref<800x32xf32, #tpu.memory_space<hbm>>
    %dma_wait3A_428 = arith.constant 0 : i32
    %dma_wait3A_429 = tpu.memref_slice %arg4[%add3A_324, %dma_wait3A_428] : memref<819200x32xf32, #tpu.memory_space<hbm>> -> memref<800x32xf32, #tpu.memory_space<hbm>>
    %dma_wait3A_430 = arith.constant 0 : i32
    %dma_wait3A_431 = arith.constant 0 : i32
    %dma_wait3A_432 = tpu.memref_slice %arg6[%dma_wait3A_421, %dma_wait3A_430, %dma_wait3A_431] : memref<4x800x32xf32, #tpu.memory_space<vmem>> -> memref<1x800x32xf32, #tpu.memory_space<vmem>>
    %dma_wait3A_433 = tpu.memref_squeeze %dma_wait3A_432 : memref<1x800x32xf32, #tpu.memory_space<vmem>> -> memref<800x32xf32, #tpu.memory_space<vmem>>
    tpu.wait_dma2 semaphore(%arg18 : memref<!tpu.dma_semaphore, #tpu.memory_space<semaphore_mem>>) src(%dma_wait3A_433 : memref<800x32xf32, #tpu.memory_space<vmem>>) dst(%dma_wait3A_429 : memref<800x32xf32, #tpu.memory_space<hbm>>)
    %dma_wait3A_434 = arith.constant 3 : i32
    %dma_wait3A_435 = arith.constant 0 : i32
    %dma_wait3A_436 = tpu.memref_slice %arg5[%dma_wait3A_434, %dma_wait3A_435] : memref<4x800xi32, #tpu.memory_space<vmem>> -> memref<1x800xi32, #tpu.memory_space<vmem>>
    %dma_wait3A_437 = tpu.memref_squeeze %dma_wait3A_436 : memref<1x800xi32, #tpu.memory_space<vmem>> -> memref<800xi32, #tpu.memory_space<vmem>>
    %dma_wait3A_438 = tpu.memref_slice %arg3[%add3A_339] : memref<819200xi32, #tpu.memory_space<hbm>> -> memref<800xi32, #tpu.memory_space<hbm>>
    %dma_wait3A_439 = arith.constant 0 : i32
    %dma_wait3A_440 = tpu.memref_slice %arg5[%dma_wait3A_434, %dma_wait3A_439] : memref<4x800xi32, #tpu.memory_space<vmem>> -> memref<1x800xi32, #tpu.memory_space<vmem>>
    %dma_wait3A_441 = tpu.memref_squeeze %dma_wait3A_440 : memref<1x800xi32, #tpu.memory_space<vmem>> -> memref<800xi32, #tpu.memory_space<vmem>>
    %dma_wait3A_442 = tpu.memref_slice %arg3[%add3A_339] : memref<819200xi32, #tpu.memory_space<hbm>> -> memref<800xi32, #tpu.memory_space<hbm>>
    tpu.wait_dma2 semaphore(%arg10 : memref<!tpu.dma_semaphore, #tpu.memory_space<semaphore_mem>>) src(%dma_wait3A_442 : memref<800xi32, #tpu.memory_space<hbm>>) dst(%dma_wait3A_441 : memref<800xi32, #tpu.memory_space<vmem>>)
    %dma_start3A_443 = arith.constant 3 : i32
    %dma_start3A_444 = arith.constant 3 : i32
    %dma_start3A_445 = arith.constant 0 : i32
    %dma_start3A_446 = arith.constant 0 : i32
    %dma_start3A_447 = tpu.memref_slice %arg6[%dma_start3A_444, %dma_start3A_445, %dma_start3A_446] : memref<4x800x32xf32, #tpu.memory_space<vmem>> -> memref<1x800x32xf32, #tpu.memory_space<vmem>>
    %dma_start3A_448 = tpu.memref_squeeze %dma_start3A_447 : memref<1x800x32xf32, #tpu.memory_space<vmem>> -> memref<800x32xf32, #tpu.memory_space<vmem>>
    %dma_start3A_449 = arith.constant 0 : i32
    %dma_start3A_450 = tpu.memref_slice %arg5[%dma_start3A_443, %dma_start3A_449] : memref<4x800xi32, #tpu.memory_space<vmem>> -> memref<1x800xi32, #tpu.memory_space<vmem>>
    %dma_start3A_451 = tpu.memref_squeeze %dma_start3A_450 : memref<1x800xi32, #tpu.memory_space<vmem>> -> memref<800xi32, #tpu.memory_space<vmem>>
    %dma_start3A_452 = arith.constant 0 : i32
    %dma_start3A_453 = arith.constant 0 : i32
    %dma_start3A_454 = tpu.memref_slice %arg2[%dma_start3A_452, %dma_start3A_453] : memref<1000000x32xf32, #tpu.memory_space<hbm>> -> memref<1000000x32xf32, #tpu.memory_space<hbm>>
    tpu.enqueue_indirect_dma source(%dma_start3A_454 : memref<1000000x32xf32, #tpu.memory_space<hbm>>) target(%dma_start3A_448 : memref<800x32xf32, #tpu.memory_space<vmem>>) offsets(%dma_start3A_451 : memref<800xi32, #tpu.memory_space<vmem>>) semaphore(%arg14 : memref<!tpu.dma_semaphore, #tpu.memory_space<semaphore_mem>>)
    %dma_wait3A_455 = arith.constant 1 : i32
    %dma_wait3A_456 = arith.constant 1 : i32
    %dma_wait3A_457 = arith.constant 0 : i32
    %dma_wait3A_458 = arith.constant 0 : i32
    %dma_wait3A_459 = tpu.memref_slice %arg6[%dma_wait3A_456, %dma_wait3A_457, %dma_wait3A_458] : memref<4x800x32xf32, #tpu.memory_space<vmem>> -> memref<1x800x32xf32, #tpu.memory_space<vmem>>
    %dma_wait3A_460 = tpu.memref_squeeze %dma_wait3A_459 : memref<1x800x32xf32, #tpu.memory_space<vmem>> -> memref<800x32xf32, #tpu.memory_space<vmem>>
    %dma_wait3A_461 = arith.constant 0 : i32
    %dma_wait3A_462 = tpu.memref_slice %arg5[%dma_wait3A_455, %dma_wait3A_461] : memref<4x800xi32, #tpu.memory_space<vmem>> -> memref<1x800xi32, #tpu.memory_space<vmem>>
    %dma_wait3A_463 = tpu.memref_squeeze %dma_wait3A_462 : memref<1x800xi32, #tpu.memory_space<vmem>> -> memref<800xi32, #tpu.memory_space<vmem>>
    %dma_wait3A_464 = arith.constant 0 : i32
    %dma_wait3A_465 = arith.constant 0 : i32
    %dma_wait3A_466 = tpu.memref_slice %arg2[%dma_wait3A_464, %dma_wait3A_465] : memref<1000000x32xf32, #tpu.memory_space<hbm>> -> memref<1000000x32xf32, #tpu.memory_space<hbm>>
    tpu.wait_indirect_dma semaphore(%arg12 : memref<!tpu.dma_semaphore, #tpu.memory_space<semaphore_mem>>) src(%dma_wait3A_466 : memref<1000000x32xf32, #tpu.memory_space<hbm>>) dst(%dma_wait3A_460 : memref<800x32xf32, #tpu.memory_space<vmem>>)
    %add3A_467 = arith.constant 4000 : i32
    %add3A_468 = arith.addi %mul3A_2, %add3A_467 : i32
    %dma_start3A_469 = arith.constant 1 : i32
    %dma_start3A_470 = arith.constant 0 : i32
    %dma_start3A_471 = arith.constant 0 : i32
    %dma_start3A_472 = tpu.memref_slice %arg6[%dma_start3A_469, %dma_start3A_470, %dma_start3A_471] : memref<4x800x32xf32, #tpu.memory_space<vmem>> -> memref<1x800x32xf32, #tpu.memory_space<vmem>>
    %dma_start3A_473 = tpu.memref_squeeze %dma_start3A_472 : memref<1x800x32xf32, #tpu.memory_space<vmem>> -> memref<800x32xf32, #tpu.memory_space<vmem>>
    %dma_start3A_474 = arith.constant 0 : i32
    %dma_start3A_475 = tpu.memref_slice %arg4[%add3A_468, %dma_start3A_474] : memref<819200x32xf32, #tpu.memory_space<hbm>> -> memref<800x32xf32, #tpu.memory_space<hbm>>
    %dma_start3A_476 = arith.constant 0 : i32
    %dma_start3A_477 = tpu.memref_slice %arg4[%add3A_468, %dma_start3A_476] : memref<819200x32xf32, #tpu.memory_space<hbm>> -> memref<800x32xf32, #tpu.memory_space<hbm>>
    %dma_start3A_478 = arith.constant 0 : i32
    %dma_start3A_479 = arith.constant 0 : i32
    %dma_start3A_480 = tpu.memref_slice %arg6[%dma_start3A_469, %dma_start3A_478, %dma_start3A_479] : memref<4x800x32xf32, #tpu.memory_space<vmem>> -> memref<1x800x32xf32, #tpu.memory_space<vmem>>
    %dma_start3A_481 = tpu.memref_squeeze %dma_start3A_480 : memref<1x800x32xf32, #tpu.memory_space<vmem>> -> memref<800x32xf32, #tpu.memory_space<vmem>>
    tpu.enqueue_dma source(%dma_start3A_481 : memref<800x32xf32, #tpu.memory_space<vmem>>) target(%dma_start3A_477 : memref<800x32xf32, #tpu.memory_space<hbm>>) target_semaphore(%arg16 : memref<!tpu.dma_semaphore, #tpu.memory_space<semaphore_mem>>)
    %add3A_482 = arith.constant 7200 : i32
    %add3A_483 = arith.addi %mul3A_2, %add3A_482 : i32
    %dma_start3A_484 = arith.constant 1 : i32
    %dma_start3A_485 = arith.constant 0 : i32
    %dma_start3A_486 = tpu.memref_slice %arg5[%dma_start3A_484, %dma_start3A_485] : memref<4x800xi32, #tpu.memory_space<vmem>> -> memref<1x800xi32, #tpu.memory_space<vmem>>
    %dma_start3A_487 = tpu.memref_squeeze %dma_start3A_486 : memref<1x800xi32, #tpu.memory_space<vmem>> -> memref<800xi32, #tpu.memory_space<vmem>>
    %dma_start3A_488 = tpu.memref_slice %arg3[%add3A_483] : memref<819200xi32, #tpu.memory_space<hbm>> -> memref<800xi32, #tpu.memory_space<hbm>>
    %dma_start3A_489 = arith.constant 0 : i32
    %dma_start3A_490 = tpu.memref_slice %arg5[%dma_start3A_484, %dma_start3A_489] : memref<4x800xi32, #tpu.memory_space<vmem>> -> memref<1x800xi32, #tpu.memory_space<vmem>>
    %dma_start3A_491 = tpu.memref_squeeze %dma_start3A_490 : memref<1x800xi32, #tpu.memory_space<vmem>> -> memref<800xi32, #tpu.memory_space<vmem>>
    %dma_start3A_492 = tpu.memref_slice %arg3[%add3A_483] : memref<819200xi32, #tpu.memory_space<hbm>> -> memref<800xi32, #tpu.memory_space<hbm>>
    tpu.enqueue_dma source(%dma_start3A_492 : memref<800xi32, #tpu.memory_space<hbm>>) target(%dma_start3A_491 : memref<800xi32, #tpu.memory_space<vmem>>) target_semaphore(%arg8 : memref<!tpu.dma_semaphore, #tpu.memory_space<semaphore_mem>>)
    %dma_wait3A_493 = arith.constant 0 : i32
    %dma_wait3A_494 = arith.constant 0 : i32
    %dma_wait3A_495 = arith.constant 0 : i32
    %dma_wait3A_496 = tpu.memref_slice %arg6[%dma_wait3A_493, %dma_wait3A_494, %dma_wait3A_495] : memref<4x800x32xf32, #tpu.memory_space<vmem>> -> memref<1x800x32xf32, #tpu.memory_space<vmem>>
    %dma_wait3A_497 = tpu.memref_squeeze %dma_wait3A_496 : memref<1x800x32xf32, #tpu.memory_space<vmem>> -> memref<800x32xf32, #tpu.memory_space<vmem>>
    %dma_wait3A_498 = arith.constant 0 : i32
    %dma_wait3A_499 = tpu.memref_slice %arg4[%add3A_396, %dma_wait3A_498] : memref<819200x32xf32, #tpu.memory_space<hbm>> -> memref<800x32xf32, #tpu.memory_space<hbm>>
    %dma_wait3A_500 = arith.constant 0 : i32
    %dma_wait3A_501 = tpu.memref_slice %arg4[%add3A_396, %dma_wait3A_500] : memref<819200x32xf32, #tpu.memory_space<hbm>> -> memref<800x32xf32, #tpu.memory_space<hbm>>
    %dma_wait3A_502 = arith.constant 0 : i32
    %dma_wait3A_503 = arith.constant 0 : i32
    %dma_wait3A_504 = tpu.memref_slice %arg6[%dma_wait3A_493, %dma_wait3A_502, %dma_wait3A_503] : memref<4x800x32xf32, #tpu.memory_space<vmem>> -> memref<1x800x32xf32, #tpu.memory_space<vmem>>
    %dma_wait3A_505 = tpu.memref_squeeze %dma_wait3A_504 : memref<1x800x32xf32, #tpu.memory_space<vmem>> -> memref<800x32xf32, #tpu.memory_space<vmem>>
    tpu.wait_dma2 semaphore(%arg15 : memref<!tpu.dma_semaphore, #tpu.memory_space<semaphore_mem>>) src(%dma_wait3A_505 : memref<800x32xf32, #tpu.memory_space<vmem>>) dst(%dma_wait3A_501 : memref<800x32xf32, #tpu.memory_space<hbm>>)
    %dma_wait3A_506 = arith.constant 0 : i32
    %dma_wait3A_507 = arith.constant 0 : i32
    %dma_wait3A_508 = tpu.memref_slice %arg5[%dma_wait3A_506, %dma_wait3A_507] : memref<4x800xi32, #tpu.memory_space<vmem>> -> memref<1x800xi32, #tpu.memory_space<vmem>>
    %dma_wait3A_509 = tpu.memref_squeeze %dma_wait3A_508 : memref<1x800xi32, #tpu.memory_space<vmem>> -> memref<800xi32, #tpu.memory_space<vmem>>
    %dma_wait3A_510 = tpu.memref_slice %arg3[%add3A_411] : memref<819200xi32, #tpu.memory_space<hbm>> -> memref<800xi32, #tpu.memory_space<hbm>>
    %dma_wait3A_511 = arith.constant 0 : i32
    %dma_wait3A_512 = tpu.memref_slice %arg5[%dma_wait3A_506, %dma_wait3A_511] : memref<4x800xi32, #tpu.memory_space<vmem>> -> memref<1x800xi32, #tpu.memory_space<vmem>>
    %dma_wait3A_513 = tpu.memref_squeeze %dma_wait3A_512 : memref<1x800xi32, #tpu.memory_space<vmem>> -> memref<800xi32, #tpu.memory_space<vmem>>
    %dma_wait3A_514 = tpu.memref_slice %arg3[%add3A_411] : memref<819200xi32, #tpu.memory_space<hbm>> -> memref<800xi32, #tpu.memory_space<hbm>>
    tpu.wait_dma2 semaphore(%arg7 : memref<!tpu.dma_semaphore, #tpu.memory_space<semaphore_mem>>) src(%dma_wait3A_514 : memref<800xi32, #tpu.memory_space<hbm>>) dst(%dma_wait3A_513 : memref<800xi32, #tpu.memory_space<vmem>>)
    %dma_start3A_515 = arith.constant 0 : i32
    %dma_start3A_516 = arith.constant 0 : i32
    %dma_start3A_517 = arith.constant 0 : i32
    %dma_start3A_518 = arith.constant 0 : i32
    %dma_start3A_519 = tpu.memref_slice %arg6[%dma_start3A_516, %dma_start3A_517, %dma_start3A_518] : memref<4x800x32xf32, #tpu.memory_space<vmem>> -> memref<1x800x32xf32, #tpu.memory_space<vmem>>
    %dma_start3A_520 = tpu.memref_squeeze %dma_start3A_519 : memref<1x800x32xf32, #tpu.memory_space<vmem>> -> memref<800x32xf32, #tpu.memory_space<vmem>>
    %dma_start3A_521 = arith.constant 0 : i32
    %dma_start3A_522 = tpu.memref_slice %arg5[%dma_start3A_515, %dma_start3A_521] : memref<4x800xi32, #tpu.memory_space<vmem>> -> memref<1x800xi32, #tpu.memory_space<vmem>>
    %dma_start3A_523 = tpu.memref_squeeze %dma_start3A_522 : memref<1x800xi32, #tpu.memory_space<vmem>> -> memref<800xi32, #tpu.memory_space<vmem>>
    %dma_start3A_524 = arith.constant 0 : i32
    %dma_start3A_525 = arith.constant 0 : i32
    %dma_start3A_526 = tpu.memref_slice %arg2[%dma_start3A_524, %dma_start3A_525] : memref<1000000x32xf32, #tpu.memory_space<hbm>> -> memref<1000000x32xf32, #tpu.memory_space<hbm>>
    tpu.enqueue_indirect_dma source(%dma_start3A_526 : memref<1000000x32xf32, #tpu.memory_space<hbm>>) target(%dma_start3A_520 : memref<800x32xf32, #tpu.memory_space<vmem>>) offsets(%dma_start3A_523 : memref<800xi32, #tpu.memory_space<vmem>>) semaphore(%arg11 : memref<!tpu.dma_semaphore, #tpu.memory_space<semaphore_mem>>)
    %dma_wait3A_527 = arith.constant 2 : i32
    %dma_wait3A_528 = arith.constant 2 : i32
    %dma_wait3A_529 = arith.constant 0 : i32
    %dma_wait3A_530 = arith.constant 0 : i32
    %dma_wait3A_531 = tpu.memref_slice %arg6[%dma_wait3A_528, %dma_wait3A_529, %dma_wait3A_530] : memref<4x800x32xf32, #tpu.memory_space<vmem>> -> memref<1x800x32xf32, #tpu.memory_space<vmem>>
    %dma_wait3A_532 = tpu.memref_squeeze %dma_wait3A_531 : memref<1x800x32xf32, #tpu.memory_space<vmem>> -> memref<800x32xf32, #tpu.memory_space<vmem>>
    %dma_wait3A_533 = arith.constant 0 : i32
    %dma_wait3A_534 = tpu.memref_slice %arg5[%dma_wait3A_527, %dma_wait3A_533] : memref<4x800xi32, #tpu.memory_space<vmem>> -> memref<1x800xi32, #tpu.memory_space<vmem>>
    %dma_wait3A_535 = tpu.memref_squeeze %dma_wait3A_534 : memref<1x800xi32, #tpu.memory_space<vmem>> -> memref<800xi32, #tpu.memory_space<vmem>>
    %dma_wait3A_536 = arith.constant 0 : i32
    %dma_wait3A_537 = arith.constant 0 : i32
    %dma_wait3A_538 = tpu.memref_slice %arg2[%dma_wait3A_536, %dma_wait3A_537] : memref<1000000x32xf32, #tpu.memory_space<hbm>> -> memref<1000000x32xf32, #tpu.memory_space<hbm>>
    tpu.wait_indirect_dma semaphore(%arg13 : memref<!tpu.dma_semaphore, #tpu.memory_space<semaphore_mem>>) src(%dma_wait3A_538 : memref<1000000x32xf32, #tpu.memory_space<hbm>>) dst(%dma_wait3A_532 : memref<800x32xf32, #tpu.memory_space<vmem>>)
    %add3A_539 = arith.constant 4800 : i32
    %add3A_540 = arith.addi %mul3A_2, %add3A_539 : i32
    %dma_start3A_541 = arith.constant 2 : i32
    %dma_start3A_542 = arith.constant 0 : i32
    %dma_start3A_543 = arith.constant 0 : i32
    %dma_start3A_544 = tpu.memref_slice %arg6[%dma_start3A_541, %dma_start3A_542, %dma_start3A_543] : memref<4x800x32xf32, #tpu.memory_space<vmem>> -> memref<1x800x32xf32, #tpu.memory_space<vmem>>
    %dma_start3A_545 = tpu.memref_squeeze %dma_start3A_544 : memref<1x800x32xf32, #tpu.memory_space<vmem>> -> memref<800x32xf32, #tpu.memory_space<vmem>>
    %dma_start3A_546 = arith.constant 0 : i32
    %dma_start3A_547 = tpu.memref_slice %arg4[%add3A_540, %dma_start3A_546] : memref<819200x32xf32, #tpu.memory_space<hbm>> -> memref<800x32xf32, #tpu.memory_space<hbm>>
    %dma_start3A_548 = arith.constant 0 : i32
    %dma_start3A_549 = tpu.memref_slice %arg4[%add3A_540, %dma_start3A_548] : memref<819200x32xf32, #tpu.memory_space<hbm>> -> memref<800x32xf32, #tpu.memory_space<hbm>>
    %dma_start3A_550 = arith.constant 0 : i32
    %dma_start3A_551 = arith.constant 0 : i32
    %dma_start3A_552 = tpu.memref_slice %arg6[%dma_start3A_541, %dma_start3A_550, %dma_start3A_551] : memref<4x800x32xf32, #tpu.memory_space<vmem>> -> memref<1x800x32xf32, #tpu.memory_space<vmem>>
    %dma_start3A_553 = tpu.memref_squeeze %dma_start3A_552 : memref<1x800x32xf32, #tpu.memory_space<vmem>> -> memref<800x32xf32, #tpu.memory_space<vmem>>
    tpu.enqueue_dma source(%dma_start3A_553 : memref<800x32xf32, #tpu.memory_space<vmem>>) target(%dma_start3A_549 : memref<800x32xf32, #tpu.memory_space<hbm>>) target_semaphore(%arg17 : memref<!tpu.dma_semaphore, #tpu.memory_space<semaphore_mem>>)
    %add3A_554 = arith.constant 8000 : i32
    %add3A_555 = arith.addi %mul3A_2, %add3A_554 : i32
    %dma_start3A_556 = arith.constant 2 : i32
    %dma_start3A_557 = arith.constant 0 : i32
    %dma_start3A_558 = tpu.memref_slice %arg5[%dma_start3A_556, %dma_start3A_557] : memref<4x800xi32, #tpu.memory_space<vmem>> -> memref<1x800xi32, #tpu.memory_space<vmem>>
    %dma_start3A_559 = tpu.memref_squeeze %dma_start3A_558 : memref<1x800xi32, #tpu.memory_space<vmem>> -> memref<800xi32, #tpu.memory_space<vmem>>
    %dma_start3A_560 = tpu.memref_slice %arg3[%add3A_555] : memref<819200xi32, #tpu.memory_space<hbm>> -> memref<800xi32, #tpu.memory_space<hbm>>
    %dma_start3A_561 = arith.constant 0 : i32
    %dma_start3A_562 = tpu.memref_slice %arg5[%dma_start3A_556, %dma_start3A_561] : memref<4x800xi32, #tpu.memory_space<vmem>> -> memref<1x800xi32, #tpu.memory_space<vmem>>
    %dma_start3A_563 = tpu.memref_squeeze %dma_start3A_562 : memref<1x800xi32, #tpu.memory_space<vmem>> -> memref<800xi32, #tpu.memory_space<vmem>>
    %dma_start3A_564 = tpu.memref_slice %arg3[%add3A_555] : memref<819200xi32, #tpu.memory_space<hbm>> -> memref<800xi32, #tpu.memory_space<hbm>>
    tpu.enqueue_dma source(%dma_start3A_564 : memref<800xi32, #tpu.memory_space<hbm>>) target(%dma_start3A_563 : memref<800xi32, #tpu.memory_space<vmem>>) target_semaphore(%arg9 : memref<!tpu.dma_semaphore, #tpu.memory_space<semaphore_mem>>)
    %dma_wait3A_565 = arith.constant 1 : i32
    %dma_wait3A_566 = arith.constant 0 : i32
    %dma_wait3A_567 = arith.constant 0 : i32
    %dma_wait3A_568 = tpu.memref_slice %arg6[%dma_wait3A_565, %dma_wait3A_566, %dma_wait3A_567] : memref<4x800x32xf32, #tpu.memory_space<vmem>> -> memref<1x800x32xf32, #tpu.memory_space<vmem>>
    %dma_wait3A_569 = tpu.memref_squeeze %dma_wait3A_568 : memref<1x800x32xf32, #tpu.memory_space<vmem>> -> memref<800x32xf32, #tpu.memory_space<vmem>>
    %dma_wait3A_570 = arith.constant 0 : i32
    %dma_wait3A_571 = tpu.memref_slice %arg4[%add3A_468, %dma_wait3A_570] : memref<819200x32xf32, #tpu.memory_space<hbm>> -> memref<800x32xf32, #tpu.memory_space<hbm>>
    %dma_wait3A_572 = arith.constant 0 : i32
    %dma_wait3A_573 = tpu.memref_slice %arg4[%add3A_468, %dma_wait3A_572] : memref<819200x32xf32, #tpu.memory_space<hbm>> -> memref<800x32xf32, #tpu.memory_space<hbm>>
    %dma_wait3A_574 = arith.constant 0 : i32
    %dma_wait3A_575 = arith.constant 0 : i32
    %dma_wait3A_576 = tpu.memref_slice %arg6[%dma_wait3A_565, %dma_wait3A_574, %dma_wait3A_575] : memref<4x800x32xf32, #tpu.memory_space<vmem>> -> memref<1x800x32xf32, #tpu.memory_space<vmem>>
    %dma_wait3A_577 = tpu.memref_squeeze %dma_wait3A_576 : memref<1x800x32xf32, #tpu.memory_space<vmem>> -> memref<800x32xf32, #tpu.memory_space<vmem>>
    tpu.wait_dma2 semaphore(%arg16 : memref<!tpu.dma_semaphore, #tpu.memory_space<semaphore_mem>>) src(%dma_wait3A_577 : memref<800x32xf32, #tpu.memory_space<vmem>>) dst(%dma_wait3A_573 : memref<800x32xf32, #tpu.memory_space<hbm>>)
    %dma_wait3A_578 = arith.constant 1 : i32
    %dma_wait3A_579 = arith.constant 0 : i32
    %dma_wait3A_580 = tpu.memref_slice %arg5[%dma_wait3A_578, %dma_wait3A_579] : memref<4x800xi32, #tpu.memory_space<vmem>> -> memref<1x800xi32, #tpu.memory_space<vmem>>
    %dma_wait3A_581 = tpu.memref_squeeze %dma_wait3A_580 : memref<1x800xi32, #tpu.memory_space<vmem>> -> memref<800xi32, #tpu.memory_space<vmem>>
    %dma_wait3A_582 = tpu.memref_slice %arg3[%add3A_483] : memref<819200xi32, #tpu.memory_space<hbm>> -> memref<800xi32, #tpu.memory_space<hbm>>
    %dma_wait3A_583 = arith.constant 0 : i32
    %dma_wait3A_584 = tpu.memref_slice %arg5[%dma_wait3A_578, %dma_wait3A_583] : memref<4x800xi32, #tpu.memory_space<vmem>> -> memref<1x800xi32, #tpu.memory_space<vmem>>
    %dma_wait3A_585 = tpu.memref_squeeze %dma_wait3A_584 : memref<1x800xi32, #tpu.memory_space<vmem>> -> memref<800xi32, #tpu.memory_space<vmem>>
    %dma_wait3A_586 = tpu.memref_slice %arg3[%add3A_483] : memref<819200xi32, #tpu.memory_space<hbm>> -> memref<800xi32, #tpu.memory_space<hbm>>
    tpu.wait_dma2 semaphore(%arg8 : memref<!tpu.dma_semaphore, #tpu.memory_space<semaphore_mem>>) src(%dma_wait3A_586 : memref<800xi32, #tpu.memory_space<hbm>>) dst(%dma_wait3A_585 : memref<800xi32, #tpu.memory_space<vmem>>)
    %dma_start3A_587 = arith.constant 1 : i32
    %dma_start3A_588 = arith.constant 1 : i32
    %dma_start3A_589 = arith.constant 0 : i32
    %dma_start3A_590 = arith.constant 0 : i32
    %dma_start3A_591 = tpu.memref_slice %arg6[%dma_start3A_588, %dma_start3A_589, %dma_start3A_590] : memref<4x800x32xf32, #tpu.memory_space<vmem>> -> memref<1x800x32xf32, #tpu.memory_space<vmem>>
    %dma_start3A_592 = tpu.memref_squeeze %dma_start3A_591 : memref<1x800x32xf32, #tpu.memory_space<vmem>> -> memref<800x32xf32, #tpu.memory_space<vmem>>
    %dma_start3A_593 = arith.constant 0 : i32
    %dma_start3A_594 = tpu.memref_slice %arg5[%dma_start3A_587, %dma_start3A_593] : memref<4x800xi32, #tpu.memory_space<vmem>> -> memref<1x800xi32, #tpu.memory_space<vmem>>
    %dma_start3A_595 = tpu.memref_squeeze %dma_start3A_594 : memref<1x800xi32, #tpu.memory_space<vmem>> -> memref<800xi32, #tpu.memory_space<vmem>>
    %dma_start3A_596 = arith.constant 0 : i32
    %dma_start3A_597 = arith.constant 0 : i32
    %dma_start3A_598 = tpu.memref_slice %arg2[%dma_start3A_596, %dma_start3A_597] : memref<1000000x32xf32, #tpu.memory_space<hbm>> -> memref<1000000x32xf32, #tpu.memory_space<hbm>>
    tpu.enqueue_indirect_dma source(%dma_start3A_598 : memref<1000000x32xf32, #tpu.memory_space<hbm>>) target(%dma_start3A_592 : memref<800x32xf32, #tpu.memory_space<vmem>>) offsets(%dma_start3A_595 : memref<800xi32, #tpu.memory_space<vmem>>) semaphore(%arg12 : memref<!tpu.dma_semaphore, #tpu.memory_space<semaphore_mem>>)
    %dma_wait3A_599 = arith.constant 3 : i32
    %dma_wait3A_600 = arith.constant 3 : i32
    %dma_wait3A_601 = arith.constant 0 : i32
    %dma_wait3A_602 = arith.constant 0 : i32
    %dma_wait3A_603 = tpu.memref_slice %arg6[%dma_wait3A_600, %dma_wait3A_601, %dma_wait3A_602] : memref<4x800x32xf32, #tpu.memory_space<vmem>> -> memref<1x800x32xf32, #tpu.memory_space<vmem>>
    %dma_wait3A_604 = tpu.memref_squeeze %dma_wait3A_603 : memref<1x800x32xf32, #tpu.memory_space<vmem>> -> memref<800x32xf32, #tpu.memory_space<vmem>>
    %dma_wait3A_605 = arith.constant 0 : i32
    %dma_wait3A_606 = tpu.memref_slice %arg5[%dma_wait3A_599, %dma_wait3A_605] : memref<4x800xi32, #tpu.memory_space<vmem>> -> memref<1x800xi32, #tpu.memory_space<vmem>>
    %dma_wait3A_607 = tpu.memref_squeeze %dma_wait3A_606 : memref<1x800xi32, #tpu.memory_space<vmem>> -> memref<800xi32, #tpu.memory_space<vmem>>
    %dma_wait3A_608 = arith.constant 0 : i32
    %dma_wait3A_609 = arith.constant 0 : i32
    %dma_wait3A_610 = tpu.memref_slice %arg2[%dma_wait3A_608, %dma_wait3A_609] : memref<1000000x32xf32, #tpu.memory_space<hbm>> -> memref<1000000x32xf32, #tpu.memory_space<hbm>>
    tpu.wait_indirect_dma semaphore(%arg14 : memref<!tpu.dma_semaphore, #tpu.memory_space<semaphore_mem>>) src(%dma_wait3A_610 : memref<1000000x32xf32, #tpu.memory_space<hbm>>) dst(%dma_wait3A_604 : memref<800x32xf32, #tpu.memory_space<vmem>>)
    %add3A_611 = arith.constant 5600 : i32
    %add3A_612 = arith.addi %mul3A_2, %add3A_611 : i32
    %dma_start3A_613 = arith.constant 3 : i32
    %dma_start3A_614 = arith.constant 0 : i32
    %dma_start3A_615 = arith.constant 0 : i32
    %dma_start3A_616 = tpu.memref_slice %arg6[%dma_start3A_613, %dma_start3A_614, %dma_start3A_615] : memref<4x800x32xf32, #tpu.memory_space<vmem>> -> memref<1x800x32xf32, #tpu.memory_space<vmem>>
    %dma_start3A_617 = tpu.memref_squeeze %dma_start3A_616 : memref<1x800x32xf32, #tpu.memory_space<vmem>> -> memref<800x32xf32, #tpu.memory_space<vmem>>
    %dma_start3A_618 = arith.constant 0 : i32
    %dma_start3A_619 = tpu.memref_slice %arg4[%add3A_612, %dma_start3A_618] : memref<819200x32xf32, #tpu.memory_space<hbm>> -> memref<800x32xf32, #tpu.memory_space<hbm>>
    %dma_start3A_620 = arith.constant 0 : i32
    %dma_start3A_621 = tpu.memref_slice %arg4[%add3A_612, %dma_start3A_620] : memref<819200x32xf32, #tpu.memory_space<hbm>> -> memref<800x32xf32, #tpu.memory_space<hbm>>
    %dma_start3A_622 = arith.constant 0 : i32
    %dma_start3A_623 = arith.constant 0 : i32
    %dma_start3A_624 = tpu.memref_slice %arg6[%dma_start3A_613, %dma_start3A_622, %dma_start3A_623] : memref<4x800x32xf32, #tpu.memory_space<vmem>> -> memref<1x800x32xf32, #tpu.memory_space<vmem>>
    %dma_start3A_625 = tpu.memref_squeeze %dma_start3A_624 : memref<1x800x32xf32, #tpu.memory_space<vmem>> -> memref<800x32xf32, #tpu.memory_space<vmem>>
    tpu.enqueue_dma source(%dma_start3A_625 : memref<800x32xf32, #tpu.memory_space<vmem>>) target(%dma_start3A_621 : memref<800x32xf32, #tpu.memory_space<hbm>>) target_semaphore(%arg18 : memref<!tpu.dma_semaphore, #tpu.memory_space<semaphore_mem>>)
    %add3A_626 = arith.constant 8800 : i32
    %add3A_627 = arith.addi %mul3A_2, %add3A_626 : i32
    %dma_start3A_628 = arith.constant 3 : i32
    %dma_start3A_629 = arith.constant 0 : i32
    %dma_start3A_630 = tpu.memref_slice %arg5[%dma_start3A_628, %dma_start3A_629] : memref<4x800xi32, #tpu.memory_space<vmem>> -> memref<1x800xi32, #tpu.memory_space<vmem>>
    %dma_start3A_631 = tpu.memref_squeeze %dma_start3A_630 : memref<1x800xi32, #tpu.memory_space<vmem>> -> memref<800xi32, #tpu.memory_space<vmem>>
    %dma_start3A_632 = tpu.memref_slice %arg3[%add3A_627] : memref<819200xi32, #tpu.memory_space<hbm>> -> memref<800xi32, #tpu.memory_space<hbm>>
    %dma_start3A_633 = arith.constant 0 : i32
    %dma_start3A_634 = tpu.memref_slice %arg5[%dma_start3A_628, %dma_start3A_633] : memref<4x800xi32, #tpu.memory_space<vmem>> -> memref<1x800xi32, #tpu.memory_space<vmem>>
    %dma_start3A_635 = tpu.memref_squeeze %dma_start3A_634 : memref<1x800xi32, #tpu.memory_space<vmem>> -> memref<800xi32, #tpu.memory_space<vmem>>
    %dma_start3A_636 = tpu.memref_slice %arg3[%add3A_627] : memref<819200xi32, #tpu.memory_space<hbm>> -> memref<800xi32, #tpu.memory_space<hbm>>
    tpu.enqueue_dma source(%dma_start3A_636 : memref<800xi32, #tpu.memory_space<hbm>>) target(%dma_start3A_635 : memref<800xi32, #tpu.memory_space<vmem>>) target_semaphore(%arg10 : memref<!tpu.dma_semaphore, #tpu.memory_space<semaphore_mem>>)
    %dma_wait3A_637 = arith.constant 2 : i32
    %dma_wait3A_638 = arith.constant 0 : i32
    %dma_wait3A_639 = arith.constant 0 : i32
    %dma_wait3A_640 = tpu.memref_slice %arg6[%dma_wait3A_637, %dma_wait3A_638, %dma_wait3A_639] : memref<4x800x32xf32, #tpu.memory_space<vmem>> -> memref<1x800x32xf32, #tpu.memory_space<vmem>>
    %dma_wait3A_641 = tpu.memref_squeeze %dma_wait3A_640 : memref<1x800x32xf32, #tpu.memory_space<vmem>> -> memref<800x32xf32, #tpu.memory_space<vmem>>
    %dma_wait3A_642 = arith.constant 0 : i32
    %dma_wait3A_643 = tpu.memref_slice %arg4[%add3A_540, %dma_wait3A_642] : memref<819200x32xf32, #tpu.memory_space<hbm>> -> memref<800x32xf32, #tpu.memory_space<hbm>>
    %dma_wait3A_644 = arith.constant 0 : i32
    %dma_wait3A_645 = tpu.memref_slice %arg4[%add3A_540, %dma_wait3A_644] : memref<819200x32xf32, #tpu.memory_space<hbm>> -> memref<800x32xf32, #tpu.memory_space<hbm>>
    %dma_wait3A_646 = arith.constant 0 : i32
    %dma_wait3A_647 = arith.constant 0 : i32
    %dma_wait3A_648 = tpu.memref_slice %arg6[%dma_wait3A_637, %dma_wait3A_646, %dma_wait3A_647] : memref<4x800x32xf32, #tpu.memory_space<vmem>> -> memref<1x800x32xf32, #tpu.memory_space<vmem>>
    %dma_wait3A_649 = tpu.memref_squeeze %dma_wait3A_648 : memref<1x800x32xf32, #tpu.memory_space<vmem>> -> memref<800x32xf32, #tpu.memory_space<vmem>>
    tpu.wait_dma2 semaphore(%arg17 : memref<!tpu.dma_semaphore, #tpu.memory_space<semaphore_mem>>) src(%dma_wait3A_649 : memref<800x32xf32, #tpu.memory_space<vmem>>) dst(%dma_wait3A_645 : memref<800x32xf32, #tpu.memory_space<hbm>>)
    %dma_wait3A_650 = arith.constant 2 : i32
    %dma_wait3A_651 = arith.constant 0 : i32
    %dma_wait3A_652 = tpu.memref_slice %arg5[%dma_wait3A_650, %dma_wait3A_651] : memref<4x800xi32, #tpu.memory_space<vmem>> -> memref<1x800xi32, #tpu.memory_space<vmem>>
    %dma_wait3A_653 = tpu.memref_squeeze %dma_wait3A_652 : memref<1x800xi32, #tpu.memory_space<vmem>> -> memref<800xi32, #tpu.memory_space<vmem>>
    %dma_wait3A_654 = tpu.memref_slice %arg3[%add3A_555] : memref<819200xi32, #tpu.memory_space<hbm>> -> memref<800xi32, #tpu.memory_space<hbm>>
    %dma_wait3A_655 = arith.constant 0 : i32
    %dma_wait3A_656 = tpu.memref_slice %arg5[%dma_wait3A_650, %dma_wait3A_655] : memref<4x800xi32, #tpu.memory_space<vmem>> -> memref<1x800xi32, #tpu.memory_space<vmem>>
    %dma_wait3A_657 = tpu.memref_squeeze %dma_wait3A_656 : memref<1x800xi32, #tpu.memory_space<vmem>> -> memref<800xi32, #tpu.memory_space<vmem>>
    %dma_wait3A_658 = tpu.memref_slice %arg3[%add3A_555] : memref<819200xi32, #tpu.memory_space<hbm>> -> memref<800xi32, #tpu.memory_space<hbm>>
    tpu.wait_dma2 semaphore(%arg9 : memref<!tpu.dma_semaphore, #tpu.memory_space<semaphore_mem>>) src(%dma_wait3A_658 : memref<800xi32, #tpu.memory_space<hbm>>) dst(%dma_wait3A_657 : memref<800xi32, #tpu.memory_space<vmem>>)
    %dma_start3A_659 = arith.constant 2 : i32
    %dma_start3A_660 = arith.constant 2 : i32
    %dma_start3A_661 = arith.constant 0 : i32
    %dma_start3A_662 = arith.constant 0 : i32
    %dma_start3A_663 = tpu.memref_slice %arg6[%dma_start3A_660, %dma_start3A_661, %dma_start3A_662] : memref<4x800x32xf32, #tpu.memory_space<vmem>> -> memref<1x800x32xf32, #tpu.memory_space<vmem>>
    %dma_start3A_664 = tpu.memref_squeeze %dma_start3A_663 : memref<1x800x32xf32, #tpu.memory_space<vmem>> -> memref<800x32xf32, #tpu.memory_space<vmem>>
    %dma_start3A_665 = arith.constant 0 : i32
    %dma_start3A_666 = tpu.memref_slice %arg5[%dma_start3A_659, %dma_start3A_665] : memref<4x800xi32, #tpu.memory_space<vmem>> -> memref<1x800xi32, #tpu.memory_space<vmem>>
    %dma_start3A_667 = tpu.memref_squeeze %dma_start3A_666 : memref<1x800xi32, #tpu.memory_space<vmem>> -> memref<800xi32, #tpu.memory_space<vmem>>
    %dma_start3A_668 = arith.constant 0 : i32
    %dma_start3A_669 = arith.constant 0 : i32
    %dma_start3A_670 = tpu.memref_slice %arg2[%dma_start3A_668, %dma_start3A_669] : memref<1000000x32xf32, #tpu.memory_space<hbm>> -> memref<1000000x32xf32, #tpu.memory_space<hbm>>
    tpu.enqueue_indirect_dma source(%dma_start3A_670 : memref<1000000x32xf32, #tpu.memory_space<hbm>>) target(%dma_start3A_664 : memref<800x32xf32, #tpu.memory_space<vmem>>) offsets(%dma_start3A_667 : memref<800xi32, #tpu.memory_space<vmem>>) semaphore(%arg13 : memref<!tpu.dma_semaphore, #tpu.memory_space<semaphore_mem>>)
    %dma_wait3A_671 = arith.constant 0 : i32
    %dma_wait3A_672 = arith.constant 0 : i32
    %dma_wait3A_673 = arith.constant 0 : i32
    %dma_wait3A_674 = arith.constant 0 : i32
    %dma_wait3A_675 = tpu.memref_slice %arg6[%dma_wait3A_672, %dma_wait3A_673, %dma_wait3A_674] : memref<4x800x32xf32, #tpu.memory_space<vmem>> -> memref<1x800x32xf32, #tpu.memory_space<vmem>>
    %dma_wait3A_676 = tpu.memref_squeeze %dma_wait3A_675 : memref<1x800x32xf32, #tpu.memory_space<vmem>> -> memref<800x32xf32, #tpu.memory_space<vmem>>
    %dma_wait3A_677 = arith.constant 0 : i32
    %dma_wait3A_678 = tpu.memref_slice %arg5[%dma_wait3A_671, %dma_wait3A_677] : memref<4x800xi32, #tpu.memory_space<vmem>> -> memref<1x800xi32, #tpu.memory_space<vmem>>
    %dma_wait3A_679 = tpu.memref_squeeze %dma_wait3A_678 : memref<1x800xi32, #tpu.memory_space<vmem>> -> memref<800xi32, #tpu.memory_space<vmem>>
    %dma_wait3A_680 = arith.constant 0 : i32
    %dma_wait3A_681 = arith.constant 0 : i32
    %dma_wait3A_682 = tpu.memref_slice %arg2[%dma_wait3A_680, %dma_wait3A_681] : memref<1000000x32xf32, #tpu.memory_space<hbm>> -> memref<1000000x32xf32, #tpu.memory_space<hbm>>
    tpu.wait_indirect_dma semaphore(%arg11 : memref<!tpu.dma_semaphore, #tpu.memory_space<semaphore_mem>>) src(%dma_wait3A_682 : memref<1000000x32xf32, #tpu.memory_space<hbm>>) dst(%dma_wait3A_676 : memref<800x32xf32, #tpu.memory_space<vmem>>)
    %add3A_683 = arith.constant 6400 : i32
    %add3A_684 = arith.addi %mul3A_2, %add3A_683 : i32
    %dma_start3A_685 = arith.constant 0 : i32
    %dma_start3A_686 = arith.constant 0 : i32
    %dma_start3A_687 = arith.constant 0 : i32
    %dma_start3A_688 = tpu.memref_slice %arg6[%dma_start3A_685, %dma_start3A_686, %dma_start3A_687] : memref<4x800x32xf32, #tpu.memory_space<vmem>> -> memref<1x800x32xf32, #tpu.memory_space<vmem>>
    %dma_start3A_689 = tpu.memref_squeeze %dma_start3A_688 : memref<1x800x32xf32, #tpu.memory_space<vmem>> -> memref<800x32xf32, #tpu.memory_space<vmem>>
    %dma_start3A_690 = arith.constant 0 : i32
    %dma_start3A_691 = tpu.memref_slice %arg4[%add3A_684, %dma_start3A_690] : memref<819200x32xf32, #tpu.memory_space<hbm>> -> memref<800x32xf32, #tpu.memory_space<hbm>>
    %dma_start3A_692 = arith.constant 0 : i32
    %dma_start3A_693 = tpu.memref_slice %arg4[%add3A_684, %dma_start3A_692] : memref<819200x32xf32, #tpu.memory_space<hbm>> -> memref<800x32xf32, #tpu.memory_space<hbm>>
    %dma_start3A_694 = arith.constant 0 : i32
    %dma_start3A_695 = arith.constant 0 : i32
    %dma_start3A_696 = tpu.memref_slice %arg6[%dma_start3A_685, %dma_start3A_694, %dma_start3A_695] : memref<4x800x32xf32, #tpu.memory_space<vmem>> -> memref<1x800x32xf32, #tpu.memory_space<vmem>>
    %dma_start3A_697 = tpu.memref_squeeze %dma_start3A_696 : memref<1x800x32xf32, #tpu.memory_space<vmem>> -> memref<800x32xf32, #tpu.memory_space<vmem>>
    tpu.enqueue_dma source(%dma_start3A_697 : memref<800x32xf32, #tpu.memory_space<vmem>>) target(%dma_start3A_693 : memref<800x32xf32, #tpu.memory_space<hbm>>) target_semaphore(%arg15 : memref<!tpu.dma_semaphore, #tpu.memory_space<semaphore_mem>>)
    %add3A_698 = arith.constant 9600 : i32
    %add3A_699 = arith.addi %mul3A_2, %add3A_698 : i32
    %dma_start3A_700 = arith.constant 0 : i32
    %dma_start3A_701 = arith.constant 0 : i32
    %dma_start3A_702 = tpu.memref_slice %arg5[%dma_start3A_700, %dma_start3A_701] : memref<4x800xi32, #tpu.memory_space<vmem>> -> memref<1x800xi32, #tpu.memory_space<vmem>>
    %dma_start3A_703 = tpu.memref_squeeze %dma_start3A_702 : memref<1x800xi32, #tpu.memory_space<vmem>> -> memref<800xi32, #tpu.memory_space<vmem>>
    %dma_start3A_704 = tpu.memref_slice %arg3[%add3A_699] : memref<819200xi32, #tpu.memory_space<hbm>> -> memref<800xi32, #tpu.memory_space<hbm>>
    %dma_start3A_705 = arith.constant 0 : i32
    %dma_start3A_706 = tpu.memref_slice %arg5[%dma_start3A_700, %dma_start3A_705] : memref<4x800xi32, #tpu.memory_space<vmem>> -> memref<1x800xi32, #tpu.memory_space<vmem>>
    %dma_start3A_707 = tpu.memref_squeeze %dma_start3A_706 : memref<1x800xi32, #tpu.memory_space<vmem>> -> memref<800xi32, #tpu.memory_space<vmem>>
    %dma_start3A_708 = tpu.memref_slice %arg3[%add3A_699] : memref<819200xi32, #tpu.memory_space<hbm>> -> memref<800xi32, #tpu.memory_space<hbm>>
    tpu.enqueue_dma source(%dma_start3A_708 : memref<800xi32, #tpu.memory_space<hbm>>) target(%dma_start3A_707 : memref<800xi32, #tpu.memory_space<vmem>>) target_semaphore(%arg7 : memref<!tpu.dma_semaphore, #tpu.memory_space<semaphore_mem>>)
    %dma_wait3A_709 = arith.constant 3 : i32
    %dma_wait3A_710 = arith.constant 0 : i32
    %dma_wait3A_711 = arith.constant 0 : i32
    %dma_wait3A_712 = tpu.memref_slice %arg6[%dma_wait3A_709, %dma_wait3A_710, %dma_wait3A_711] : memref<4x800x32xf32, #tpu.memory_space<vmem>> -> memref<1x800x32xf32, #tpu.memory_space<vmem>>
    %dma_wait3A_713 = tpu.memref_squeeze %dma_wait3A_712 : memref<1x800x32xf32, #tpu.memory_space<vmem>> -> memref<800x32xf32, #tpu.memory_space<vmem>>
    %dma_wait3A_714 = arith.constant 0 : i32
    %dma_wait3A_715 = tpu.memref_slice %arg4[%add3A_612, %dma_wait3A_714] : memref<819200x32xf32, #tpu.memory_space<hbm>> -> memref<800x32xf32, #tpu.memory_space<hbm>>
    %dma_wait3A_716 = arith.constant 0 : i32
    %dma_wait3A_717 = tpu.memref_slice %arg4[%add3A_612, %dma_wait3A_716] : memref<819200x32xf32, #tpu.memory_space<hbm>> -> memref<800x32xf32, #tpu.memory_space<hbm>>
    %dma_wait3A_718 = arith.constant 0 : i32
    %dma_wait3A_719 = arith.constant 0 : i32
    %dma_wait3A_720 = tpu.memref_slice %arg6[%dma_wait3A_709, %dma_wait3A_718, %dma_wait3A_719] : memref<4x800x32xf32, #tpu.memory_space<vmem>> -> memref<1x800x32xf32, #tpu.memory_space<vmem>>
    %dma_wait3A_721 = tpu.memref_squeeze %dma_wait3A_720 : memref<1x800x32xf32, #tpu.memory_space<vmem>> -> memref<800x32xf32, #tpu.memory_space<vmem>>
    tpu.wait_dma2 semaphore(%arg18 : memref<!tpu.dma_semaphore, #tpu.memory_space<semaphore_mem>>) src(%dma_wait3A_721 : memref<800x32xf32, #tpu.memory_space<vmem>>) dst(%dma_wait3A_717 : memref<800x32xf32, #tpu.memory_space<hbm>>)
    %dma_wait3A_722 = arith.constant 3 : i32
    %dma_wait3A_723 = arith.constant 0 : i32
    %dma_wait3A_724 = tpu.memref_slice %arg5[%dma_wait3A_722, %dma_wait3A_723] : memref<4x800xi32, #tpu.memory_space<vmem>> -> memref<1x800xi32, #tpu.memory_space<vmem>>
    %dma_wait3A_725 = tpu.memref_squeeze %dma_wait3A_724 : memref<1x800xi32, #tpu.memory_space<vmem>> -> memref<800xi32, #tpu.memory_space<vmem>>
    %dma_wait3A_726 = tpu.memref_slice %arg3[%add3A_627] : memref<819200xi32, #tpu.memory_space<hbm>> -> memref<800xi32, #tpu.memory_space<hbm>>
    %dma_wait3A_727 = arith.constant 0 : i32
    %dma_wait3A_728 = tpu.memref_slice %arg5[%dma_wait3A_722, %dma_wait3A_727] : memref<4x800xi32, #tpu.memory_space<vmem>> -> memref<1x800xi32, #tpu.memory_space<vmem>>
    %dma_wait3A_729 = tpu.memref_squeeze %dma_wait3A_728 : memref<1x800xi32, #tpu.memory_space<vmem>> -> memref<800xi32, #tpu.memory_space<vmem>>
    %dma_wait3A_730 = tpu.memref_slice %arg3[%add3A_627] : memref<819200xi32, #tpu.memory_space<hbm>> -> memref<800xi32, #tpu.memory_space<hbm>>
    tpu.wait_dma2 semaphore(%arg10 : memref<!tpu.dma_semaphore, #tpu.memory_space<semaphore_mem>>) src(%dma_wait3A_730 : memref<800xi32, #tpu.memory_space<hbm>>) dst(%dma_wait3A_729 : memref<800xi32, #tpu.memory_space<vmem>>)
    %dma_start3A_731 = arith.constant 3 : i32
    %dma_start3A_732 = arith.constant 3 : i32
    %dma_start3A_733 = arith.constant 0 : i32
    %dma_start3A_734 = arith.constant 0 : i32
    %dma_start3A_735 = tpu.memref_slice %arg6[%dma_start3A_732, %dma_start3A_733, %dma_start3A_734] : memref<4x800x32xf32, #tpu.memory_space<vmem>> -> memref<1x800x32xf32, #tpu.memory_space<vmem>>
    %dma_start3A_736 = tpu.memref_squeeze %dma_start3A_735 : memref<1x800x32xf32, #tpu.memory_space<vmem>> -> memref<800x32xf32, #tpu.memory_space<vmem>>
    %dma_start3A_737 = arith.constant 0 : i32
    %dma_start3A_738 = tpu.memref_slice %arg5[%dma_start3A_731, %dma_start3A_737] : memref<4x800xi32, #tpu.memory_space<vmem>> -> memref<1x800xi32, #tpu.memory_space<vmem>>
    %dma_start3A_739 = tpu.memref_squeeze %dma_start3A_738 : memref<1x800xi32, #tpu.memory_space<vmem>> -> memref<800xi32, #tpu.memory_space<vmem>>
    %dma_start3A_740 = arith.constant 0 : i32
    %dma_start3A_741 = arith.constant 0 : i32
    %dma_start3A_742 = tpu.memref_slice %arg2[%dma_start3A_740, %dma_start3A_741] : memref<1000000x32xf32, #tpu.memory_space<hbm>> -> memref<1000000x32xf32, #tpu.memory_space<hbm>>
    tpu.enqueue_indirect_dma source(%dma_start3A_742 : memref<1000000x32xf32, #tpu.memory_space<hbm>>) target(%dma_start3A_736 : memref<800x32xf32, #tpu.memory_space<vmem>>) offsets(%dma_start3A_739 : memref<800xi32, #tpu.memory_space<vmem>>) semaphore(%arg14 : memref<!tpu.dma_semaphore, #tpu.memory_space<semaphore_mem>>)
    %dma_wait3A_743 = arith.constant 1 : i32
    %dma_wait3A_744 = arith.constant 1 : i32
    %dma_wait3A_745 = arith.constant 0 : i32
    %dma_wait3A_746 = arith.constant 0 : i32
    %dma_wait3A_747 = tpu.memref_slice %arg6[%dma_wait3A_744, %dma_wait3A_745, %dma_wait3A_746] : memref<4x800x32xf32, #tpu.memory_space<vmem>> -> memref<1x800x32xf32, #tpu.memory_space<vmem>>
    %dma_wait3A_748 = tpu.memref_squeeze %dma_wait3A_747 : memref<1x800x32xf32, #tpu.memory_space<vmem>> -> memref<800x32xf32, #tpu.memory_space<vmem>>
    %dma_wait3A_749 = arith.constant 0 : i32
    %dma_wait3A_750 = tpu.memref_slice %arg5[%dma_wait3A_743, %dma_wait3A_749] : memref<4x800xi32, #tpu.memory_space<vmem>> -> memref<1x800xi32, #tpu.memory_space<vmem>>
    %dma_wait3A_751 = tpu.memref_squeeze %dma_wait3A_750 : memref<1x800xi32, #tpu.memory_space<vmem>> -> memref<800xi32, #tpu.memory_space<vmem>>
    %dma_wait3A_752 = arith.constant 0 : i32
    %dma_wait3A_753 = arith.constant 0 : i32
    %dma_wait3A_754 = tpu.memref_slice %arg2[%dma_wait3A_752, %dma_wait3A_753] : memref<1000000x32xf32, #tpu.memory_space<hbm>> -> memref<1000000x32xf32, #tpu.memory_space<hbm>>
    tpu.wait_indirect_dma semaphore(%arg12 : memref<!tpu.dma_semaphore, #tpu.memory_space<semaphore_mem>>) src(%dma_wait3A_754 : memref<1000000x32xf32, #tpu.memory_space<hbm>>) dst(%dma_wait3A_748 : memref<800x32xf32, #tpu.memory_space<vmem>>)
    %add3A_755 = arith.constant 7200 : i32
    %add3A_756 = arith.addi %mul3A_2, %add3A_755 : i32
    %dma_start3A_757 = arith.constant 1 : i32
    %dma_start3A_758 = arith.constant 0 : i32
    %dma_start3A_759 = arith.constant 0 : i32
    %dma_start3A_760 = tpu.memref_slice %arg6[%dma_start3A_757, %dma_start3A_758, %dma_start3A_759] : memref<4x800x32xf32, #tpu.memory_space<vmem>> -> memref<1x800x32xf32, #tpu.memory_space<vmem>>
    %dma_start3A_761 = tpu.memref_squeeze %dma_start3A_760 : memref<1x800x32xf32, #tpu.memory_space<vmem>> -> memref<800x32xf32, #tpu.memory_space<vmem>>
    %dma_start3A_762 = arith.constant 0 : i32
    %dma_start3A_763 = tpu.memref_slice %arg4[%add3A_756, %dma_start3A_762] : memref<819200x32xf32, #tpu.memory_space<hbm>> -> memref<800x32xf32, #tpu.memory_space<hbm>>
    %dma_start3A_764 = arith.constant 0 : i32
    %dma_start3A_765 = tpu.memref_slice %arg4[%add3A_756, %dma_start3A_764] : memref<819200x32xf32, #tpu.memory_space<hbm>> -> memref<800x32xf32, #tpu.memory_space<hbm>>
    %dma_start3A_766 = arith.constant 0 : i32
    %dma_start3A_767 = arith.constant 0 : i32
    %dma_start3A_768 = tpu.memref_slice %arg6[%dma_start3A_757, %dma_start3A_766, %dma_start3A_767] : memref<4x800x32xf32, #tpu.memory_space<vmem>> -> memref<1x800x32xf32, #tpu.memory_space<vmem>>
    %dma_start3A_769 = tpu.memref_squeeze %dma_start3A_768 : memref<1x800x32xf32, #tpu.memory_space<vmem>> -> memref<800x32xf32, #tpu.memory_space<vmem>>
    tpu.enqueue_dma source(%dma_start3A_769 : memref<800x32xf32, #tpu.memory_space<vmem>>) target(%dma_start3A_765 : memref<800x32xf32, #tpu.memory_space<hbm>>) target_semaphore(%arg16 : memref<!tpu.dma_semaphore, #tpu.memory_space<semaphore_mem>>)
    %add3A_770 = arith.constant 10400 : i32
    %add3A_771 = arith.addi %mul3A_2, %add3A_770 : i32
    %dma_start3A_772 = arith.constant 1 : i32
    %dma_start3A_773 = arith.constant 0 : i32
    %dma_start3A_774 = tpu.memref_slice %arg5[%dma_start3A_772, %dma_start3A_773] : memref<4x800xi32, #tpu.memory_space<vmem>> -> memref<1x800xi32, #tpu.memory_space<vmem>>
    %dma_start3A_775 = tpu.memref_squeeze %dma_start3A_774 : memref<1x800xi32, #tpu.memory_space<vmem>> -> memref<800xi32, #tpu.memory_space<vmem>>
    %dma_start3A_776 = tpu.memref_slice %arg3[%add3A_771] : memref<819200xi32, #tpu.memory_space<hbm>> -> memref<800xi32, #tpu.memory_space<hbm>>
    %dma_start3A_777 = arith.constant 0 : i32
    %dma_start3A_778 = tpu.memref_slice %arg5[%dma_start3A_772, %dma_start3A_777] : memref<4x800xi32, #tpu.memory_space<vmem>> -> memref<1x800xi32, #tpu.memory_space<vmem>>
    %dma_start3A_779 = tpu.memref_squeeze %dma_start3A_778 : memref<1x800xi32, #tpu.memory_space<vmem>> -> memref<800xi32, #tpu.memory_space<vmem>>
    %dma_start3A_780 = tpu.memref_slice %arg3[%add3A_771] : memref<819200xi32, #tpu.memory_space<hbm>> -> memref<800xi32, #tpu.memory_space<hbm>>
    tpu.enqueue_dma source(%dma_start3A_780 : memref<800xi32, #tpu.memory_space<hbm>>) target(%dma_start3A_779 : memref<800xi32, #tpu.memory_space<vmem>>) target_semaphore(%arg8 : memref<!tpu.dma_semaphore, #tpu.memory_space<semaphore_mem>>)
    %dma_wait3A_781 = arith.constant 0 : i32
    %dma_wait3A_782 = arith.constant 0 : i32
    %dma_wait3A_783 = arith.constant 0 : i32
    %dma_wait3A_784 = tpu.memref_slice %arg6[%dma_wait3A_781, %dma_wait3A_782, %dma_wait3A_783] : memref<4x800x32xf32, #tpu.memory_space<vmem>> -> memref<1x800x32xf32, #tpu.memory_space<vmem>>
    %dma_wait3A_785 = tpu.memref_squeeze %dma_wait3A_784 : memref<1x800x32xf32, #tpu.memory_space<vmem>> -> memref<800x32xf32, #tpu.memory_space<vmem>>
    %dma_wait3A_786 = arith.constant 0 : i32
    %dma_wait3A_787 = tpu.memref_slice %arg4[%add3A_684, %dma_wait3A_786] : memref<819200x32xf32, #tpu.memory_space<hbm>> -> memref<800x32xf32, #tpu.memory_space<hbm>>
    %dma_wait3A_788 = arith.constant 0 : i32
    %dma_wait3A_789 = tpu.memref_slice %arg4[%add3A_684, %dma_wait3A_788] : memref<819200x32xf32, #tpu.memory_space<hbm>> -> memref<800x32xf32, #tpu.memory_space<hbm>>
    %dma_wait3A_790 = arith.constant 0 : i32
    %dma_wait3A_791 = arith.constant 0 : i32
    %dma_wait3A_792 = tpu.memref_slice %arg6[%dma_wait3A_781, %dma_wait3A_790, %dma_wait3A_791] : memref<4x800x32xf32, #tpu.memory_space<vmem>> -> memref<1x800x32xf32, #tpu.memory_space<vmem>>
    %dma_wait3A_793 = tpu.memref_squeeze %dma_wait3A_792 : memref<1x800x32xf32, #tpu.memory_space<vmem>> -> memref<800x32xf32, #tpu.memory_space<vmem>>
    tpu.wait_dma2 semaphore(%arg15 : memref<!tpu.dma_semaphore, #tpu.memory_space<semaphore_mem>>) src(%dma_wait3A_793 : memref<800x32xf32, #tpu.memory_space<vmem>>) dst(%dma_wait3A_789 : memref<800x32xf32, #tpu.memory_space<hbm>>)
    %dma_wait3A_794 = arith.constant 0 : i32
    %dma_wait3A_795 = arith.constant 0 : i32
    %dma_wait3A_796 = tpu.memref_slice %arg5[%dma_wait3A_794, %dma_wait3A_795] : memref<4x800xi32, #tpu.memory_space<vmem>> -> memref<1x800xi32, #tpu.memory_space<vmem>>
    %dma_wait3A_797 = tpu.memref_squeeze %dma_wait3A_796 : memref<1x800xi32, #tpu.memory_space<vmem>> -> memref<800xi32, #tpu.memory_space<vmem>>
    %dma_wait3A_798 = tpu.memref_slice %arg3[%add3A_699] : memref<819200xi32, #tpu.memory_space<hbm>> -> memref<800xi32, #tpu.memory_space<hbm>>
    %dma_wait3A_799 = arith.constant 0 : i32
    %dma_wait3A_800 = tpu.memref_slice %arg5[%dma_wait3A_794, %dma_wait3A_799] : memref<4x800xi32, #tpu.memory_space<vmem>> -> memref<1x800xi32, #tpu.memory_space<vmem>>
    %dma_wait3A_801 = tpu.memref_squeeze %dma_wait3A_800 : memref<1x800xi32, #tpu.memory_space<vmem>> -> memref<800xi32, #tpu.memory_space<vmem>>
    %dma_wait3A_802 = tpu.memref_slice %arg3[%add3A_699] : memref<819200xi32, #tpu.memory_space<hbm>> -> memref<800xi32, #tpu.memory_space<hbm>>
    tpu.wait_dma2 semaphore(%arg7 : memref<!tpu.dma_semaphore, #tpu.memory_space<semaphore_mem>>) src(%dma_wait3A_802 : memref<800xi32, #tpu.memory_space<hbm>>) dst(%dma_wait3A_801 : memref<800xi32, #tpu.memory_space<vmem>>)
    %dma_start3A_803 = arith.constant 0 : i32
    %dma_start3A_804 = arith.constant 0 : i32
    %dma_start3A_805 = arith.constant 0 : i32
    %dma_start3A_806 = arith.constant 0 : i32
    %dma_start3A_807 = tpu.memref_slice %arg6[%dma_start3A_804, %dma_start3A_805, %dma_start3A_806] : memref<4x800x32xf32, #tpu.memory_space<vmem>> -> memref<1x800x32xf32, #tpu.memory_space<vmem>>
    %dma_start3A_808 = tpu.memref_squeeze %dma_start3A_807 : memref<1x800x32xf32, #tpu.memory_space<vmem>> -> memref<800x32xf32, #tpu.memory_space<vmem>>
    %dma_start3A_809 = arith.constant 0 : i32
    %dma_start3A_810 = tpu.memref_slice %arg5[%dma_start3A_803, %dma_start3A_809] : memref<4x800xi32, #tpu.memory_space<vmem>> -> memref<1x800xi32, #tpu.memory_space<vmem>>
    %dma_start3A_811 = tpu.memref_squeeze %dma_start3A_810 : memref<1x800xi32, #tpu.memory_space<vmem>> -> memref<800xi32, #tpu.memory_space<vmem>>
    %dma_start3A_812 = arith.constant 0 : i32
    %dma_start3A_813 = arith.constant 0 : i32
    %dma_start3A_814 = tpu.memref_slice %arg2[%dma_start3A_812, %dma_start3A_813] : memref<1000000x32xf32, #tpu.memory_space<hbm>> -> memref<1000000x32xf32, #tpu.memory_space<hbm>>
    tpu.enqueue_indirect_dma source(%dma_start3A_814 : memref<1000000x32xf32, #tpu.memory_space<hbm>>) target(%dma_start3A_808 : memref<800x32xf32, #tpu.memory_space<vmem>>) offsets(%dma_start3A_811 : memref<800xi32, #tpu.memory_space<vmem>>) semaphore(%arg11 : memref<!tpu.dma_semaphore, #tpu.memory_space<semaphore_mem>>)
    %dma_wait3A_815 = arith.constant 2 : i32
    %dma_wait3A_816 = arith.constant 2 : i32
    %dma_wait3A_817 = arith.constant 0 : i32
    %dma_wait3A_818 = arith.constant 0 : i32
    %dma_wait3A_819 = tpu.memref_slice %arg6[%dma_wait3A_816, %dma_wait3A_817, %dma_wait3A_818] : memref<4x800x32xf32, #tpu.memory_space<vmem>> -> memref<1x800x32xf32, #tpu.memory_space<vmem>>
    %dma_wait3A_820 = tpu.memref_squeeze %dma_wait3A_819 : memref<1x800x32xf32, #tpu.memory_space<vmem>> -> memref<800x32xf32, #tpu.memory_space<vmem>>
    %dma_wait3A_821 = arith.constant 0 : i32
    %dma_wait3A_822 = tpu.memref_slice %arg5[%dma_wait3A_815, %dma_wait3A_821] : memref<4x800xi32, #tpu.memory_space<vmem>> -> memref<1x800xi32, #tpu.memory_space<vmem>>
    %dma_wait3A_823 = tpu.memref_squeeze %dma_wait3A_822 : memref<1x800xi32, #tpu.memory_space<vmem>> -> memref<800xi32, #tpu.memory_space<vmem>>
    %dma_wait3A_824 = arith.constant 0 : i32
    %dma_wait3A_825 = arith.constant 0 : i32
    %dma_wait3A_826 = tpu.memref_slice %arg2[%dma_wait3A_824, %dma_wait3A_825] : memref<1000000x32xf32, #tpu.memory_space<hbm>> -> memref<1000000x32xf32, #tpu.memory_space<hbm>>
    tpu.wait_indirect_dma semaphore(%arg13 : memref<!tpu.dma_semaphore, #tpu.memory_space<semaphore_mem>>) src(%dma_wait3A_826 : memref<1000000x32xf32, #tpu.memory_space<hbm>>) dst(%dma_wait3A_820 : memref<800x32xf32, #tpu.memory_space<vmem>>)
    %add3A_827 = arith.constant 8000 : i32
    %add3A_828 = arith.addi %mul3A_2, %add3A_827 : i32
    %dma_start3A_829 = arith.constant 2 : i32
    %dma_start3A_830 = arith.constant 0 : i32
    %dma_start3A_831 = arith.constant 0 : i32
    %dma_start3A_832 = tpu.memref_slice %arg6[%dma_start3A_829, %dma_start3A_830, %dma_start3A_831] : memref<4x800x32xf32, #tpu.memory_space<vmem>> -> memref<1x800x32xf32, #tpu.memory_space<vmem>>
    %dma_start3A_833 = tpu.memref_squeeze %dma_start3A_832 : memref<1x800x32xf32, #tpu.memory_space<vmem>> -> memref<800x32xf32, #tpu.memory_space<vmem>>
    %dma_start3A_834 = arith.constant 0 : i32
    %dma_start3A_835 = tpu.memref_slice %arg4[%add3A_828, %dma_start3A_834] : memref<819200x32xf32, #tpu.memory_space<hbm>> -> memref<800x32xf32, #tpu.memory_space<hbm>>
    %dma_start3A_836 = arith.constant 0 : i32
    %dma_start3A_837 = tpu.memref_slice %arg4[%add3A_828, %dma_start3A_836] : memref<819200x32xf32, #tpu.memory_space<hbm>> -> memref<800x32xf32, #tpu.memory_space<hbm>>
    %dma_start3A_838 = arith.constant 0 : i32
    %dma_start3A_839 = arith.constant 0 : i32
    %dma_start3A_840 = tpu.memref_slice %arg6[%dma_start3A_829, %dma_start3A_838, %dma_start3A_839] : memref<4x800x32xf32, #tpu.memory_space<vmem>> -> memref<1x800x32xf32, #tpu.memory_space<vmem>>
    %dma_start3A_841 = tpu.memref_squeeze %dma_start3A_840 : memref<1x800x32xf32, #tpu.memory_space<vmem>> -> memref<800x32xf32, #tpu.memory_space<vmem>>
    tpu.enqueue_dma source(%dma_start3A_841 : memref<800x32xf32, #tpu.memory_space<vmem>>) target(%dma_start3A_837 : memref<800x32xf32, #tpu.memory_space<hbm>>) target_semaphore(%arg17 : memref<!tpu.dma_semaphore, #tpu.memory_space<semaphore_mem>>)
    %add3A_842 = arith.constant 11200 : i32
    %add3A_843 = arith.addi %mul3A_2, %add3A_842 : i32
    %dma_start3A_844 = arith.constant 2 : i32
    %dma_start3A_845 = arith.constant 0 : i32
    %dma_start3A_846 = tpu.memref_slice %arg5[%dma_start3A_844, %dma_start3A_845] : memref<4x800xi32, #tpu.memory_space<vmem>> -> memref<1x800xi32, #tpu.memory_space<vmem>>
    %dma_start3A_847 = tpu.memref_squeeze %dma_start3A_846 : memref<1x800xi32, #tpu.memory_space<vmem>> -> memref<800xi32, #tpu.memory_space<vmem>>
    %dma_start3A_848 = tpu.memref_slice %arg3[%add3A_843] : memref<819200xi32, #tpu.memory_space<hbm>> -> memref<800xi32, #tpu.memory_space<hbm>>
    %dma_start3A_849 = arith.constant 0 : i32
    %dma_start3A_850 = tpu.memref_slice %arg5[%dma_start3A_844, %dma_start3A_849] : memref<4x800xi32, #tpu.memory_space<vmem>> -> memref<1x800xi32, #tpu.memory_space<vmem>>
    %dma_start3A_851 = tpu.memref_squeeze %dma_start3A_850 : memref<1x800xi32, #tpu.memory_space<vmem>> -> memref<800xi32, #tpu.memory_space<vmem>>
    %dma_start3A_852 = tpu.memref_slice %arg3[%add3A_843] : memref<819200xi32, #tpu.memory_space<hbm>> -> memref<800xi32, #tpu.memory_space<hbm>>
    tpu.enqueue_dma source(%dma_start3A_852 : memref<800xi32, #tpu.memory_space<hbm>>) target(%dma_start3A_851 : memref<800xi32, #tpu.memory_space<vmem>>) target_semaphore(%arg9 : memref<!tpu.dma_semaphore, #tpu.memory_space<semaphore_mem>>)
    %dma_wait3A_853 = arith.constant 1 : i32
    %dma_wait3A_854 = arith.constant 0 : i32
    %dma_wait3A_855 = arith.constant 0 : i32
    %dma_wait3A_856 = tpu.memref_slice %arg6[%dma_wait3A_853, %dma_wait3A_854, %dma_wait3A_855] : memref<4x800x32xf32, #tpu.memory_space<vmem>> -> memref<1x800x32xf32, #tpu.memory_space<vmem>>
    %dma_wait3A_857 = tpu.memref_squeeze %dma_wait3A_856 : memref<1x800x32xf32, #tpu.memory_space<vmem>> -> memref<800x32xf32, #tpu.memory_space<vmem>>
    %dma_wait3A_858 = arith.constant 0 : i32
    %dma_wait3A_859 = tpu.memref_slice %arg4[%add3A_756, %dma_wait3A_858] : memref<819200x32xf32, #tpu.memory_space<hbm>> -> memref<800x32xf32, #tpu.memory_space<hbm>>
    %dma_wait3A_860 = arith.constant 0 : i32
    %dma_wait3A_861 = tpu.memref_slice %arg4[%add3A_756, %dma_wait3A_860] : memref<819200x32xf32, #tpu.memory_space<hbm>> -> memref<800x32xf32, #tpu.memory_space<hbm>>
    %dma_wait3A_862 = arith.constant 0 : i32
    %dma_wait3A_863 = arith.constant 0 : i32
    %dma_wait3A_864 = tpu.memref_slice %arg6[%dma_wait3A_853, %dma_wait3A_862, %dma_wait3A_863] : memref<4x800x32xf32, #tpu.memory_space<vmem>> -> memref<1x800x32xf32, #tpu.memory_space<vmem>>
    %dma_wait3A_865 = tpu.memref_squeeze %dma_wait3A_864 : memref<1x800x32xf32, #tpu.memory_space<vmem>> -> memref<800x32xf32, #tpu.memory_space<vmem>>
    tpu.wait_dma2 semaphore(%arg16 : memref<!tpu.dma_semaphore, #tpu.memory_space<semaphore_mem>>) src(%dma_wait3A_865 : memref<800x32xf32, #tpu.memory_space<vmem>>) dst(%dma_wait3A_861 : memref<800x32xf32, #tpu.memory_space<hbm>>)
    %dma_wait3A_866 = arith.constant 1 : i32
    %dma_wait3A_867 = arith.constant 0 : i32
    %dma_wait3A_868 = tpu.memref_slice %arg5[%dma_wait3A_866, %dma_wait3A_867] : memref<4x800xi32, #tpu.memory_space<vmem>> -> memref<1x800xi32, #tpu.memory_space<vmem>>
    %dma_wait3A_869 = tpu.memref_squeeze %dma_wait3A_868 : memref<1x800xi32, #tpu.memory_space<vmem>> -> memref<800xi32, #tpu.memory_space<vmem>>
    %dma_wait3A_870 = tpu.memref_slice %arg3[%add3A_771] : memref<819200xi32, #tpu.memory_space<hbm>> -> memref<800xi32, #tpu.memory_space<hbm>>
    %dma_wait3A_871 = arith.constant 0 : i32
    %dma_wait3A_872 = tpu.memref_slice %arg5[%dma_wait3A_866, %dma_wait3A_871] : memref<4x800xi32, #tpu.memory_space<vmem>> -> memref<1x800xi32, #tpu.memory_space<vmem>>
    %dma_wait3A_873 = tpu.memref_squeeze %dma_wait3A_872 : memref<1x800xi32, #tpu.memory_space<vmem>> -> memref<800xi32, #tpu.memory_space<vmem>>
    %dma_wait3A_874 = tpu.memref_slice %arg3[%add3A_771] : memref<819200xi32, #tpu.memory_space<hbm>> -> memref<800xi32, #tpu.memory_space<hbm>>
    tpu.wait_dma2 semaphore(%arg8 : memref<!tpu.dma_semaphore, #tpu.memory_space<semaphore_mem>>) src(%dma_wait3A_874 : memref<800xi32, #tpu.memory_space<hbm>>) dst(%dma_wait3A_873 : memref<800xi32, #tpu.memory_space<vmem>>)
    %dma_start3A_875 = arith.constant 1 : i32
    %dma_start3A_876 = arith.constant 1 : i32
    %dma_start3A_877 = arith.constant 0 : i32
    %dma_start3A_878 = arith.constant 0 : i32
    %dma_start3A_879 = tpu.memref_slice %arg6[%dma_start3A_876, %dma_start3A_877, %dma_start3A_878] : memref<4x800x32xf32, #tpu.memory_space<vmem>> -> memref<1x800x32xf32, #tpu.memory_space<vmem>>
    %dma_start3A_880 = tpu.memref_squeeze %dma_start3A_879 : memref<1x800x32xf32, #tpu.memory_space<vmem>> -> memref<800x32xf32, #tpu.memory_space<vmem>>
    %dma_start3A_881 = arith.constant 0 : i32
    %dma_start3A_882 = tpu.memref_slice %arg5[%dma_start3A_875, %dma_start3A_881] : memref<4x800xi32, #tpu.memory_space<vmem>> -> memref<1x800xi32, #tpu.memory_space<vmem>>
    %dma_start3A_883 = tpu.memref_squeeze %dma_start3A_882 : memref<1x800xi32, #tpu.memory_space<vmem>> -> memref<800xi32, #tpu.memory_space<vmem>>
    %dma_start3A_884 = arith.constant 0 : i32
    %dma_start3A_885 = arith.constant 0 : i32
    %dma_start3A_886 = tpu.memref_slice %arg2[%dma_start3A_884, %dma_start3A_885] : memref<1000000x32xf32, #tpu.memory_space<hbm>> -> memref<1000000x32xf32, #tpu.memory_space<hbm>>
    tpu.enqueue_indirect_dma source(%dma_start3A_886 : memref<1000000x32xf32, #tpu.memory_space<hbm>>) target(%dma_start3A_880 : memref<800x32xf32, #tpu.memory_space<vmem>>) offsets(%dma_start3A_883 : memref<800xi32, #tpu.memory_space<vmem>>) semaphore(%arg12 : memref<!tpu.dma_semaphore, #tpu.memory_space<semaphore_mem>>)
    %dma_wait3A_887 = arith.constant 3 : i32
    %dma_wait3A_888 = arith.constant 3 : i32
    %dma_wait3A_889 = arith.constant 0 : i32
    %dma_wait3A_890 = arith.constant 0 : i32
    %dma_wait3A_891 = tpu.memref_slice %arg6[%dma_wait3A_888, %dma_wait3A_889, %dma_wait3A_890] : memref<4x800x32xf32, #tpu.memory_space<vmem>> -> memref<1x800x32xf32, #tpu.memory_space<vmem>>
    %dma_wait3A_892 = tpu.memref_squeeze %dma_wait3A_891 : memref<1x800x32xf32, #tpu.memory_space<vmem>> -> memref<800x32xf32, #tpu.memory_space<vmem>>
    %dma_wait3A_893 = arith.constant 0 : i32
    %dma_wait3A_894 = tpu.memref_slice %arg5[%dma_wait3A_887, %dma_wait3A_893] : memref<4x800xi32, #tpu.memory_space<vmem>> -> memref<1x800xi32, #tpu.memory_space<vmem>>
    %dma_wait3A_895 = tpu.memref_squeeze %dma_wait3A_894 : memref<1x800xi32, #tpu.memory_space<vmem>> -> memref<800xi32, #tpu.memory_space<vmem>>
    %dma_wait3A_896 = arith.constant 0 : i32
    %dma_wait3A_897 = arith.constant 0 : i32
    %dma_wait3A_898 = tpu.memref_slice %arg2[%dma_wait3A_896, %dma_wait3A_897] : memref<1000000x32xf32, #tpu.memory_space<hbm>> -> memref<1000000x32xf32, #tpu.memory_space<hbm>>
    tpu.wait_indirect_dma semaphore(%arg14 : memref<!tpu.dma_semaphore, #tpu.memory_space<semaphore_mem>>) src(%dma_wait3A_898 : memref<1000000x32xf32, #tpu.memory_space<hbm>>) dst(%dma_wait3A_892 : memref<800x32xf32, #tpu.memory_space<vmem>>)
    %add3A_899 = arith.constant 8800 : i32
    %add3A_900 = arith.addi %mul3A_2, %add3A_899 : i32
    %dma_start3A_901 = arith.constant 3 : i32
    %dma_start3A_902 = arith.constant 0 : i32
    %dma_start3A_903 = arith.constant 0 : i32
    %dma_start3A_904 = tpu.memref_slice %arg6[%dma_start3A_901, %dma_start3A_902, %dma_start3A_903] : memref<4x800x32xf32, #tpu.memory_space<vmem>> -> memref<1x800x32xf32, #tpu.memory_space<vmem>>
    %dma_start3A_905 = tpu.memref_squeeze %dma_start3A_904 : memref<1x800x32xf32, #tpu.memory_space<vmem>> -> memref<800x32xf32, #tpu.memory_space<vmem>>
    %dma_start3A_906 = arith.constant 0 : i32
    %dma_start3A_907 = tpu.memref_slice %arg4[%add3A_900, %dma_start3A_906] : memref<819200x32xf32, #tpu.memory_space<hbm>> -> memref<800x32xf32, #tpu.memory_space<hbm>>
    %dma_start3A_908 = arith.constant 0 : i32
    %dma_start3A_909 = tpu.memref_slice %arg4[%add3A_900, %dma_start3A_908] : memref<819200x32xf32, #tpu.memory_space<hbm>> -> memref<800x32xf32, #tpu.memory_space<hbm>>
    %dma_start3A_910 = arith.constant 0 : i32
    %dma_start3A_911 = arith.constant 0 : i32
    %dma_start3A_912 = tpu.memref_slice %arg6[%dma_start3A_901, %dma_start3A_910, %dma_start3A_911] : memref<4x800x32xf32, #tpu.memory_space<vmem>> -> memref<1x800x32xf32, #tpu.memory_space<vmem>>
    %dma_start3A_913 = tpu.memref_squeeze %dma_start3A_912 : memref<1x800x32xf32, #tpu.memory_space<vmem>> -> memref<800x32xf32, #tpu.memory_space<vmem>>
    tpu.enqueue_dma source(%dma_start3A_913 : memref<800x32xf32, #tpu.memory_space<vmem>>) target(%dma_start3A_909 : memref<800x32xf32, #tpu.memory_space<hbm>>) target_semaphore(%arg18 : memref<!tpu.dma_semaphore, #tpu.memory_space<semaphore_mem>>)
    %add3A_914 = arith.constant 12000 : i32
    %add3A_915 = arith.addi %mul3A_2, %add3A_914 : i32
    %dma_start3A_916 = arith.constant 3 : i32
    %dma_start3A_917 = arith.constant 0 : i32
    %dma_start3A_918 = tpu.memref_slice %arg5[%dma_start3A_916, %dma_start3A_917] : memref<4x800xi32, #tpu.memory_space<vmem>> -> memref<1x800xi32, #tpu.memory_space<vmem>>
    %dma_start3A_919 = tpu.memref_squeeze %dma_start3A_918 : memref<1x800xi32, #tpu.memory_space<vmem>> -> memref<800xi32, #tpu.memory_space<vmem>>
    %dma_start3A_920 = tpu.memref_slice %arg3[%add3A_915] : memref<819200xi32, #tpu.memory_space<hbm>> -> memref<800xi32, #tpu.memory_space<hbm>>
    %dma_start3A_921 = arith.constant 0 : i32
    %dma_start3A_922 = tpu.memref_slice %arg5[%dma_start3A_916, %dma_start3A_921] : memref<4x800xi32, #tpu.memory_space<vmem>> -> memref<1x800xi32, #tpu.memory_space<vmem>>
    %dma_start3A_923 = tpu.memref_squeeze %dma_start3A_922 : memref<1x800xi32, #tpu.memory_space<vmem>> -> memref<800xi32, #tpu.memory_space<vmem>>
    %dma_start3A_924 = tpu.memref_slice %arg3[%add3A_915] : memref<819200xi32, #tpu.memory_space<hbm>> -> memref<800xi32, #tpu.memory_space<hbm>>
    tpu.enqueue_dma source(%dma_start3A_924 : memref<800xi32, #tpu.memory_space<hbm>>) target(%dma_start3A_923 : memref<800xi32, #tpu.memory_space<vmem>>) target_semaphore(%arg10 : memref<!tpu.dma_semaphore, #tpu.memory_space<semaphore_mem>>)
    %dma_wait3A_925 = arith.constant 2 : i32
    %dma_wait3A_926 = arith.constant 0 : i32
    %dma_wait3A_927 = arith.constant 0 : i32
    %dma_wait3A_928 = tpu.memref_slice %arg6[%dma_wait3A_925, %dma_wait3A_926, %dma_wait3A_927] : memref<4x800x32xf32, #tpu.memory_space<vmem>> -> memref<1x800x32xf32, #tpu.memory_space<vmem>>
    %dma_wait3A_929 = tpu.memref_squeeze %dma_wait3A_928 : memref<1x800x32xf32, #tpu.memory_space<vmem>> -> memref<800x32xf32, #tpu.memory_space<vmem>>
    %dma_wait3A_930 = arith.constant 0 : i32
    %dma_wait3A_931 = tpu.memref_slice %arg4[%add3A_828, %dma_wait3A_930] : memref<819200x32xf32, #tpu.memory_space<hbm>> -> memref<800x32xf32, #tpu.memory_space<hbm>>
    %dma_wait3A_932 = arith.constant 0 : i32
    %dma_wait3A_933 = tpu.memref_slice %arg4[%add3A_828, %dma_wait3A_932] : memref<819200x32xf32, #tpu.memory_space<hbm>> -> memref<800x32xf32, #tpu.memory_space<hbm>>
    %dma_wait3A_934 = arith.constant 0 : i32
    %dma_wait3A_935 = arith.constant 0 : i32
    %dma_wait3A_936 = tpu.memref_slice %arg6[%dma_wait3A_925, %dma_wait3A_934, %dma_wait3A_935] : memref<4x800x32xf32, #tpu.memory_space<vmem>> -> memref<1x800x32xf32, #tpu.memory_space<vmem>>
    %dma_wait3A_937 = tpu.memref_squeeze %dma_wait3A_936 : memref<1x800x32xf32, #tpu.memory_space<vmem>> -> memref<800x32xf32, #tpu.memory_space<vmem>>
    tpu.wait_dma2 semaphore(%arg17 : memref<!tpu.dma_semaphore, #tpu.memory_space<semaphore_mem>>) src(%dma_wait3A_937 : memref<800x32xf32, #tpu.memory_space<vmem>>) dst(%dma_wait3A_933 : memref<800x32xf32, #tpu.memory_space<hbm>>)
    %dma_wait3A_938 = arith.constant 2 : i32
    %dma_wait3A_939 = arith.constant 0 : i32
    %dma_wait3A_940 = tpu.memref_slice %arg5[%dma_wait3A_938, %dma_wait3A_939] : memref<4x800xi32, #tpu.memory_space<vmem>> -> memref<1x800xi32, #tpu.memory_space<vmem>>
    %dma_wait3A_941 = tpu.memref_squeeze %dma_wait3A_940 : memref<1x800xi32, #tpu.memory_space<vmem>> -> memref<800xi32, #tpu.memory_space<vmem>>
    %dma_wait3A_942 = tpu.memref_slice %arg3[%add3A_843] : memref<819200xi32, #tpu.memory_space<hbm>> -> memref<800xi32, #tpu.memory_space<hbm>>
    %dma_wait3A_943 = arith.constant 0 : i32
    %dma_wait3A_944 = tpu.memref_slice %arg5[%dma_wait3A_938, %dma_wait3A_943] : memref<4x800xi32, #tpu.memory_space<vmem>> -> memref<1x800xi32, #tpu.memory_space<vmem>>
    %dma_wait3A_945 = tpu.memref_squeeze %dma_wait3A_944 : memref<1x800xi32, #tpu.memory_space<vmem>> -> memref<800xi32, #tpu.memory_space<vmem>>
    %dma_wait3A_946 = tpu.memref_slice %arg3[%add3A_843] : memref<819200xi32, #tpu.memory_space<hbm>> -> memref<800xi32, #tpu.memory_space<hbm>>
    tpu.wait_dma2 semaphore(%arg9 : memref<!tpu.dma_semaphore, #tpu.memory_space<semaphore_mem>>) src(%dma_wait3A_946 : memref<800xi32, #tpu.memory_space<hbm>>) dst(%dma_wait3A_945 : memref<800xi32, #tpu.memory_space<vmem>>)
    %dma_start3A_947 = arith.constant 2 : i32
    %dma_start3A_948 = arith.constant 2 : i32
    %dma_start3A_949 = arith.constant 0 : i32
    %dma_start3A_950 = arith.constant 0 : i32
    %dma_start3A_951 = tpu.memref_slice %arg6[%dma_start3A_948, %dma_start3A_949, %dma_start3A_950] : memref<4x800x32xf32, #tpu.memory_space<vmem>> -> memref<1x800x32xf32, #tpu.memory_space<vmem>>
    %dma_start3A_952 = tpu.memref_squeeze %dma_start3A_951 : memref<1x800x32xf32, #tpu.memory_space<vmem>> -> memref<800x32xf32, #tpu.memory_space<vmem>>
    %dma_start3A_953 = arith.constant 0 : i32
    %dma_start3A_954 = tpu.memref_slice %arg5[%dma_start3A_947, %dma_start3A_953] : memref<4x800xi32, #tpu.memory_space<vmem>> -> memref<1x800xi32, #tpu.memory_space<vmem>>
    %dma_start3A_955 = tpu.memref_squeeze %dma_start3A_954 : memref<1x800xi32, #tpu.memory_space<vmem>> -> memref<800xi32, #tpu.memory_space<vmem>>
    %dma_start3A_956 = arith.constant 0 : i32
    %dma_start3A_957 = arith.constant 0 : i32
    %dma_start3A_958 = tpu.memref_slice %arg2[%dma_start3A_956, %dma_start3A_957] : memref<1000000x32xf32, #tpu.memory_space<hbm>> -> memref<1000000x32xf32, #tpu.memory_space<hbm>>
    tpu.enqueue_indirect_dma source(%dma_start3A_958 : memref<1000000x32xf32, #tpu.memory_space<hbm>>) target(%dma_start3A_952 : memref<800x32xf32, #tpu.memory_space<vmem>>) offsets(%dma_start3A_955 : memref<800xi32, #tpu.memory_space<vmem>>) semaphore(%arg13 : memref<!tpu.dma_semaphore, #tpu.memory_space<semaphore_mem>>)
    %dma_wait3A_959 = arith.constant 0 : i32
    %dma_wait3A_960 = arith.constant 0 : i32
    %dma_wait3A_961 = arith.constant 0 : i32
    %dma_wait3A_962 = arith.constant 0 : i32
    %dma_wait3A_963 = tpu.memref_slice %arg6[%dma_wait3A_960, %dma_wait3A_961, %dma_wait3A_962] : memref<4x800x32xf32, #tpu.memory_space<vmem>> -> memref<1x800x32xf32, #tpu.memory_space<vmem>>
    %dma_wait3A_964 = tpu.memref_squeeze %dma_wait3A_963 : memref<1x800x32xf32, #tpu.memory_space<vmem>> -> memref<800x32xf32, #tpu.memory_space<vmem>>
    %dma_wait3A_965 = arith.constant 0 : i32
    %dma_wait3A_966 = tpu.memref_slice %arg5[%dma_wait3A_959, %dma_wait3A_965] : memref<4x800xi32, #tpu.memory_space<vmem>> -> memref<1x800xi32, #tpu.memory_space<vmem>>
    %dma_wait3A_967 = tpu.memref_squeeze %dma_wait3A_966 : memref<1x800xi32, #tpu.memory_space<vmem>> -> memref<800xi32, #tpu.memory_space<vmem>>
    %dma_wait3A_968 = arith.constant 0 : i32
    %dma_wait3A_969 = arith.constant 0 : i32
    %dma_wait3A_970 = tpu.memref_slice %arg2[%dma_wait3A_968, %dma_wait3A_969] : memref<1000000x32xf32, #tpu.memory_space<hbm>> -> memref<1000000x32xf32, #tpu.memory_space<hbm>>
    tpu.wait_indirect_dma semaphore(%arg11 : memref<!tpu.dma_semaphore, #tpu.memory_space<semaphore_mem>>) src(%dma_wait3A_970 : memref<1000000x32xf32, #tpu.memory_space<hbm>>) dst(%dma_wait3A_964 : memref<800x32xf32, #tpu.memory_space<vmem>>)
    %add3A_971 = arith.constant 9600 : i32
    %add3A_972 = arith.addi %mul3A_2, %add3A_971 : i32
    %dma_start3A_973 = arith.constant 0 : i32
    %dma_start3A_974 = arith.constant 0 : i32
    %dma_start3A_975 = arith.constant 0 : i32
    %dma_start3A_976 = tpu.memref_slice %arg6[%dma_start3A_973, %dma_start3A_974, %dma_start3A_975] : memref<4x800x32xf32, #tpu.memory_space<vmem>> -> memref<1x800x32xf32, #tpu.memory_space<vmem>>
    %dma_start3A_977 = tpu.memref_squeeze %dma_start3A_976 : memref<1x800x32xf32, #tpu.memory_space<vmem>> -> memref<800x32xf32, #tpu.memory_space<vmem>>
    %dma_start3A_978 = arith.constant 0 : i32
    %dma_start3A_979 = tpu.memref_slice %arg4[%add3A_972, %dma_start3A_978] : memref<819200x32xf32, #tpu.memory_space<hbm>> -> memref<800x32xf32, #tpu.memory_space<hbm>>
    %dma_start3A_980 = arith.constant 0 : i32
    %dma_start3A_981 = tpu.memref_slice %arg4[%add3A_972, %dma_start3A_980] : memref<819200x32xf32, #tpu.memory_space<hbm>> -> memref<800x32xf32, #tpu.memory_space<hbm>>
    %dma_start3A_982 = arith.constant 0 : i32
    %dma_start3A_983 = arith.constant 0 : i32
    %dma_start3A_984 = tpu.memref_slice %arg6[%dma_start3A_973, %dma_start3A_982, %dma_start3A_983] : memref<4x800x32xf32, #tpu.memory_space<vmem>> -> memref<1x800x32xf32, #tpu.memory_space<vmem>>
    %dma_start3A_985 = tpu.memref_squeeze %dma_start3A_984 : memref<1x800x32xf32, #tpu.memory_space<vmem>> -> memref<800x32xf32, #tpu.memory_space<vmem>>
    tpu.enqueue_dma source(%dma_start3A_985 : memref<800x32xf32, #tpu.memory_space<vmem>>) target(%dma_start3A_981 : memref<800x32xf32, #tpu.memory_space<hbm>>) target_semaphore(%arg15 : memref<!tpu.dma_semaphore, #tpu.memory_space<semaphore_mem>>)
    %add3A_986 = arith.constant 12800 : i32
    %add3A_987 = arith.addi %mul3A_2, %add3A_986 : i32
    %dma_start3A_988 = arith.constant 0 : i32
    %dma_start3A_989 = arith.constant 0 : i32
    %dma_start3A_990 = tpu.memref_slice %arg5[%dma_start3A_988, %dma_start3A_989] : memref<4x800xi32, #tpu.memory_space<vmem>> -> memref<1x800xi32, #tpu.memory_space<vmem>>
    %dma_start3A_991 = tpu.memref_squeeze %dma_start3A_990 : memref<1x800xi32, #tpu.memory_space<vmem>> -> memref<800xi32, #tpu.memory_space<vmem>>
    %dma_start3A_992 = tpu.memref_slice %arg3[%add3A_987] : memref<819200xi32, #tpu.memory_space<hbm>> -> memref<800xi32, #tpu.memory_space<hbm>>
    %dma_start3A_993 = arith.constant 0 : i32
    %dma_start3A_994 = tpu.memref_slice %arg5[%dma_start3A_988, %dma_start3A_993] : memref<4x800xi32, #tpu.memory_space<vmem>> -> memref<1x800xi32, #tpu.memory_space<vmem>>
    %dma_start3A_995 = tpu.memref_squeeze %dma_start3A_994 : memref<1x800xi32, #tpu.memory_space<vmem>> -> memref<800xi32, #tpu.memory_space<vmem>>
    %dma_start3A_996 = tpu.memref_slice %arg3[%add3A_987] : memref<819200xi32, #tpu.memory_space<hbm>> -> memref<800xi32, #tpu.memory_space<hbm>>
    tpu.enqueue_dma source(%dma_start3A_996 : memref<800xi32, #tpu.memory_space<hbm>>) target(%dma_start3A_995 : memref<800xi32, #tpu.memory_space<vmem>>) target_semaphore(%arg7 : memref<!tpu.dma_semaphore, #tpu.memory_space<semaphore_mem>>)
    %dma_wait3A_997 = arith.constant 3 : i32
    %dma_wait3A_998 = arith.constant 0 : i32
    %dma_wait3A_999 = arith.constant 0 : i32
    %dma_wait3A_1000 = tpu.memref_slice %arg6[%dma_wait3A_997, %dma_wait3A_998, %dma_wait3A_999] : memref<4x800x32xf32, #tpu.memory_space<vmem>> -> memref<1x800x32xf32, #tpu.memory_space<vmem>>
    %dma_wait3A_1001 = tpu.memref_squeeze %dma_wait3A_1000 : memref<1x800x32xf32, #tpu.memory_space<vmem>> -> memref<800x32xf32, #tpu.memory_space<vmem>>
    %dma_wait3A_1002 = arith.constant 0 : i32
    %dma_wait3A_1003 = tpu.memref_slice %arg4[%add3A_900, %dma_wait3A_1002] : memref<819200x32xf32, #tpu.memory_space<hbm>> -> memref<800x32xf32, #tpu.memory_space<hbm>>
    %dma_wait3A_1004 = arith.constant 0 : i32
    %dma_wait3A_1005 = tpu.memref_slice %arg4[%add3A_900, %dma_wait3A_1004] : memref<819200x32xf32, #tpu.memory_space<hbm>> -> memref<800x32xf32, #tpu.memory_space<hbm>>
    %dma_wait3A_1006 = arith.constant 0 : i32
    %dma_wait3A_1007 = arith.constant 0 : i32
    %dma_wait3A_1008 = tpu.memref_slice %arg6[%dma_wait3A_997, %dma_wait3A_1006, %dma_wait3A_1007] : memref<4x800x32xf32, #tpu.memory_space<vmem>> -> memref<1x800x32xf32, #tpu.memory_space<vmem>>
    %dma_wait3A_1009 = tpu.memref_squeeze %dma_wait3A_1008 : memref<1x800x32xf32, #tpu.memory_space<vmem>> -> memref<800x32xf32, #tpu.memory_space<vmem>>
    tpu.wait_dma2 semaphore(%arg18 : memref<!tpu.dma_semaphore, #tpu.memory_space<semaphore_mem>>) src(%dma_wait3A_1009 : memref<800x32xf32, #tpu.memory_space<vmem>>) dst(%dma_wait3A_1005 : memref<800x32xf32, #tpu.memory_space<hbm>>)
    %dma_wait3A_1010 = arith.constant 3 : i32
    %dma_wait3A_1011 = arith.constant 0 : i32
    %dma_wait3A_1012 = tpu.memref_slice %arg5[%dma_wait3A_1010, %dma_wait3A_1011] : memref<4x800xi32, #tpu.memory_space<vmem>> -> memref<1x800xi32, #tpu.memory_space<vmem>>
    %dma_wait3A_1013 = tpu.memref_squeeze %dma_wait3A_1012 : memref<1x800xi32, #tpu.memory_space<vmem>> -> memref<800xi32, #tpu.memory_space<vmem>>
    %dma_wait3A_1014 = tpu.memref_slice %arg3[%add3A_915] : memref<819200xi32, #tpu.memory_space<hbm>> -> memref<800xi32, #tpu.memory_space<hbm>>
    %dma_wait3A_1015 = arith.constant 0 : i32
    %dma_wait3A_1016 = tpu.memref_slice %arg5[%dma_wait3A_1010, %dma_wait3A_1015] : memref<4x800xi32, #tpu.memory_space<vmem>> -> memref<1x800xi32, #tpu.memory_space<vmem>>
    %dma_wait3A_1017 = tpu.memref_squeeze %dma_wait3A_1016 : memref<1x800xi32, #tpu.memory_space<vmem>> -> memref<800xi32, #tpu.memory_space<vmem>>
    %dma_wait3A_1018 = tpu.memref_slice %arg3[%add3A_915] : memref<819200xi32, #tpu.memory_space<hbm>> -> memref<800xi32, #tpu.memory_space<hbm>>
    tpu.wait_dma2 semaphore(%arg10 : memref<!tpu.dma_semaphore, #tpu.memory_space<semaphore_mem>>) src(%dma_wait3A_1018 : memref<800xi32, #tpu.memory_space<hbm>>) dst(%dma_wait3A_1017 : memref<800xi32, #tpu.memory_space<vmem>>)
    %dma_start3A_1019 = arith.constant 3 : i32
    %dma_start3A_1020 = arith.constant 3 : i32
    %dma_start3A_1021 = arith.constant 0 : i32
    %dma_start3A_1022 = arith.constant 0 : i32
    %dma_start3A_1023 = tpu.memref_slice %arg6[%dma_start3A_1020, %dma_start3A_1021, %dma_start3A_1022] : memref<4x800x32xf32, #tpu.memory_space<vmem>> -> memref<1x800x32xf32, #tpu.memory_space<vmem>>
    %dma_start3A_1024 = tpu.memref_squeeze %dma_start3A_1023 : memref<1x800x32xf32, #tpu.memory_space<vmem>> -> memref<800x32xf32, #tpu.memory_space<vmem>>
    %dma_start3A_1025 = arith.constant 0 : i32
    %dma_start3A_1026 = tpu.memref_slice %arg5[%dma_start3A_1019, %dma_start3A_1025] : memref<4x800xi32, #tpu.memory_space<vmem>> -> memref<1x800xi32, #tpu.memory_space<vmem>>
    %dma_start3A_1027 = tpu.memref_squeeze %dma_start3A_1026 : memref<1x800xi32, #tpu.memory_space<vmem>> -> memref<800xi32, #tpu.memory_space<vmem>>
    %dma_start3A_1028 = arith.constant 0 : i32
    %dma_start3A_1029 = arith.constant 0 : i32
    %dma_start3A_1030 = tpu.memref_slice %arg2[%dma_start3A_1028, %dma_start3A_1029] : memref<1000000x32xf32, #tpu.memory_space<hbm>> -> memref<1000000x32xf32, #tpu.memory_space<hbm>>
    tpu.enqueue_indirect_dma source(%dma_start3A_1030 : memref<1000000x32xf32, #tpu.memory_space<hbm>>) target(%dma_start3A_1024 : memref<800x32xf32, #tpu.memory_space<vmem>>) offsets(%dma_start3A_1027 : memref<800xi32, #tpu.memory_space<vmem>>) semaphore(%arg14 : memref<!tpu.dma_semaphore, #tpu.memory_space<semaphore_mem>>)
    %dma_wait3A_1031 = arith.constant 1 : i32
    %dma_wait3A_1032 = arith.constant 1 : i32
    %dma_wait3A_1033 = arith.constant 0 : i32
    %dma_wait3A_1034 = arith.constant 0 : i32
    %dma_wait3A_1035 = tpu.memref_slice %arg6[%dma_wait3A_1032, %dma_wait3A_1033, %dma_wait3A_1034] : memref<4x800x32xf32, #tpu.memory_space<vmem>> -> memref<1x800x32xf32, #tpu.memory_space<vmem>>
    %dma_wait3A_1036 = tpu.memref_squeeze %dma_wait3A_1035 : memref<1x800x32xf32, #tpu.memory_space<vmem>> -> memref<800x32xf32, #tpu.memory_space<vmem>>
    %dma_wait3A_1037 = arith.constant 0 : i32
    %dma_wait3A_1038 = tpu.memref_slice %arg5[%dma_wait3A_1031, %dma_wait3A_1037] : memref<4x800xi32, #tpu.memory_space<vmem>> -> memref<1x800xi32, #tpu.memory_space<vmem>>
    %dma_wait3A_1039 = tpu.memref_squeeze %dma_wait3A_1038 : memref<1x800xi32, #tpu.memory_space<vmem>> -> memref<800xi32, #tpu.memory_space<vmem>>
    %dma_wait3A_1040 = arith.constant 0 : i32
    %dma_wait3A_1041 = arith.constant 0 : i32
    %dma_wait3A_1042 = tpu.memref_slice %arg2[%dma_wait3A_1040, %dma_wait3A_1041] : memref<1000000x32xf32, #tpu.memory_space<hbm>> -> memref<1000000x32xf32, #tpu.memory_space<hbm>>
    tpu.wait_indirect_dma semaphore(%arg12 : memref<!tpu.dma_semaphore, #tpu.memory_space<semaphore_mem>>) src(%dma_wait3A_1042 : memref<1000000x32xf32, #tpu.memory_space<hbm>>) dst(%dma_wait3A_1036 : memref<800x32xf32, #tpu.memory_space<vmem>>)
    %add3A_1043 = arith.constant 10400 : i32
    %add3A_1044 = arith.addi %mul3A_2, %add3A_1043 : i32
    %dma_start3A_1045 = arith.constant 1 : i32
    %dma_start3A_1046 = arith.constant 0 : i32
    %dma_start3A_1047 = arith.constant 0 : i32
    %dma_start3A_1048 = tpu.memref_slice %arg6[%dma_start3A_1045, %dma_start3A_1046, %dma_start3A_1047] : memref<4x800x32xf32, #tpu.memory_space<vmem>> -> memref<1x800x32xf32, #tpu.memory_space<vmem>>
    %dma_start3A_1049 = tpu.memref_squeeze %dma_start3A_1048 : memref<1x800x32xf32, #tpu.memory_space<vmem>> -> memref<800x32xf32, #tpu.memory_space<vmem>>
    %dma_start3A_1050 = arith.constant 0 : i32
    %dma_start3A_1051 = tpu.memref_slice %arg4[%add3A_1044, %dma_start3A_1050] : memref<819200x32xf32, #tpu.memory_space<hbm>> -> memref<800x32xf32, #tpu.memory_space<hbm>>
    %dma_start3A_1052 = arith.constant 0 : i32
    %dma_start3A_1053 = tpu.memref_slice %arg4[%add3A_1044, %dma_start3A_1052] : memref<819200x32xf32, #tpu.memory_space<hbm>> -> memref<800x32xf32, #tpu.memory_space<hbm>>
    %dma_start3A_1054 = arith.constant 0 : i32
    %dma_start3A_1055 = arith.constant 0 : i32
    %dma_start3A_1056 = tpu.memref_slice %arg6[%dma_start3A_1045, %dma_start3A_1054, %dma_start3A_1055] : memref<4x800x32xf32, #tpu.memory_space<vmem>> -> memref<1x800x32xf32, #tpu.memory_space<vmem>>
    %dma_start3A_1057 = tpu.memref_squeeze %dma_start3A_1056 : memref<1x800x32xf32, #tpu.memory_space<vmem>> -> memref<800x32xf32, #tpu.memory_space<vmem>>
    tpu.enqueue_dma source(%dma_start3A_1057 : memref<800x32xf32, #tpu.memory_space<vmem>>) target(%dma_start3A_1053 : memref<800x32xf32, #tpu.memory_space<hbm>>) target_semaphore(%arg16 : memref<!tpu.dma_semaphore, #tpu.memory_space<semaphore_mem>>)
    %add3A_1058 = arith.constant 13600 : i32
    %add3A_1059 = arith.addi %mul3A_2, %add3A_1058 : i32
    %dma_start3A_1060 = arith.constant 1 : i32
    %dma_start3A_1061 = arith.constant 0 : i32
    %dma_start3A_1062 = tpu.memref_slice %arg5[%dma_start3A_1060, %dma_start3A_1061] : memref<4x800xi32, #tpu.memory_space<vmem>> -> memref<1x800xi32, #tpu.memory_space<vmem>>
    %dma_start3A_1063 = tpu.memref_squeeze %dma_start3A_1062 : memref<1x800xi32, #tpu.memory_space<vmem>> -> memref<800xi32, #tpu.memory_space<vmem>>
    %dma_start3A_1064 = tpu.memref_slice %arg3[%add3A_1059] : memref<819200xi32, #tpu.memory_space<hbm>> -> memref<800xi32, #tpu.memory_space<hbm>>
    %dma_start3A_1065 = arith.constant 0 : i32
    %dma_start3A_1066 = tpu.memref_slice %arg5[%dma_start3A_1060, %dma_start3A_1065] : memref<4x800xi32, #tpu.memory_space<vmem>> -> memref<1x800xi32, #tpu.memory_space<vmem>>
    %dma_start3A_1067 = tpu.memref_squeeze %dma_start3A_1066 : memref<1x800xi32, #tpu.memory_space<vmem>> -> memref<800xi32, #tpu.memory_space<vmem>>
    %dma_start3A_1068 = tpu.memref_slice %arg3[%add3A_1059] : memref<819200xi32, #tpu.memory_space<hbm>> -> memref<800xi32, #tpu.memory_space<hbm>>
    tpu.enqueue_dma source(%dma_start3A_1068 : memref<800xi32, #tpu.memory_space<hbm>>) target(%dma_start3A_1067 : memref<800xi32, #tpu.memory_space<vmem>>) target_semaphore(%arg8 : memref<!tpu.dma_semaphore, #tpu.memory_space<semaphore_mem>>)
    %dma_wait3A_1069 = arith.constant 0 : i32
    %dma_wait3A_1070 = arith.constant 0 : i32
    %dma_wait3A_1071 = arith.constant 0 : i32
    %dma_wait3A_1072 = tpu.memref_slice %arg6[%dma_wait3A_1069, %dma_wait3A_1070, %dma_wait3A_1071] : memref<4x800x32xf32, #tpu.memory_space<vmem>> -> memref<1x800x32xf32, #tpu.memory_space<vmem>>
    %dma_wait3A_1073 = tpu.memref_squeeze %dma_wait3A_1072 : memref<1x800x32xf32, #tpu.memory_space<vmem>> -> memref<800x32xf32, #tpu.memory_space<vmem>>
    %dma_wait3A_1074 = arith.constant 0 : i32
    %dma_wait3A_1075 = tpu.memref_slice %arg4[%add3A_972, %dma_wait3A_1074] : memref<819200x32xf32, #tpu.memory_space<hbm>> -> memref<800x32xf32, #tpu.memory_space<hbm>>
    %dma_wait3A_1076 = arith.constant 0 : i32
    %dma_wait3A_1077 = tpu.memref_slice %arg4[%add3A_972, %dma_wait3A_1076] : memref<819200x32xf32, #tpu.memory_space<hbm>> -> memref<800x32xf32, #tpu.memory_space<hbm>>
    %dma_wait3A_1078 = arith.constant 0 : i32
    %dma_wait3A_1079 = arith.constant 0 : i32
    %dma_wait3A_1080 = tpu.memref_slice %arg6[%dma_wait3A_1069, %dma_wait3A_1078, %dma_wait3A_1079] : memref<4x800x32xf32, #tpu.memory_space<vmem>> -> memref<1x800x32xf32, #tpu.memory_space<vmem>>
    %dma_wait3A_1081 = tpu.memref_squeeze %dma_wait3A_1080 : memref<1x800x32xf32, #tpu.memory_space<vmem>> -> memref<800x32xf32, #tpu.memory_space<vmem>>
    tpu.wait_dma2 semaphore(%arg15 : memref<!tpu.dma_semaphore, #tpu.memory_space<semaphore_mem>>) src(%dma_wait3A_1081 : memref<800x32xf32, #tpu.memory_space<vmem>>) dst(%dma_wait3A_1077 : memref<800x32xf32, #tpu.memory_space<hbm>>)
    %dma_wait3A_1082 = arith.constant 0 : i32
    %dma_wait3A_1083 = arith.constant 0 : i32
    %dma_wait3A_1084 = tpu.memref_slice %arg5[%dma_wait3A_1082, %dma_wait3A_1083] : memref<4x800xi32, #tpu.memory_space<vmem>> -> memref<1x800xi32, #tpu.memory_space<vmem>>
    %dma_wait3A_1085 = tpu.memref_squeeze %dma_wait3A_1084 : memref<1x800xi32, #tpu.memory_space<vmem>> -> memref<800xi32, #tpu.memory_space<vmem>>
    %dma_wait3A_1086 = tpu.memref_slice %arg3[%add3A_987] : memref<819200xi32, #tpu.memory_space<hbm>> -> memref<800xi32, #tpu.memory_space<hbm>>
    %dma_wait3A_1087 = arith.constant 0 : i32
    %dma_wait3A_1088 = tpu.memref_slice %arg5[%dma_wait3A_1082, %dma_wait3A_1087] : memref<4x800xi32, #tpu.memory_space<vmem>> -> memref<1x800xi32, #tpu.memory_space<vmem>>
    %dma_wait3A_1089 = tpu.memref_squeeze %dma_wait3A_1088 : memref<1x800xi32, #tpu.memory_space<vmem>> -> memref<800xi32, #tpu.memory_space<vmem>>
    %dma_wait3A_1090 = tpu.memref_slice %arg3[%add3A_987] : memref<819200xi32, #tpu.memory_space<hbm>> -> memref<800xi32, #tpu.memory_space<hbm>>
    tpu.wait_dma2 semaphore(%arg7 : memref<!tpu.dma_semaphore, #tpu.memory_space<semaphore_mem>>) src(%dma_wait3A_1090 : memref<800xi32, #tpu.memory_space<hbm>>) dst(%dma_wait3A_1089 : memref<800xi32, #tpu.memory_space<vmem>>)
    %dma_start3A_1091 = arith.constant 0 : i32
    %dma_start3A_1092 = arith.constant 0 : i32
    %dma_start3A_1093 = arith.constant 0 : i32
    %dma_start3A_1094 = arith.constant 0 : i32
    %dma_start3A_1095 = tpu.memref_slice %arg6[%dma_start3A_1092, %dma_start3A_1093, %dma_start3A_1094] : memref<4x800x32xf32, #tpu.memory_space<vmem>> -> memref<1x800x32xf32, #tpu.memory_space<vmem>>
    %dma_start3A_1096 = tpu.memref_squeeze %dma_start3A_1095 : memref<1x800x32xf32, #tpu.memory_space<vmem>> -> memref<800x32xf32, #tpu.memory_space<vmem>>
    %dma_start3A_1097 = arith.constant 0 : i32
    %dma_start3A_1098 = tpu.memref_slice %arg5[%dma_start3A_1091, %dma_start3A_1097] : memref<4x800xi32, #tpu.memory_space<vmem>> -> memref<1x800xi32, #tpu.memory_space<vmem>>
    %dma_start3A_1099 = tpu.memref_squeeze %dma_start3A_1098 : memref<1x800xi32, #tpu.memory_space<vmem>> -> memref<800xi32, #tpu.memory_space<vmem>>
    %dma_start3A_1100 = arith.constant 0 : i32
    %dma_start3A_1101 = arith.constant 0 : i32
    %dma_start3A_1102 = tpu.memref_slice %arg2[%dma_start3A_1100, %dma_start3A_1101] : memref<1000000x32xf32, #tpu.memory_space<hbm>> -> memref<1000000x32xf32, #tpu.memory_space<hbm>>
    tpu.enqueue_indirect_dma source(%dma_start3A_1102 : memref<1000000x32xf32, #tpu.memory_space<hbm>>) target(%dma_start3A_1096 : memref<800x32xf32, #tpu.memory_space<vmem>>) offsets(%dma_start3A_1099 : memref<800xi32, #tpu.memory_space<vmem>>) semaphore(%arg11 : memref<!tpu.dma_semaphore, #tpu.memory_space<semaphore_mem>>)
    %dma_wait3A_1103 = arith.constant 2 : i32
    %dma_wait3A_1104 = arith.constant 2 : i32
    %dma_wait3A_1105 = arith.constant 0 : i32
    %dma_wait3A_1106 = arith.constant 0 : i32
    %dma_wait3A_1107 = tpu.memref_slice %arg6[%dma_wait3A_1104, %dma_wait3A_1105, %dma_wait3A_1106] : memref<4x800x32xf32, #tpu.memory_space<vmem>> -> memref<1x800x32xf32, #tpu.memory_space<vmem>>
    %dma_wait3A_1108 = tpu.memref_squeeze %dma_wait3A_1107 : memref<1x800x32xf32, #tpu.memory_space<vmem>> -> memref<800x32xf32, #tpu.memory_space<vmem>>
    %dma_wait3A_1109 = arith.constant 0 : i32
    %dma_wait3A_1110 = tpu.memref_slice %arg5[%dma_wait3A_1103, %dma_wait3A_1109] : memref<4x800xi32, #tpu.memory_space<vmem>> -> memref<1x800xi32, #tpu.memory_space<vmem>>
    %dma_wait3A_1111 = tpu.memref_squeeze %dma_wait3A_1110 : memref<1x800xi32, #tpu.memory_space<vmem>> -> memref<800xi32, #tpu.memory_space<vmem>>
    %dma_wait3A_1112 = arith.constant 0 : i32
    %dma_wait3A_1113 = arith.constant 0 : i32
    %dma_wait3A_1114 = tpu.memref_slice %arg2[%dma_wait3A_1112, %dma_wait3A_1113] : memref<1000000x32xf32, #tpu.memory_space<hbm>> -> memref<1000000x32xf32, #tpu.memory_space<hbm>>
    tpu.wait_indirect_dma semaphore(%arg13 : memref<!tpu.dma_semaphore, #tpu.memory_space<semaphore_mem>>) src(%dma_wait3A_1114 : memref<1000000x32xf32, #tpu.memory_space<hbm>>) dst(%dma_wait3A_1108 : memref<800x32xf32, #tpu.memory_space<vmem>>)
    %add3A_1115 = arith.constant 11200 : i32
    %add3A_1116 = arith.addi %mul3A_2, %add3A_1115 : i32
    %dma_start3A_1117 = arith.constant 2 : i32
    %dma_start3A_1118 = arith.constant 0 : i32
    %dma_start3A_1119 = arith.constant 0 : i32
    %dma_start3A_1120 = tpu.memref_slice %arg6[%dma_start3A_1117, %dma_start3A_1118, %dma_start3A_1119] : memref<4x800x32xf32, #tpu.memory_space<vmem>> -> memref<1x800x32xf32, #tpu.memory_space<vmem>>
    %dma_start3A_1121 = tpu.memref_squeeze %dma_start3A_1120 : memref<1x800x32xf32, #tpu.memory_space<vmem>> -> memref<800x32xf32, #tpu.memory_space<vmem>>
    %dma_start3A_1122 = arith.constant 0 : i32
    %dma_start3A_1123 = tpu.memref_slice %arg4[%add3A_1116, %dma_start3A_1122] : memref<819200x32xf32, #tpu.memory_space<hbm>> -> memref<800x32xf32, #tpu.memory_space<hbm>>
    %dma_start3A_1124 = arith.constant 0 : i32
    %dma_start3A_1125 = tpu.memref_slice %arg4[%add3A_1116, %dma_start3A_1124] : memref<819200x32xf32, #tpu.memory_space<hbm>> -> memref<800x32xf32, #tpu.memory_space<hbm>>
    %dma_start3A_1126 = arith.constant 0 : i32
    %dma_start3A_1127 = arith.constant 0 : i32
    %dma_start3A_1128 = tpu.memref_slice %arg6[%dma_start3A_1117, %dma_start3A_1126, %dma_start3A_1127] : memref<4x800x32xf32, #tpu.memory_space<vmem>> -> memref<1x800x32xf32, #tpu.memory_space<vmem>>
    %dma_start3A_1129 = tpu.memref_squeeze %dma_start3A_1128 : memref<1x800x32xf32, #tpu.memory_space<vmem>> -> memref<800x32xf32, #tpu.memory_space<vmem>>
    tpu.enqueue_dma source(%dma_start3A_1129 : memref<800x32xf32, #tpu.memory_space<vmem>>) target(%dma_start3A_1125 : memref<800x32xf32, #tpu.memory_space<hbm>>) target_semaphore(%arg17 : memref<!tpu.dma_semaphore, #tpu.memory_space<semaphore_mem>>)
    %add3A_1130 = arith.constant 14400 : i32
    %add3A_1131 = arith.addi %mul3A_2, %add3A_1130 : i32
    %dma_start3A_1132 = arith.constant 2 : i32
    %dma_start3A_1133 = arith.constant 0 : i32
    %dma_start3A_1134 = tpu.memref_slice %arg5[%dma_start3A_1132, %dma_start3A_1133] : memref<4x800xi32, #tpu.memory_space<vmem>> -> memref<1x800xi32, #tpu.memory_space<vmem>>
    %dma_start3A_1135 = tpu.memref_squeeze %dma_start3A_1134 : memref<1x800xi32, #tpu.memory_space<vmem>> -> memref<800xi32, #tpu.memory_space<vmem>>
    %dma_start3A_1136 = tpu.memref_slice %arg3[%add3A_1131] : memref<819200xi32, #tpu.memory_space<hbm>> -> memref<800xi32, #tpu.memory_space<hbm>>
    %dma_start3A_1137 = arith.constant 0 : i32
    %dma_start3A_1138 = tpu.memref_slice %arg5[%dma_start3A_1132, %dma_start3A_1137] : memref<4x800xi32, #tpu.memory_space<vmem>> -> memref<1x800xi32, #tpu.memory_space<vmem>>
    %dma_start3A_1139 = tpu.memref_squeeze %dma_start3A_1138 : memref<1x800xi32, #tpu.memory_space<vmem>> -> memref<800xi32, #tpu.memory_space<vmem>>
    %dma_start3A_1140 = tpu.memref_slice %arg3[%add3A_1131] : memref<819200xi32, #tpu.memory_space<hbm>> -> memref<800xi32, #tpu.memory_space<hbm>>
    tpu.enqueue_dma source(%dma_start3A_1140 : memref<800xi32, #tpu.memory_space<hbm>>) target(%dma_start3A_1139 : memref<800xi32, #tpu.memory_space<vmem>>) target_semaphore(%arg9 : memref<!tpu.dma_semaphore, #tpu.memory_space<semaphore_mem>>)
    %dma_wait3A_1141 = arith.constant 1 : i32
    %dma_wait3A_1142 = arith.constant 0 : i32
    %dma_wait3A_1143 = arith.constant 0 : i32
    %dma_wait3A_1144 = tpu.memref_slice %arg6[%dma_wait3A_1141, %dma_wait3A_1142, %dma_wait3A_1143] : memref<4x800x32xf32, #tpu.memory_space<vmem>> -> memref<1x800x32xf32, #tpu.memory_space<vmem>>
    %dma_wait3A_1145 = tpu.memref_squeeze %dma_wait3A_1144 : memref<1x800x32xf32, #tpu.memory_space<vmem>> -> memref<800x32xf32, #tpu.memory_space<vmem>>
    %dma_wait3A_1146 = arith.constant 0 : i32
    %dma_wait3A_1147 = tpu.memref_slice %arg4[%add3A_1044, %dma_wait3A_1146] : memref<819200x32xf32, #tpu.memory_space<hbm>> -> memref<800x32xf32, #tpu.memory_space<hbm>>
    %dma_wait3A_1148 = arith.constant 0 : i32
    %dma_wait3A_1149 = tpu.memref_slice %arg4[%add3A_1044, %dma_wait3A_1148] : memref<819200x32xf32, #tpu.memory_space<hbm>> -> memref<800x32xf32, #tpu.memory_space<hbm>>
    %dma_wait3A_1150 = arith.constant 0 : i32
    %dma_wait3A_1151 = arith.constant 0 : i32
    %dma_wait3A_1152 = tpu.memref_slice %arg6[%dma_wait3A_1141, %dma_wait3A_1150, %dma_wait3A_1151] : memref<4x800x32xf32, #tpu.memory_space<vmem>> -> memref<1x800x32xf32, #tpu.memory_space<vmem>>
    %dma_wait3A_1153 = tpu.memref_squeeze %dma_wait3A_1152 : memref<1x800x32xf32, #tpu.memory_space<vmem>> -> memref<800x32xf32, #tpu.memory_space<vmem>>
    tpu.wait_dma2 semaphore(%arg16 : memref<!tpu.dma_semaphore, #tpu.memory_space<semaphore_mem>>) src(%dma_wait3A_1153 : memref<800x32xf32, #tpu.memory_space<vmem>>) dst(%dma_wait3A_1149 : memref<800x32xf32, #tpu.memory_space<hbm>>)
    %dma_wait3A_1154 = arith.constant 1 : i32
    %dma_wait3A_1155 = arith.constant 0 : i32
    %dma_wait3A_1156 = tpu.memref_slice %arg5[%dma_wait3A_1154, %dma_wait3A_1155] : memref<4x800xi32, #tpu.memory_space<vmem>> -> memref<1x800xi32, #tpu.memory_space<vmem>>
    %dma_wait3A_1157 = tpu.memref_squeeze %dma_wait3A_1156 : memref<1x800xi32, #tpu.memory_space<vmem>> -> memref<800xi32, #tpu.memory_space<vmem>>
    %dma_wait3A_1158 = tpu.memref_slice %arg3[%add3A_1059] : memref<819200xi32, #tpu.memory_space<hbm>> -> memref<800xi32, #tpu.memory_space<hbm>>
    %dma_wait3A_1159 = arith.constant 0 : i32
    %dma_wait3A_1160 = tpu.memref_slice %arg5[%dma_wait3A_1154, %dma_wait3A_1159] : memref<4x800xi32, #tpu.memory_space<vmem>> -> memref<1x800xi32, #tpu.memory_space<vmem>>
    %dma_wait3A_1161 = tpu.memref_squeeze %dma_wait3A_1160 : memref<1x800xi32, #tpu.memory_space<vmem>> -> memref<800xi32, #tpu.memory_space<vmem>>
    %dma_wait3A_1162 = tpu.memref_slice %arg3[%add3A_1059] : memref<819200xi32, #tpu.memory_space<hbm>> -> memref<800xi32, #tpu.memory_space<hbm>>
    tpu.wait_dma2 semaphore(%arg8 : memref<!tpu.dma_semaphore, #tpu.memory_space<semaphore_mem>>) src(%dma_wait3A_1162 : memref<800xi32, #tpu.memory_space<hbm>>) dst(%dma_wait3A_1161 : memref<800xi32, #tpu.memory_space<vmem>>)
    %dma_start3A_1163 = arith.constant 1 : i32
    %dma_start3A_1164 = arith.constant 1 : i32
    %dma_start3A_1165 = arith.constant 0 : i32
    %dma_start3A_1166 = arith.constant 0 : i32
    %dma_start3A_1167 = tpu.memref_slice %arg6[%dma_start3A_1164, %dma_start3A_1165, %dma_start3A_1166] : memref<4x800x32xf32, #tpu.memory_space<vmem>> -> memref<1x800x32xf32, #tpu.memory_space<vmem>>
    %dma_start3A_1168 = tpu.memref_squeeze %dma_start3A_1167 : memref<1x800x32xf32, #tpu.memory_space<vmem>> -> memref<800x32xf32, #tpu.memory_space<vmem>>
    %dma_start3A_1169 = arith.constant 0 : i32
    %dma_start3A_1170 = tpu.memref_slice %arg5[%dma_start3A_1163, %dma_start3A_1169] : memref<4x800xi32, #tpu.memory_space<vmem>> -> memref<1x800xi32, #tpu.memory_space<vmem>>
    %dma_start3A_1171 = tpu.memref_squeeze %dma_start3A_1170 : memref<1x800xi32, #tpu.memory_space<vmem>> -> memref<800xi32, #tpu.memory_space<vmem>>
    %dma_start3A_1172 = arith.constant 0 : i32
    %dma_start3A_1173 = arith.constant 0 : i32
    %dma_start3A_1174 = tpu.memref_slice %arg2[%dma_start3A_1172, %dma_start3A_1173] : memref<1000000x32xf32, #tpu.memory_space<hbm>> -> memref<1000000x32xf32, #tpu.memory_space<hbm>>
    tpu.enqueue_indirect_dma source(%dma_start3A_1174 : memref<1000000x32xf32, #tpu.memory_space<hbm>>) target(%dma_start3A_1168 : memref<800x32xf32, #tpu.memory_space<vmem>>) offsets(%dma_start3A_1171 : memref<800xi32, #tpu.memory_space<vmem>>) semaphore(%arg12 : memref<!tpu.dma_semaphore, #tpu.memory_space<semaphore_mem>>)
    %dma_wait3A_1175 = arith.constant 3 : i32
    %dma_wait3A_1176 = arith.constant 3 : i32
    %dma_wait3A_1177 = arith.constant 0 : i32
    %dma_wait3A_1178 = arith.constant 0 : i32
    %dma_wait3A_1179 = tpu.memref_slice %arg6[%dma_wait3A_1176, %dma_wait3A_1177, %dma_wait3A_1178] : memref<4x800x32xf32, #tpu.memory_space<vmem>> -> memref<1x800x32xf32, #tpu.memory_space<vmem>>
    %dma_wait3A_1180 = tpu.memref_squeeze %dma_wait3A_1179 : memref<1x800x32xf32, #tpu.memory_space<vmem>> -> memref<800x32xf32, #tpu.memory_space<vmem>>
    %dma_wait3A_1181 = arith.constant 0 : i32
    %dma_wait3A_1182 = tpu.memref_slice %arg5[%dma_wait3A_1175, %dma_wait3A_1181] : memref<4x800xi32, #tpu.memory_space<vmem>> -> memref<1x800xi32, #tpu.memory_space<vmem>>
    %dma_wait3A_1183 = tpu.memref_squeeze %dma_wait3A_1182 : memref<1x800xi32, #tpu.memory_space<vmem>> -> memref<800xi32, #tpu.memory_space<vmem>>
    %dma_wait3A_1184 = arith.constant 0 : i32
    %dma_wait3A_1185 = arith.constant 0 : i32
    %dma_wait3A_1186 = tpu.memref_slice %arg2[%dma_wait3A_1184, %dma_wait3A_1185] : memref<1000000x32xf32, #tpu.memory_space<hbm>> -> memref<1000000x32xf32, #tpu.memory_space<hbm>>
    tpu.wait_indirect_dma semaphore(%arg14 : memref<!tpu.dma_semaphore, #tpu.memory_space<semaphore_mem>>) src(%dma_wait3A_1186 : memref<1000000x32xf32, #tpu.memory_space<hbm>>) dst(%dma_wait3A_1180 : memref<800x32xf32, #tpu.memory_space<vmem>>)
    %add3A_1187 = arith.constant 12000 : i32
    %add3A_1188 = arith.addi %mul3A_2, %add3A_1187 : i32
    %dma_start3A_1189 = arith.constant 3 : i32
    %dma_start3A_1190 = arith.constant 0 : i32
    %dma_start3A_1191 = arith.constant 0 : i32
    %dma_start3A_1192 = tpu.memref_slice %arg6[%dma_start3A_1189, %dma_start3A_1190, %dma_start3A_1191] : memref<4x800x32xf32, #tpu.memory_space<vmem>> -> memref<1x800x32xf32, #tpu.memory_space<vmem>>
    %dma_start3A_1193 = tpu.memref_squeeze %dma_start3A_1192 : memref<1x800x32xf32, #tpu.memory_space<vmem>> -> memref<800x32xf32, #tpu.memory_space<vmem>>
    %dma_start3A_1194 = arith.constant 0 : i32
    %dma_start3A_1195 = tpu.memref_slice %arg4[%add3A_1188, %dma_start3A_1194] : memref<819200x32xf32, #tpu.memory_space<hbm>> -> memref<800x32xf32, #tpu.memory_space<hbm>>
    %dma_start3A_1196 = arith.constant 0 : i32
    %dma_start3A_1197 = tpu.memref_slice %arg4[%add3A_1188, %dma_start3A_1196] : memref<819200x32xf32, #tpu.memory_space<hbm>> -> memref<800x32xf32, #tpu.memory_space<hbm>>
    %dma_start3A_1198 = arith.constant 0 : i32
    %dma_start3A_1199 = arith.constant 0 : i32
    %dma_start3A_1200 = tpu.memref_slice %arg6[%dma_start3A_1189, %dma_start3A_1198, %dma_start3A_1199] : memref<4x800x32xf32, #tpu.memory_space<vmem>> -> memref<1x800x32xf32, #tpu.memory_space<vmem>>
    %dma_start3A_1201 = tpu.memref_squeeze %dma_start3A_1200 : memref<1x800x32xf32, #tpu.memory_space<vmem>> -> memref<800x32xf32, #tpu.memory_space<vmem>>
    tpu.enqueue_dma source(%dma_start3A_1201 : memref<800x32xf32, #tpu.memory_space<vmem>>) target(%dma_start3A_1197 : memref<800x32xf32, #tpu.memory_space<hbm>>) target_semaphore(%arg18 : memref<!tpu.dma_semaphore, #tpu.memory_space<semaphore_mem>>)
    %add3A_1202 = arith.constant 15200 : i32
    %add3A_1203 = arith.addi %mul3A_2, %add3A_1202 : i32
    %dma_start3A_1204 = arith.constant 3 : i32
    %dma_start3A_1205 = arith.constant 0 : i32
    %dma_start3A_1206 = tpu.memref_slice %arg5[%dma_start3A_1204, %dma_start3A_1205] : memref<4x800xi32, #tpu.memory_space<vmem>> -> memref<1x800xi32, #tpu.memory_space<vmem>>
    %dma_start3A_1207 = tpu.memref_squeeze %dma_start3A_1206 : memref<1x800xi32, #tpu.memory_space<vmem>> -> memref<800xi32, #tpu.memory_space<vmem>>
    %dma_start3A_1208 = tpu.memref_slice %arg3[%add3A_1203] : memref<819200xi32, #tpu.memory_space<hbm>> -> memref<800xi32, #tpu.memory_space<hbm>>
    %dma_start3A_1209 = arith.constant 0 : i32
    %dma_start3A_1210 = tpu.memref_slice %arg5[%dma_start3A_1204, %dma_start3A_1209] : memref<4x800xi32, #tpu.memory_space<vmem>> -> memref<1x800xi32, #tpu.memory_space<vmem>>
    %dma_start3A_1211 = tpu.memref_squeeze %dma_start3A_1210 : memref<1x800xi32, #tpu.memory_space<vmem>> -> memref<800xi32, #tpu.memory_space<vmem>>
    %dma_start3A_1212 = tpu.memref_slice %arg3[%add3A_1203] : memref<819200xi32, #tpu.memory_space<hbm>> -> memref<800xi32, #tpu.memory_space<hbm>>
    tpu.enqueue_dma source(%dma_start3A_1212 : memref<800xi32, #tpu.memory_space<hbm>>) target(%dma_start3A_1211 : memref<800xi32, #tpu.memory_space<vmem>>) target_semaphore(%arg10 : memref<!tpu.dma_semaphore, #tpu.memory_space<semaphore_mem>>)
    %dma_wait3A_1213 = arith.constant 2 : i32
    %dma_wait3A_1214 = arith.constant 0 : i32
    %dma_wait3A_1215 = arith.constant 0 : i32
    %dma_wait3A_1216 = tpu.memref_slice %arg6[%dma_wait3A_1213, %dma_wait3A_1214, %dma_wait3A_1215] : memref<4x800x32xf32, #tpu.memory_space<vmem>> -> memref<1x800x32xf32, #tpu.memory_space<vmem>>
    %dma_wait3A_1217 = tpu.memref_squeeze %dma_wait3A_1216 : memref<1x800x32xf32, #tpu.memory_space<vmem>> -> memref<800x32xf32, #tpu.memory_space<vmem>>
    %dma_wait3A_1218 = arith.constant 0 : i32
    %dma_wait3A_1219 = tpu.memref_slice %arg4[%add3A_1116, %dma_wait3A_1218] : memref<819200x32xf32, #tpu.memory_space<hbm>> -> memref<800x32xf32, #tpu.memory_space<hbm>>
    %dma_wait3A_1220 = arith.constant 0 : i32
    %dma_wait3A_1221 = tpu.memref_slice %arg4[%add3A_1116, %dma_wait3A_1220] : memref<819200x32xf32, #tpu.memory_space<hbm>> -> memref<800x32xf32, #tpu.memory_space<hbm>>
    %dma_wait3A_1222 = arith.constant 0 : i32
    %dma_wait3A_1223 = arith.constant 0 : i32
    %dma_wait3A_1224 = tpu.memref_slice %arg6[%dma_wait3A_1213, %dma_wait3A_1222, %dma_wait3A_1223] : memref<4x800x32xf32, #tpu.memory_space<vmem>> -> memref<1x800x32xf32, #tpu.memory_space<vmem>>
    %dma_wait3A_1225 = tpu.memref_squeeze %dma_wait3A_1224 : memref<1x800x32xf32, #tpu.memory_space<vmem>> -> memref<800x32xf32, #tpu.memory_space<vmem>>
    tpu.wait_dma2 semaphore(%arg17 : memref<!tpu.dma_semaphore, #tpu.memory_space<semaphore_mem>>) src(%dma_wait3A_1225 : memref<800x32xf32, #tpu.memory_space<vmem>>) dst(%dma_wait3A_1221 : memref<800x32xf32, #tpu.memory_space<hbm>>)
    %dma_wait3A_1226 = arith.constant 2 : i32
    %dma_wait3A_1227 = arith.constant 0 : i32
    %dma_wait3A_1228 = tpu.memref_slice %arg5[%dma_wait3A_1226, %dma_wait3A_1227] : memref<4x800xi32, #tpu.memory_space<vmem>> -> memref<1x800xi32, #tpu.memory_space<vmem>>
    %dma_wait3A_1229 = tpu.memref_squeeze %dma_wait3A_1228 : memref<1x800xi32, #tpu.memory_space<vmem>> -> memref<800xi32, #tpu.memory_space<vmem>>
    %dma_wait3A_1230 = tpu.memref_slice %arg3[%add3A_1131] : memref<819200xi32, #tpu.memory_space<hbm>> -> memref<800xi32, #tpu.memory_space<hbm>>
    %dma_wait3A_1231 = arith.constant 0 : i32
    %dma_wait3A_1232 = tpu.memref_slice %arg5[%dma_wait3A_1226, %dma_wait3A_1231] : memref<4x800xi32, #tpu.memory_space<vmem>> -> memref<1x800xi32, #tpu.memory_space<vmem>>
    %dma_wait3A_1233 = tpu.memref_squeeze %dma_wait3A_1232 : memref<1x800xi32, #tpu.memory_space<vmem>> -> memref<800xi32, #tpu.memory_space<vmem>>
    %dma_wait3A_1234 = tpu.memref_slice %arg3[%add3A_1131] : memref<819200xi32, #tpu.memory_space<hbm>> -> memref<800xi32, #tpu.memory_space<hbm>>
    tpu.wait_dma2 semaphore(%arg9 : memref<!tpu.dma_semaphore, #tpu.memory_space<semaphore_mem>>) src(%dma_wait3A_1234 : memref<800xi32, #tpu.memory_space<hbm>>) dst(%dma_wait3A_1233 : memref<800xi32, #tpu.memory_space<vmem>>)
    %dma_start3A_1235 = arith.constant 2 : i32
    %dma_start3A_1236 = arith.constant 2 : i32
    %dma_start3A_1237 = arith.constant 0 : i32
    %dma_start3A_1238 = arith.constant 0 : i32
    %dma_start3A_1239 = tpu.memref_slice %arg6[%dma_start3A_1236, %dma_start3A_1237, %dma_start3A_1238] : memref<4x800x32xf32, #tpu.memory_space<vmem>> -> memref<1x800x32xf32, #tpu.memory_space<vmem>>
    %dma_start3A_1240 = tpu.memref_squeeze %dma_start3A_1239 : memref<1x800x32xf32, #tpu.memory_space<vmem>> -> memref<800x32xf32, #tpu.memory_space<vmem>>
    %dma_start3A_1241 = arith.constant 0 : i32
    %dma_start3A_1242 = tpu.memref_slice %arg5[%dma_start3A_1235, %dma_start3A_1241] : memref<4x800xi32, #tpu.memory_space<vmem>> -> memref<1x800xi32, #tpu.memory_space<vmem>>
    %dma_start3A_1243 = tpu.memref_squeeze %dma_start3A_1242 : memref<1x800xi32, #tpu.memory_space<vmem>> -> memref<800xi32, #tpu.memory_space<vmem>>
    %dma_start3A_1244 = arith.constant 0 : i32
    %dma_start3A_1245 = arith.constant 0 : i32
    %dma_start3A_1246 = tpu.memref_slice %arg2[%dma_start3A_1244, %dma_start3A_1245] : memref<1000000x32xf32, #tpu.memory_space<hbm>> -> memref<1000000x32xf32, #tpu.memory_space<hbm>>
    tpu.enqueue_indirect_dma source(%dma_start3A_1246 : memref<1000000x32xf32, #tpu.memory_space<hbm>>) target(%dma_start3A_1240 : memref<800x32xf32, #tpu.memory_space<vmem>>) offsets(%dma_start3A_1243 : memref<800xi32, #tpu.memory_space<vmem>>) semaphore(%arg13 : memref<!tpu.dma_semaphore, #tpu.memory_space<semaphore_mem>>)
    %dma_wait3A_1247 = arith.constant 0 : i32
    %dma_wait3A_1248 = arith.constant 0 : i32
    %dma_wait3A_1249 = arith.constant 0 : i32
    %dma_wait3A_1250 = arith.constant 0 : i32
    %dma_wait3A_1251 = tpu.memref_slice %arg6[%dma_wait3A_1248, %dma_wait3A_1249, %dma_wait3A_1250] : memref<4x800x32xf32, #tpu.memory_space<vmem>> -> memref<1x800x32xf32, #tpu.memory_space<vmem>>
    %dma_wait3A_1252 = tpu.memref_squeeze %dma_wait3A_1251 : memref<1x800x32xf32, #tpu.memory_space<vmem>> -> memref<800x32xf32, #tpu.memory_space<vmem>>
    %dma_wait3A_1253 = arith.constant 0 : i32
    %dma_wait3A_1254 = tpu.memref_slice %arg5[%dma_wait3A_1247, %dma_wait3A_1253] : memref<4x800xi32, #tpu.memory_space<vmem>> -> memref<1x800xi32, #tpu.memory_space<vmem>>
    %dma_wait3A_1255 = tpu.memref_squeeze %dma_wait3A_1254 : memref<1x800xi32, #tpu.memory_space<vmem>> -> memref<800xi32, #tpu.memory_space<vmem>>
    %dma_wait3A_1256 = arith.constant 0 : i32
    %dma_wait3A_1257 = arith.constant 0 : i32
    %dma_wait3A_1258 = tpu.memref_slice %arg2[%dma_wait3A_1256, %dma_wait3A_1257] : memref<1000000x32xf32, #tpu.memory_space<hbm>> -> memref<1000000x32xf32, #tpu.memory_space<hbm>>
    tpu.wait_indirect_dma semaphore(%arg11 : memref<!tpu.dma_semaphore, #tpu.memory_space<semaphore_mem>>) src(%dma_wait3A_1258 : memref<1000000x32xf32, #tpu.memory_space<hbm>>) dst(%dma_wait3A_1252 : memref<800x32xf32, #tpu.memory_space<vmem>>)
    %add3A_1259 = arith.constant 12800 : i32
    %add3A_1260 = arith.addi %mul3A_2, %add3A_1259 : i32
    %dma_start3A_1261 = arith.constant 0 : i32
    %dma_start3A_1262 = arith.constant 0 : i32
    %dma_start3A_1263 = arith.constant 0 : i32
    %dma_start3A_1264 = tpu.memref_slice %arg6[%dma_start3A_1261, %dma_start3A_1262, %dma_start3A_1263] : memref<4x800x32xf32, #tpu.memory_space<vmem>> -> memref<1x800x32xf32, #tpu.memory_space<vmem>>
    %dma_start3A_1265 = tpu.memref_squeeze %dma_start3A_1264 : memref<1x800x32xf32, #tpu.memory_space<vmem>> -> memref<800x32xf32, #tpu.memory_space<vmem>>
    %dma_start3A_1266 = arith.constant 0 : i32
    %dma_start3A_1267 = tpu.memref_slice %arg4[%add3A_1260, %dma_start3A_1266] : memref<819200x32xf32, #tpu.memory_space<hbm>> -> memref<800x32xf32, #tpu.memory_space<hbm>>
    %dma_start3A_1268 = arith.constant 0 : i32
    %dma_start3A_1269 = tpu.memref_slice %arg4[%add3A_1260, %dma_start3A_1268] : memref<819200x32xf32, #tpu.memory_space<hbm>> -> memref<800x32xf32, #tpu.memory_space<hbm>>
    %dma_start3A_1270 = arith.constant 0 : i32
    %dma_start3A_1271 = arith.constant 0 : i32
    %dma_start3A_1272 = tpu.memref_slice %arg6[%dma_start3A_1261, %dma_start3A_1270, %dma_start3A_1271] : memref<4x800x32xf32, #tpu.memory_space<vmem>> -> memref<1x800x32xf32, #tpu.memory_space<vmem>>
    %dma_start3A_1273 = tpu.memref_squeeze %dma_start3A_1272 : memref<1x800x32xf32, #tpu.memory_space<vmem>> -> memref<800x32xf32, #tpu.memory_space<vmem>>
    tpu.enqueue_dma source(%dma_start3A_1273 : memref<800x32xf32, #tpu.memory_space<vmem>>) target(%dma_start3A_1269 : memref<800x32xf32, #tpu.memory_space<hbm>>) target_semaphore(%arg15 : memref<!tpu.dma_semaphore, #tpu.memory_space<semaphore_mem>>)
    %add3A_1274 = arith.constant 16000 : i32
    %add3A_1275 = arith.addi %mul3A_2, %add3A_1274 : i32
    %dma_start3A_1276 = arith.constant 0 : i32
    %dma_start3A_1277 = arith.constant 0 : i32
    %dma_start3A_1278 = tpu.memref_slice %arg5[%dma_start3A_1276, %dma_start3A_1277] : memref<4x800xi32, #tpu.memory_space<vmem>> -> memref<1x800xi32, #tpu.memory_space<vmem>>
    %dma_start3A_1279 = tpu.memref_squeeze %dma_start3A_1278 : memref<1x800xi32, #tpu.memory_space<vmem>> -> memref<800xi32, #tpu.memory_space<vmem>>
    %dma_start3A_1280 = tpu.memref_slice %arg3[%add3A_1275] : memref<819200xi32, #tpu.memory_space<hbm>> -> memref<800xi32, #tpu.memory_space<hbm>>
    %dma_start3A_1281 = arith.constant 0 : i32
    %dma_start3A_1282 = tpu.memref_slice %arg5[%dma_start3A_1276, %dma_start3A_1281] : memref<4x800xi32, #tpu.memory_space<vmem>> -> memref<1x800xi32, #tpu.memory_space<vmem>>
    %dma_start3A_1283 = tpu.memref_squeeze %dma_start3A_1282 : memref<1x800xi32, #tpu.memory_space<vmem>> -> memref<800xi32, #tpu.memory_space<vmem>>
    %dma_start3A_1284 = tpu.memref_slice %arg3[%add3A_1275] : memref<819200xi32, #tpu.memory_space<hbm>> -> memref<800xi32, #tpu.memory_space<hbm>>
    tpu.enqueue_dma source(%dma_start3A_1284 : memref<800xi32, #tpu.memory_space<hbm>>) target(%dma_start3A_1283 : memref<800xi32, #tpu.memory_space<vmem>>) target_semaphore(%arg7 : memref<!tpu.dma_semaphore, #tpu.memory_space<semaphore_mem>>)
    %dma_wait3A_1285 = arith.constant 3 : i32
    %dma_wait3A_1286 = arith.constant 0 : i32
    %dma_wait3A_1287 = arith.constant 0 : i32
    %dma_wait3A_1288 = tpu.memref_slice %arg6[%dma_wait3A_1285, %dma_wait3A_1286, %dma_wait3A_1287] : memref<4x800x32xf32, #tpu.memory_space<vmem>> -> memref<1x800x32xf32, #tpu.memory_space<vmem>>
    %dma_wait3A_1289 = tpu.memref_squeeze %dma_wait3A_1288 : memref<1x800x32xf32, #tpu.memory_space<vmem>> -> memref<800x32xf32, #tpu.memory_space<vmem>>
    %dma_wait3A_1290 = arith.constant 0 : i32
    %dma_wait3A_1291 = tpu.memref_slice %arg4[%add3A_1188, %dma_wait3A_1290] : memref<819200x32xf32, #tpu.memory_space<hbm>> -> memref<800x32xf32, #tpu.memory_space<hbm>>
    %dma_wait3A_1292 = arith.constant 0 : i32
    %dma_wait3A_1293 = tpu.memref_slice %arg4[%add3A_1188, %dma_wait3A_1292] : memref<819200x32xf32, #tpu.memory_space<hbm>> -> memref<800x32xf32, #tpu.memory_space<hbm>>
    %dma_wait3A_1294 = arith.constant 0 : i32
    %dma_wait3A_1295 = arith.constant 0 : i32
    %dma_wait3A_1296 = tpu.memref_slice %arg6[%dma_wait3A_1285, %dma_wait3A_1294, %dma_wait3A_1295] : memref<4x800x32xf32, #tpu.memory_space<vmem>> -> memref<1x800x32xf32, #tpu.memory_space<vmem>>
    %dma_wait3A_1297 = tpu.memref_squeeze %dma_wait3A_1296 : memref<1x800x32xf32, #tpu.memory_space<vmem>> -> memref<800x32xf32, #tpu.memory_space<vmem>>
    tpu.wait_dma2 semaphore(%arg18 : memref<!tpu.dma_semaphore, #tpu.memory_space<semaphore_mem>>) src(%dma_wait3A_1297 : memref<800x32xf32, #tpu.memory_space<vmem>>) dst(%dma_wait3A_1293 : memref<800x32xf32, #tpu.memory_space<hbm>>)
    %dma_wait3A_1298 = arith.constant 3 : i32
    %dma_wait3A_1299 = arith.constant 0 : i32
    %dma_wait3A_1300 = tpu.memref_slice %arg5[%dma_wait3A_1298, %dma_wait3A_1299] : memref<4x800xi32, #tpu.memory_space<vmem>> -> memref<1x800xi32, #tpu.memory_space<vmem>>
    %dma_wait3A_1301 = tpu.memref_squeeze %dma_wait3A_1300 : memref<1x800xi32, #tpu.memory_space<vmem>> -> memref<800xi32, #tpu.memory_space<vmem>>
    %dma_wait3A_1302 = tpu.memref_slice %arg3[%add3A_1203] : memref<819200xi32, #tpu.memory_space<hbm>> -> memref<800xi32, #tpu.memory_space<hbm>>
    %dma_wait3A_1303 = arith.constant 0 : i32
    %dma_wait3A_1304 = tpu.memref_slice %arg5[%dma_wait3A_1298, %dma_wait3A_1303] : memref<4x800xi32, #tpu.memory_space<vmem>> -> memref<1x800xi32, #tpu.memory_space<vmem>>
    %dma_wait3A_1305 = tpu.memref_squeeze %dma_wait3A_1304 : memref<1x800xi32, #tpu.memory_space<vmem>> -> memref<800xi32, #tpu.memory_space<vmem>>
    %dma_wait3A_1306 = tpu.memref_slice %arg3[%add3A_1203] : memref<819200xi32, #tpu.memory_space<hbm>> -> memref<800xi32, #tpu.memory_space<hbm>>
    tpu.wait_dma2 semaphore(%arg10 : memref<!tpu.dma_semaphore, #tpu.memory_space<semaphore_mem>>) src(%dma_wait3A_1306 : memref<800xi32, #tpu.memory_space<hbm>>) dst(%dma_wait3A_1305 : memref<800xi32, #tpu.memory_space<vmem>>)
    %dma_start3A_1307 = arith.constant 3 : i32
    %dma_start3A_1308 = arith.constant 3 : i32
    %dma_start3A_1309 = arith.constant 0 : i32
    %dma_start3A_1310 = arith.constant 0 : i32
    %dma_start3A_1311 = tpu.memref_slice %arg6[%dma_start3A_1308, %dma_start3A_1309, %dma_start3A_1310] : memref<4x800x32xf32, #tpu.memory_space<vmem>> -> memref<1x800x32xf32, #tpu.memory_space<vmem>>
    %dma_start3A_1312 = tpu.memref_squeeze %dma_start3A_1311 : memref<1x800x32xf32, #tpu.memory_space<vmem>> -> memref<800x32xf32, #tpu.memory_space<vmem>>
    %dma_start3A_1313 = arith.constant 0 : i32
    %dma_start3A_1314 = tpu.memref_slice %arg5[%dma_start3A_1307, %dma_start3A_1313] : memref<4x800xi32, #tpu.memory_space<vmem>> -> memref<1x800xi32, #tpu.memory_space<vmem>>
    %dma_start3A_1315 = tpu.memref_squeeze %dma_start3A_1314 : memref<1x800xi32, #tpu.memory_space<vmem>> -> memref<800xi32, #tpu.memory_space<vmem>>
    %dma_start3A_1316 = arith.constant 0 : i32
    %dma_start3A_1317 = arith.constant 0 : i32
    %dma_start3A_1318 = tpu.memref_slice %arg2[%dma_start3A_1316, %dma_start3A_1317] : memref<1000000x32xf32, #tpu.memory_space<hbm>> -> memref<1000000x32xf32, #tpu.memory_space<hbm>>
    tpu.enqueue_indirect_dma source(%dma_start3A_1318 : memref<1000000x32xf32, #tpu.memory_space<hbm>>) target(%dma_start3A_1312 : memref<800x32xf32, #tpu.memory_space<vmem>>) offsets(%dma_start3A_1315 : memref<800xi32, #tpu.memory_space<vmem>>) semaphore(%arg14 : memref<!tpu.dma_semaphore, #tpu.memory_space<semaphore_mem>>)
    %dma_wait3A_1319 = arith.constant 1 : i32
    %dma_wait3A_1320 = arith.constant 1 : i32
    %dma_wait3A_1321 = arith.constant 0 : i32
    %dma_wait3A_1322 = arith.constant 0 : i32
    %dma_wait3A_1323 = tpu.memref_slice %arg6[%dma_wait3A_1320, %dma_wait3A_1321, %dma_wait3A_1322] : memref<4x800x32xf32, #tpu.memory_space<vmem>> -> memref<1x800x32xf32, #tpu.memory_space<vmem>>
    %dma_wait3A_1324 = tpu.memref_squeeze %dma_wait3A_1323 : memref<1x800x32xf32, #tpu.memory_space<vmem>> -> memref<800x32xf32, #tpu.memory_space<vmem>>
    %dma_wait3A_1325 = arith.constant 0 : i32
    %dma_wait3A_1326 = tpu.memref_slice %arg5[%dma_wait3A_1319, %dma_wait3A_1325] : memref<4x800xi32, #tpu.memory_space<vmem>> -> memref<1x800xi32, #tpu.memory_space<vmem>>
    %dma_wait3A_1327 = tpu.memref_squeeze %dma_wait3A_1326 : memref<1x800xi32, #tpu.memory_space<vmem>> -> memref<800xi32, #tpu.memory_space<vmem>>
    %dma_wait3A_1328 = arith.constant 0 : i32
    %dma_wait3A_1329 = arith.constant 0 : i32
    %dma_wait3A_1330 = tpu.memref_slice %arg2[%dma_wait3A_1328, %dma_wait3A_1329] : memref<1000000x32xf32, #tpu.memory_space<hbm>> -> memref<1000000x32xf32, #tpu.memory_space<hbm>>
    tpu.wait_indirect_dma semaphore(%arg12 : memref<!tpu.dma_semaphore, #tpu.memory_space<semaphore_mem>>) src(%dma_wait3A_1330 : memref<1000000x32xf32, #tpu.memory_space<hbm>>) dst(%dma_wait3A_1324 : memref<800x32xf32, #tpu.memory_space<vmem>>)
    %add3A_1331 = arith.constant 13600 : i32
    %add3A_1332 = arith.addi %mul3A_2, %add3A_1331 : i32
    %dma_start3A_1333 = arith.constant 1 : i32
    %dma_start3A_1334 = arith.constant 0 : i32
    %dma_start3A_1335 = arith.constant 0 : i32
    %dma_start3A_1336 = tpu.memref_slice %arg6[%dma_start3A_1333, %dma_start3A_1334, %dma_start3A_1335] : memref<4x800x32xf32, #tpu.memory_space<vmem>> -> memref<1x800x32xf32, #tpu.memory_space<vmem>>
    %dma_start3A_1337 = tpu.memref_squeeze %dma_start3A_1336 : memref<1x800x32xf32, #tpu.memory_space<vmem>> -> memref<800x32xf32, #tpu.memory_space<vmem>>
    %dma_start3A_1338 = arith.constant 0 : i32
    %dma_start3A_1339 = tpu.memref_slice %arg4[%add3A_1332, %dma_start3A_1338] : memref<819200x32xf32, #tpu.memory_space<hbm>> -> memref<800x32xf32, #tpu.memory_space<hbm>>
    %dma_start3A_1340 = arith.constant 0 : i32
    %dma_start3A_1341 = tpu.memref_slice %arg4[%add3A_1332, %dma_start3A_1340] : memref<819200x32xf32, #tpu.memory_space<hbm>> -> memref<800x32xf32, #tpu.memory_space<hbm>>
    %dma_start3A_1342 = arith.constant 0 : i32
    %dma_start3A_1343 = arith.constant 0 : i32
    %dma_start3A_1344 = tpu.memref_slice %arg6[%dma_start3A_1333, %dma_start3A_1342, %dma_start3A_1343] : memref<4x800x32xf32, #tpu.memory_space<vmem>> -> memref<1x800x32xf32, #tpu.memory_space<vmem>>
    %dma_start3A_1345 = tpu.memref_squeeze %dma_start3A_1344 : memref<1x800x32xf32, #tpu.memory_space<vmem>> -> memref<800x32xf32, #tpu.memory_space<vmem>>
    tpu.enqueue_dma source(%dma_start3A_1345 : memref<800x32xf32, #tpu.memory_space<vmem>>) target(%dma_start3A_1341 : memref<800x32xf32, #tpu.memory_space<hbm>>) target_semaphore(%arg16 : memref<!tpu.dma_semaphore, #tpu.memory_space<semaphore_mem>>)
    %add3A_1346 = arith.constant 16800 : i32
    %add3A_1347 = arith.addi %mul3A_2, %add3A_1346 : i32
    %dma_start3A_1348 = arith.constant 1 : i32
    %dma_start3A_1349 = arith.constant 0 : i32
    %dma_start3A_1350 = tpu.memref_slice %arg5[%dma_start3A_1348, %dma_start3A_1349] : memref<4x800xi32, #tpu.memory_space<vmem>> -> memref<1x800xi32, #tpu.memory_space<vmem>>
    %dma_start3A_1351 = tpu.memref_squeeze %dma_start3A_1350 : memref<1x800xi32, #tpu.memory_space<vmem>> -> memref<800xi32, #tpu.memory_space<vmem>>
    %dma_start3A_1352 = tpu.memref_slice %arg3[%add3A_1347] : memref<819200xi32, #tpu.memory_space<hbm>> -> memref<800xi32, #tpu.memory_space<hbm>>
    %dma_start3A_1353 = arith.constant 0 : i32
    %dma_start3A_1354 = tpu.memref_slice %arg5[%dma_start3A_1348, %dma_start3A_1353] : memref<4x800xi32, #tpu.memory_space<vmem>> -> memref<1x800xi32, #tpu.memory_space<vmem>>
    %dma_start3A_1355 = tpu.memref_squeeze %dma_start3A_1354 : memref<1x800xi32, #tpu.memory_space<vmem>> -> memref<800xi32, #tpu.memory_space<vmem>>
    %dma_start3A_1356 = tpu.memref_slice %arg3[%add3A_1347] : memref<819200xi32, #tpu.memory_space<hbm>> -> memref<800xi32, #tpu.memory_space<hbm>>
    tpu.enqueue_dma source(%dma_start3A_1356 : memref<800xi32, #tpu.memory_space<hbm>>) target(%dma_start3A_1355 : memref<800xi32, #tpu.memory_space<vmem>>) target_semaphore(%arg8 : memref<!tpu.dma_semaphore, #tpu.memory_space<semaphore_mem>>)
    %dma_wait3A_1357 = arith.constant 0 : i32
    %dma_wait3A_1358 = arith.constant 0 : i32
    %dma_wait3A_1359 = arith.constant 0 : i32
    %dma_wait3A_1360 = tpu.memref_slice %arg6[%dma_wait3A_1357, %dma_wait3A_1358, %dma_wait3A_1359] : memref<4x800x32xf32, #tpu.memory_space<vmem>> -> memref<1x800x32xf32, #tpu.memory_space<vmem>>
    %dma_wait3A_1361 = tpu.memref_squeeze %dma_wait3A_1360 : memref<1x800x32xf32, #tpu.memory_space<vmem>> -> memref<800x32xf32, #tpu.memory_space<vmem>>
    %dma_wait3A_1362 = arith.constant 0 : i32
    %dma_wait3A_1363 = tpu.memref_slice %arg4[%add3A_1260, %dma_wait3A_1362] : memref<819200x32xf32, #tpu.memory_space<hbm>> -> memref<800x32xf32, #tpu.memory_space<hbm>>
    %dma_wait3A_1364 = arith.constant 0 : i32
    %dma_wait3A_1365 = tpu.memref_slice %arg4[%add3A_1260, %dma_wait3A_1364] : memref<819200x32xf32, #tpu.memory_space<hbm>> -> memref<800x32xf32, #tpu.memory_space<hbm>>
    %dma_wait3A_1366 = arith.constant 0 : i32
    %dma_wait3A_1367 = arith.constant 0 : i32
    %dma_wait3A_1368 = tpu.memref_slice %arg6[%dma_wait3A_1357, %dma_wait3A_1366, %dma_wait3A_1367] : memref<4x800x32xf32, #tpu.memory_space<vmem>> -> memref<1x800x32xf32, #tpu.memory_space<vmem>>
    %dma_wait3A_1369 = tpu.memref_squeeze %dma_wait3A_1368 : memref<1x800x32xf32, #tpu.memory_space<vmem>> -> memref<800x32xf32, #tpu.memory_space<vmem>>
    tpu.wait_dma2 semaphore(%arg15 : memref<!tpu.dma_semaphore, #tpu.memory_space<semaphore_mem>>) src(%dma_wait3A_1369 : memref<800x32xf32, #tpu.memory_space<vmem>>) dst(%dma_wait3A_1365 : memref<800x32xf32, #tpu.memory_space<hbm>>)
    %dma_wait3A_1370 = arith.constant 0 : i32
    %dma_wait3A_1371 = arith.constant 0 : i32
    %dma_wait3A_1372 = tpu.memref_slice %arg5[%dma_wait3A_1370, %dma_wait3A_1371] : memref<4x800xi32, #tpu.memory_space<vmem>> -> memref<1x800xi32, #tpu.memory_space<vmem>>
    %dma_wait3A_1373 = tpu.memref_squeeze %dma_wait3A_1372 : memref<1x800xi32, #tpu.memory_space<vmem>> -> memref<800xi32, #tpu.memory_space<vmem>>
    %dma_wait3A_1374 = tpu.memref_slice %arg3[%add3A_1275] : memref<819200xi32, #tpu.memory_space<hbm>> -> memref<800xi32, #tpu.memory_space<hbm>>
    %dma_wait3A_1375 = arith.constant 0 : i32
    %dma_wait3A_1376 = tpu.memref_slice %arg5[%dma_wait3A_1370, %dma_wait3A_1375] : memref<4x800xi32, #tpu.memory_space<vmem>> -> memref<1x800xi32, #tpu.memory_space<vmem>>
    %dma_wait3A_1377 = tpu.memref_squeeze %dma_wait3A_1376 : memref<1x800xi32, #tpu.memory_space<vmem>> -> memref<800xi32, #tpu.memory_space<vmem>>
    %dma_wait3A_1378 = tpu.memref_slice %arg3[%add3A_1275] : memref<819200xi32, #tpu.memory_space<hbm>> -> memref<800xi32, #tpu.memory_space<hbm>>
    tpu.wait_dma2 semaphore(%arg7 : memref<!tpu.dma_semaphore, #tpu.memory_space<semaphore_mem>>) src(%dma_wait3A_1378 : memref<800xi32, #tpu.memory_space<hbm>>) dst(%dma_wait3A_1377 : memref<800xi32, #tpu.memory_space<vmem>>)
    %dma_start3A_1379 = arith.constant 0 : i32
    %dma_start3A_1380 = arith.constant 0 : i32
    %dma_start3A_1381 = arith.constant 0 : i32
    %dma_start3A_1382 = arith.constant 0 : i32
    %dma_start3A_1383 = tpu.memref_slice %arg6[%dma_start3A_1380, %dma_start3A_1381, %dma_start3A_1382] : memref<4x800x32xf32, #tpu.memory_space<vmem>> -> memref<1x800x32xf32, #tpu.memory_space<vmem>>
    %dma_start3A_1384 = tpu.memref_squeeze %dma_start3A_1383 : memref<1x800x32xf32, #tpu.memory_space<vmem>> -> memref<800x32xf32, #tpu.memory_space<vmem>>
    %dma_start3A_1385 = arith.constant 0 : i32
    %dma_start3A_1386 = tpu.memref_slice %arg5[%dma_start3A_1379, %dma_start3A_1385] : memref<4x800xi32, #tpu.memory_space<vmem>> -> memref<1x800xi32, #tpu.memory_space<vmem>>
    %dma_start3A_1387 = tpu.memref_squeeze %dma_start3A_1386 : memref<1x800xi32, #tpu.memory_space<vmem>> -> memref<800xi32, #tpu.memory_space<vmem>>
    %dma_start3A_1388 = arith.constant 0 : i32
    %dma_start3A_1389 = arith.constant 0 : i32
    %dma_start3A_1390 = tpu.memref_slice %arg2[%dma_start3A_1388, %dma_start3A_1389] : memref<1000000x32xf32, #tpu.memory_space<hbm>> -> memref<1000000x32xf32, #tpu.memory_space<hbm>>
    tpu.enqueue_indirect_dma source(%dma_start3A_1390 : memref<1000000x32xf32, #tpu.memory_space<hbm>>) target(%dma_start3A_1384 : memref<800x32xf32, #tpu.memory_space<vmem>>) offsets(%dma_start3A_1387 : memref<800xi32, #tpu.memory_space<vmem>>) semaphore(%arg11 : memref<!tpu.dma_semaphore, #tpu.memory_space<semaphore_mem>>)
    %dma_wait3A_1391 = arith.constant 2 : i32
    %dma_wait3A_1392 = arith.constant 2 : i32
    %dma_wait3A_1393 = arith.constant 0 : i32
    %dma_wait3A_1394 = arith.constant 0 : i32
    %dma_wait3A_1395 = tpu.memref_slice %arg6[%dma_wait3A_1392, %dma_wait3A_1393, %dma_wait3A_1394] : memref<4x800x32xf32, #tpu.memory_space<vmem>> -> memref<1x800x32xf32, #tpu.memory_space<vmem>>
    %dma_wait3A_1396 = tpu.memref_squeeze %dma_wait3A_1395 : memref<1x800x32xf32, #tpu.memory_space<vmem>> -> memref<800x32xf32, #tpu.memory_space<vmem>>
    %dma_wait3A_1397 = arith.constant 0 : i32
    %dma_wait3A_1398 = tpu.memref_slice %arg5[%dma_wait3A_1391, %dma_wait3A_1397] : memref<4x800xi32, #tpu.memory_space<vmem>> -> memref<1x800xi32, #tpu.memory_space<vmem>>
    %dma_wait3A_1399 = tpu.memref_squeeze %dma_wait3A_1398 : memref<1x800xi32, #tpu.memory_space<vmem>> -> memref<800xi32, #tpu.memory_space<vmem>>
    %dma_wait3A_1400 = arith.constant 0 : i32
    %dma_wait3A_1401 = arith.constant 0 : i32
    %dma_wait3A_1402 = tpu.memref_slice %arg2[%dma_wait3A_1400, %dma_wait3A_1401] : memref<1000000x32xf32, #tpu.memory_space<hbm>> -> memref<1000000x32xf32, #tpu.memory_space<hbm>>
    tpu.wait_indirect_dma semaphore(%arg13 : memref<!tpu.dma_semaphore, #tpu.memory_space<semaphore_mem>>) src(%dma_wait3A_1402 : memref<1000000x32xf32, #tpu.memory_space<hbm>>) dst(%dma_wait3A_1396 : memref<800x32xf32, #tpu.memory_space<vmem>>)
    %add3A_1403 = arith.constant 14400 : i32
    %add3A_1404 = arith.addi %mul3A_2, %add3A_1403 : i32
    %dma_start3A_1405 = arith.constant 2 : i32
    %dma_start3A_1406 = arith.constant 0 : i32
    %dma_start3A_1407 = arith.constant 0 : i32
    %dma_start3A_1408 = tpu.memref_slice %arg6[%dma_start3A_1405, %dma_start3A_1406, %dma_start3A_1407] : memref<4x800x32xf32, #tpu.memory_space<vmem>> -> memref<1x800x32xf32, #tpu.memory_space<vmem>>
    %dma_start3A_1409 = tpu.memref_squeeze %dma_start3A_1408 : memref<1x800x32xf32, #tpu.memory_space<vmem>> -> memref<800x32xf32, #tpu.memory_space<vmem>>
    %dma_start3A_1410 = arith.constant 0 : i32
    %dma_start3A_1411 = tpu.memref_slice %arg4[%add3A_1404, %dma_start3A_1410] : memref<819200x32xf32, #tpu.memory_space<hbm>> -> memref<800x32xf32, #tpu.memory_space<hbm>>
    %dma_start3A_1412 = arith.constant 0 : i32
    %dma_start3A_1413 = tpu.memref_slice %arg4[%add3A_1404, %dma_start3A_1412] : memref<819200x32xf32, #tpu.memory_space<hbm>> -> memref<800x32xf32, #tpu.memory_space<hbm>>
    %dma_start3A_1414 = arith.constant 0 : i32
    %dma_start3A_1415 = arith.constant 0 : i32
    %dma_start3A_1416 = tpu.memref_slice %arg6[%dma_start3A_1405, %dma_start3A_1414, %dma_start3A_1415] : memref<4x800x32xf32, #tpu.memory_space<vmem>> -> memref<1x800x32xf32, #tpu.memory_space<vmem>>
    %dma_start3A_1417 = tpu.memref_squeeze %dma_start3A_1416 : memref<1x800x32xf32, #tpu.memory_space<vmem>> -> memref<800x32xf32, #tpu.memory_space<vmem>>
    tpu.enqueue_dma source(%dma_start3A_1417 : memref<800x32xf32, #tpu.memory_space<vmem>>) target(%dma_start3A_1413 : memref<800x32xf32, #tpu.memory_space<hbm>>) target_semaphore(%arg17 : memref<!tpu.dma_semaphore, #tpu.memory_space<semaphore_mem>>)
    %add3A_1418 = arith.constant 17600 : i32
    %add3A_1419 = arith.addi %mul3A_2, %add3A_1418 : i32
    %dma_start3A_1420 = arith.constant 2 : i32
    %dma_start3A_1421 = arith.constant 0 : i32
    %dma_start3A_1422 = tpu.memref_slice %arg5[%dma_start3A_1420, %dma_start3A_1421] : memref<4x800xi32, #tpu.memory_space<vmem>> -> memref<1x800xi32, #tpu.memory_space<vmem>>
    %dma_start3A_1423 = tpu.memref_squeeze %dma_start3A_1422 : memref<1x800xi32, #tpu.memory_space<vmem>> -> memref<800xi32, #tpu.memory_space<vmem>>
    %dma_start3A_1424 = tpu.memref_slice %arg3[%add3A_1419] : memref<819200xi32, #tpu.memory_space<hbm>> -> memref<800xi32, #tpu.memory_space<hbm>>
    %dma_start3A_1425 = arith.constant 0 : i32
    %dma_start3A_1426 = tpu.memref_slice %arg5[%dma_start3A_1420, %dma_start3A_1425] : memref<4x800xi32, #tpu.memory_space<vmem>> -> memref<1x800xi32, #tpu.memory_space<vmem>>
    %dma_start3A_1427 = tpu.memref_squeeze %dma_start3A_1426 : memref<1x800xi32, #tpu.memory_space<vmem>> -> memref<800xi32, #tpu.memory_space<vmem>>
    %dma_start3A_1428 = tpu.memref_slice %arg3[%add3A_1419] : memref<819200xi32, #tpu.memory_space<hbm>> -> memref<800xi32, #tpu.memory_space<hbm>>
    tpu.enqueue_dma source(%dma_start3A_1428 : memref<800xi32, #tpu.memory_space<hbm>>) target(%dma_start3A_1427 : memref<800xi32, #tpu.memory_space<vmem>>) target_semaphore(%arg9 : memref<!tpu.dma_semaphore, #tpu.memory_space<semaphore_mem>>)
    %dma_wait3A_1429 = arith.constant 1 : i32
    %dma_wait3A_1430 = arith.constant 0 : i32
    %dma_wait3A_1431 = arith.constant 0 : i32
    %dma_wait3A_1432 = tpu.memref_slice %arg6[%dma_wait3A_1429, %dma_wait3A_1430, %dma_wait3A_1431] : memref<4x800x32xf32, #tpu.memory_space<vmem>> -> memref<1x800x32xf32, #tpu.memory_space<vmem>>
    %dma_wait3A_1433 = tpu.memref_squeeze %dma_wait3A_1432 : memref<1x800x32xf32, #tpu.memory_space<vmem>> -> memref<800x32xf32, #tpu.memory_space<vmem>>
    %dma_wait3A_1434 = arith.constant 0 : i32
    %dma_wait3A_1435 = tpu.memref_slice %arg4[%add3A_1332, %dma_wait3A_1434] : memref<819200x32xf32, #tpu.memory_space<hbm>> -> memref<800x32xf32, #tpu.memory_space<hbm>>
    %dma_wait3A_1436 = arith.constant 0 : i32
    %dma_wait3A_1437 = tpu.memref_slice %arg4[%add3A_1332, %dma_wait3A_1436] : memref<819200x32xf32, #tpu.memory_space<hbm>> -> memref<800x32xf32, #tpu.memory_space<hbm>>
    %dma_wait3A_1438 = arith.constant 0 : i32
    %dma_wait3A_1439 = arith.constant 0 : i32
    %dma_wait3A_1440 = tpu.memref_slice %arg6[%dma_wait3A_1429, %dma_wait3A_1438, %dma_wait3A_1439] : memref<4x800x32xf32, #tpu.memory_space<vmem>> -> memref<1x800x32xf32, #tpu.memory_space<vmem>>
    %dma_wait3A_1441 = tpu.memref_squeeze %dma_wait3A_1440 : memref<1x800x32xf32, #tpu.memory_space<vmem>> -> memref<800x32xf32, #tpu.memory_space<vmem>>
    tpu.wait_dma2 semaphore(%arg16 : memref<!tpu.dma_semaphore, #tpu.memory_space<semaphore_mem>>) src(%dma_wait3A_1441 : memref<800x32xf32, #tpu.memory_space<vmem>>) dst(%dma_wait3A_1437 : memref<800x32xf32, #tpu.memory_space<hbm>>)
    %dma_wait3A_1442 = arith.constant 1 : i32
    %dma_wait3A_1443 = arith.constant 0 : i32
    %dma_wait3A_1444 = tpu.memref_slice %arg5[%dma_wait3A_1442, %dma_wait3A_1443] : memref<4x800xi32, #tpu.memory_space<vmem>> -> memref<1x800xi32, #tpu.memory_space<vmem>>
    %dma_wait3A_1445 = tpu.memref_squeeze %dma_wait3A_1444 : memref<1x800xi32, #tpu.memory_space<vmem>> -> memref<800xi32, #tpu.memory_space<vmem>>
    %dma_wait3A_1446 = tpu.memref_slice %arg3[%add3A_1347] : memref<819200xi32, #tpu.memory_space<hbm>> -> memref<800xi32, #tpu.memory_space<hbm>>
    %dma_wait3A_1447 = arith.constant 0 : i32
    %dma_wait3A_1448 = tpu.memref_slice %arg5[%dma_wait3A_1442, %dma_wait3A_1447] : memref<4x800xi32, #tpu.memory_space<vmem>> -> memref<1x800xi32, #tpu.memory_space<vmem>>
    %dma_wait3A_1449 = tpu.memref_squeeze %dma_wait3A_1448 : memref<1x800xi32, #tpu.memory_space<vmem>> -> memref<800xi32, #tpu.memory_space<vmem>>
    %dma_wait3A_1450 = tpu.memref_slice %arg3[%add3A_1347] : memref<819200xi32, #tpu.memory_space<hbm>> -> memref<800xi32, #tpu.memory_space<hbm>>
    tpu.wait_dma2 semaphore(%arg8 : memref<!tpu.dma_semaphore, #tpu.memory_space<semaphore_mem>>) src(%dma_wait3A_1450 : memref<800xi32, #tpu.memory_space<hbm>>) dst(%dma_wait3A_1449 : memref<800xi32, #tpu.memory_space<vmem>>)
    %dma_start3A_1451 = arith.constant 1 : i32
    %dma_start3A_1452 = arith.constant 1 : i32
    %dma_start3A_1453 = arith.constant 0 : i32
    %dma_start3A_1454 = arith.constant 0 : i32
    %dma_start3A_1455 = tpu.memref_slice %arg6[%dma_start3A_1452, %dma_start3A_1453, %dma_start3A_1454] : memref<4x800x32xf32, #tpu.memory_space<vmem>> -> memref<1x800x32xf32, #tpu.memory_space<vmem>>
    %dma_start3A_1456 = tpu.memref_squeeze %dma_start3A_1455 : memref<1x800x32xf32, #tpu.memory_space<vmem>> -> memref<800x32xf32, #tpu.memory_space<vmem>>
    %dma_start3A_1457 = arith.constant 0 : i32
    %dma_start3A_1458 = tpu.memref_slice %arg5[%dma_start3A_1451, %dma_start3A_1457] : memref<4x800xi32, #tpu.memory_space<vmem>> -> memref<1x800xi32, #tpu.memory_space<vmem>>
    %dma_start3A_1459 = tpu.memref_squeeze %dma_start3A_1458 : memref<1x800xi32, #tpu.memory_space<vmem>> -> memref<800xi32, #tpu.memory_space<vmem>>
    %dma_start3A_1460 = arith.constant 0 : i32
    %dma_start3A_1461 = arith.constant 0 : i32
    %dma_start3A_1462 = tpu.memref_slice %arg2[%dma_start3A_1460, %dma_start3A_1461] : memref<1000000x32xf32, #tpu.memory_space<hbm>> -> memref<1000000x32xf32, #tpu.memory_space<hbm>>
    tpu.enqueue_indirect_dma source(%dma_start3A_1462 : memref<1000000x32xf32, #tpu.memory_space<hbm>>) target(%dma_start3A_1456 : memref<800x32xf32, #tpu.memory_space<vmem>>) offsets(%dma_start3A_1459 : memref<800xi32, #tpu.memory_space<vmem>>) semaphore(%arg12 : memref<!tpu.dma_semaphore, #tpu.memory_space<semaphore_mem>>)
    %dma_wait3A_1463 = arith.constant 3 : i32
    %dma_wait3A_1464 = arith.constant 3 : i32
    %dma_wait3A_1465 = arith.constant 0 : i32
    %dma_wait3A_1466 = arith.constant 0 : i32
    %dma_wait3A_1467 = tpu.memref_slice %arg6[%dma_wait3A_1464, %dma_wait3A_1465, %dma_wait3A_1466] : memref<4x800x32xf32, #tpu.memory_space<vmem>> -> memref<1x800x32xf32, #tpu.memory_space<vmem>>
    %dma_wait3A_1468 = tpu.memref_squeeze %dma_wait3A_1467 : memref<1x800x32xf32, #tpu.memory_space<vmem>> -> memref<800x32xf32, #tpu.memory_space<vmem>>
    %dma_wait3A_1469 = arith.constant 0 : i32
    %dma_wait3A_1470 = tpu.memref_slice %arg5[%dma_wait3A_1463, %dma_wait3A_1469] : memref<4x800xi32, #tpu.memory_space<vmem>> -> memref<1x800xi32, #tpu.memory_space<vmem>>
    %dma_wait3A_1471 = tpu.memref_squeeze %dma_wait3A_1470 : memref<1x800xi32, #tpu.memory_space<vmem>> -> memref<800xi32, #tpu.memory_space<vmem>>
    %dma_wait3A_1472 = arith.constant 0 : i32
    %dma_wait3A_1473 = arith.constant 0 : i32
    %dma_wait3A_1474 = tpu.memref_slice %arg2[%dma_wait3A_1472, %dma_wait3A_1473] : memref<1000000x32xf32, #tpu.memory_space<hbm>> -> memref<1000000x32xf32, #tpu.memory_space<hbm>>
    tpu.wait_indirect_dma semaphore(%arg14 : memref<!tpu.dma_semaphore, #tpu.memory_space<semaphore_mem>>) src(%dma_wait3A_1474 : memref<1000000x32xf32, #tpu.memory_space<hbm>>) dst(%dma_wait3A_1468 : memref<800x32xf32, #tpu.memory_space<vmem>>)
    %add3A_1475 = arith.constant 15200 : i32
    %add3A_1476 = arith.addi %mul3A_2, %add3A_1475 : i32
    %dma_start3A_1477 = arith.constant 3 : i32
    %dma_start3A_1478 = arith.constant 0 : i32
    %dma_start3A_1479 = arith.constant 0 : i32
    %dma_start3A_1480 = tpu.memref_slice %arg6[%dma_start3A_1477, %dma_start3A_1478, %dma_start3A_1479] : memref<4x800x32xf32, #tpu.memory_space<vmem>> -> memref<1x800x32xf32, #tpu.memory_space<vmem>>
    %dma_start3A_1481 = tpu.memref_squeeze %dma_start3A_1480 : memref<1x800x32xf32, #tpu.memory_space<vmem>> -> memref<800x32xf32, #tpu.memory_space<vmem>>
    %dma_start3A_1482 = arith.constant 0 : i32
    %dma_start3A_1483 = tpu.memref_slice %arg4[%add3A_1476, %dma_start3A_1482] : memref<819200x32xf32, #tpu.memory_space<hbm>> -> memref<800x32xf32, #tpu.memory_space<hbm>>
    %dma_start3A_1484 = arith.constant 0 : i32
    %dma_start3A_1485 = tpu.memref_slice %arg4[%add3A_1476, %dma_start3A_1484] : memref<819200x32xf32, #tpu.memory_space<hbm>> -> memref<800x32xf32, #tpu.memory_space<hbm>>
    %dma_start3A_1486 = arith.constant 0 : i32
    %dma_start3A_1487 = arith.constant 0 : i32
    %dma_start3A_1488 = tpu.memref_slice %arg6[%dma_start3A_1477, %dma_start3A_1486, %dma_start3A_1487] : memref<4x800x32xf32, #tpu.memory_space<vmem>> -> memref<1x800x32xf32, #tpu.memory_space<vmem>>
    %dma_start3A_1489 = tpu.memref_squeeze %dma_start3A_1488 : memref<1x800x32xf32, #tpu.memory_space<vmem>> -> memref<800x32xf32, #tpu.memory_space<vmem>>
    tpu.enqueue_dma source(%dma_start3A_1489 : memref<800x32xf32, #tpu.memory_space<vmem>>) target(%dma_start3A_1485 : memref<800x32xf32, #tpu.memory_space<hbm>>) target_semaphore(%arg18 : memref<!tpu.dma_semaphore, #tpu.memory_space<semaphore_mem>>)
    %add3A_1490 = arith.constant 18400 : i32
    %add3A_1491 = arith.addi %mul3A_2, %add3A_1490 : i32
    %dma_start3A_1492 = arith.constant 3 : i32
    %dma_start3A_1493 = arith.constant 0 : i32
    %dma_start3A_1494 = tpu.memref_slice %arg5[%dma_start3A_1492, %dma_start3A_1493] : memref<4x800xi32, #tpu.memory_space<vmem>> -> memref<1x800xi32, #tpu.memory_space<vmem>>
    %dma_start3A_1495 = tpu.memref_squeeze %dma_start3A_1494 : memref<1x800xi32, #tpu.memory_space<vmem>> -> memref<800xi32, #tpu.memory_space<vmem>>
    %dma_start3A_1496 = tpu.memref_slice %arg3[%add3A_1491] : memref<819200xi32, #tpu.memory_space<hbm>> -> memref<800xi32, #tpu.memory_space<hbm>>
    %dma_start3A_1497 = arith.constant 0 : i32
    %dma_start3A_1498 = tpu.memref_slice %arg5[%dma_start3A_1492, %dma_start3A_1497] : memref<4x800xi32, #tpu.memory_space<vmem>> -> memref<1x800xi32, #tpu.memory_space<vmem>>
    %dma_start3A_1499 = tpu.memref_squeeze %dma_start3A_1498 : memref<1x800xi32, #tpu.memory_space<vmem>> -> memref<800xi32, #tpu.memory_space<vmem>>
    %dma_start3A_1500 = tpu.memref_slice %arg3[%add3A_1491] : memref<819200xi32, #tpu.memory_space<hbm>> -> memref<800xi32, #tpu.memory_space<hbm>>
    tpu.enqueue_dma source(%dma_start3A_1500 : memref<800xi32, #tpu.memory_space<hbm>>) target(%dma_start3A_1499 : memref<800xi32, #tpu.memory_space<vmem>>) target_semaphore(%arg10 : memref<!tpu.dma_semaphore, #tpu.memory_space<semaphore_mem>>)
    %dma_wait3A_1501 = arith.constant 2 : i32
    %dma_wait3A_1502 = arith.constant 0 : i32
    %dma_wait3A_1503 = arith.constant 0 : i32
    %dma_wait3A_1504 = tpu.memref_slice %arg6[%dma_wait3A_1501, %dma_wait3A_1502, %dma_wait3A_1503] : memref<4x800x32xf32, #tpu.memory_space<vmem>> -> memref<1x800x32xf32, #tpu.memory_space<vmem>>
    %dma_wait3A_1505 = tpu.memref_squeeze %dma_wait3A_1504 : memref<1x800x32xf32, #tpu.memory_space<vmem>> -> memref<800x32xf32, #tpu.memory_space<vmem>>
    %dma_wait3A_1506 = arith.constant 0 : i32
    %dma_wait3A_1507 = tpu.memref_slice %arg4[%add3A_1404, %dma_wait3A_1506] : memref<819200x32xf32, #tpu.memory_space<hbm>> -> memref<800x32xf32, #tpu.memory_space<hbm>>
    %dma_wait3A_1508 = arith.constant 0 : i32
    %dma_wait3A_1509 = tpu.memref_slice %arg4[%add3A_1404, %dma_wait3A_1508] : memref<819200x32xf32, #tpu.memory_space<hbm>> -> memref<800x32xf32, #tpu.memory_space<hbm>>
    %dma_wait3A_1510 = arith.constant 0 : i32
    %dma_wait3A_1511 = arith.constant 0 : i32
    %dma_wait3A_1512 = tpu.memref_slice %arg6[%dma_wait3A_1501, %dma_wait3A_1510, %dma_wait3A_1511] : memref<4x800x32xf32, #tpu.memory_space<vmem>> -> memref<1x800x32xf32, #tpu.memory_space<vmem>>
    %dma_wait3A_1513 = tpu.memref_squeeze %dma_wait3A_1512 : memref<1x800x32xf32, #tpu.memory_space<vmem>> -> memref<800x32xf32, #tpu.memory_space<vmem>>
    tpu.wait_dma2 semaphore(%arg17 : memref<!tpu.dma_semaphore, #tpu.memory_space<semaphore_mem>>) src(%dma_wait3A_1513 : memref<800x32xf32, #tpu.memory_space<vmem>>) dst(%dma_wait3A_1509 : memref<800x32xf32, #tpu.memory_space<hbm>>)
    %dma_wait3A_1514 = arith.constant 2 : i32
    %dma_wait3A_1515 = arith.constant 0 : i32
    %dma_wait3A_1516 = tpu.memref_slice %arg5[%dma_wait3A_1514, %dma_wait3A_1515] : memref<4x800xi32, #tpu.memory_space<vmem>> -> memref<1x800xi32, #tpu.memory_space<vmem>>
    %dma_wait3A_1517 = tpu.memref_squeeze %dma_wait3A_1516 : memref<1x800xi32, #tpu.memory_space<vmem>> -> memref<800xi32, #tpu.memory_space<vmem>>
    %dma_wait3A_1518 = tpu.memref_slice %arg3[%add3A_1419] : memref<819200xi32, #tpu.memory_space<hbm>> -> memref<800xi32, #tpu.memory_space<hbm>>
    %dma_wait3A_1519 = arith.constant 0 : i32
    %dma_wait3A_1520 = tpu.memref_slice %arg5[%dma_wait3A_1514, %dma_wait3A_1519] : memref<4x800xi32, #tpu.memory_space<vmem>> -> memref<1x800xi32, #tpu.memory_space<vmem>>
    %dma_wait3A_1521 = tpu.memref_squeeze %dma_wait3A_1520 : memref<1x800xi32, #tpu.memory_space<vmem>> -> memref<800xi32, #tpu.memory_space<vmem>>
    %dma_wait3A_1522 = tpu.memref_slice %arg3[%add3A_1419] : memref<819200xi32, #tpu.memory_space<hbm>> -> memref<800xi32, #tpu.memory_space<hbm>>
    tpu.wait_dma2 semaphore(%arg9 : memref<!tpu.dma_semaphore, #tpu.memory_space<semaphore_mem>>) src(%dma_wait3A_1522 : memref<800xi32, #tpu.memory_space<hbm>>) dst(%dma_wait3A_1521 : memref<800xi32, #tpu.memory_space<vmem>>)
    %dma_start3A_1523 = arith.constant 2 : i32
    %dma_start3A_1524 = arith.constant 2 : i32
    %dma_start3A_1525 = arith.constant 0 : i32
    %dma_start3A_1526 = arith.constant 0 : i32
    %dma_start3A_1527 = tpu.memref_slice %arg6[%dma_start3A_1524, %dma_start3A_1525, %dma_start3A_1526] : memref<4x800x32xf32, #tpu.memory_space<vmem>> -> memref<1x800x32xf32, #tpu.memory_space<vmem>>
    %dma_start3A_1528 = tpu.memref_squeeze %dma_start3A_1527 : memref<1x800x32xf32, #tpu.memory_space<vmem>> -> memref<800x32xf32, #tpu.memory_space<vmem>>
    %dma_start3A_1529 = arith.constant 0 : i32
    %dma_start3A_1530 = tpu.memref_slice %arg5[%dma_start3A_1523, %dma_start3A_1529] : memref<4x800xi32, #tpu.memory_space<vmem>> -> memref<1x800xi32, #tpu.memory_space<vmem>>
    %dma_start3A_1531 = tpu.memref_squeeze %dma_start3A_1530 : memref<1x800xi32, #tpu.memory_space<vmem>> -> memref<800xi32, #tpu.memory_space<vmem>>
    %dma_start3A_1532 = arith.constant 0 : i32
    %dma_start3A_1533 = arith.constant 0 : i32
    %dma_start3A_1534 = tpu.memref_slice %arg2[%dma_start3A_1532, %dma_start3A_1533] : memref<1000000x32xf32, #tpu.memory_space<hbm>> -> memref<1000000x32xf32, #tpu.memory_space<hbm>>
    tpu.enqueue_indirect_dma source(%dma_start3A_1534 : memref<1000000x32xf32, #tpu.memory_space<hbm>>) target(%dma_start3A_1528 : memref<800x32xf32, #tpu.memory_space<vmem>>) offsets(%dma_start3A_1531 : memref<800xi32, #tpu.memory_space<vmem>>) semaphore(%arg13 : memref<!tpu.dma_semaphore, #tpu.memory_space<semaphore_mem>>)
    %dma_wait3A_1535 = arith.constant 0 : i32
    %dma_wait3A_1536 = arith.constant 0 : i32
    %dma_wait3A_1537 = arith.constant 0 : i32
    %dma_wait3A_1538 = arith.constant 0 : i32
    %dma_wait3A_1539 = tpu.memref_slice %arg6[%dma_wait3A_1536, %dma_wait3A_1537, %dma_wait3A_1538] : memref<4x800x32xf32, #tpu.memory_space<vmem>> -> memref<1x800x32xf32, #tpu.memory_space<vmem>>
    %dma_wait3A_1540 = tpu.memref_squeeze %dma_wait3A_1539 : memref<1x800x32xf32, #tpu.memory_space<vmem>> -> memref<800x32xf32, #tpu.memory_space<vmem>>
    %dma_wait3A_1541 = arith.constant 0 : i32
    %dma_wait3A_1542 = tpu.memref_slice %arg5[%dma_wait3A_1535, %dma_wait3A_1541] : memref<4x800xi32, #tpu.memory_space<vmem>> -> memref<1x800xi32, #tpu.memory_space<vmem>>
    %dma_wait3A_1543 = tpu.memref_squeeze %dma_wait3A_1542 : memref<1x800xi32, #tpu.memory_space<vmem>> -> memref<800xi32, #tpu.memory_space<vmem>>
    %dma_wait3A_1544 = arith.constant 0 : i32
    %dma_wait3A_1545 = arith.constant 0 : i32
    %dma_wait3A_1546 = tpu.memref_slice %arg2[%dma_wait3A_1544, %dma_wait3A_1545] : memref<1000000x32xf32, #tpu.memory_space<hbm>> -> memref<1000000x32xf32, #tpu.memory_space<hbm>>
    tpu.wait_indirect_dma semaphore(%arg11 : memref<!tpu.dma_semaphore, #tpu.memory_space<semaphore_mem>>) src(%dma_wait3A_1546 : memref<1000000x32xf32, #tpu.memory_space<hbm>>) dst(%dma_wait3A_1540 : memref<800x32xf32, #tpu.memory_space<vmem>>)
    %add3A_1547 = arith.constant 16000 : i32
    %add3A_1548 = arith.addi %mul3A_2, %add3A_1547 : i32
    %dma_start3A_1549 = arith.constant 0 : i32
    %dma_start3A_1550 = arith.constant 0 : i32
    %dma_start3A_1551 = arith.constant 0 : i32
    %dma_start3A_1552 = tpu.memref_slice %arg6[%dma_start3A_1549, %dma_start3A_1550, %dma_start3A_1551] : memref<4x800x32xf32, #tpu.memory_space<vmem>> -> memref<1x800x32xf32, #tpu.memory_space<vmem>>
    %dma_start3A_1553 = tpu.memref_squeeze %dma_start3A_1552 : memref<1x800x32xf32, #tpu.memory_space<vmem>> -> memref<800x32xf32, #tpu.memory_space<vmem>>
    %dma_start3A_1554 = arith.constant 0 : i32
    %dma_start3A_1555 = tpu.memref_slice %arg4[%add3A_1548, %dma_start3A_1554] : memref<819200x32xf32, #tpu.memory_space<hbm>> -> memref<800x32xf32, #tpu.memory_space<hbm>>
    %dma_start3A_1556 = arith.constant 0 : i32
    %dma_start3A_1557 = tpu.memref_slice %arg4[%add3A_1548, %dma_start3A_1556] : memref<819200x32xf32, #tpu.memory_space<hbm>> -> memref<800x32xf32, #tpu.memory_space<hbm>>
    %dma_start3A_1558 = arith.constant 0 : i32
    %dma_start3A_1559 = arith.constant 0 : i32
    %dma_start3A_1560 = tpu.memref_slice %arg6[%dma_start3A_1549, %dma_start3A_1558, %dma_start3A_1559] : memref<4x800x32xf32, #tpu.memory_space<vmem>> -> memref<1x800x32xf32, #tpu.memory_space<vmem>>
    %dma_start3A_1561 = tpu.memref_squeeze %dma_start3A_1560 : memref<1x800x32xf32, #tpu.memory_space<vmem>> -> memref<800x32xf32, #tpu.memory_space<vmem>>
    tpu.enqueue_dma source(%dma_start3A_1561 : memref<800x32xf32, #tpu.memory_space<vmem>>) target(%dma_start3A_1557 : memref<800x32xf32, #tpu.memory_space<hbm>>) target_semaphore(%arg15 : memref<!tpu.dma_semaphore, #tpu.memory_space<semaphore_mem>>)
    %add3A_1562 = arith.constant 19200 : i32
    %add3A_1563 = arith.addi %mul3A_2, %add3A_1562 : i32
    %dma_start3A_1564 = arith.constant 0 : i32
    %dma_start3A_1565 = arith.constant 0 : i32
    %dma_start3A_1566 = tpu.memref_slice %arg5[%dma_start3A_1564, %dma_start3A_1565] : memref<4x800xi32, #tpu.memory_space<vmem>> -> memref<1x800xi32, #tpu.memory_space<vmem>>
    %dma_start3A_1567 = tpu.memref_squeeze %dma_start3A_1566 : memref<1x800xi32, #tpu.memory_space<vmem>> -> memref<800xi32, #tpu.memory_space<vmem>>
    %dma_start3A_1568 = tpu.memref_slice %arg3[%add3A_1563] : memref<819200xi32, #tpu.memory_space<hbm>> -> memref<800xi32, #tpu.memory_space<hbm>>
    %dma_start3A_1569 = arith.constant 0 : i32
    %dma_start3A_1570 = tpu.memref_slice %arg5[%dma_start3A_1564, %dma_start3A_1569] : memref<4x800xi32, #tpu.memory_space<vmem>> -> memref<1x800xi32, #tpu.memory_space<vmem>>
    %dma_start3A_1571 = tpu.memref_squeeze %dma_start3A_1570 : memref<1x800xi32, #tpu.memory_space<vmem>> -> memref<800xi32, #tpu.memory_space<vmem>>
    %dma_start3A_1572 = tpu.memref_slice %arg3[%add3A_1563] : memref<819200xi32, #tpu.memory_space<hbm>> -> memref<800xi32, #tpu.memory_space<hbm>>
    tpu.enqueue_dma source(%dma_start3A_1572 : memref<800xi32, #tpu.memory_space<hbm>>) target(%dma_start3A_1571 : memref<800xi32, #tpu.memory_space<vmem>>) target_semaphore(%arg7 : memref<!tpu.dma_semaphore, #tpu.memory_space<semaphore_mem>>)
    %dma_wait3A_1573 = arith.constant 3 : i32
    %dma_wait3A_1574 = arith.constant 0 : i32
    %dma_wait3A_1575 = arith.constant 0 : i32
    %dma_wait3A_1576 = tpu.memref_slice %arg6[%dma_wait3A_1573, %dma_wait3A_1574, %dma_wait3A_1575] : memref<4x800x32xf32, #tpu.memory_space<vmem>> -> memref<1x800x32xf32, #tpu.memory_space<vmem>>
    %dma_wait3A_1577 = tpu.memref_squeeze %dma_wait3A_1576 : memref<1x800x32xf32, #tpu.memory_space<vmem>> -> memref<800x32xf32, #tpu.memory_space<vmem>>
    %dma_wait3A_1578 = arith.constant 0 : i32
    %dma_wait3A_1579 = tpu.memref_slice %arg4[%add3A_1476, %dma_wait3A_1578] : memref<819200x32xf32, #tpu.memory_space<hbm>> -> memref<800x32xf32, #tpu.memory_space<hbm>>
    %dma_wait3A_1580 = arith.constant 0 : i32
    %dma_wait3A_1581 = tpu.memref_slice %arg4[%add3A_1476, %dma_wait3A_1580] : memref<819200x32xf32, #tpu.memory_space<hbm>> -> memref<800x32xf32, #tpu.memory_space<hbm>>
    %dma_wait3A_1582 = arith.constant 0 : i32
    %dma_wait3A_1583 = arith.constant 0 : i32
    %dma_wait3A_1584 = tpu.memref_slice %arg6[%dma_wait3A_1573, %dma_wait3A_1582, %dma_wait3A_1583] : memref<4x800x32xf32, #tpu.memory_space<vmem>> -> memref<1x800x32xf32, #tpu.memory_space<vmem>>
    %dma_wait3A_1585 = tpu.memref_squeeze %dma_wait3A_1584 : memref<1x800x32xf32, #tpu.memory_space<vmem>> -> memref<800x32xf32, #tpu.memory_space<vmem>>
    tpu.wait_dma2 semaphore(%arg18 : memref<!tpu.dma_semaphore, #tpu.memory_space<semaphore_mem>>) src(%dma_wait3A_1585 : memref<800x32xf32, #tpu.memory_space<vmem>>) dst(%dma_wait3A_1581 : memref<800x32xf32, #tpu.memory_space<hbm>>)
    %dma_wait3A_1586 = arith.constant 3 : i32
    %dma_wait3A_1587 = arith.constant 0 : i32
    %dma_wait3A_1588 = tpu.memref_slice %arg5[%dma_wait3A_1586, %dma_wait3A_1587] : memref<4x800xi32, #tpu.memory_space<vmem>> -> memref<1x800xi32, #tpu.memory_space<vmem>>
    %dma_wait3A_1589 = tpu.memref_squeeze %dma_wait3A_1588 : memref<1x800xi32, #tpu.memory_space<vmem>> -> memref<800xi32, #tpu.memory_space<vmem>>
    %dma_wait3A_1590 = tpu.memref_slice %arg3[%add3A_1491] : memref<819200xi32, #tpu.memory_space<hbm>> -> memref<800xi32, #tpu.memory_space<hbm>>
    %dma_wait3A_1591 = arith.constant 0 : i32
    %dma_wait3A_1592 = tpu.memref_slice %arg5[%dma_wait3A_1586, %dma_wait3A_1591] : memref<4x800xi32, #tpu.memory_space<vmem>> -> memref<1x800xi32, #tpu.memory_space<vmem>>
    %dma_wait3A_1593 = tpu.memref_squeeze %dma_wait3A_1592 : memref<1x800xi32, #tpu.memory_space<vmem>> -> memref<800xi32, #tpu.memory_space<vmem>>
    %dma_wait3A_1594 = tpu.memref_slice %arg3[%add3A_1491] : memref<819200xi32, #tpu.memory_space<hbm>> -> memref<800xi32, #tpu.memory_space<hbm>>
    tpu.wait_dma2 semaphore(%arg10 : memref<!tpu.dma_semaphore, #tpu.memory_space<semaphore_mem>>) src(%dma_wait3A_1594 : memref<800xi32, #tpu.memory_space<hbm>>) dst(%dma_wait3A_1593 : memref<800xi32, #tpu.memory_space<vmem>>)
    %dma_start3A_1595 = arith.constant 3 : i32
    %dma_start3A_1596 = arith.constant 3 : i32
    %dma_start3A_1597 = arith.constant 0 : i32
    %dma_start3A_1598 = arith.constant 0 : i32
    %dma_start3A_1599 = tpu.memref_slice %arg6[%dma_start3A_1596, %dma_start3A_1597, %dma_start3A_1598] : memref<4x800x32xf32, #tpu.memory_space<vmem>> -> memref<1x800x32xf32, #tpu.memory_space<vmem>>
    %dma_start3A_1600 = tpu.memref_squeeze %dma_start3A_1599 : memref<1x800x32xf32, #tpu.memory_space<vmem>> -> memref<800x32xf32, #tpu.memory_space<vmem>>
    %dma_start3A_1601 = arith.constant 0 : i32
    %dma_start3A_1602 = tpu.memref_slice %arg5[%dma_start3A_1595, %dma_start3A_1601] : memref<4x800xi32, #tpu.memory_space<vmem>> -> memref<1x800xi32, #tpu.memory_space<vmem>>
    %dma_start3A_1603 = tpu.memref_squeeze %dma_start3A_1602 : memref<1x800xi32, #tpu.memory_space<vmem>> -> memref<800xi32, #tpu.memory_space<vmem>>
    %dma_start3A_1604 = arith.constant 0 : i32
    %dma_start3A_1605 = arith.constant 0 : i32
    %dma_start3A_1606 = tpu.memref_slice %arg2[%dma_start3A_1604, %dma_start3A_1605] : memref<1000000x32xf32, #tpu.memory_space<hbm>> -> memref<1000000x32xf32, #tpu.memory_space<hbm>>
    tpu.enqueue_indirect_dma source(%dma_start3A_1606 : memref<1000000x32xf32, #tpu.memory_space<hbm>>) target(%dma_start3A_1600 : memref<800x32xf32, #tpu.memory_space<vmem>>) offsets(%dma_start3A_1603 : memref<800xi32, #tpu.memory_space<vmem>>) semaphore(%arg14 : memref<!tpu.dma_semaphore, #tpu.memory_space<semaphore_mem>>)
    %dma_wait3A_1607 = arith.constant 1 : i32
    %dma_wait3A_1608 = arith.constant 1 : i32
    %dma_wait3A_1609 = arith.constant 0 : i32
    %dma_wait3A_1610 = arith.constant 0 : i32
    %dma_wait3A_1611 = tpu.memref_slice %arg6[%dma_wait3A_1608, %dma_wait3A_1609, %dma_wait3A_1610] : memref<4x800x32xf32, #tpu.memory_space<vmem>> -> memref<1x800x32xf32, #tpu.memory_space<vmem>>
    %dma_wait3A_1612 = tpu.memref_squeeze %dma_wait3A_1611 : memref<1x800x32xf32, #tpu.memory_space<vmem>> -> memref<800x32xf32, #tpu.memory_space<vmem>>
    %dma_wait3A_1613 = arith.constant 0 : i32
    %dma_wait3A_1614 = tpu.memref_slice %arg5[%dma_wait3A_1607, %dma_wait3A_1613] : memref<4x800xi32, #tpu.memory_space<vmem>> -> memref<1x800xi32, #tpu.memory_space<vmem>>
    %dma_wait3A_1615 = tpu.memref_squeeze %dma_wait3A_1614 : memref<1x800xi32, #tpu.memory_space<vmem>> -> memref<800xi32, #tpu.memory_space<vmem>>
    %dma_wait3A_1616 = arith.constant 0 : i32
    %dma_wait3A_1617 = arith.constant 0 : i32
    %dma_wait3A_1618 = tpu.memref_slice %arg2[%dma_wait3A_1616, %dma_wait3A_1617] : memref<1000000x32xf32, #tpu.memory_space<hbm>> -> memref<1000000x32xf32, #tpu.memory_space<hbm>>
    tpu.wait_indirect_dma semaphore(%arg12 : memref<!tpu.dma_semaphore, #tpu.memory_space<semaphore_mem>>) src(%dma_wait3A_1618 : memref<1000000x32xf32, #tpu.memory_space<hbm>>) dst(%dma_wait3A_1612 : memref<800x32xf32, #tpu.memory_space<vmem>>)
    %add3A_1619 = arith.constant 16800 : i32
    %add3A_1620 = arith.addi %mul3A_2, %add3A_1619 : i32
    %dma_start3A_1621 = arith.constant 1 : i32
    %dma_start3A_1622 = arith.constant 0 : i32
    %dma_start3A_1623 = arith.constant 0 : i32
    %dma_start3A_1624 = tpu.memref_slice %arg6[%dma_start3A_1621, %dma_start3A_1622, %dma_start3A_1623] : memref<4x800x32xf32, #tpu.memory_space<vmem>> -> memref<1x800x32xf32, #tpu.memory_space<vmem>>
    %dma_start3A_1625 = tpu.memref_squeeze %dma_start3A_1624 : memref<1x800x32xf32, #tpu.memory_space<vmem>> -> memref<800x32xf32, #tpu.memory_space<vmem>>
    %dma_start3A_1626 = arith.constant 0 : i32
    %dma_start3A_1627 = tpu.memref_slice %arg4[%add3A_1620, %dma_start3A_1626] : memref<819200x32xf32, #tpu.memory_space<hbm>> -> memref<800x32xf32, #tpu.memory_space<hbm>>
    %dma_start3A_1628 = arith.constant 0 : i32
    %dma_start3A_1629 = tpu.memref_slice %arg4[%add3A_1620, %dma_start3A_1628] : memref<819200x32xf32, #tpu.memory_space<hbm>> -> memref<800x32xf32, #tpu.memory_space<hbm>>
    %dma_start3A_1630 = arith.constant 0 : i32
    %dma_start3A_1631 = arith.constant 0 : i32
    %dma_start3A_1632 = tpu.memref_slice %arg6[%dma_start3A_1621, %dma_start3A_1630, %dma_start3A_1631] : memref<4x800x32xf32, #tpu.memory_space<vmem>> -> memref<1x800x32xf32, #tpu.memory_space<vmem>>
    %dma_start3A_1633 = tpu.memref_squeeze %dma_start3A_1632 : memref<1x800x32xf32, #tpu.memory_space<vmem>> -> memref<800x32xf32, #tpu.memory_space<vmem>>
    tpu.enqueue_dma source(%dma_start3A_1633 : memref<800x32xf32, #tpu.memory_space<vmem>>) target(%dma_start3A_1629 : memref<800x32xf32, #tpu.memory_space<hbm>>) target_semaphore(%arg16 : memref<!tpu.dma_semaphore, #tpu.memory_space<semaphore_mem>>)
    %add3A_1634 = arith.constant 20000 : i32
    %add3A_1635 = arith.addi %mul3A_2, %add3A_1634 : i32
    %dma_start3A_1636 = arith.constant 1 : i32
    %dma_start3A_1637 = arith.constant 0 : i32
    %dma_start3A_1638 = tpu.memref_slice %arg5[%dma_start3A_1636, %dma_start3A_1637] : memref<4x800xi32, #tpu.memory_space<vmem>> -> memref<1x800xi32, #tpu.memory_space<vmem>>
    %dma_start3A_1639 = tpu.memref_squeeze %dma_start3A_1638 : memref<1x800xi32, #tpu.memory_space<vmem>> -> memref<800xi32, #tpu.memory_space<vmem>>
    %dma_start3A_1640 = tpu.memref_slice %arg3[%add3A_1635] : memref<819200xi32, #tpu.memory_space<hbm>> -> memref<800xi32, #tpu.memory_space<hbm>>
    %dma_start3A_1641 = arith.constant 0 : i32
    %dma_start3A_1642 = tpu.memref_slice %arg5[%dma_start3A_1636, %dma_start3A_1641] : memref<4x800xi32, #tpu.memory_space<vmem>> -> memref<1x800xi32, #tpu.memory_space<vmem>>
    %dma_start3A_1643 = tpu.memref_squeeze %dma_start3A_1642 : memref<1x800xi32, #tpu.memory_space<vmem>> -> memref<800xi32, #tpu.memory_space<vmem>>
    %dma_start3A_1644 = tpu.memref_slice %arg3[%add3A_1635] : memref<819200xi32, #tpu.memory_space<hbm>> -> memref<800xi32, #tpu.memory_space<hbm>>
    tpu.enqueue_dma source(%dma_start3A_1644 : memref<800xi32, #tpu.memory_space<hbm>>) target(%dma_start3A_1643 : memref<800xi32, #tpu.memory_space<vmem>>) target_semaphore(%arg8 : memref<!tpu.dma_semaphore, #tpu.memory_space<semaphore_mem>>)
    %dma_wait3A_1645 = arith.constant 0 : i32
    %dma_wait3A_1646 = arith.constant 0 : i32
    %dma_wait3A_1647 = arith.constant 0 : i32
    %dma_wait3A_1648 = tpu.memref_slice %arg6[%dma_wait3A_1645, %dma_wait3A_1646, %dma_wait3A_1647] : memref<4x800x32xf32, #tpu.memory_space<vmem>> -> memref<1x800x32xf32, #tpu.memory_space<vmem>>
    %dma_wait3A_1649 = tpu.memref_squeeze %dma_wait3A_1648 : memref<1x800x32xf32, #tpu.memory_space<vmem>> -> memref<800x32xf32, #tpu.memory_space<vmem>>
    %dma_wait3A_1650 = arith.constant 0 : i32
    %dma_wait3A_1651 = tpu.memref_slice %arg4[%add3A_1548, %dma_wait3A_1650] : memref<819200x32xf32, #tpu.memory_space<hbm>> -> memref<800x32xf32, #tpu.memory_space<hbm>>
    %dma_wait3A_1652 = arith.constant 0 : i32
    %dma_wait3A_1653 = tpu.memref_slice %arg4[%add3A_1548, %dma_wait3A_1652] : memref<819200x32xf32, #tpu.memory_space<hbm>> -> memref<800x32xf32, #tpu.memory_space<hbm>>
    %dma_wait3A_1654 = arith.constant 0 : i32
    %dma_wait3A_1655 = arith.constant 0 : i32
    %dma_wait3A_1656 = tpu.memref_slice %arg6[%dma_wait3A_1645, %dma_wait3A_1654, %dma_wait3A_1655] : memref<4x800x32xf32, #tpu.memory_space<vmem>> -> memref<1x800x32xf32, #tpu.memory_space<vmem>>
    %dma_wait3A_1657 = tpu.memref_squeeze %dma_wait3A_1656 : memref<1x800x32xf32, #tpu.memory_space<vmem>> -> memref<800x32xf32, #tpu.memory_space<vmem>>
    tpu.wait_dma2 semaphore(%arg15 : memref<!tpu.dma_semaphore, #tpu.memory_space<semaphore_mem>>) src(%dma_wait3A_1657 : memref<800x32xf32, #tpu.memory_space<vmem>>) dst(%dma_wait3A_1653 : memref<800x32xf32, #tpu.memory_space<hbm>>)
    %dma_wait3A_1658 = arith.constant 0 : i32
    %dma_wait3A_1659 = arith.constant 0 : i32
    %dma_wait3A_1660 = tpu.memref_slice %arg5[%dma_wait3A_1658, %dma_wait3A_1659] : memref<4x800xi32, #tpu.memory_space<vmem>> -> memref<1x800xi32, #tpu.memory_space<vmem>>
    %dma_wait3A_1661 = tpu.memref_squeeze %dma_wait3A_1660 : memref<1x800xi32, #tpu.memory_space<vmem>> -> memref<800xi32, #tpu.memory_space<vmem>>
    %dma_wait3A_1662 = tpu.memref_slice %arg3[%add3A_1563] : memref<819200xi32, #tpu.memory_space<hbm>> -> memref<800xi32, #tpu.memory_space<hbm>>
    %dma_wait3A_1663 = arith.constant 0 : i32
    %dma_wait3A_1664 = tpu.memref_slice %arg5[%dma_wait3A_1658, %dma_wait3A_1663] : memref<4x800xi32, #tpu.memory_space<vmem>> -> memref<1x800xi32, #tpu.memory_space<vmem>>
    %dma_wait3A_1665 = tpu.memref_squeeze %dma_wait3A_1664 : memref<1x800xi32, #tpu.memory_space<vmem>> -> memref<800xi32, #tpu.memory_space<vmem>>
    %dma_wait3A_1666 = tpu.memref_slice %arg3[%add3A_1563] : memref<819200xi32, #tpu.memory_space<hbm>> -> memref<800xi32, #tpu.memory_space<hbm>>
    tpu.wait_dma2 semaphore(%arg7 : memref<!tpu.dma_semaphore, #tpu.memory_space<semaphore_mem>>) src(%dma_wait3A_1666 : memref<800xi32, #tpu.memory_space<hbm>>) dst(%dma_wait3A_1665 : memref<800xi32, #tpu.memory_space<vmem>>)
    %dma_start3A_1667 = arith.constant 0 : i32
    %dma_start3A_1668 = arith.constant 0 : i32
    %dma_start3A_1669 = arith.constant 0 : i32
    %dma_start3A_1670 = arith.constant 0 : i32
    %dma_start3A_1671 = tpu.memref_slice %arg6[%dma_start3A_1668, %dma_start3A_1669, %dma_start3A_1670] : memref<4x800x32xf32, #tpu.memory_space<vmem>> -> memref<1x800x32xf32, #tpu.memory_space<vmem>>
    %dma_start3A_1672 = tpu.memref_squeeze %dma_start3A_1671 : memref<1x800x32xf32, #tpu.memory_space<vmem>> -> memref<800x32xf32, #tpu.memory_space<vmem>>
    %dma_start3A_1673 = arith.constant 0 : i32
    %dma_start3A_1674 = tpu.memref_slice %arg5[%dma_start3A_1667, %dma_start3A_1673] : memref<4x800xi32, #tpu.memory_space<vmem>> -> memref<1x800xi32, #tpu.memory_space<vmem>>
    %dma_start3A_1675 = tpu.memref_squeeze %dma_start3A_1674 : memref<1x800xi32, #tpu.memory_space<vmem>> -> memref<800xi32, #tpu.memory_space<vmem>>
    %dma_start3A_1676 = arith.constant 0 : i32
    %dma_start3A_1677 = arith.constant 0 : i32
    %dma_start3A_1678 = tpu.memref_slice %arg2[%dma_start3A_1676, %dma_start3A_1677] : memref<1000000x32xf32, #tpu.memory_space<hbm>> -> memref<1000000x32xf32, #tpu.memory_space<hbm>>
    tpu.enqueue_indirect_dma source(%dma_start3A_1678 : memref<1000000x32xf32, #tpu.memory_space<hbm>>) target(%dma_start3A_1672 : memref<800x32xf32, #tpu.memory_space<vmem>>) offsets(%dma_start3A_1675 : memref<800xi32, #tpu.memory_space<vmem>>) semaphore(%arg11 : memref<!tpu.dma_semaphore, #tpu.memory_space<semaphore_mem>>)
    %dma_wait3A_1679 = arith.constant 2 : i32
    %dma_wait3A_1680 = arith.constant 2 : i32
    %dma_wait3A_1681 = arith.constant 0 : i32
    %dma_wait3A_1682 = arith.constant 0 : i32
    %dma_wait3A_1683 = tpu.memref_slice %arg6[%dma_wait3A_1680, %dma_wait3A_1681, %dma_wait3A_1682] : memref<4x800x32xf32, #tpu.memory_space<vmem>> -> memref<1x800x32xf32, #tpu.memory_space<vmem>>
    %dma_wait3A_1684 = tpu.memref_squeeze %dma_wait3A_1683 : memref<1x800x32xf32, #tpu.memory_space<vmem>> -> memref<800x32xf32, #tpu.memory_space<vmem>>
    %dma_wait3A_1685 = arith.constant 0 : i32
    %dma_wait3A_1686 = tpu.memref_slice %arg5[%dma_wait3A_1679, %dma_wait3A_1685] : memref<4x800xi32, #tpu.memory_space<vmem>> -> memref<1x800xi32, #tpu.memory_space<vmem>>
    %dma_wait3A_1687 = tpu.memref_squeeze %dma_wait3A_1686 : memref<1x800xi32, #tpu.memory_space<vmem>> -> memref<800xi32, #tpu.memory_space<vmem>>
    %dma_wait3A_1688 = arith.constant 0 : i32
    %dma_wait3A_1689 = arith.constant 0 : i32
    %dma_wait3A_1690 = tpu.memref_slice %arg2[%dma_wait3A_1688, %dma_wait3A_1689] : memref<1000000x32xf32, #tpu.memory_space<hbm>> -> memref<1000000x32xf32, #tpu.memory_space<hbm>>
    tpu.wait_indirect_dma semaphore(%arg13 : memref<!tpu.dma_semaphore, #tpu.memory_space<semaphore_mem>>) src(%dma_wait3A_1690 : memref<1000000x32xf32, #tpu.memory_space<hbm>>) dst(%dma_wait3A_1684 : memref<800x32xf32, #tpu.memory_space<vmem>>)
    %add3A_1691 = arith.constant 17600 : i32
    %add3A_1692 = arith.addi %mul3A_2, %add3A_1691 : i32
    %dma_start3A_1693 = arith.constant 2 : i32
    %dma_start3A_1694 = arith.constant 0 : i32
    %dma_start3A_1695 = arith.constant 0 : i32
    %dma_start3A_1696 = tpu.memref_slice %arg6[%dma_start3A_1693, %dma_start3A_1694, %dma_start3A_1695] : memref<4x800x32xf32, #tpu.memory_space<vmem>> -> memref<1x800x32xf32, #tpu.memory_space<vmem>>
    %dma_start3A_1697 = tpu.memref_squeeze %dma_start3A_1696 : memref<1x800x32xf32, #tpu.memory_space<vmem>> -> memref<800x32xf32, #tpu.memory_space<vmem>>
    %dma_start3A_1698 = arith.constant 0 : i32
    %dma_start3A_1699 = tpu.memref_slice %arg4[%add3A_1692, %dma_start3A_1698] : memref<819200x32xf32, #tpu.memory_space<hbm>> -> memref<800x32xf32, #tpu.memory_space<hbm>>
    %dma_start3A_1700 = arith.constant 0 : i32
    %dma_start3A_1701 = tpu.memref_slice %arg4[%add3A_1692, %dma_start3A_1700] : memref<819200x32xf32, #tpu.memory_space<hbm>> -> memref<800x32xf32, #tpu.memory_space<hbm>>
    %dma_start3A_1702 = arith.constant 0 : i32
    %dma_start3A_1703 = arith.constant 0 : i32
    %dma_start3A_1704 = tpu.memref_slice %arg6[%dma_start3A_1693, %dma_start3A_1702, %dma_start3A_1703] : memref<4x800x32xf32, #tpu.memory_space<vmem>> -> memref<1x800x32xf32, #tpu.memory_space<vmem>>
    %dma_start3A_1705 = tpu.memref_squeeze %dma_start3A_1704 : memref<1x800x32xf32, #tpu.memory_space<vmem>> -> memref<800x32xf32, #tpu.memory_space<vmem>>
    tpu.enqueue_dma source(%dma_start3A_1705 : memref<800x32xf32, #tpu.memory_space<vmem>>) target(%dma_start3A_1701 : memref<800x32xf32, #tpu.memory_space<hbm>>) target_semaphore(%arg17 : memref<!tpu.dma_semaphore, #tpu.memory_space<semaphore_mem>>)
    %add3A_1706 = arith.constant 20800 : i32
    %add3A_1707 = arith.addi %mul3A_2, %add3A_1706 : i32
    %dma_start3A_1708 = arith.constant 2 : i32
    %dma_start3A_1709 = arith.constant 0 : i32
    %dma_start3A_1710 = tpu.memref_slice %arg5[%dma_start3A_1708, %dma_start3A_1709] : memref<4x800xi32, #tpu.memory_space<vmem>> -> memref<1x800xi32, #tpu.memory_space<vmem>>
    %dma_start3A_1711 = tpu.memref_squeeze %dma_start3A_1710 : memref<1x800xi32, #tpu.memory_space<vmem>> -> memref<800xi32, #tpu.memory_space<vmem>>
    %dma_start3A_1712 = tpu.memref_slice %arg3[%add3A_1707] : memref<819200xi32, #tpu.memory_space<hbm>> -> memref<800xi32, #tpu.memory_space<hbm>>
    %dma_start3A_1713 = arith.constant 0 : i32
    %dma_start3A_1714 = tpu.memref_slice %arg5[%dma_start3A_1708, %dma_start3A_1713] : memref<4x800xi32, #tpu.memory_space<vmem>> -> memref<1x800xi32, #tpu.memory_space<vmem>>
    %dma_start3A_1715 = tpu.memref_squeeze %dma_start3A_1714 : memref<1x800xi32, #tpu.memory_space<vmem>> -> memref<800xi32, #tpu.memory_space<vmem>>
    %dma_start3A_1716 = tpu.memref_slice %arg3[%add3A_1707] : memref<819200xi32, #tpu.memory_space<hbm>> -> memref<800xi32, #tpu.memory_space<hbm>>
    tpu.enqueue_dma source(%dma_start3A_1716 : memref<800xi32, #tpu.memory_space<hbm>>) target(%dma_start3A_1715 : memref<800xi32, #tpu.memory_space<vmem>>) target_semaphore(%arg9 : memref<!tpu.dma_semaphore, #tpu.memory_space<semaphore_mem>>)
    %dma_wait3A_1717 = arith.constant 1 : i32
    %dma_wait3A_1718 = arith.constant 0 : i32
    %dma_wait3A_1719 = arith.constant 0 : i32
    %dma_wait3A_1720 = tpu.memref_slice %arg6[%dma_wait3A_1717, %dma_wait3A_1718, %dma_wait3A_1719] : memref<4x800x32xf32, #tpu.memory_space<vmem>> -> memref<1x800x32xf32, #tpu.memory_space<vmem>>
    %dma_wait3A_1721 = tpu.memref_squeeze %dma_wait3A_1720 : memref<1x800x32xf32, #tpu.memory_space<vmem>> -> memref<800x32xf32, #tpu.memory_space<vmem>>
    %dma_wait3A_1722 = arith.constant 0 : i32
    %dma_wait3A_1723 = tpu.memref_slice %arg4[%add3A_1620, %dma_wait3A_1722] : memref<819200x32xf32, #tpu.memory_space<hbm>> -> memref<800x32xf32, #tpu.memory_space<hbm>>
    %dma_wait3A_1724 = arith.constant 0 : i32
    %dma_wait3A_1725 = tpu.memref_slice %arg4[%add3A_1620, %dma_wait3A_1724] : memref<819200x32xf32, #tpu.memory_space<hbm>> -> memref<800x32xf32, #tpu.memory_space<hbm>>
    %dma_wait3A_1726 = arith.constant 0 : i32
    %dma_wait3A_1727 = arith.constant 0 : i32
    %dma_wait3A_1728 = tpu.memref_slice %arg6[%dma_wait3A_1717, %dma_wait3A_1726, %dma_wait3A_1727] : memref<4x800x32xf32, #tpu.memory_space<vmem>> -> memref<1x800x32xf32, #tpu.memory_space<vmem>>
    %dma_wait3A_1729 = tpu.memref_squeeze %dma_wait3A_1728 : memref<1x800x32xf32, #tpu.memory_space<vmem>> -> memref<800x32xf32, #tpu.memory_space<vmem>>
    tpu.wait_dma2 semaphore(%arg16 : memref<!tpu.dma_semaphore, #tpu.memory_space<semaphore_mem>>) src(%dma_wait3A_1729 : memref<800x32xf32, #tpu.memory_space<vmem>>) dst(%dma_wait3A_1725 : memref<800x32xf32, #tpu.memory_space<hbm>>)
    %dma_wait3A_1730 = arith.constant 1 : i32
    %dma_wait3A_1731 = arith.constant 0 : i32
    %dma_wait3A_1732 = tpu.memref_slice %arg5[%dma_wait3A_1730, %dma_wait3A_1731] : memref<4x800xi32, #tpu.memory_space<vmem>> -> memref<1x800xi32, #tpu.memory_space<vmem>>
    %dma_wait3A_1733 = tpu.memref_squeeze %dma_wait3A_1732 : memref<1x800xi32, #tpu.memory_space<vmem>> -> memref<800xi32, #tpu.memory_space<vmem>>
    %dma_wait3A_1734 = tpu.memref_slice %arg3[%add3A_1635] : memref<819200xi32, #tpu.memory_space<hbm>> -> memref<800xi32, #tpu.memory_space<hbm>>
    %dma_wait3A_1735 = arith.constant 0 : i32
    %dma_wait3A_1736 = tpu.memref_slice %arg5[%dma_wait3A_1730, %dma_wait3A_1735] : memref<4x800xi32, #tpu.memory_space<vmem>> -> memref<1x800xi32, #tpu.memory_space<vmem>>
    %dma_wait3A_1737 = tpu.memref_squeeze %dma_wait3A_1736 : memref<1x800xi32, #tpu.memory_space<vmem>> -> memref<800xi32, #tpu.memory_space<vmem>>
    %dma_wait3A_1738 = tpu.memref_slice %arg3[%add3A_1635] : memref<819200xi32, #tpu.memory_space<hbm>> -> memref<800xi32, #tpu.memory_space<hbm>>
    tpu.wait_dma2 semaphore(%arg8 : memref<!tpu.dma_semaphore, #tpu.memory_space<semaphore_mem>>) src(%dma_wait3A_1738 : memref<800xi32, #tpu.memory_space<hbm>>) dst(%dma_wait3A_1737 : memref<800xi32, #tpu.memory_space<vmem>>)
    %dma_start3A_1739 = arith.constant 1 : i32
    %dma_start3A_1740 = arith.constant 1 : i32
    %dma_start3A_1741 = arith.constant 0 : i32
    %dma_start3A_1742 = arith.constant 0 : i32
    %dma_start3A_1743 = tpu.memref_slice %arg6[%dma_start3A_1740, %dma_start3A_1741, %dma_start3A_1742] : memref<4x800x32xf32, #tpu.memory_space<vmem>> -> memref<1x800x32xf32, #tpu.memory_space<vmem>>
    %dma_start3A_1744 = tpu.memref_squeeze %dma_start3A_1743 : memref<1x800x32xf32, #tpu.memory_space<vmem>> -> memref<800x32xf32, #tpu.memory_space<vmem>>
    %dma_start3A_1745 = arith.constant 0 : i32
    %dma_start3A_1746 = tpu.memref_slice %arg5[%dma_start3A_1739, %dma_start3A_1745] : memref<4x800xi32, #tpu.memory_space<vmem>> -> memref<1x800xi32, #tpu.memory_space<vmem>>
    %dma_start3A_1747 = tpu.memref_squeeze %dma_start3A_1746 : memref<1x800xi32, #tpu.memory_space<vmem>> -> memref<800xi32, #tpu.memory_space<vmem>>
    %dma_start3A_1748 = arith.constant 0 : i32
    %dma_start3A_1749 = arith.constant 0 : i32
    %dma_start3A_1750 = tpu.memref_slice %arg2[%dma_start3A_1748, %dma_start3A_1749] : memref<1000000x32xf32, #tpu.memory_space<hbm>> -> memref<1000000x32xf32, #tpu.memory_space<hbm>>
    tpu.enqueue_indirect_dma source(%dma_start3A_1750 : memref<1000000x32xf32, #tpu.memory_space<hbm>>) target(%dma_start3A_1744 : memref<800x32xf32, #tpu.memory_space<vmem>>) offsets(%dma_start3A_1747 : memref<800xi32, #tpu.memory_space<vmem>>) semaphore(%arg12 : memref<!tpu.dma_semaphore, #tpu.memory_space<semaphore_mem>>)
    %dma_wait3A_1751 = arith.constant 3 : i32
    %dma_wait3A_1752 = arith.constant 3 : i32
    %dma_wait3A_1753 = arith.constant 0 : i32
    %dma_wait3A_1754 = arith.constant 0 : i32
    %dma_wait3A_1755 = tpu.memref_slice %arg6[%dma_wait3A_1752, %dma_wait3A_1753, %dma_wait3A_1754] : memref<4x800x32xf32, #tpu.memory_space<vmem>> -> memref<1x800x32xf32, #tpu.memory_space<vmem>>
    %dma_wait3A_1756 = tpu.memref_squeeze %dma_wait3A_1755 : memref<1x800x32xf32, #tpu.memory_space<vmem>> -> memref<800x32xf32, #tpu.memory_space<vmem>>
    %dma_wait3A_1757 = arith.constant 0 : i32
    %dma_wait3A_1758 = tpu.memref_slice %arg5[%dma_wait3A_1751, %dma_wait3A_1757] : memref<4x800xi32, #tpu.memory_space<vmem>> -> memref<1x800xi32, #tpu.memory_space<vmem>>
    %dma_wait3A_1759 = tpu.memref_squeeze %dma_wait3A_1758 : memref<1x800xi32, #tpu.memory_space<vmem>> -> memref<800xi32, #tpu.memory_space<vmem>>
    %dma_wait3A_1760 = arith.constant 0 : i32
    %dma_wait3A_1761 = arith.constant 0 : i32
    %dma_wait3A_1762 = tpu.memref_slice %arg2[%dma_wait3A_1760, %dma_wait3A_1761] : memref<1000000x32xf32, #tpu.memory_space<hbm>> -> memref<1000000x32xf32, #tpu.memory_space<hbm>>
    tpu.wait_indirect_dma semaphore(%arg14 : memref<!tpu.dma_semaphore, #tpu.memory_space<semaphore_mem>>) src(%dma_wait3A_1762 : memref<1000000x32xf32, #tpu.memory_space<hbm>>) dst(%dma_wait3A_1756 : memref<800x32xf32, #tpu.memory_space<vmem>>)
    %add3A_1763 = arith.constant 18400 : i32
    %add3A_1764 = arith.addi %mul3A_2, %add3A_1763 : i32
    %dma_start3A_1765 = arith.constant 3 : i32
    %dma_start3A_1766 = arith.constant 0 : i32
    %dma_start3A_1767 = arith.constant 0 : i32
    %dma_start3A_1768 = tpu.memref_slice %arg6[%dma_start3A_1765, %dma_start3A_1766, %dma_start3A_1767] : memref<4x800x32xf32, #tpu.memory_space<vmem>> -> memref<1x800x32xf32, #tpu.memory_space<vmem>>
    %dma_start3A_1769 = tpu.memref_squeeze %dma_start3A_1768 : memref<1x800x32xf32, #tpu.memory_space<vmem>> -> memref<800x32xf32, #tpu.memory_space<vmem>>
    %dma_start3A_1770 = arith.constant 0 : i32
    %dma_start3A_1771 = tpu.memref_slice %arg4[%add3A_1764, %dma_start3A_1770] : memref<819200x32xf32, #tpu.memory_space<hbm>> -> memref<800x32xf32, #tpu.memory_space<hbm>>
    %dma_start3A_1772 = arith.constant 0 : i32
    %dma_start3A_1773 = tpu.memref_slice %arg4[%add3A_1764, %dma_start3A_1772] : memref<819200x32xf32, #tpu.memory_space<hbm>> -> memref<800x32xf32, #tpu.memory_space<hbm>>
    %dma_start3A_1774 = arith.constant 0 : i32
    %dma_start3A_1775 = arith.constant 0 : i32
    %dma_start3A_1776 = tpu.memref_slice %arg6[%dma_start3A_1765, %dma_start3A_1774, %dma_start3A_1775] : memref<4x800x32xf32, #tpu.memory_space<vmem>> -> memref<1x800x32xf32, #tpu.memory_space<vmem>>
    %dma_start3A_1777 = tpu.memref_squeeze %dma_start3A_1776 : memref<1x800x32xf32, #tpu.memory_space<vmem>> -> memref<800x32xf32, #tpu.memory_space<vmem>>
    tpu.enqueue_dma source(%dma_start3A_1777 : memref<800x32xf32, #tpu.memory_space<vmem>>) target(%dma_start3A_1773 : memref<800x32xf32, #tpu.memory_space<hbm>>) target_semaphore(%arg18 : memref<!tpu.dma_semaphore, #tpu.memory_space<semaphore_mem>>)
    %add3A_1778 = arith.constant 21600 : i32
    %add3A_1779 = arith.addi %mul3A_2, %add3A_1778 : i32
    %dma_start3A_1780 = arith.constant 3 : i32
    %dma_start3A_1781 = arith.constant 0 : i32
    %dma_start3A_1782 = tpu.memref_slice %arg5[%dma_start3A_1780, %dma_start3A_1781] : memref<4x800xi32, #tpu.memory_space<vmem>> -> memref<1x800xi32, #tpu.memory_space<vmem>>
    %dma_start3A_1783 = tpu.memref_squeeze %dma_start3A_1782 : memref<1x800xi32, #tpu.memory_space<vmem>> -> memref<800xi32, #tpu.memory_space<vmem>>
    %dma_start3A_1784 = tpu.memref_slice %arg3[%add3A_1779] : memref<819200xi32, #tpu.memory_space<hbm>> -> memref<800xi32, #tpu.memory_space<hbm>>
    %dma_start3A_1785 = arith.constant 0 : i32
    %dma_start3A_1786 = tpu.memref_slice %arg5[%dma_start3A_1780, %dma_start3A_1785] : memref<4x800xi32, #tpu.memory_space<vmem>> -> memref<1x800xi32, #tpu.memory_space<vmem>>
    %dma_start3A_1787 = tpu.memref_squeeze %dma_start3A_1786 : memref<1x800xi32, #tpu.memory_space<vmem>> -> memref<800xi32, #tpu.memory_space<vmem>>
    %dma_start3A_1788 = tpu.memref_slice %arg3[%add3A_1779] : memref<819200xi32, #tpu.memory_space<hbm>> -> memref<800xi32, #tpu.memory_space<hbm>>
    tpu.enqueue_dma source(%dma_start3A_1788 : memref<800xi32, #tpu.memory_space<hbm>>) target(%dma_start3A_1787 : memref<800xi32, #tpu.memory_space<vmem>>) target_semaphore(%arg10 : memref<!tpu.dma_semaphore, #tpu.memory_space<semaphore_mem>>)
    %dma_wait3A_1789 = arith.constant 2 : i32
    %dma_wait3A_1790 = arith.constant 0 : i32
    %dma_wait3A_1791 = arith.constant 0 : i32
    %dma_wait3A_1792 = tpu.memref_slice %arg6[%dma_wait3A_1789, %dma_wait3A_1790, %dma_wait3A_1791] : memref<4x800x32xf32, #tpu.memory_space<vmem>> -> memref<1x800x32xf32, #tpu.memory_space<vmem>>
    %dma_wait3A_1793 = tpu.memref_squeeze %dma_wait3A_1792 : memref<1x800x32xf32, #tpu.memory_space<vmem>> -> memref<800x32xf32, #tpu.memory_space<vmem>>
    %dma_wait3A_1794 = arith.constant 0 : i32
    %dma_wait3A_1795 = tpu.memref_slice %arg4[%add3A_1692, %dma_wait3A_1794] : memref<819200x32xf32, #tpu.memory_space<hbm>> -> memref<800x32xf32, #tpu.memory_space<hbm>>
    %dma_wait3A_1796 = arith.constant 0 : i32
    %dma_wait3A_1797 = tpu.memref_slice %arg4[%add3A_1692, %dma_wait3A_1796] : memref<819200x32xf32, #tpu.memory_space<hbm>> -> memref<800x32xf32, #tpu.memory_space<hbm>>
    %dma_wait3A_1798 = arith.constant 0 : i32
    %dma_wait3A_1799 = arith.constant 0 : i32
    %dma_wait3A_1800 = tpu.memref_slice %arg6[%dma_wait3A_1789, %dma_wait3A_1798, %dma_wait3A_1799] : memref<4x800x32xf32, #tpu.memory_space<vmem>> -> memref<1x800x32xf32, #tpu.memory_space<vmem>>
    %dma_wait3A_1801 = tpu.memref_squeeze %dma_wait3A_1800 : memref<1x800x32xf32, #tpu.memory_space<vmem>> -> memref<800x32xf32, #tpu.memory_space<vmem>>
    tpu.wait_dma2 semaphore(%arg17 : memref<!tpu.dma_semaphore, #tpu.memory_space<semaphore_mem>>) src(%dma_wait3A_1801 : memref<800x32xf32, #tpu.memory_space<vmem>>) dst(%dma_wait3A_1797 : memref<800x32xf32, #tpu.memory_space<hbm>>)
    %dma_wait3A_1802 = arith.constant 2 : i32
    %dma_wait3A_1803 = arith.constant 0 : i32
    %dma_wait3A_1804 = tpu.memref_slice %arg5[%dma_wait3A_1802, %dma_wait3A_1803] : memref<4x800xi32, #tpu.memory_space<vmem>> -> memref<1x800xi32, #tpu.memory_space<vmem>>
    %dma_wait3A_1805 = tpu.memref_squeeze %dma_wait3A_1804 : memref<1x800xi32, #tpu.memory_space<vmem>> -> memref<800xi32, #tpu.memory_space<vmem>>
    %dma_wait3A_1806 = tpu.memref_slice %arg3[%add3A_1707] : memref<819200xi32, #tpu.memory_space<hbm>> -> memref<800xi32, #tpu.memory_space<hbm>>
    %dma_wait3A_1807 = arith.constant 0 : i32
    %dma_wait3A_1808 = tpu.memref_slice %arg5[%dma_wait3A_1802, %dma_wait3A_1807] : memref<4x800xi32, #tpu.memory_space<vmem>> -> memref<1x800xi32, #tpu.memory_space<vmem>>
    %dma_wait3A_1809 = tpu.memref_squeeze %dma_wait3A_1808 : memref<1x800xi32, #tpu.memory_space<vmem>> -> memref<800xi32, #tpu.memory_space<vmem>>
    %dma_wait3A_1810 = tpu.memref_slice %arg3[%add3A_1707] : memref<819200xi32, #tpu.memory_space<hbm>> -> memref<800xi32, #tpu.memory_space<hbm>>
    tpu.wait_dma2 semaphore(%arg9 : memref<!tpu.dma_semaphore, #tpu.memory_space<semaphore_mem>>) src(%dma_wait3A_1810 : memref<800xi32, #tpu.memory_space<hbm>>) dst(%dma_wait3A_1809 : memref<800xi32, #tpu.memory_space<vmem>>)
    %dma_start3A_1811 = arith.constant 2 : i32
    %dma_start3A_1812 = arith.constant 2 : i32
    %dma_start3A_1813 = arith.constant 0 : i32
    %dma_start3A_1814 = arith.constant 0 : i32
    %dma_start3A_1815 = tpu.memref_slice %arg6[%dma_start3A_1812, %dma_start3A_1813, %dma_start3A_1814] : memref<4x800x32xf32, #tpu.memory_space<vmem>> -> memref<1x800x32xf32, #tpu.memory_space<vmem>>
    %dma_start3A_1816 = tpu.memref_squeeze %dma_start3A_1815 : memref<1x800x32xf32, #tpu.memory_space<vmem>> -> memref<800x32xf32, #tpu.memory_space<vmem>>
    %dma_start3A_1817 = arith.constant 0 : i32
    %dma_start3A_1818 = tpu.memref_slice %arg5[%dma_start3A_1811, %dma_start3A_1817] : memref<4x800xi32, #tpu.memory_space<vmem>> -> memref<1x800xi32, #tpu.memory_space<vmem>>
    %dma_start3A_1819 = tpu.memref_squeeze %dma_start3A_1818 : memref<1x800xi32, #tpu.memory_space<vmem>> -> memref<800xi32, #tpu.memory_space<vmem>>
    %dma_start3A_1820 = arith.constant 0 : i32
    %dma_start3A_1821 = arith.constant 0 : i32
    %dma_start3A_1822 = tpu.memref_slice %arg2[%dma_start3A_1820, %dma_start3A_1821] : memref<1000000x32xf32, #tpu.memory_space<hbm>> -> memref<1000000x32xf32, #tpu.memory_space<hbm>>
    tpu.enqueue_indirect_dma source(%dma_start3A_1822 : memref<1000000x32xf32, #tpu.memory_space<hbm>>) target(%dma_start3A_1816 : memref<800x32xf32, #tpu.memory_space<vmem>>) offsets(%dma_start3A_1819 : memref<800xi32, #tpu.memory_space<vmem>>) semaphore(%arg13 : memref<!tpu.dma_semaphore, #tpu.memory_space<semaphore_mem>>)
    %dma_wait3A_1823 = arith.constant 0 : i32
    %dma_wait3A_1824 = arith.constant 0 : i32
    %dma_wait3A_1825 = arith.constant 0 : i32
    %dma_wait3A_1826 = arith.constant 0 : i32
    %dma_wait3A_1827 = tpu.memref_slice %arg6[%dma_wait3A_1824, %dma_wait3A_1825, %dma_wait3A_1826] : memref<4x800x32xf32, #tpu.memory_space<vmem>> -> memref<1x800x32xf32, #tpu.memory_space<vmem>>
    %dma_wait3A_1828 = tpu.memref_squeeze %dma_wait3A_1827 : memref<1x800x32xf32, #tpu.memory_space<vmem>> -> memref<800x32xf32, #tpu.memory_space<vmem>>
    %dma_wait3A_1829 = arith.constant 0 : i32
    %dma_wait3A_1830 = tpu.memref_slice %arg5[%dma_wait3A_1823, %dma_wait3A_1829] : memref<4x800xi32, #tpu.memory_space<vmem>> -> memref<1x800xi32, #tpu.memory_space<vmem>>
    %dma_wait3A_1831 = tpu.memref_squeeze %dma_wait3A_1830 : memref<1x800xi32, #tpu.memory_space<vmem>> -> memref<800xi32, #tpu.memory_space<vmem>>
    %dma_wait3A_1832 = arith.constant 0 : i32
    %dma_wait3A_1833 = arith.constant 0 : i32
    %dma_wait3A_1834 = tpu.memref_slice %arg2[%dma_wait3A_1832, %dma_wait3A_1833] : memref<1000000x32xf32, #tpu.memory_space<hbm>> -> memref<1000000x32xf32, #tpu.memory_space<hbm>>
    tpu.wait_indirect_dma semaphore(%arg11 : memref<!tpu.dma_semaphore, #tpu.memory_space<semaphore_mem>>) src(%dma_wait3A_1834 : memref<1000000x32xf32, #tpu.memory_space<hbm>>) dst(%dma_wait3A_1828 : memref<800x32xf32, #tpu.memory_space<vmem>>)
    %add3A_1835 = arith.constant 19200 : i32
    %add3A_1836 = arith.addi %mul3A_2, %add3A_1835 : i32
    %dma_start3A_1837 = arith.constant 0 : i32
    %dma_start3A_1838 = arith.constant 0 : i32
    %dma_start3A_1839 = arith.constant 0 : i32
    %dma_start3A_1840 = tpu.memref_slice %arg6[%dma_start3A_1837, %dma_start3A_1838, %dma_start3A_1839] : memref<4x800x32xf32, #tpu.memory_space<vmem>> -> memref<1x800x32xf32, #tpu.memory_space<vmem>>
    %dma_start3A_1841 = tpu.memref_squeeze %dma_start3A_1840 : memref<1x800x32xf32, #tpu.memory_space<vmem>> -> memref<800x32xf32, #tpu.memory_space<vmem>>
    %dma_start3A_1842 = arith.constant 0 : i32
    %dma_start3A_1843 = tpu.memref_slice %arg4[%add3A_1836, %dma_start3A_1842] : memref<819200x32xf32, #tpu.memory_space<hbm>> -> memref<800x32xf32, #tpu.memory_space<hbm>>
    %dma_start3A_1844 = arith.constant 0 : i32
    %dma_start3A_1845 = tpu.memref_slice %arg4[%add3A_1836, %dma_start3A_1844] : memref<819200x32xf32, #tpu.memory_space<hbm>> -> memref<800x32xf32, #tpu.memory_space<hbm>>
    %dma_start3A_1846 = arith.constant 0 : i32
    %dma_start3A_1847 = arith.constant 0 : i32
    %dma_start3A_1848 = tpu.memref_slice %arg6[%dma_start3A_1837, %dma_start3A_1846, %dma_start3A_1847] : memref<4x800x32xf32, #tpu.memory_space<vmem>> -> memref<1x800x32xf32, #tpu.memory_space<vmem>>
    %dma_start3A_1849 = tpu.memref_squeeze %dma_start3A_1848 : memref<1x800x32xf32, #tpu.memory_space<vmem>> -> memref<800x32xf32, #tpu.memory_space<vmem>>
    tpu.enqueue_dma source(%dma_start3A_1849 : memref<800x32xf32, #tpu.memory_space<vmem>>) target(%dma_start3A_1845 : memref<800x32xf32, #tpu.memory_space<hbm>>) target_semaphore(%arg15 : memref<!tpu.dma_semaphore, #tpu.memory_space<semaphore_mem>>)
    %add3A_1850 = arith.constant 22400 : i32
    %add3A_1851 = arith.addi %mul3A_2, %add3A_1850 : i32
    %dma_start3A_1852 = arith.constant 0 : i32
    %dma_start3A_1853 = arith.constant 0 : i32
    %dma_start3A_1854 = tpu.memref_slice %arg5[%dma_start3A_1852, %dma_start3A_1853] : memref<4x800xi32, #tpu.memory_space<vmem>> -> memref<1x800xi32, #tpu.memory_space<vmem>>
    %dma_start3A_1855 = tpu.memref_squeeze %dma_start3A_1854 : memref<1x800xi32, #tpu.memory_space<vmem>> -> memref<800xi32, #tpu.memory_space<vmem>>
    %dma_start3A_1856 = tpu.memref_slice %arg3[%add3A_1851] : memref<819200xi32, #tpu.memory_space<hbm>> -> memref<800xi32, #tpu.memory_space<hbm>>
    %dma_start3A_1857 = arith.constant 0 : i32
    %dma_start3A_1858 = tpu.memref_slice %arg5[%dma_start3A_1852, %dma_start3A_1857] : memref<4x800xi32, #tpu.memory_space<vmem>> -> memref<1x800xi32, #tpu.memory_space<vmem>>
    %dma_start3A_1859 = tpu.memref_squeeze %dma_start3A_1858 : memref<1x800xi32, #tpu.memory_space<vmem>> -> memref<800xi32, #tpu.memory_space<vmem>>
    %dma_start3A_1860 = tpu.memref_slice %arg3[%add3A_1851] : memref<819200xi32, #tpu.memory_space<hbm>> -> memref<800xi32, #tpu.memory_space<hbm>>
    tpu.enqueue_dma source(%dma_start3A_1860 : memref<800xi32, #tpu.memory_space<hbm>>) target(%dma_start3A_1859 : memref<800xi32, #tpu.memory_space<vmem>>) target_semaphore(%arg7 : memref<!tpu.dma_semaphore, #tpu.memory_space<semaphore_mem>>)
    %dma_wait3A_1861 = arith.constant 3 : i32
    %dma_wait3A_1862 = arith.constant 0 : i32
    %dma_wait3A_1863 = arith.constant 0 : i32
    %dma_wait3A_1864 = tpu.memref_slice %arg6[%dma_wait3A_1861, %dma_wait3A_1862, %dma_wait3A_1863] : memref<4x800x32xf32, #tpu.memory_space<vmem>> -> memref<1x800x32xf32, #tpu.memory_space<vmem>>
    %dma_wait3A_1865 = tpu.memref_squeeze %dma_wait3A_1864 : memref<1x800x32xf32, #tpu.memory_space<vmem>> -> memref<800x32xf32, #tpu.memory_space<vmem>>
    %dma_wait3A_1866 = arith.constant 0 : i32
    %dma_wait3A_1867 = tpu.memref_slice %arg4[%add3A_1764, %dma_wait3A_1866] : memref<819200x32xf32, #tpu.memory_space<hbm>> -> memref<800x32xf32, #tpu.memory_space<hbm>>
    %dma_wait3A_1868 = arith.constant 0 : i32
    %dma_wait3A_1869 = tpu.memref_slice %arg4[%add3A_1764, %dma_wait3A_1868] : memref<819200x32xf32, #tpu.memory_space<hbm>> -> memref<800x32xf32, #tpu.memory_space<hbm>>
    %dma_wait3A_1870 = arith.constant 0 : i32
    %dma_wait3A_1871 = arith.constant 0 : i32
    %dma_wait3A_1872 = tpu.memref_slice %arg6[%dma_wait3A_1861, %dma_wait3A_1870, %dma_wait3A_1871] : memref<4x800x32xf32, #tpu.memory_space<vmem>> -> memref<1x800x32xf32, #tpu.memory_space<vmem>>
    %dma_wait3A_1873 = tpu.memref_squeeze %dma_wait3A_1872 : memref<1x800x32xf32, #tpu.memory_space<vmem>> -> memref<800x32xf32, #tpu.memory_space<vmem>>
    tpu.wait_dma2 semaphore(%arg18 : memref<!tpu.dma_semaphore, #tpu.memory_space<semaphore_mem>>) src(%dma_wait3A_1873 : memref<800x32xf32, #tpu.memory_space<vmem>>) dst(%dma_wait3A_1869 : memref<800x32xf32, #tpu.memory_space<hbm>>)
    %dma_wait3A_1874 = arith.constant 3 : i32
    %dma_wait3A_1875 = arith.constant 0 : i32
    %dma_wait3A_1876 = tpu.memref_slice %arg5[%dma_wait3A_1874, %dma_wait3A_1875] : memref<4x800xi32, #tpu.memory_space<vmem>> -> memref<1x800xi32, #tpu.memory_space<vmem>>
    %dma_wait3A_1877 = tpu.memref_squeeze %dma_wait3A_1876 : memref<1x800xi32, #tpu.memory_space<vmem>> -> memref<800xi32, #tpu.memory_space<vmem>>
    %dma_wait3A_1878 = tpu.memref_slice %arg3[%add3A_1779] : memref<819200xi32, #tpu.memory_space<hbm>> -> memref<800xi32, #tpu.memory_space<hbm>>
    %dma_wait3A_1879 = arith.constant 0 : i32
    %dma_wait3A_1880 = tpu.memref_slice %arg5[%dma_wait3A_1874, %dma_wait3A_1879] : memref<4x800xi32, #tpu.memory_space<vmem>> -> memref<1x800xi32, #tpu.memory_space<vmem>>
    %dma_wait3A_1881 = tpu.memref_squeeze %dma_wait3A_1880 : memref<1x800xi32, #tpu.memory_space<vmem>> -> memref<800xi32, #tpu.memory_space<vmem>>
    %dma_wait3A_1882 = tpu.memref_slice %arg3[%add3A_1779] : memref<819200xi32, #tpu.memory_space<hbm>> -> memref<800xi32, #tpu.memory_space<hbm>>
    tpu.wait_dma2 semaphore(%arg10 : memref<!tpu.dma_semaphore, #tpu.memory_space<semaphore_mem>>) src(%dma_wait3A_1882 : memref<800xi32, #tpu.memory_space<hbm>>) dst(%dma_wait3A_1881 : memref<800xi32, #tpu.memory_space<vmem>>)
    %dma_start3A_1883 = arith.constant 3 : i32
    %dma_start3A_1884 = arith.constant 3 : i32
    %dma_start3A_1885 = arith.constant 0 : i32
    %dma_start3A_1886 = arith.constant 0 : i32
    %dma_start3A_1887 = tpu.memref_slice %arg6[%dma_start3A_1884, %dma_start3A_1885, %dma_start3A_1886] : memref<4x800x32xf32, #tpu.memory_space<vmem>> -> memref<1x800x32xf32, #tpu.memory_space<vmem>>
    %dma_start3A_1888 = tpu.memref_squeeze %dma_start3A_1887 : memref<1x800x32xf32, #tpu.memory_space<vmem>> -> memref<800x32xf32, #tpu.memory_space<vmem>>
    %dma_start3A_1889 = arith.constant 0 : i32
    %dma_start3A_1890 = tpu.memref_slice %arg5[%dma_start3A_1883, %dma_start3A_1889] : memref<4x800xi32, #tpu.memory_space<vmem>> -> memref<1x800xi32, #tpu.memory_space<vmem>>
    %dma_start3A_1891 = tpu.memref_squeeze %dma_start3A_1890 : memref<1x800xi32, #tpu.memory_space<vmem>> -> memref<800xi32, #tpu.memory_space<vmem>>
    %dma_start3A_1892 = arith.constant 0 : i32
    %dma_start3A_1893 = arith.constant 0 : i32
    %dma_start3A_1894 = tpu.memref_slice %arg2[%dma_start3A_1892, %dma_start3A_1893] : memref<1000000x32xf32, #tpu.memory_space<hbm>> -> memref<1000000x32xf32, #tpu.memory_space<hbm>>
    tpu.enqueue_indirect_dma source(%dma_start3A_1894 : memref<1000000x32xf32, #tpu.memory_space<hbm>>) target(%dma_start3A_1888 : memref<800x32xf32, #tpu.memory_space<vmem>>) offsets(%dma_start3A_1891 : memref<800xi32, #tpu.memory_space<vmem>>) semaphore(%arg14 : memref<!tpu.dma_semaphore, #tpu.memory_space<semaphore_mem>>)
    %dma_wait3A_1895 = arith.constant 1 : i32
    %dma_wait3A_1896 = arith.constant 1 : i32
    %dma_wait3A_1897 = arith.constant 0 : i32
    %dma_wait3A_1898 = arith.constant 0 : i32
    %dma_wait3A_1899 = tpu.memref_slice %arg6[%dma_wait3A_1896, %dma_wait3A_1897, %dma_wait3A_1898] : memref<4x800x32xf32, #tpu.memory_space<vmem>> -> memref<1x800x32xf32, #tpu.memory_space<vmem>>
    %dma_wait3A_1900 = tpu.memref_squeeze %dma_wait3A_1899 : memref<1x800x32xf32, #tpu.memory_space<vmem>> -> memref<800x32xf32, #tpu.memory_space<vmem>>
    %dma_wait3A_1901 = arith.constant 0 : i32
    %dma_wait3A_1902 = tpu.memref_slice %arg5[%dma_wait3A_1895, %dma_wait3A_1901] : memref<4x800xi32, #tpu.memory_space<vmem>> -> memref<1x800xi32, #tpu.memory_space<vmem>>
    %dma_wait3A_1903 = tpu.memref_squeeze %dma_wait3A_1902 : memref<1x800xi32, #tpu.memory_space<vmem>> -> memref<800xi32, #tpu.memory_space<vmem>>
    %dma_wait3A_1904 = arith.constant 0 : i32
    %dma_wait3A_1905 = arith.constant 0 : i32
    %dma_wait3A_1906 = tpu.memref_slice %arg2[%dma_wait3A_1904, %dma_wait3A_1905] : memref<1000000x32xf32, #tpu.memory_space<hbm>> -> memref<1000000x32xf32, #tpu.memory_space<hbm>>
    tpu.wait_indirect_dma semaphore(%arg12 : memref<!tpu.dma_semaphore, #tpu.memory_space<semaphore_mem>>) src(%dma_wait3A_1906 : memref<1000000x32xf32, #tpu.memory_space<hbm>>) dst(%dma_wait3A_1900 : memref<800x32xf32, #tpu.memory_space<vmem>>)
    %add3A_1907 = arith.constant 20000 : i32
    %add3A_1908 = arith.addi %mul3A_2, %add3A_1907 : i32
    %dma_start3A_1909 = arith.constant 1 : i32
    %dma_start3A_1910 = arith.constant 0 : i32
    %dma_start3A_1911 = arith.constant 0 : i32
    %dma_start3A_1912 = tpu.memref_slice %arg6[%dma_start3A_1909, %dma_start3A_1910, %dma_start3A_1911] : memref<4x800x32xf32, #tpu.memory_space<vmem>> -> memref<1x800x32xf32, #tpu.memory_space<vmem>>
    %dma_start3A_1913 = tpu.memref_squeeze %dma_start3A_1912 : memref<1x800x32xf32, #tpu.memory_space<vmem>> -> memref<800x32xf32, #tpu.memory_space<vmem>>
    %dma_start3A_1914 = arith.constant 0 : i32
    %dma_start3A_1915 = tpu.memref_slice %arg4[%add3A_1908, %dma_start3A_1914] : memref<819200x32xf32, #tpu.memory_space<hbm>> -> memref<800x32xf32, #tpu.memory_space<hbm>>
    %dma_start3A_1916 = arith.constant 0 : i32
    %dma_start3A_1917 = tpu.memref_slice %arg4[%add3A_1908, %dma_start3A_1916] : memref<819200x32xf32, #tpu.memory_space<hbm>> -> memref<800x32xf32, #tpu.memory_space<hbm>>
    %dma_start3A_1918 = arith.constant 0 : i32
    %dma_start3A_1919 = arith.constant 0 : i32
    %dma_start3A_1920 = tpu.memref_slice %arg6[%dma_start3A_1909, %dma_start3A_1918, %dma_start3A_1919] : memref<4x800x32xf32, #tpu.memory_space<vmem>> -> memref<1x800x32xf32, #tpu.memory_space<vmem>>
    %dma_start3A_1921 = tpu.memref_squeeze %dma_start3A_1920 : memref<1x800x32xf32, #tpu.memory_space<vmem>> -> memref<800x32xf32, #tpu.memory_space<vmem>>
    tpu.enqueue_dma source(%dma_start3A_1921 : memref<800x32xf32, #tpu.memory_space<vmem>>) target(%dma_start3A_1917 : memref<800x32xf32, #tpu.memory_space<hbm>>) target_semaphore(%arg16 : memref<!tpu.dma_semaphore, #tpu.memory_space<semaphore_mem>>)
    %add3A_1922 = arith.constant 23200 : i32
    %add3A_1923 = arith.addi %mul3A_2, %add3A_1922 : i32
    %dma_start3A_1924 = arith.constant 1 : i32
    %dma_start3A_1925 = arith.constant 0 : i32
    %dma_start3A_1926 = tpu.memref_slice %arg5[%dma_start3A_1924, %dma_start3A_1925] : memref<4x800xi32, #tpu.memory_space<vmem>> -> memref<1x800xi32, #tpu.memory_space<vmem>>
    %dma_start3A_1927 = tpu.memref_squeeze %dma_start3A_1926 : memref<1x800xi32, #tpu.memory_space<vmem>> -> memref<800xi32, #tpu.memory_space<vmem>>
    %dma_start3A_1928 = tpu.memref_slice %arg3[%add3A_1923] : memref<819200xi32, #tpu.memory_space<hbm>> -> memref<800xi32, #tpu.memory_space<hbm>>
    %dma_start3A_1929 = arith.constant 0 : i32
    %dma_start3A_1930 = tpu.memref_slice %arg5[%dma_start3A_1924, %dma_start3A_1929] : memref<4x800xi32, #tpu.memory_space<vmem>> -> memref<1x800xi32, #tpu.memory_space<vmem>>
    %dma_start3A_1931 = tpu.memref_squeeze %dma_start3A_1930 : memref<1x800xi32, #tpu.memory_space<vmem>> -> memref<800xi32, #tpu.memory_space<vmem>>
    %dma_start3A_1932 = tpu.memref_slice %arg3[%add3A_1923] : memref<819200xi32, #tpu.memory_space<hbm>> -> memref<800xi32, #tpu.memory_space<hbm>>
    tpu.enqueue_dma source(%dma_start3A_1932 : memref<800xi32, #tpu.memory_space<hbm>>) target(%dma_start3A_1931 : memref<800xi32, #tpu.memory_space<vmem>>) target_semaphore(%arg8 : memref<!tpu.dma_semaphore, #tpu.memory_space<semaphore_mem>>)
    %dma_wait3A_1933 = arith.constant 0 : i32
    %dma_wait3A_1934 = arith.constant 0 : i32
    %dma_wait3A_1935 = arith.constant 0 : i32
    %dma_wait3A_1936 = tpu.memref_slice %arg6[%dma_wait3A_1933, %dma_wait3A_1934, %dma_wait3A_1935] : memref<4x800x32xf32, #tpu.memory_space<vmem>> -> memref<1x800x32xf32, #tpu.memory_space<vmem>>
    %dma_wait3A_1937 = tpu.memref_squeeze %dma_wait3A_1936 : memref<1x800x32xf32, #tpu.memory_space<vmem>> -> memref<800x32xf32, #tpu.memory_space<vmem>>
    %dma_wait3A_1938 = arith.constant 0 : i32
    %dma_wait3A_1939 = tpu.memref_slice %arg4[%add3A_1836, %dma_wait3A_1938] : memref<819200x32xf32, #tpu.memory_space<hbm>> -> memref<800x32xf32, #tpu.memory_space<hbm>>
    %dma_wait3A_1940 = arith.constant 0 : i32
    %dma_wait3A_1941 = tpu.memref_slice %arg4[%add3A_1836, %dma_wait3A_1940] : memref<819200x32xf32, #tpu.memory_space<hbm>> -> memref<800x32xf32, #tpu.memory_space<hbm>>
    %dma_wait3A_1942 = arith.constant 0 : i32
    %dma_wait3A_1943 = arith.constant 0 : i32
    %dma_wait3A_1944 = tpu.memref_slice %arg6[%dma_wait3A_1933, %dma_wait3A_1942, %dma_wait3A_1943] : memref<4x800x32xf32, #tpu.memory_space<vmem>> -> memref<1x800x32xf32, #tpu.memory_space<vmem>>
    %dma_wait3A_1945 = tpu.memref_squeeze %dma_wait3A_1944 : memref<1x800x32xf32, #tpu.memory_space<vmem>> -> memref<800x32xf32, #tpu.memory_space<vmem>>
    tpu.wait_dma2 semaphore(%arg15 : memref<!tpu.dma_semaphore, #tpu.memory_space<semaphore_mem>>) src(%dma_wait3A_1945 : memref<800x32xf32, #tpu.memory_space<vmem>>) dst(%dma_wait3A_1941 : memref<800x32xf32, #tpu.memory_space<hbm>>)
    %dma_wait3A_1946 = arith.constant 0 : i32
    %dma_wait3A_1947 = arith.constant 0 : i32
    %dma_wait3A_1948 = tpu.memref_slice %arg5[%dma_wait3A_1946, %dma_wait3A_1947] : memref<4x800xi32, #tpu.memory_space<vmem>> -> memref<1x800xi32, #tpu.memory_space<vmem>>
    %dma_wait3A_1949 = tpu.memref_squeeze %dma_wait3A_1948 : memref<1x800xi32, #tpu.memory_space<vmem>> -> memref<800xi32, #tpu.memory_space<vmem>>
    %dma_wait3A_1950 = tpu.memref_slice %arg3[%add3A_1851] : memref<819200xi32, #tpu.memory_space<hbm>> -> memref<800xi32, #tpu.memory_space<hbm>>
    %dma_wait3A_1951 = arith.constant 0 : i32
    %dma_wait3A_1952 = tpu.memref_slice %arg5[%dma_wait3A_1946, %dma_wait3A_1951] : memref<4x800xi32, #tpu.memory_space<vmem>> -> memref<1x800xi32, #tpu.memory_space<vmem>>
    %dma_wait3A_1953 = tpu.memref_squeeze %dma_wait3A_1952 : memref<1x800xi32, #tpu.memory_space<vmem>> -> memref<800xi32, #tpu.memory_space<vmem>>
    %dma_wait3A_1954 = tpu.memref_slice %arg3[%add3A_1851] : memref<819200xi32, #tpu.memory_space<hbm>> -> memref<800xi32, #tpu.memory_space<hbm>>
    tpu.wait_dma2 semaphore(%arg7 : memref<!tpu.dma_semaphore, #tpu.memory_space<semaphore_mem>>) src(%dma_wait3A_1954 : memref<800xi32, #tpu.memory_space<hbm>>) dst(%dma_wait3A_1953 : memref<800xi32, #tpu.memory_space<vmem>>)
    %dma_start3A_1955 = arith.constant 0 : i32
    %dma_start3A_1956 = arith.constant 0 : i32
    %dma_start3A_1957 = arith.constant 0 : i32
    %dma_start3A_1958 = arith.constant 0 : i32
    %dma_start3A_1959 = tpu.memref_slice %arg6[%dma_start3A_1956, %dma_start3A_1957, %dma_start3A_1958] : memref<4x800x32xf32, #tpu.memory_space<vmem>> -> memref<1x800x32xf32, #tpu.memory_space<vmem>>
    %dma_start3A_1960 = tpu.memref_squeeze %dma_start3A_1959 : memref<1x800x32xf32, #tpu.memory_space<vmem>> -> memref<800x32xf32, #tpu.memory_space<vmem>>
    %dma_start3A_1961 = arith.constant 0 : i32
    %dma_start3A_1962 = tpu.memref_slice %arg5[%dma_start3A_1955, %dma_start3A_1961] : memref<4x800xi32, #tpu.memory_space<vmem>> -> memref<1x800xi32, #tpu.memory_space<vmem>>
    %dma_start3A_1963 = tpu.memref_squeeze %dma_start3A_1962 : memref<1x800xi32, #tpu.memory_space<vmem>> -> memref<800xi32, #tpu.memory_space<vmem>>
    %dma_start3A_1964 = arith.constant 0 : i32
    %dma_start3A_1965 = arith.constant 0 : i32
    %dma_start3A_1966 = tpu.memref_slice %arg2[%dma_start3A_1964, %dma_start3A_1965] : memref<1000000x32xf32, #tpu.memory_space<hbm>> -> memref<1000000x32xf32, #tpu.memory_space<hbm>>
    tpu.enqueue_indirect_dma source(%dma_start3A_1966 : memref<1000000x32xf32, #tpu.memory_space<hbm>>) target(%dma_start3A_1960 : memref<800x32xf32, #tpu.memory_space<vmem>>) offsets(%dma_start3A_1963 : memref<800xi32, #tpu.memory_space<vmem>>) semaphore(%arg11 : memref<!tpu.dma_semaphore, #tpu.memory_space<semaphore_mem>>)
    %dma_wait3A_1967 = arith.constant 2 : i32
    %dma_wait3A_1968 = arith.constant 2 : i32
    %dma_wait3A_1969 = arith.constant 0 : i32
    %dma_wait3A_1970 = arith.constant 0 : i32
    %dma_wait3A_1971 = tpu.memref_slice %arg6[%dma_wait3A_1968, %dma_wait3A_1969, %dma_wait3A_1970] : memref<4x800x32xf32, #tpu.memory_space<vmem>> -> memref<1x800x32xf32, #tpu.memory_space<vmem>>
    %dma_wait3A_1972 = tpu.memref_squeeze %dma_wait3A_1971 : memref<1x800x32xf32, #tpu.memory_space<vmem>> -> memref<800x32xf32, #tpu.memory_space<vmem>>
    %dma_wait3A_1973 = arith.constant 0 : i32
    %dma_wait3A_1974 = tpu.memref_slice %arg5[%dma_wait3A_1967, %dma_wait3A_1973] : memref<4x800xi32, #tpu.memory_space<vmem>> -> memref<1x800xi32, #tpu.memory_space<vmem>>
    %dma_wait3A_1975 = tpu.memref_squeeze %dma_wait3A_1974 : memref<1x800xi32, #tpu.memory_space<vmem>> -> memref<800xi32, #tpu.memory_space<vmem>>
    %dma_wait3A_1976 = arith.constant 0 : i32
    %dma_wait3A_1977 = arith.constant 0 : i32
    %dma_wait3A_1978 = tpu.memref_slice %arg2[%dma_wait3A_1976, %dma_wait3A_1977] : memref<1000000x32xf32, #tpu.memory_space<hbm>> -> memref<1000000x32xf32, #tpu.memory_space<hbm>>
    tpu.wait_indirect_dma semaphore(%arg13 : memref<!tpu.dma_semaphore, #tpu.memory_space<semaphore_mem>>) src(%dma_wait3A_1978 : memref<1000000x32xf32, #tpu.memory_space<hbm>>) dst(%dma_wait3A_1972 : memref<800x32xf32, #tpu.memory_space<vmem>>)
    %add3A_1979 = arith.constant 20800 : i32
    %add3A_1980 = arith.addi %mul3A_2, %add3A_1979 : i32
    %dma_start3A_1981 = arith.constant 2 : i32
    %dma_start3A_1982 = arith.constant 0 : i32
    %dma_start3A_1983 = arith.constant 0 : i32
    %dma_start3A_1984 = tpu.memref_slice %arg6[%dma_start3A_1981, %dma_start3A_1982, %dma_start3A_1983] : memref<4x800x32xf32, #tpu.memory_space<vmem>> -> memref<1x800x32xf32, #tpu.memory_space<vmem>>
    %dma_start3A_1985 = tpu.memref_squeeze %dma_start3A_1984 : memref<1x800x32xf32, #tpu.memory_space<vmem>> -> memref<800x32xf32, #tpu.memory_space<vmem>>
    %dma_start3A_1986 = arith.constant 0 : i32
    %dma_start3A_1987 = tpu.memref_slice %arg4[%add3A_1980, %dma_start3A_1986] : memref<819200x32xf32, #tpu.memory_space<hbm>> -> memref<800x32xf32, #tpu.memory_space<hbm>>
    %dma_start3A_1988 = arith.constant 0 : i32
    %dma_start3A_1989 = tpu.memref_slice %arg4[%add3A_1980, %dma_start3A_1988] : memref<819200x32xf32, #tpu.memory_space<hbm>> -> memref<800x32xf32, #tpu.memory_space<hbm>>
    %dma_start3A_1990 = arith.constant 0 : i32
    %dma_start3A_1991 = arith.constant 0 : i32
    %dma_start3A_1992 = tpu.memref_slice %arg6[%dma_start3A_1981, %dma_start3A_1990, %dma_start3A_1991] : memref<4x800x32xf32, #tpu.memory_space<vmem>> -> memref<1x800x32xf32, #tpu.memory_space<vmem>>
    %dma_start3A_1993 = tpu.memref_squeeze %dma_start3A_1992 : memref<1x800x32xf32, #tpu.memory_space<vmem>> -> memref<800x32xf32, #tpu.memory_space<vmem>>
    tpu.enqueue_dma source(%dma_start3A_1993 : memref<800x32xf32, #tpu.memory_space<vmem>>) target(%dma_start3A_1989 : memref<800x32xf32, #tpu.memory_space<hbm>>) target_semaphore(%arg17 : memref<!tpu.dma_semaphore, #tpu.memory_space<semaphore_mem>>)
    %add3A_1994 = arith.constant 24000 : i32
    %add3A_1995 = arith.addi %mul3A_2, %add3A_1994 : i32
    %dma_start3A_1996 = arith.constant 2 : i32
    %dma_start3A_1997 = arith.constant 0 : i32
    %dma_start3A_1998 = tpu.memref_slice %arg5[%dma_start3A_1996, %dma_start3A_1997] : memref<4x800xi32, #tpu.memory_space<vmem>> -> memref<1x800xi32, #tpu.memory_space<vmem>>
    %dma_start3A_1999 = tpu.memref_squeeze %dma_start3A_1998 : memref<1x800xi32, #tpu.memory_space<vmem>> -> memref<800xi32, #tpu.memory_space<vmem>>
    %dma_start3A_2000 = tpu.memref_slice %arg3[%add3A_1995] : memref<819200xi32, #tpu.memory_space<hbm>> -> memref<800xi32, #tpu.memory_space<hbm>>
    %dma_start3A_2001 = arith.constant 0 : i32
    %dma_start3A_2002 = tpu.memref_slice %arg5[%dma_start3A_1996, %dma_start3A_2001] : memref<4x800xi32, #tpu.memory_space<vmem>> -> memref<1x800xi32, #tpu.memory_space<vmem>>
    %dma_start3A_2003 = tpu.memref_squeeze %dma_start3A_2002 : memref<1x800xi32, #tpu.memory_space<vmem>> -> memref<800xi32, #tpu.memory_space<vmem>>
    %dma_start3A_2004 = tpu.memref_slice %arg3[%add3A_1995] : memref<819200xi32, #tpu.memory_space<hbm>> -> memref<800xi32, #tpu.memory_space<hbm>>
    tpu.enqueue_dma source(%dma_start3A_2004 : memref<800xi32, #tpu.memory_space<hbm>>) target(%dma_start3A_2003 : memref<800xi32, #tpu.memory_space<vmem>>) target_semaphore(%arg9 : memref<!tpu.dma_semaphore, #tpu.memory_space<semaphore_mem>>)
    %dma_wait3A_2005 = arith.constant 1 : i32
    %dma_wait3A_2006 = arith.constant 0 : i32
    %dma_wait3A_2007 = arith.constant 0 : i32
    %dma_wait3A_2008 = tpu.memref_slice %arg6[%dma_wait3A_2005, %dma_wait3A_2006, %dma_wait3A_2007] : memref<4x800x32xf32, #tpu.memory_space<vmem>> -> memref<1x800x32xf32, #tpu.memory_space<vmem>>
    %dma_wait3A_2009 = tpu.memref_squeeze %dma_wait3A_2008 : memref<1x800x32xf32, #tpu.memory_space<vmem>> -> memref<800x32xf32, #tpu.memory_space<vmem>>
    %dma_wait3A_2010 = arith.constant 0 : i32
    %dma_wait3A_2011 = tpu.memref_slice %arg4[%add3A_1908, %dma_wait3A_2010] : memref<819200x32xf32, #tpu.memory_space<hbm>> -> memref<800x32xf32, #tpu.memory_space<hbm>>
    %dma_wait3A_2012 = arith.constant 0 : i32
    %dma_wait3A_2013 = tpu.memref_slice %arg4[%add3A_1908, %dma_wait3A_2012] : memref<819200x32xf32, #tpu.memory_space<hbm>> -> memref<800x32xf32, #tpu.memory_space<hbm>>
    %dma_wait3A_2014 = arith.constant 0 : i32
    %dma_wait3A_2015 = arith.constant 0 : i32
    %dma_wait3A_2016 = tpu.memref_slice %arg6[%dma_wait3A_2005, %dma_wait3A_2014, %dma_wait3A_2015] : memref<4x800x32xf32, #tpu.memory_space<vmem>> -> memref<1x800x32xf32, #tpu.memory_space<vmem>>
    %dma_wait3A_2017 = tpu.memref_squeeze %dma_wait3A_2016 : memref<1x800x32xf32, #tpu.memory_space<vmem>> -> memref<800x32xf32, #tpu.memory_space<vmem>>
    tpu.wait_dma2 semaphore(%arg16 : memref<!tpu.dma_semaphore, #tpu.memory_space<semaphore_mem>>) src(%dma_wait3A_2017 : memref<800x32xf32, #tpu.memory_space<vmem>>) dst(%dma_wait3A_2013 : memref<800x32xf32, #tpu.memory_space<hbm>>)
    %dma_wait3A_2018 = arith.constant 1 : i32
    %dma_wait3A_2019 = arith.constant 0 : i32
    %dma_wait3A_2020 = tpu.memref_slice %arg5[%dma_wait3A_2018, %dma_wait3A_2019] : memref<4x800xi32, #tpu.memory_space<vmem>> -> memref<1x800xi32, #tpu.memory_space<vmem>>
    %dma_wait3A_2021 = tpu.memref_squeeze %dma_wait3A_2020 : memref<1x800xi32, #tpu.memory_space<vmem>> -> memref<800xi32, #tpu.memory_space<vmem>>
    %dma_wait3A_2022 = tpu.memref_slice %arg3[%add3A_1923] : memref<819200xi32, #tpu.memory_space<hbm>> -> memref<800xi32, #tpu.memory_space<hbm>>
    %dma_wait3A_2023 = arith.constant 0 : i32
    %dma_wait3A_2024 = tpu.memref_slice %arg5[%dma_wait3A_2018, %dma_wait3A_2023] : memref<4x800xi32, #tpu.memory_space<vmem>> -> memref<1x800xi32, #tpu.memory_space<vmem>>
    %dma_wait3A_2025 = tpu.memref_squeeze %dma_wait3A_2024 : memref<1x800xi32, #tpu.memory_space<vmem>> -> memref<800xi32, #tpu.memory_space<vmem>>
    %dma_wait3A_2026 = tpu.memref_slice %arg3[%add3A_1923] : memref<819200xi32, #tpu.memory_space<hbm>> -> memref<800xi32, #tpu.memory_space<hbm>>
    tpu.wait_dma2 semaphore(%arg8 : memref<!tpu.dma_semaphore, #tpu.memory_space<semaphore_mem>>) src(%dma_wait3A_2026 : memref<800xi32, #tpu.memory_space<hbm>>) dst(%dma_wait3A_2025 : memref<800xi32, #tpu.memory_space<vmem>>)
    %dma_start3A_2027 = arith.constant 1 : i32
    %dma_start3A_2028 = arith.constant 1 : i32
    %dma_start3A_2029 = arith.constant 0 : i32
    %dma_start3A_2030 = arith.constant 0 : i32
    %dma_start3A_2031 = tpu.memref_slice %arg6[%dma_start3A_2028, %dma_start3A_2029, %dma_start3A_2030] : memref<4x800x32xf32, #tpu.memory_space<vmem>> -> memref<1x800x32xf32, #tpu.memory_space<vmem>>
    %dma_start3A_2032 = tpu.memref_squeeze %dma_start3A_2031 : memref<1x800x32xf32, #tpu.memory_space<vmem>> -> memref<800x32xf32, #tpu.memory_space<vmem>>
    %dma_start3A_2033 = arith.constant 0 : i32
    %dma_start3A_2034 = tpu.memref_slice %arg5[%dma_start3A_2027, %dma_start3A_2033] : memref<4x800xi32, #tpu.memory_space<vmem>> -> memref<1x800xi32, #tpu.memory_space<vmem>>
    %dma_start3A_2035 = tpu.memref_squeeze %dma_start3A_2034 : memref<1x800xi32, #tpu.memory_space<vmem>> -> memref<800xi32, #tpu.memory_space<vmem>>
    %dma_start3A_2036 = arith.constant 0 : i32
    %dma_start3A_2037 = arith.constant 0 : i32
    %dma_start3A_2038 = tpu.memref_slice %arg2[%dma_start3A_2036, %dma_start3A_2037] : memref<1000000x32xf32, #tpu.memory_space<hbm>> -> memref<1000000x32xf32, #tpu.memory_space<hbm>>
    tpu.enqueue_indirect_dma source(%dma_start3A_2038 : memref<1000000x32xf32, #tpu.memory_space<hbm>>) target(%dma_start3A_2032 : memref<800x32xf32, #tpu.memory_space<vmem>>) offsets(%dma_start3A_2035 : memref<800xi32, #tpu.memory_space<vmem>>) semaphore(%arg12 : memref<!tpu.dma_semaphore, #tpu.memory_space<semaphore_mem>>)
    %dma_wait3A_2039 = arith.constant 3 : i32
    %dma_wait3A_2040 = arith.constant 3 : i32
    %dma_wait3A_2041 = arith.constant 0 : i32
    %dma_wait3A_2042 = arith.constant 0 : i32
    %dma_wait3A_2043 = tpu.memref_slice %arg6[%dma_wait3A_2040, %dma_wait3A_2041, %dma_wait3A_2042] : memref<4x800x32xf32, #tpu.memory_space<vmem>> -> memref<1x800x32xf32, #tpu.memory_space<vmem>>
    %dma_wait3A_2044 = tpu.memref_squeeze %dma_wait3A_2043 : memref<1x800x32xf32, #tpu.memory_space<vmem>> -> memref<800x32xf32, #tpu.memory_space<vmem>>
    %dma_wait3A_2045 = arith.constant 0 : i32
    %dma_wait3A_2046 = tpu.memref_slice %arg5[%dma_wait3A_2039, %dma_wait3A_2045] : memref<4x800xi32, #tpu.memory_space<vmem>> -> memref<1x800xi32, #tpu.memory_space<vmem>>
    %dma_wait3A_2047 = tpu.memref_squeeze %dma_wait3A_2046 : memref<1x800xi32, #tpu.memory_space<vmem>> -> memref<800xi32, #tpu.memory_space<vmem>>
    %dma_wait3A_2048 = arith.constant 0 : i32
    %dma_wait3A_2049 = arith.constant 0 : i32
    %dma_wait3A_2050 = tpu.memref_slice %arg2[%dma_wait3A_2048, %dma_wait3A_2049] : memref<1000000x32xf32, #tpu.memory_space<hbm>> -> memref<1000000x32xf32, #tpu.memory_space<hbm>>
    tpu.wait_indirect_dma semaphore(%arg14 : memref<!tpu.dma_semaphore, #tpu.memory_space<semaphore_mem>>) src(%dma_wait3A_2050 : memref<1000000x32xf32, #tpu.memory_space<hbm>>) dst(%dma_wait3A_2044 : memref<800x32xf32, #tpu.memory_space<vmem>>)
    %add3A_2051 = arith.constant 21600 : i32
    %add3A_2052 = arith.addi %mul3A_2, %add3A_2051 : i32
    %dma_start3A_2053 = arith.constant 3 : i32
    %dma_start3A_2054 = arith.constant 0 : i32
    %dma_start3A_2055 = arith.constant 0 : i32
    %dma_start3A_2056 = tpu.memref_slice %arg6[%dma_start3A_2053, %dma_start3A_2054, %dma_start3A_2055] : memref<4x800x32xf32, #tpu.memory_space<vmem>> -> memref<1x800x32xf32, #tpu.memory_space<vmem>>
    %dma_start3A_2057 = tpu.memref_squeeze %dma_start3A_2056 : memref<1x800x32xf32, #tpu.memory_space<vmem>> -> memref<800x32xf32, #tpu.memory_space<vmem>>
    %dma_start3A_2058 = arith.constant 0 : i32
    %dma_start3A_2059 = tpu.memref_slice %arg4[%add3A_2052, %dma_start3A_2058] : memref<819200x32xf32, #tpu.memory_space<hbm>> -> memref<800x32xf32, #tpu.memory_space<hbm>>
    %dma_start3A_2060 = arith.constant 0 : i32
    %dma_start3A_2061 = tpu.memref_slice %arg4[%add3A_2052, %dma_start3A_2060] : memref<819200x32xf32, #tpu.memory_space<hbm>> -> memref<800x32xf32, #tpu.memory_space<hbm>>
    %dma_start3A_2062 = arith.constant 0 : i32
    %dma_start3A_2063 = arith.constant 0 : i32
    %dma_start3A_2064 = tpu.memref_slice %arg6[%dma_start3A_2053, %dma_start3A_2062, %dma_start3A_2063] : memref<4x800x32xf32, #tpu.memory_space<vmem>> -> memref<1x800x32xf32, #tpu.memory_space<vmem>>
    %dma_start3A_2065 = tpu.memref_squeeze %dma_start3A_2064 : memref<1x800x32xf32, #tpu.memory_space<vmem>> -> memref<800x32xf32, #tpu.memory_space<vmem>>
    tpu.enqueue_dma source(%dma_start3A_2065 : memref<800x32xf32, #tpu.memory_space<vmem>>) target(%dma_start3A_2061 : memref<800x32xf32, #tpu.memory_space<hbm>>) target_semaphore(%arg18 : memref<!tpu.dma_semaphore, #tpu.memory_space<semaphore_mem>>)
    %add3A_2066 = arith.constant 24800 : i32
    %add3A_2067 = arith.addi %mul3A_2, %add3A_2066 : i32
    %dma_start3A_2068 = arith.constant 3 : i32
    %dma_start3A_2069 = arith.constant 0 : i32
    %dma_start3A_2070 = tpu.memref_slice %arg5[%dma_start3A_2068, %dma_start3A_2069] : memref<4x800xi32, #tpu.memory_space<vmem>> -> memref<1x800xi32, #tpu.memory_space<vmem>>
    %dma_start3A_2071 = tpu.memref_squeeze %dma_start3A_2070 : memref<1x800xi32, #tpu.memory_space<vmem>> -> memref<800xi32, #tpu.memory_space<vmem>>
    %dma_start3A_2072 = tpu.memref_slice %arg3[%add3A_2067] : memref<819200xi32, #tpu.memory_space<hbm>> -> memref<800xi32, #tpu.memory_space<hbm>>
    %dma_start3A_2073 = arith.constant 0 : i32
    %dma_start3A_2074 = tpu.memref_slice %arg5[%dma_start3A_2068, %dma_start3A_2073] : memref<4x800xi32, #tpu.memory_space<vmem>> -> memref<1x800xi32, #tpu.memory_space<vmem>>
    %dma_start3A_2075 = tpu.memref_squeeze %dma_start3A_2074 : memref<1x800xi32, #tpu.memory_space<vmem>> -> memref<800xi32, #tpu.memory_space<vmem>>
    %dma_start3A_2076 = tpu.memref_slice %arg3[%add3A_2067] : memref<819200xi32, #tpu.memory_space<hbm>> -> memref<800xi32, #tpu.memory_space<hbm>>
    tpu.enqueue_dma source(%dma_start3A_2076 : memref<800xi32, #tpu.memory_space<hbm>>) target(%dma_start3A_2075 : memref<800xi32, #tpu.memory_space<vmem>>) target_semaphore(%arg10 : memref<!tpu.dma_semaphore, #tpu.memory_space<semaphore_mem>>)
    %dma_wait3A_2077 = arith.constant 2 : i32
    %dma_wait3A_2078 = arith.constant 0 : i32
    %dma_wait3A_2079 = arith.constant 0 : i32
    %dma_wait3A_2080 = tpu.memref_slice %arg6[%dma_wait3A_2077, %dma_wait3A_2078, %dma_wait3A_2079] : memref<4x800x32xf32, #tpu.memory_space<vmem>> -> memref<1x800x32xf32, #tpu.memory_space<vmem>>
    %dma_wait3A_2081 = tpu.memref_squeeze %dma_wait3A_2080 : memref<1x800x32xf32, #tpu.memory_space<vmem>> -> memref<800x32xf32, #tpu.memory_space<vmem>>
    %dma_wait3A_2082 = arith.constant 0 : i32
    %dma_wait3A_2083 = tpu.memref_slice %arg4[%add3A_1980, %dma_wait3A_2082] : memref<819200x32xf32, #tpu.memory_space<hbm>> -> memref<800x32xf32, #tpu.memory_space<hbm>>
    %dma_wait3A_2084 = arith.constant 0 : i32
    %dma_wait3A_2085 = tpu.memref_slice %arg4[%add3A_1980, %dma_wait3A_2084] : memref<819200x32xf32, #tpu.memory_space<hbm>> -> memref<800x32xf32, #tpu.memory_space<hbm>>
    %dma_wait3A_2086 = arith.constant 0 : i32
    %dma_wait3A_2087 = arith.constant 0 : i32
    %dma_wait3A_2088 = tpu.memref_slice %arg6[%dma_wait3A_2077, %dma_wait3A_2086, %dma_wait3A_2087] : memref<4x800x32xf32, #tpu.memory_space<vmem>> -> memref<1x800x32xf32, #tpu.memory_space<vmem>>
    %dma_wait3A_2089 = tpu.memref_squeeze %dma_wait3A_2088 : memref<1x800x32xf32, #tpu.memory_space<vmem>> -> memref<800x32xf32, #tpu.memory_space<vmem>>
    tpu.wait_dma2 semaphore(%arg17 : memref<!tpu.dma_semaphore, #tpu.memory_space<semaphore_mem>>) src(%dma_wait3A_2089 : memref<800x32xf32, #tpu.memory_space<vmem>>) dst(%dma_wait3A_2085 : memref<800x32xf32, #tpu.memory_space<hbm>>)
    %dma_wait3A_2090 = arith.constant 2 : i32
    %dma_wait3A_2091 = arith.constant 0 : i32
    %dma_wait3A_2092 = tpu.memref_slice %arg5[%dma_wait3A_2090, %dma_wait3A_2091] : memref<4x800xi32, #tpu.memory_space<vmem>> -> memref<1x800xi32, #tpu.memory_space<vmem>>
    %dma_wait3A_2093 = tpu.memref_squeeze %dma_wait3A_2092 : memref<1x800xi32, #tpu.memory_space<vmem>> -> memref<800xi32, #tpu.memory_space<vmem>>
    %dma_wait3A_2094 = tpu.memref_slice %arg3[%add3A_1995] : memref<819200xi32, #tpu.memory_space<hbm>> -> memref<800xi32, #tpu.memory_space<hbm>>
    %dma_wait3A_2095 = arith.constant 0 : i32
    %dma_wait3A_2096 = tpu.memref_slice %arg5[%dma_wait3A_2090, %dma_wait3A_2095] : memref<4x800xi32, #tpu.memory_space<vmem>> -> memref<1x800xi32, #tpu.memory_space<vmem>>
    %dma_wait3A_2097 = tpu.memref_squeeze %dma_wait3A_2096 : memref<1x800xi32, #tpu.memory_space<vmem>> -> memref<800xi32, #tpu.memory_space<vmem>>
    %dma_wait3A_2098 = tpu.memref_slice %arg3[%add3A_1995] : memref<819200xi32, #tpu.memory_space<hbm>> -> memref<800xi32, #tpu.memory_space<hbm>>
    tpu.wait_dma2 semaphore(%arg9 : memref<!tpu.dma_semaphore, #tpu.memory_space<semaphore_mem>>) src(%dma_wait3A_2098 : memref<800xi32, #tpu.memory_space<hbm>>) dst(%dma_wait3A_2097 : memref<800xi32, #tpu.memory_space<vmem>>)
    %dma_start3A_2099 = arith.constant 2 : i32
    %dma_start3A_2100 = arith.constant 2 : i32
    %dma_start3A_2101 = arith.constant 0 : i32
    %dma_start3A_2102 = arith.constant 0 : i32
    %dma_start3A_2103 = tpu.memref_slice %arg6[%dma_start3A_2100, %dma_start3A_2101, %dma_start3A_2102] : memref<4x800x32xf32, #tpu.memory_space<vmem>> -> memref<1x800x32xf32, #tpu.memory_space<vmem>>
    %dma_start3A_2104 = tpu.memref_squeeze %dma_start3A_2103 : memref<1x800x32xf32, #tpu.memory_space<vmem>> -> memref<800x32xf32, #tpu.memory_space<vmem>>
    %dma_start3A_2105 = arith.constant 0 : i32
    %dma_start3A_2106 = tpu.memref_slice %arg5[%dma_start3A_2099, %dma_start3A_2105] : memref<4x800xi32, #tpu.memory_space<vmem>> -> memref<1x800xi32, #tpu.memory_space<vmem>>
    %dma_start3A_2107 = tpu.memref_squeeze %dma_start3A_2106 : memref<1x800xi32, #tpu.memory_space<vmem>> -> memref<800xi32, #tpu.memory_space<vmem>>
    %dma_start3A_2108 = arith.constant 0 : i32
    %dma_start3A_2109 = arith.constant 0 : i32
    %dma_start3A_2110 = tpu.memref_slice %arg2[%dma_start3A_2108, %dma_start3A_2109] : memref<1000000x32xf32, #tpu.memory_space<hbm>> -> memref<1000000x32xf32, #tpu.memory_space<hbm>>
    tpu.enqueue_indirect_dma source(%dma_start3A_2110 : memref<1000000x32xf32, #tpu.memory_space<hbm>>) target(%dma_start3A_2104 : memref<800x32xf32, #tpu.memory_space<vmem>>) offsets(%dma_start3A_2107 : memref<800xi32, #tpu.memory_space<vmem>>) semaphore(%arg13 : memref<!tpu.dma_semaphore, #tpu.memory_space<semaphore_mem>>)
    %dma_wait3A_2111 = arith.constant 0 : i32
    %dma_wait3A_2112 = arith.constant 0 : i32
    %dma_wait3A_2113 = arith.constant 0 : i32
    %dma_wait3A_2114 = arith.constant 0 : i32
    %dma_wait3A_2115 = tpu.memref_slice %arg6[%dma_wait3A_2112, %dma_wait3A_2113, %dma_wait3A_2114] : memref<4x800x32xf32, #tpu.memory_space<vmem>> -> memref<1x800x32xf32, #tpu.memory_space<vmem>>
    %dma_wait3A_2116 = tpu.memref_squeeze %dma_wait3A_2115 : memref<1x800x32xf32, #tpu.memory_space<vmem>> -> memref<800x32xf32, #tpu.memory_space<vmem>>
    %dma_wait3A_2117 = arith.constant 0 : i32
    %dma_wait3A_2118 = tpu.memref_slice %arg5[%dma_wait3A_2111, %dma_wait3A_2117] : memref<4x800xi32, #tpu.memory_space<vmem>> -> memref<1x800xi32, #tpu.memory_space<vmem>>
    %dma_wait3A_2119 = tpu.memref_squeeze %dma_wait3A_2118 : memref<1x800xi32, #tpu.memory_space<vmem>> -> memref<800xi32, #tpu.memory_space<vmem>>
    %dma_wait3A_2120 = arith.constant 0 : i32
    %dma_wait3A_2121 = arith.constant 0 : i32
    %dma_wait3A_2122 = tpu.memref_slice %arg2[%dma_wait3A_2120, %dma_wait3A_2121] : memref<1000000x32xf32, #tpu.memory_space<hbm>> -> memref<1000000x32xf32, #tpu.memory_space<hbm>>
    tpu.wait_indirect_dma semaphore(%arg11 : memref<!tpu.dma_semaphore, #tpu.memory_space<semaphore_mem>>) src(%dma_wait3A_2122 : memref<1000000x32xf32, #tpu.memory_space<hbm>>) dst(%dma_wait3A_2116 : memref<800x32xf32, #tpu.memory_space<vmem>>)
    %add3A_2123 = arith.constant 22400 : i32
    %add3A_2124 = arith.addi %mul3A_2, %add3A_2123 : i32
    %dma_start3A_2125 = arith.constant 0 : i32
    %dma_start3A_2126 = arith.constant 0 : i32
    %dma_start3A_2127 = arith.constant 0 : i32
    %dma_start3A_2128 = tpu.memref_slice %arg6[%dma_start3A_2125, %dma_start3A_2126, %dma_start3A_2127] : memref<4x800x32xf32, #tpu.memory_space<vmem>> -> memref<1x800x32xf32, #tpu.memory_space<vmem>>
    %dma_start3A_2129 = tpu.memref_squeeze %dma_start3A_2128 : memref<1x800x32xf32, #tpu.memory_space<vmem>> -> memref<800x32xf32, #tpu.memory_space<vmem>>
    %dma_start3A_2130 = arith.constant 0 : i32
    %dma_start3A_2131 = tpu.memref_slice %arg4[%add3A_2124, %dma_start3A_2130] : memref<819200x32xf32, #tpu.memory_space<hbm>> -> memref<800x32xf32, #tpu.memory_space<hbm>>
    %dma_start3A_2132 = arith.constant 0 : i32
    %dma_start3A_2133 = tpu.memref_slice %arg4[%add3A_2124, %dma_start3A_2132] : memref<819200x32xf32, #tpu.memory_space<hbm>> -> memref<800x32xf32, #tpu.memory_space<hbm>>
    %dma_start3A_2134 = arith.constant 0 : i32
    %dma_start3A_2135 = arith.constant 0 : i32
    %dma_start3A_2136 = tpu.memref_slice %arg6[%dma_start3A_2125, %dma_start3A_2134, %dma_start3A_2135] : memref<4x800x32xf32, #tpu.memory_space<vmem>> -> memref<1x800x32xf32, #tpu.memory_space<vmem>>
    %dma_start3A_2137 = tpu.memref_squeeze %dma_start3A_2136 : memref<1x800x32xf32, #tpu.memory_space<vmem>> -> memref<800x32xf32, #tpu.memory_space<vmem>>
    tpu.enqueue_dma source(%dma_start3A_2137 : memref<800x32xf32, #tpu.memory_space<vmem>>) target(%dma_start3A_2133 : memref<800x32xf32, #tpu.memory_space<hbm>>) target_semaphore(%arg15 : memref<!tpu.dma_semaphore, #tpu.memory_space<semaphore_mem>>)
    %dma_wait3A_2138 = arith.constant 3 : i32
    %dma_wait3A_2139 = arith.constant 0 : i32
    %dma_wait3A_2140 = arith.constant 0 : i32
    %dma_wait3A_2141 = tpu.memref_slice %arg6[%dma_wait3A_2138, %dma_wait3A_2139, %dma_wait3A_2140] : memref<4x800x32xf32, #tpu.memory_space<vmem>> -> memref<1x800x32xf32, #tpu.memory_space<vmem>>
    %dma_wait3A_2142 = tpu.memref_squeeze %dma_wait3A_2141 : memref<1x800x32xf32, #tpu.memory_space<vmem>> -> memref<800x32xf32, #tpu.memory_space<vmem>>
    %dma_wait3A_2143 = arith.constant 0 : i32
    %dma_wait3A_2144 = tpu.memref_slice %arg4[%add3A_2052, %dma_wait3A_2143] : memref<819200x32xf32, #tpu.memory_space<hbm>> -> memref<800x32xf32, #tpu.memory_space<hbm>>
    %dma_wait3A_2145 = arith.constant 0 : i32
    %dma_wait3A_2146 = tpu.memref_slice %arg4[%add3A_2052, %dma_wait3A_2145] : memref<819200x32xf32, #tpu.memory_space<hbm>> -> memref<800x32xf32, #tpu.memory_space<hbm>>
    %dma_wait3A_2147 = arith.constant 0 : i32
    %dma_wait3A_2148 = arith.constant 0 : i32
    %dma_wait3A_2149 = tpu.memref_slice %arg6[%dma_wait3A_2138, %dma_wait3A_2147, %dma_wait3A_2148] : memref<4x800x32xf32, #tpu.memory_space<vmem>> -> memref<1x800x32xf32, #tpu.memory_space<vmem>>
    %dma_wait3A_2150 = tpu.memref_squeeze %dma_wait3A_2149 : memref<1x800x32xf32, #tpu.memory_space<vmem>> -> memref<800x32xf32, #tpu.memory_space<vmem>>
    tpu.wait_dma2 semaphore(%arg18 : memref<!tpu.dma_semaphore, #tpu.memory_space<semaphore_mem>>) src(%dma_wait3A_2150 : memref<800x32xf32, #tpu.memory_space<vmem>>) dst(%dma_wait3A_2146 : memref<800x32xf32, #tpu.memory_space<hbm>>)
    %dma_wait3A_2151 = arith.constant 3 : i32
    %dma_wait3A_2152 = arith.constant 0 : i32
    %dma_wait3A_2153 = tpu.memref_slice %arg5[%dma_wait3A_2151, %dma_wait3A_2152] : memref<4x800xi32, #tpu.memory_space<vmem>> -> memref<1x800xi32, #tpu.memory_space<vmem>>
    %dma_wait3A_2154 = tpu.memref_squeeze %dma_wait3A_2153 : memref<1x800xi32, #tpu.memory_space<vmem>> -> memref<800xi32, #tpu.memory_space<vmem>>
    %dma_wait3A_2155 = tpu.memref_slice %arg3[%add3A_2067] : memref<819200xi32, #tpu.memory_space<hbm>> -> memref<800xi32, #tpu.memory_space<hbm>>
    %dma_wait3A_2156 = arith.constant 0 : i32
    %dma_wait3A_2157 = tpu.memref_slice %arg5[%dma_wait3A_2151, %dma_wait3A_2156] : memref<4x800xi32, #tpu.memory_space<vmem>> -> memref<1x800xi32, #tpu.memory_space<vmem>>
    %dma_wait3A_2158 = tpu.memref_squeeze %dma_wait3A_2157 : memref<1x800xi32, #tpu.memory_space<vmem>> -> memref<800xi32, #tpu.memory_space<vmem>>
    %dma_wait3A_2159 = tpu.memref_slice %arg3[%add3A_2067] : memref<819200xi32, #tpu.memory_space<hbm>> -> memref<800xi32, #tpu.memory_space<hbm>>
    tpu.wait_dma2 semaphore(%arg10 : memref<!tpu.dma_semaphore, #tpu.memory_space<semaphore_mem>>) src(%dma_wait3A_2159 : memref<800xi32, #tpu.memory_space<hbm>>) dst(%dma_wait3A_2158 : memref<800xi32, #tpu.memory_space<vmem>>)
    %dma_start3A_2160 = arith.constant 3 : i32
    %dma_start3A_2161 = arith.constant 3 : i32
    %dma_start3A_2162 = arith.constant 0 : i32
    %dma_start3A_2163 = arith.constant 0 : i32
    %dma_start3A_2164 = tpu.memref_slice %arg6[%dma_start3A_2161, %dma_start3A_2162, %dma_start3A_2163] : memref<4x800x32xf32, #tpu.memory_space<vmem>> -> memref<1x800x32xf32, #tpu.memory_space<vmem>>
    %dma_start3A_2165 = tpu.memref_squeeze %dma_start3A_2164 : memref<1x800x32xf32, #tpu.memory_space<vmem>> -> memref<800x32xf32, #tpu.memory_space<vmem>>
    %dma_start3A_2166 = arith.constant 0 : i32
    %dma_start3A_2167 = tpu.memref_slice %arg5[%dma_start3A_2160, %dma_start3A_2166] : memref<4x800xi32, #tpu.memory_space<vmem>> -> memref<1x800xi32, #tpu.memory_space<vmem>>
    %dma_start3A_2168 = tpu.memref_squeeze %dma_start3A_2167 : memref<1x800xi32, #tpu.memory_space<vmem>> -> memref<800xi32, #tpu.memory_space<vmem>>
    %dma_start3A_2169 = arith.constant 0 : i32
    %dma_start3A_2170 = arith.constant 0 : i32
    %dma_start3A_2171 = tpu.memref_slice %arg2[%dma_start3A_2169, %dma_start3A_2170] : memref<1000000x32xf32, #tpu.memory_space<hbm>> -> memref<1000000x32xf32, #tpu.memory_space<hbm>>
    tpu.enqueue_indirect_dma source(%dma_start3A_2171 : memref<1000000x32xf32, #tpu.memory_space<hbm>>) target(%dma_start3A_2165 : memref<800x32xf32, #tpu.memory_space<vmem>>) offsets(%dma_start3A_2168 : memref<800xi32, #tpu.memory_space<vmem>>) semaphore(%arg14 : memref<!tpu.dma_semaphore, #tpu.memory_space<semaphore_mem>>)
    %dma_wait3A_2172 = arith.constant 1 : i32
    %dma_wait3A_2173 = arith.constant 1 : i32
    %dma_wait3A_2174 = arith.constant 0 : i32
    %dma_wait3A_2175 = arith.constant 0 : i32
    %dma_wait3A_2176 = tpu.memref_slice %arg6[%dma_wait3A_2173, %dma_wait3A_2174, %dma_wait3A_2175] : memref<4x800x32xf32, #tpu.memory_space<vmem>> -> memref<1x800x32xf32, #tpu.memory_space<vmem>>
    %dma_wait3A_2177 = tpu.memref_squeeze %dma_wait3A_2176 : memref<1x800x32xf32, #tpu.memory_space<vmem>> -> memref<800x32xf32, #tpu.memory_space<vmem>>
    %dma_wait3A_2178 = arith.constant 0 : i32
    %dma_wait3A_2179 = tpu.memref_slice %arg5[%dma_wait3A_2172, %dma_wait3A_2178] : memref<4x800xi32, #tpu.memory_space<vmem>> -> memref<1x800xi32, #tpu.memory_space<vmem>>
    %dma_wait3A_2180 = tpu.memref_squeeze %dma_wait3A_2179 : memref<1x800xi32, #tpu.memory_space<vmem>> -> memref<800xi32, #tpu.memory_space<vmem>>
    %dma_wait3A_2181 = arith.constant 0 : i32
    %dma_wait3A_2182 = arith.constant 0 : i32
    %dma_wait3A_2183 = tpu.memref_slice %arg2[%dma_wait3A_2181, %dma_wait3A_2182] : memref<1000000x32xf32, #tpu.memory_space<hbm>> -> memref<1000000x32xf32, #tpu.memory_space<hbm>>
    tpu.wait_indirect_dma semaphore(%arg12 : memref<!tpu.dma_semaphore, #tpu.memory_space<semaphore_mem>>) src(%dma_wait3A_2183 : memref<1000000x32xf32, #tpu.memory_space<hbm>>) dst(%dma_wait3A_2177 : memref<800x32xf32, #tpu.memory_space<vmem>>)
    %add3A_2184 = arith.constant 23200 : i32
    %add3A_2185 = arith.addi %mul3A_2, %add3A_2184 : i32
    %dma_start3A_2186 = arith.constant 1 : i32
    %dma_start3A_2187 = arith.constant 0 : i32
    %dma_start3A_2188 = arith.constant 0 : i32
    %dma_start3A_2189 = tpu.memref_slice %arg6[%dma_start3A_2186, %dma_start3A_2187, %dma_start3A_2188] : memref<4x800x32xf32, #tpu.memory_space<vmem>> -> memref<1x800x32xf32, #tpu.memory_space<vmem>>
    %dma_start3A_2190 = tpu.memref_squeeze %dma_start3A_2189 : memref<1x800x32xf32, #tpu.memory_space<vmem>> -> memref<800x32xf32, #tpu.memory_space<vmem>>
    %dma_start3A_2191 = arith.constant 0 : i32
    %dma_start3A_2192 = tpu.memref_slice %arg4[%add3A_2185, %dma_start3A_2191] : memref<819200x32xf32, #tpu.memory_space<hbm>> -> memref<800x32xf32, #tpu.memory_space<hbm>>
    %dma_start3A_2193 = arith.constant 0 : i32
    %dma_start3A_2194 = tpu.memref_slice %arg4[%add3A_2185, %dma_start3A_2193] : memref<819200x32xf32, #tpu.memory_space<hbm>> -> memref<800x32xf32, #tpu.memory_space<hbm>>
    %dma_start3A_2195 = arith.constant 0 : i32
    %dma_start3A_2196 = arith.constant 0 : i32
    %dma_start3A_2197 = tpu.memref_slice %arg6[%dma_start3A_2186, %dma_start3A_2195, %dma_start3A_2196] : memref<4x800x32xf32, #tpu.memory_space<vmem>> -> memref<1x800x32xf32, #tpu.memory_space<vmem>>
    %dma_start3A_2198 = tpu.memref_squeeze %dma_start3A_2197 : memref<1x800x32xf32, #tpu.memory_space<vmem>> -> memref<800x32xf32, #tpu.memory_space<vmem>>
    tpu.enqueue_dma source(%dma_start3A_2198 : memref<800x32xf32, #tpu.memory_space<vmem>>) target(%dma_start3A_2194 : memref<800x32xf32, #tpu.memory_space<hbm>>) target_semaphore(%arg16 : memref<!tpu.dma_semaphore, #tpu.memory_space<semaphore_mem>>)
    %dma_wait3A_2199 = arith.constant 2 : i32
    %dma_wait3A_2200 = arith.constant 2 : i32
    %dma_wait3A_2201 = arith.constant 0 : i32
    %dma_wait3A_2202 = arith.constant 0 : i32
    %dma_wait3A_2203 = tpu.memref_slice %arg6[%dma_wait3A_2200, %dma_wait3A_2201, %dma_wait3A_2202] : memref<4x800x32xf32, #tpu.memory_space<vmem>> -> memref<1x800x32xf32, #tpu.memory_space<vmem>>
    %dma_wait3A_2204 = tpu.memref_squeeze %dma_wait3A_2203 : memref<1x800x32xf32, #tpu.memory_space<vmem>> -> memref<800x32xf32, #tpu.memory_space<vmem>>
    %dma_wait3A_2205 = arith.constant 0 : i32
    %dma_wait3A_2206 = tpu.memref_slice %arg5[%dma_wait3A_2199, %dma_wait3A_2205] : memref<4x800xi32, #tpu.memory_space<vmem>> -> memref<1x800xi32, #tpu.memory_space<vmem>>
    %dma_wait3A_2207 = tpu.memref_squeeze %dma_wait3A_2206 : memref<1x800xi32, #tpu.memory_space<vmem>> -> memref<800xi32, #tpu.memory_space<vmem>>
    %dma_wait3A_2208 = arith.constant 0 : i32
    %dma_wait3A_2209 = arith.constant 0 : i32
    %dma_wait3A_2210 = tpu.memref_slice %arg2[%dma_wait3A_2208, %dma_wait3A_2209] : memref<1000000x32xf32, #tpu.memory_space<hbm>> -> memref<1000000x32xf32, #tpu.memory_space<hbm>>
    tpu.wait_indirect_dma semaphore(%arg13 : memref<!tpu.dma_semaphore, #tpu.memory_space<semaphore_mem>>) src(%dma_wait3A_2210 : memref<1000000x32xf32, #tpu.memory_space<hbm>>) dst(%dma_wait3A_2204 : memref<800x32xf32, #tpu.memory_space<vmem>>)
    %add3A_2211 = arith.constant 24000 : i32
    %add3A_2212 = arith.addi %mul3A_2, %add3A_2211 : i32
    %dma_start3A_2213 = arith.constant 2 : i32
    %dma_start3A_2214 = arith.constant 0 : i32
    %dma_start3A_2215 = arith.constant 0 : i32
    %dma_start3A_2216 = tpu.memref_slice %arg6[%dma_start3A_2213, %dma_start3A_2214, %dma_start3A_2215] : memref<4x800x32xf32, #tpu.memory_space<vmem>> -> memref<1x800x32xf32, #tpu.memory_space<vmem>>
    %dma_start3A_2217 = tpu.memref_squeeze %dma_start3A_2216 : memref<1x800x32xf32, #tpu.memory_space<vmem>> -> memref<800x32xf32, #tpu.memory_space<vmem>>
    %dma_start3A_2218 = arith.constant 0 : i32
    %dma_start3A_2219 = tpu.memref_slice %arg4[%add3A_2212, %dma_start3A_2218] : memref<819200x32xf32, #tpu.memory_space<hbm>> -> memref<800x32xf32, #tpu.memory_space<hbm>>
    %dma_start3A_2220 = arith.constant 0 : i32
    %dma_start3A_2221 = tpu.memref_slice %arg4[%add3A_2212, %dma_start3A_2220] : memref<819200x32xf32, #tpu.memory_space<hbm>> -> memref<800x32xf32, #tpu.memory_space<hbm>>
    %dma_start3A_2222 = arith.constant 0 : i32
    %dma_start3A_2223 = arith.constant 0 : i32
    %dma_start3A_2224 = tpu.memref_slice %arg6[%dma_start3A_2213, %dma_start3A_2222, %dma_start3A_2223] : memref<4x800x32xf32, #tpu.memory_space<vmem>> -> memref<1x800x32xf32, #tpu.memory_space<vmem>>
    %dma_start3A_2225 = tpu.memref_squeeze %dma_start3A_2224 : memref<1x800x32xf32, #tpu.memory_space<vmem>> -> memref<800x32xf32, #tpu.memory_space<vmem>>
    tpu.enqueue_dma source(%dma_start3A_2225 : memref<800x32xf32, #tpu.memory_space<vmem>>) target(%dma_start3A_2221 : memref<800x32xf32, #tpu.memory_space<hbm>>) target_semaphore(%arg17 : memref<!tpu.dma_semaphore, #tpu.memory_space<semaphore_mem>>)
    %dma_wait3A_2226 = arith.constant 3 : i32
    %dma_wait3A_2227 = arith.constant 3 : i32
    %dma_wait3A_2228 = arith.constant 0 : i32
    %dma_wait3A_2229 = arith.constant 0 : i32
    %dma_wait3A_2230 = tpu.memref_slice %arg6[%dma_wait3A_2227, %dma_wait3A_2228, %dma_wait3A_2229] : memref<4x800x32xf32, #tpu.memory_space<vmem>> -> memref<1x800x32xf32, #tpu.memory_space<vmem>>
    %dma_wait3A_2231 = tpu.memref_squeeze %dma_wait3A_2230 : memref<1x800x32xf32, #tpu.memory_space<vmem>> -> memref<800x32xf32, #tpu.memory_space<vmem>>
    %dma_wait3A_2232 = arith.constant 0 : i32
    %dma_wait3A_2233 = tpu.memref_slice %arg5[%dma_wait3A_2226, %dma_wait3A_2232] : memref<4x800xi32, #tpu.memory_space<vmem>> -> memref<1x800xi32, #tpu.memory_space<vmem>>
    %dma_wait3A_2234 = tpu.memref_squeeze %dma_wait3A_2233 : memref<1x800xi32, #tpu.memory_space<vmem>> -> memref<800xi32, #tpu.memory_space<vmem>>
    %dma_wait3A_2235 = arith.constant 0 : i32
    %dma_wait3A_2236 = arith.constant 0 : i32
    %dma_wait3A_2237 = tpu.memref_slice %arg2[%dma_wait3A_2235, %dma_wait3A_2236] : memref<1000000x32xf32, #tpu.memory_space<hbm>> -> memref<1000000x32xf32, #tpu.memory_space<hbm>>
    tpu.wait_indirect_dma semaphore(%arg14 : memref<!tpu.dma_semaphore, #tpu.memory_space<semaphore_mem>>) src(%dma_wait3A_2237 : memref<1000000x32xf32, #tpu.memory_space<hbm>>) dst(%dma_wait3A_2231 : memref<800x32xf32, #tpu.memory_space<vmem>>)
    %add3A_2238 = arith.constant 24800 : i32
    %add3A_2239 = arith.addi %mul3A_2, %add3A_2238 : i32
    %dma_start3A_2240 = arith.constant 3 : i32
    %dma_start3A_2241 = arith.constant 0 : i32
    %dma_start3A_2242 = arith.constant 0 : i32
    %dma_start3A_2243 = tpu.memref_slice %arg6[%dma_start3A_2240, %dma_start3A_2241, %dma_start3A_2242] : memref<4x800x32xf32, #tpu.memory_space<vmem>> -> memref<1x800x32xf32, #tpu.memory_space<vmem>>
    %dma_start3A_2244 = tpu.memref_squeeze %dma_start3A_2243 : memref<1x800x32xf32, #tpu.memory_space<vmem>> -> memref<800x32xf32, #tpu.memory_space<vmem>>
    %dma_start3A_2245 = arith.constant 0 : i32
    %dma_start3A_2246 = tpu.memref_slice %arg4[%add3A_2239, %dma_start3A_2245] : memref<819200x32xf32, #tpu.memory_space<hbm>> -> memref<800x32xf32, #tpu.memory_space<hbm>>
    %dma_start3A_2247 = arith.constant 0 : i32
    %dma_start3A_2248 = tpu.memref_slice %arg4[%add3A_2239, %dma_start3A_2247] : memref<819200x32xf32, #tpu.memory_space<hbm>> -> memref<800x32xf32, #tpu.memory_space<hbm>>
    %dma_start3A_2249 = arith.constant 0 : i32
    %dma_start3A_2250 = arith.constant 0 : i32
    %dma_start3A_2251 = tpu.memref_slice %arg6[%dma_start3A_2240, %dma_start3A_2249, %dma_start3A_2250] : memref<4x800x32xf32, #tpu.memory_space<vmem>> -> memref<1x800x32xf32, #tpu.memory_space<vmem>>
    %dma_start3A_2252 = tpu.memref_squeeze %dma_start3A_2251 : memref<1x800x32xf32, #tpu.memory_space<vmem>> -> memref<800x32xf32, #tpu.memory_space<vmem>>
    tpu.enqueue_dma source(%dma_start3A_2252 : memref<800x32xf32, #tpu.memory_space<vmem>>) target(%dma_start3A_2248 : memref<800x32xf32, #tpu.memory_space<hbm>>) target_semaphore(%arg18 : memref<!tpu.dma_semaphore, #tpu.memory_space<semaphore_mem>>)
    %dma_wait3A_2253 = arith.constant 0 : i32
    %dma_wait3A_2254 = arith.constant 0 : i32
    %dma_wait3A_2255 = arith.constant 0 : i32
    %dma_wait3A_2256 = tpu.memref_slice %arg6[%dma_wait3A_2253, %dma_wait3A_2254, %dma_wait3A_2255] : memref<4x800x32xf32, #tpu.memory_space<vmem>> -> memref<1x800x32xf32, #tpu.memory_space<vmem>>
    %dma_wait3A_2257 = tpu.memref_squeeze %dma_wait3A_2256 : memref<1x800x32xf32, #tpu.memory_space<vmem>> -> memref<800x32xf32, #tpu.memory_space<vmem>>
    %dma_wait3A_2258 = arith.constant 0 : i32
    %dma_wait3A_2259 = tpu.memref_slice %arg4[%add3A_2124, %dma_wait3A_2258] : memref<819200x32xf32, #tpu.memory_space<hbm>> -> memref<800x32xf32, #tpu.memory_space<hbm>>
    %dma_wait3A_2260 = arith.constant 0 : i32
    %dma_wait3A_2261 = tpu.memref_slice %arg4[%add3A_2124, %dma_wait3A_2260] : memref<819200x32xf32, #tpu.memory_space<hbm>> -> memref<800x32xf32, #tpu.memory_space<hbm>>
    %dma_wait3A_2262 = arith.constant 0 : i32
    %dma_wait3A_2263 = arith.constant 0 : i32
    %dma_wait3A_2264 = tpu.memref_slice %arg6[%dma_wait3A_2253, %dma_wait3A_2262, %dma_wait3A_2263] : memref<4x800x32xf32, #tpu.memory_space<vmem>> -> memref<1x800x32xf32, #tpu.memory_space<vmem>>
    %dma_wait3A_2265 = tpu.memref_squeeze %dma_wait3A_2264 : memref<1x800x32xf32, #tpu.memory_space<vmem>> -> memref<800x32xf32, #tpu.memory_space<vmem>>
    tpu.wait_dma2 semaphore(%arg15 : memref<!tpu.dma_semaphore, #tpu.memory_space<semaphore_mem>>) src(%dma_wait3A_2265 : memref<800x32xf32, #tpu.memory_space<vmem>>) dst(%dma_wait3A_2261 : memref<800x32xf32, #tpu.memory_space<hbm>>)
    %dma_wait3A_2266 = arith.constant 1 : i32
    %dma_wait3A_2267 = arith.constant 0 : i32
    %dma_wait3A_2268 = arith.constant 0 : i32
    %dma_wait3A_2269 = tpu.memref_slice %arg6[%dma_wait3A_2266, %dma_wait3A_2267, %dma_wait3A_2268] : memref<4x800x32xf32, #tpu.memory_space<vmem>> -> memref<1x800x32xf32, #tpu.memory_space<vmem>>
    %dma_wait3A_2270 = tpu.memref_squeeze %dma_wait3A_2269 : memref<1x800x32xf32, #tpu.memory_space<vmem>> -> memref<800x32xf32, #tpu.memory_space<vmem>>
    %dma_wait3A_2271 = arith.constant 0 : i32
    %dma_wait3A_2272 = tpu.memref_slice %arg4[%add3A_2185, %dma_wait3A_2271] : memref<819200x32xf32, #tpu.memory_space<hbm>> -> memref<800x32xf32, #tpu.memory_space<hbm>>
    %dma_wait3A_2273 = arith.constant 0 : i32
    %dma_wait3A_2274 = tpu.memref_slice %arg4[%add3A_2185, %dma_wait3A_2273] : memref<819200x32xf32, #tpu.memory_space<hbm>> -> memref<800x32xf32, #tpu.memory_space<hbm>>
    %dma_wait3A_2275 = arith.constant 0 : i32
    %dma_wait3A_2276 = arith.constant 0 : i32
    %dma_wait3A_2277 = tpu.memref_slice %arg6[%dma_wait3A_2266, %dma_wait3A_2275, %dma_wait3A_2276] : memref<4x800x32xf32, #tpu.memory_space<vmem>> -> memref<1x800x32xf32, #tpu.memory_space<vmem>>
    %dma_wait3A_2278 = tpu.memref_squeeze %dma_wait3A_2277 : memref<1x800x32xf32, #tpu.memory_space<vmem>> -> memref<800x32xf32, #tpu.memory_space<vmem>>
    tpu.wait_dma2 semaphore(%arg16 : memref<!tpu.dma_semaphore, #tpu.memory_space<semaphore_mem>>) src(%dma_wait3A_2278 : memref<800x32xf32, #tpu.memory_space<vmem>>) dst(%dma_wait3A_2274 : memref<800x32xf32, #tpu.memory_space<hbm>>)
    %dma_wait3A_2279 = arith.constant 2 : i32
    %dma_wait3A_2280 = arith.constant 0 : i32
    %dma_wait3A_2281 = arith.constant 0 : i32
    %dma_wait3A_2282 = tpu.memref_slice %arg6[%dma_wait3A_2279, %dma_wait3A_2280, %dma_wait3A_2281] : memref<4x800x32xf32, #tpu.memory_space<vmem>> -> memref<1x800x32xf32, #tpu.memory_space<vmem>>
    %dma_wait3A_2283 = tpu.memref_squeeze %dma_wait3A_2282 : memref<1x800x32xf32, #tpu.memory_space<vmem>> -> memref<800x32xf32, #tpu.memory_space<vmem>>
    %dma_wait3A_2284 = arith.constant 0 : i32
    %dma_wait3A_2285 = tpu.memref_slice %arg4[%add3A_2212, %dma_wait3A_2284] : memref<819200x32xf32, #tpu.memory_space<hbm>> -> memref<800x32xf32, #tpu.memory_space<hbm>>
    %dma_wait3A_2286 = arith.constant 0 : i32
    %dma_wait3A_2287 = tpu.memref_slice %arg4[%add3A_2212, %dma_wait3A_2286] : memref<819200x32xf32, #tpu.memory_space<hbm>> -> memref<800x32xf32, #tpu.memory_space<hbm>>
    %dma_wait3A_2288 = arith.constant 0 : i32
    %dma_wait3A_2289 = arith.constant 0 : i32
    %dma_wait3A_2290 = tpu.memref_slice %arg6[%dma_wait3A_2279, %dma_wait3A_2288, %dma_wait3A_2289] : memref<4x800x32xf32, #tpu.memory_space<vmem>> -> memref<1x800x32xf32, #tpu.memory_space<vmem>>
    %dma_wait3A_2291 = tpu.memref_squeeze %dma_wait3A_2290 : memref<1x800x32xf32, #tpu.memory_space<vmem>> -> memref<800x32xf32, #tpu.memory_space<vmem>>
    tpu.wait_dma2 semaphore(%arg17 : memref<!tpu.dma_semaphore, #tpu.memory_space<semaphore_mem>>) src(%dma_wait3A_2291 : memref<800x32xf32, #tpu.memory_space<vmem>>) dst(%dma_wait3A_2287 : memref<800x32xf32, #tpu.memory_space<hbm>>)
    %dma_wait3A_2292 = arith.constant 3 : i32
    %dma_wait3A_2293 = arith.constant 0 : i32
    %dma_wait3A_2294 = arith.constant 0 : i32
    %dma_wait3A_2295 = tpu.memref_slice %arg6[%dma_wait3A_2292, %dma_wait3A_2293, %dma_wait3A_2294] : memref<4x800x32xf32, #tpu.memory_space<vmem>> -> memref<1x800x32xf32, #tpu.memory_space<vmem>>
    %dma_wait3A_2296 = tpu.memref_squeeze %dma_wait3A_2295 : memref<1x800x32xf32, #tpu.memory_space<vmem>> -> memref<800x32xf32, #tpu.memory_space<vmem>>
    %dma_wait3A_2297 = arith.constant 0 : i32
    %dma_wait3A_2298 = tpu.memref_slice %arg4[%add3A_2239, %dma_wait3A_2297] : memref<819200x32xf32, #tpu.memory_space<hbm>> -> memref<800x32xf32, #tpu.memory_space<hbm>>
    %dma_wait3A_2299 = arith.constant 0 : i32
    %dma_wait3A_2300 = tpu.memref_slice %arg4[%add3A_2239, %dma_wait3A_2299] : memref<819200x32xf32, #tpu.memory_space<hbm>> -> memref<800x32xf32, #tpu.memory_space<hbm>>
    %dma_wait3A_2301 = arith.constant 0 : i32
    %dma_wait3A_2302 = arith.constant 0 : i32
    %dma_wait3A_2303 = tpu.memref_slice %arg6[%dma_wait3A_2292, %dma_wait3A_2301, %dma_wait3A_2302] : memref<4x800x32xf32, #tpu.memory_space<vmem>> -> memref<1x800x32xf32, #tpu.memory_space<vmem>>
    %dma_wait3A_2304 = tpu.memref_squeeze %dma_wait3A_2303 : memref<1x800x32xf32, #tpu.memory_space<vmem>> -> memref<800x32xf32, #tpu.memory_space<vmem>>
    tpu.wait_dma2 semaphore(%arg18 : memref<!tpu.dma_semaphore, #tpu.memory_space<semaphore_mem>>) src(%dma_wait3A_2304 : memref<800x32xf32, #tpu.memory_space<vmem>>) dst(%dma_wait3A_2300 : memref<800x32xf32, #tpu.memory_space<hbm>>)
    return
  }
}

</mosaic_0001>

<sc_bundles>
// kernel: kernel.3.cloned.1.call-start
scs
__scs_entry_jumppad:
0x0: {  	(pc) =	sbr.rel $0x88, $3  }
0x1: {  	(tag) =	ssettag $0x0;
	lr =	simm.s32 $0x1  }
0x2: {  	[smem:$0x3F9F] =	sst lr;
	_ =	strace $0xD0000000  }
0x3: {  	_ = 	snop  }
0x4: {  	_ = 	snop  }
0x5: {  	_ = 	snop  }
0x6: {  	_ = 	snop  }
0x7: {  	_ = 	snop  }
__scs_overlays_trampoline_lowered:
0x8: {  	[smem:$0x3FAE] =	sst s0  }
0x9: {  	[smem:$0x3FAF] =	sst s1  }
0xa: {  	[smem:$0x3FB0] =	sst s2  }
0xb: {  	[smem:$0x3FB1] =	sst s3  }
0xc: {  	[smem:$0x3FB2] =	sst s4  }
0xd: {  	[smem:$0x3FB3] =	sst s5  }
0xe: {  	[smem:$0x3FB4] =	sst s6  }
0xf: {  	[smem:$0x3FB5] =	sst s7  }
0x10: {  	[smem:$0x3FB6] =	sst s8  }
0x11: {  	[smem:$0x3FB7] =	sst s9;
	s0 =	simm.s32 @!p0 $0x0  }
0x12: {  	s1 =	sld [smem:$0x3F9D];
	s0 =	simm.s32 @p0 $0x1  }
0x13: {  	[smem:$0x3FB8] =	sst s0;
	s0 =	simm.s32 @!p1 $0x0  }
0x14: {  	s2 =	sld [smem:$0x3F9C];
	s0 =	simm.s32 @p1 $0x1  }
0x15: {  	[smem:$0x3FB9] =	sst s0;
	s0 =	simm.s32 @!p2 $0x0  }
0x16: {  	s3 =	sld [smem:$0x3FDB];
	s0 =	simm.s32 @p2 $0x1  }
0x17: {  	s4 =	simm.s32 $0x1BF5;
	[smem:$0x3FBB] =	sst s0  }
0x18: {  	s0 =	sld [smem:$0x3F9E];
	_ =	swait.ge [sflag:s4], $0x0  }
0x19: {  	s7 =	sld [smem:$0x3F9F]  }
0x1a: {  	s8 =	sadd.s32 $0xFFFFE003, lr  }
0x1b: {  	s9 =	sadd.s32 $0xFFFFFEF7, lr;
	s5 =	simm.s32 $0xFFFFFFFF;
	p2 =	slt.u32 s8, $0xFFFFF086  }
0x1c: {  	p1 =	slt.u32 s9, $0xF7A;
	s5 =	simm.s32 @!p2 $0x0  }
0x1d: {  	s5 =	simm.s32 @p1 $0x1;
	p0 =	seq.s32 s7, s2  }
0x1e: {  	s7 =	smul.u32 @!p0 $0xF7A, s2;
	p2 =	seq.s32 @!p0 s5, $0x0  }
0x1f: {  	s9 =	smul.u32 $0xF7A, s1;
	s8 =	simm.s32 @!p0 $0x1BF5;
	p2 =	por !p2, p0  }
0x20: {  	[sflag:s8] =	ssyncset.s32 @!p0 $0xFFFFF086;
	s6 =	sadd.s32 @!p0 s3, s7;
	s7 =	simm.s32 @!p0 $0x108  }
0x21: {  	s3 =	sadd.s32 s3, s9;
	s6 =	sadd.s32 @!p0 $0x88, s6;
	s7 =	simm.s32 @p2 $0x1082  }
0x22: {  	[simem:s7], [sflag:s8] =	dma.local @!p0 [hbm:s6], $0xF7A  }
0x23: {  	s9 =	sor.u32 $0xD0000000, s2;
	s6 =	simm.s32 $0x108;
	_ =	swait.ge @!p0 [sflag:s8], $0x0  }
0x24: {  	s3 =	sadd.s32 $0x88, s3;
	s6 =	simm.s32 @!p1 $0x1082;
	[sflag:s4] =	ssyncset.s32 $0xFFFFF086  }
0x25: {  	[simem:s6], [sflag:s4] =	dma.local [hbm:s3], $0xF7A  }
0x26: {  	[smem:$0x3F9F] =	sst s1;
	(tag) =	ssettag s2;
	_ =	strace s9  }
0x27: {  	s1 =	sld [smem:$0x3FAF]  }
0x28: {  	s2 =	sld [smem:$0x3FB0]  }
0x29: {  	s4 =	sld [smem:$0x3FB2]  }
0x2a: {  	p0 =	seq.s32 s5, $0x0;
	s5 =	sld [smem:$0x3FB3]  }
0x2b: {  	s6 =	sld [smem:$0x3FB4]  }
0x2c: {  	s7 =	sld [smem:$0x3FB5]  }
0x2d: {  	s3 =	simm.s32 $0x108;
	s8 =	sld [smem:$0x3FB6]  }
0x2e: {  	s3 =	simm.s32 @!p0 $0x1082;
	s9 =	sld [smem:$0x3FB7]  }
0x2f: {  	lr =	sadd.s32 s0, s3;
	s0 =	sld [smem:$0x3FAE]  }
0x30: {  	s3 =	sld [smem:$0x3FB1]  }
0x31: {  	[smem:$0x3FBA] =	sst s10  }
0x32: {  	s10 =	sld [smem:$0x3FB8];
	_ =	sdelay $0x3  }
0x33: {  	p0 =	seq.s32 s10, $0x1;
	s10 =	sld [smem:$0x3FBA];
	_ =	sdelay $0x3  }
0x34: {  	[smem:$0x3FBA] =	sst s10  }
0x35: {  	s10 =	sld [smem:$0x3FB9];
	_ =	sdelay $0x3  }
0x36: {  	p1 =	seq.s32 s10, $0x1;
	s10 =	sld [smem:$0x3FBA];
	_ =	sdelay $0x3  }
0x37: {  	[smem:$0x3FBA] =	sst s10  }
0x38: {  	s10 =	sld [smem:$0x3FBB]  }
0x39: {  	_ = 	snop;
	(pc) =	sbr.ind lr, $3  }
0x3a: {  	_ = 	snop  }
0x3b: {  	_ = 	snop  }
0x3c: {  	p2 =	seq.s32 s10, $0x1;
	s10 =	sld [smem:$0x3FBA]  }
0x3d: {  	_ =	shalt  }
0x3e: {  	_ =	shalt  }
0x3f: {  	_ =	shalt  }
0x40: {  	_ =	shalt  }
0x41: {  	_ =	shalt  }
0x42: {  	_ =	shalt  }
0x43: {  	_ =	shalt  }
0x44: {  	_ =	shalt  }
0x45: {  	_ =	shalt  }
0x46: {  	_ =	shalt  }
0x47: {  	_ =	shalt  }
0x48: {  	_ =	shalt  }
0x49: {  	_ =	shalt  }
0x4a: {  	_ =	shalt  }
0x4b: {  	_ =	shalt  }
0x4c: {  	_ =	shalt  }
0x4d: {  	_ =	shalt  }
0x4e: {  	_ =	shalt  }
0x4f: {  	_ =	shalt  }
0x50: {  	_ =	shalt  }
0x51: {  	_ =	shalt  }
0x52: {  	_ =	shalt  }
0x53: {  	_ =	shalt  }
0x54: {  	_ =	shalt  }
0x55: {  	_ =	shalt  }
0x56: {  	_ =	shalt  }
0x57: {  	_ =	shalt  }
0x58: {  	_ =	shalt  }
0x59: {  	_ =	shalt  }
0x5a: {  	_ =	shalt  }
0x5b: {  	_ =	shalt  }
0x5c: {  	_ =	shalt  }
0x5d: {  	_ =	shalt  }
0x5e: {  	_ =	shalt  }
0x5f: {  	_ =	shalt  }
0x60: {  	_ =	shalt  }
0x61: {  	_ =	shalt  }
0x62: {  	_ =	shalt  }
0x63: {  	_ =	shalt  }
0x64: {  	_ =	shalt  }
0x65: {  	_ =	shalt  }
0x66: {  	_ =	shalt  }
0x67: {  	_ =	shalt  }
0x68: {  	_ =	shalt  }
0x69: {  	_ =	shalt  }
0x6a: {  	_ =	shalt  }
0x6b: {  	_ =	shalt  }
0x6c: {  	_ =	shalt  }
0x6d: {  	_ =	shalt  }
0x6e: {  	_ =	shalt  }
0x6f: {  	_ =	shalt  }
0x70: {  	_ =	shalt  }
0x71: {  	_ =	shalt  }
0x72: {  	_ =	shalt  }
0x73: {  	_ =	shalt  }
0x74: {  	_ =	shalt  }
0x75: {  	_ =	shalt  }
0x76: {  	_ =	shalt  }
0x77: {  	_ =	shalt  }
0x78: {  	_ =	shalt  }
0x79: {  	_ =	shalt  }
0x7a: {  	_ =	shalt  }
0x7b: {  	_ =	shalt  }
0x7c: {  	_ =	shalt  }
0x7d: {  	_ =	shalt  }
0x7e: {  	_ =	shalt  }
0x7f: {  	_ =	shalt  }
0x80: {  	_ =	shalt  }
0x81: {  	_ =	shalt  }
0x82: {  	_ =	shalt  }
0x83: {  	_ =	shalt  }
0x84: {  	_ =	shalt  }
0x85: {  	_ =	shalt  }
0x86: {  	_ =	shalt  }
0x87: {  	_ =	shalt  }
.Lfunc_end0:
.L_simem_size_0:
called_computation.2_lowered:
.L_overlay_start_0:
0x88: {  	s2 =	sld [smem:$0x3FD9]  }
0x89: {  	s3 =	sld [smem:$0x3FFE];
	_ =	sdelay $0x1  }
0x8a: {  	s1 =	srdreg.scid  }
0x8b: {  	s0 =	sand.u32 $0x1, s1  }
0x8c: {  	s17 =	sshll.u32 s0, $0xA;
	s2 =	sadd.s32 s3, s2  }
0x8d: {  	s2 =	sadd.s32 s2, s17  }
0x8e: {  	[smem:$0x3FC6] =	sst s2  }
0x8f: {  	_ = 	snop  }
0x90: {  	s2 =	sld [smem:$0x3FD0];
	(tm) =	ssettm $0x1  }
0x91: {  	s18 =	sld [smem:$0x3FFB];
	_ =	sdelay $0x3  }
0x92: {  	_ =	strace s18  }
0x93: {  	s3 =	sld [smem:$0x3FFC];
	_ =	sdelay $0x3  }
0x94: {  	_ =	strace s3  }
0x95: {  	s3 =	sld [smem:$0x3FFD];
	_ =	sdelay $0x3  }
0x96: {  	_ =	strace s3  }
0x97: {  	_ =	strace $0x8FFFFFFF  }
0x98: {  	s19 =	sld [smem:$0x3FDB];
	_ =	sdelay $0x1  }
0x99: {  	s4 =	simm.s32 $_scs_section_size  }
0x9a: {  	s5 =	simm.s32 $_size__tile_overlayer_lowered;
	s6 =	simm.s32 $_tile_overlayer_lowered  }
0x9b: {  	s22 =	simm.s32 $0x1BFF;
	s21 =	sshll.u32 s6, $0x1;
	s3 =	sadd.s32 s4, s19  }
0x9c: {  	s7 =	simm.s32 $0x0;
	s20 =	sshll.u32 s5, $0x1;
	s5 =	sadd.s32 s21, s3  }
0x9d: {  	[timem:s7], [sflag:s22] =	dma.local [hbm:s5], s20  }
0x9e: {  	_ =	swait.ge [sflag:s22], s20  }
0x9f: {  	s4 =	ssub.s32 $0x0, s20;
	[sflag:s22] =	ssyncset.done $0x0  }
0xa0: {  	[sflag:s22] =	ssyncadd.s32 s4;
	_ =	sdelay $0x1  }
0xa1: {  	s23 =	simm.s32 $0x1B8B  }
0xa2: {  	_ =	swait.ge [sflag:s23], $0x1  }
0xa3: {  	[sflag:s23] =	ssyncset.done $0x0  }
0xa4: {  	s25 =	simm.s32 $0x1B8E;
	s24 =	sld [smem:$0x3FFE];
	[sflag:s23] =	ssyncadd.s32 $0xFFFFFFFF  }
0xa5: {  	s26 =	simm.s32 $execute0_lowered;
	[smem:$0x3FD2] =	sst s25  }
0xa6: {  	s5 =	sshll.u32 s26, $0x1;
	_ =	strace $0x80000046;
	[dreg:$0x1] =	wrdreg $0xFFFFFFFF  }
0xa7: {  	s28 =	simm.s32 $_size_execute0_lowered;
	s3 =	sadd.s32 s3, s5;
	[dreg:$0x0] =	wrdreg $0x0  }
0xa8: {  	s5 =	sshll.u32 s28, $0x1;
	[dreg:$0x2] =	wrdreg s3  }
0xa9: {  	[dreg:$0x3] =	wrdreg s5  }
0xaa: {  	[dreg:$0x4] =	wrdreg $0xC0  }
0xab: {  	_ =	task [dreg:s7], $0x5FFFF  }
0xac: {  	[dreg:$0x1] =	wrdreg $0xFFFFFFFF  }
0xad: {  	[dreg:$0x0] =	wrdreg $0x60  }
0xae: {  	[dreg:$0x2] =	wrdreg s24  }
0xaf: {  	[dreg:$0x3] =	wrdreg s2  }
0xb0: {  	[dreg:$0x4] =	wrdreg $0x9  }
0xb1: {  	_ =	task.clear_ibuf [dreg:s7], $0x5FFFF;
	_ =	strace $0x90000046  }
0xb2: {  	s29 =	simm.s32 $0x9;
	_ =	strace $0x80000048  }
0xb3: {  	_ =	swait.ge [sflag:s29], $0x1  }
0xb4: {  	[sflag:s29] =	ssyncadd.s32 $0xFFFFFFFF  }
0xb5: {  	_ =	strace $0x90000048  }
0xb6: {  	_ =	sfence  }
0xb7: {  	s30 =	sld [smem:$0x0];
	_ =	sdelay $0x2  }
0xb8: {  	s31 =	sshll.u32 s1, $0xD;
	s1 =	sshrl.u32 s1, $0x2  }
0xb9: {  	s3 =	sand.u32 $0x4000, s31;
	s1 =	sadd.s32 s1, s30  }
0xba: {  	s0 =	sor.u32 s3, s0;
	s1 =	sshll.u32 s1, $0x11  }
0xbb: {  	s0 =	sor.u32 s1, s0  }
0xbc: {  	s0 =	sadd.s32 $0x8F2B, s0  }
0xbd: {  	[sflag:s0] =	ssyncadd.remote.s32 $0x1  }
0xbe: {  	_ =	sfence.sel $0xFFFF  }
0xbf: {  	[dreg:$0x0] =	wrdreg $0xFFFFFFFF;
	(pc) =	sbr.abs _section_cstart, $3  }
0xc0: {  	[dreg:$0x1] =	wrdreg $0xFFFFFFFF  }
0xc1: {  	_ =	task.clear_ibuf [dreg:s7], $0x2FFFF;
	_ =	strace $0x9FFFFFFF  }
0xc2: {  	(tm) =	ssettm $0x7FFFFFFF  }
0xc3: {  	_ =	shalt  }
tec
execute0_lowered:
.L_overlay_start_1:
0x0: {  	(tag) =	ssettag $0x1  }
0x1: {  	s0 =	srdreg.scid  }
0x2: {  	s1 =	stileid.u32;
	s3 =	rddreg [dreg:$0x0];
	s2 =	simm.s32 $0x0  }
0x3: {  	s31 =	simm.s32 $0x1;
	s30 =	simm.s32 $0x2;
	s29 =	simm.s32 $0x3  }
0x4: {  	s28 =	simm.s32 $0x5;
	s6 =	sand.u32 $0x1, s0;
	s13 =	sshll.u32 s1, $0x1  }
0x5: {  	p0 =	por $0x0, $0x0;
	[smem:$0x7FF] =	sst s2;
	s0 =	sor.u32 s6, s13  }
0x6: {  	s4 =	sadd.s32 $0xE00, s3;
	s3 =	sadd.s32 $0xF43200, s3;
	s5 =	smul.u32 $0x6400, s0  }
0x7: {  	s1 =	rddreg [dreg:$0x1];
	_ =	strace $0x80000047;
	s0 =	smul.u32 $0x19000, s0  }
0x8: {  	s6 =	ssub.s32 $0x2, s6;
	s7 =	sshrl.u32 s5, $0x3;
	s8 =	sor.u32 $0x320, s5  }
0x9: {  	s15 =	sadd.s32 $0x640, s5;
	s10 =	sadd.s32 $0x960, s5;
	s0 =	sadd.s32 s1, s0  }
0xa: {  	s18 =	sadd.s32 $0xC80, s5;
	s20 =	sadd.s32 $0xFA0, s5;
	s26 =	sadd.s32 $0x12C0, s5  }
0xb: {  	s13 =	sadd.s32 $0x15E0, s5;
	s7 =	sadd.s32 s4, s7;
	s9 =	sshrl.u32 s8, $0x3  }
0xc: {  	s16 =	sshrl.u32 s15, $0x3;
	s11 =	sshrl.u32 s10, $0x3;
	[dreg:$0x7] =	wrdreg s0  }
0xd: {  	s19 =	sshrl.u32 s18, $0x3;
	s8 =	sshll.u32 s8, $0x2;
	s22 =	sshrl.u32 s20, $0x3  }
0xe: {  	s24 =	sshll.u32 s15, $0x2;
	s12 =	sshll.u32 s10, $0x2;
	s15 =	sshrl.u32 s13, $0x3  }
0xf: {  	s20 =	sshll.u32 s20, $0x2;
	[dreg:$0x3] =	wrdreg s7;
	s14 =	sadd.s32 s4, s9  }
0x10: {  	s10 =	sadd.s32 $0x47E0, s5;
	s7 =	sadd.s32 s4, s16;
	[dreg:$0x4] =	wrdreg s14  }
0x11: {  	s17 =	sadd.s32 s4, s11;
	s0 =	sadd.s32 s4, s19;
	[dreg:$0x5] =	wrdreg s7  }
0x12: {  	s21 =	sadd.s32 s1, s8;
	s23 =	sadd.s32 s4, s22;
	[dreg:$0x6] =	wrdreg s17  }
0x13: {  	s25 =	sadd.s32 s1, s24;
	s9 =	sshrl.u32 s26, $0x3;
	[dreg:$0x8] =	wrdreg s0  }
0x14: {  	s16 =	sadd.s32 s4, s15;
	s22 =	sadd.s32 s1, s20;
	[dreg:$0x9] =	wrdreg s21  }
0x15: {  	s8 =	sshll.u32 s26, $0x2;
	s26 =	sadd.s32 $0x1F40, s5;
	[dreg:$0xa] =	wrdreg s23  }
0x16: {  	[dreg:$0xb] =	wrdreg s25;
	s0 =	sadd.s32 s4, s9;
	s14 =	sadd.s32 s1, s12  }
0x17: {  	s7 =	sshll.u32 s18, $0x2;
	[dreg:$0xe] =	wrdreg s16;
	s18 =	sadd.s32 $0x1900, s5  }
0x18: {  	s21 =	sadd.s32 $0x1C20, s5;
	[dreg:$0x11] =	wrdreg s22;
	s25 =	sadd.s32 s1, s8  }
0x19: {  	s9 =	sshrl.u32 s26, $0x3;
	s12 =	sshll.u32 s13, $0x2;
	s13 =	sadd.s32 $0x2260, s5  }
0x1a: {  	s8 =	sshll.u32 s26, $0x2;
	s26 =	sadd.s32 $0x2BC0, s5;
	[dreg:$0xc] =	wrdreg s0  }
0x1b: {  	[dreg:$0xd] =	wrdreg s14;
	s17 =	sadd.s32 s1, s7;
	s19 =	sshrl.u32 s18, $0x3  }
0x1c: {  	s23 =	sshrl.u32 s21, $0x3;
	[dreg:$0x13] =	wrdreg s25;
	s14 =	sadd.s32 s1, s12  }
0x1d: {  	s15 =	sshrl.u32 s13, $0x3;
	s7 =	sshll.u32 s18, $0x2;
	s18 =	sadd.s32 $0x2580, s5  }
0x1e: {  	s20 =	sshll.u32 s21, $0x2;
	s21 =	sadd.s32 $0x28A0, s5;
	s25 =	sadd.s32 s1, s8  }
0x1f: {  	s12 =	sshll.u32 s13, $0x2;
	s13 =	sadd.s32 $0x2EE0, s5;
	s8 =	sshll.u32 s26, $0x2  }
0x20: {  	[dreg:$0xf] =	wrdreg s17;
	s0 =	sadd.s32 s4, s19;
	s24 =	sadd.s32 s4, s23  }
0x21: {  	[dreg:$0x15] =	wrdreg s14;
	s16 =	sadd.s32 s4, s15;
	s17 =	sadd.s32 s1, s7  }
0x22: {  	s19 =	sshrl.u32 s18, $0x3;
	s22 =	sadd.s32 s1, s20;
	s23 =	sshrl.u32 s21, $0x3  }
0x23: {  	[dreg:$0x1b] =	wrdreg s25;
	s14 =	sadd.s32 s1, s12;
	s15 =	sshrl.u32 s13, $0x3  }
0x24: {  	s7 =	sshll.u32 s18, $0x2;
	s18 =	sadd.s32 $0x3200, s5;
	[dreg:$0x10] =	wrdreg s0  }
0x25: {  	s20 =	sshll.u32 s21, $0x2;
	s21 =	sadd.s32 $0x3520, s5;
	[dreg:$0x12] =	wrdreg s24  }
0x26: {  	s25 =	sadd.s32 s1, s8;
	s12 =	sshll.u32 s13, $0x2;
	[dreg:$0x16] =	wrdreg s16  }
0x27: {  	s13 =	sadd.s32 $0x3B60, s5;
	s0 =	sadd.s32 s4, s9;
	[dreg:$0x17] =	wrdreg s17  }
0x28: {  	[dreg:$0x19] =	wrdreg s22;
	s24 =	sadd.s32 s4, s23;
	s9 =	sshrl.u32 s26, $0x3  }
0x29: {  	[dreg:$0x1d] =	wrdreg s14;
	s16 =	sadd.s32 s4, s15;
	s17 =	sadd.s32 s1, s7  }
0x2a: {  	s22 =	sadd.s32 s1, s20;
	s23 =	sshrl.u32 s21, $0x3;
	[smem:$0x7E6] =	sst s25  }
0x2b: {  	s26 =	sadd.s32 $0x3840, s5;
	s14 =	sadd.s32 s1, s12;
	[dreg:$0x14] =	wrdreg s0  }
0x2c: {  	s15 =	sshrl.u32 s13, $0x3;
	s7 =	sshll.u32 s18, $0x2;
	[dreg:$0x1a] =	wrdreg s24  }
0x2d: {  	s20 =	sshll.u32 s21, $0x2;
	s21 =	sadd.s32 $0x41A0, s5;
	[dreg:$0x1e] =	wrdreg s16  }
0x2e: {  	s12 =	sshll.u32 s13, $0x2;
	s0 =	sadd.s32 s4, s19;
	[dreg:$0x1f] =	wrdreg s17  }
0x2f: {  	s19 =	sshrl.u32 s18, $0x3;
	[smem:$0x7E4] =	sst s22;
	s24 =	sadd.s32 s4, s23  }
0x30: {  	[smem:$0x7E8] =	sst s14;
	s16 =	sadd.s32 s4, s15;
	s17 =	sadd.s32 s1, s7  }
0x31: {  	s18 =	sadd.s32 $0x3E80, s5;
	s22 =	sadd.s32 s1, s20;
	[dreg:$0x18] =	wrdreg s0  }
0x32: {  	s23 =	sshrl.u32 s21, $0x3;
	s8 =	sshll.u32 s26, $0x2;
	[smem:$0x7E5] =	sst s24  }
0x33: {  	s13 =	sadd.s32 s1, s12;
	s14 =	sshrl.u32 s10, $0x3;
	[smem:$0x7E9] =	sst s16  }
0x34: {  	s20 =	sadd.s32 $0x4E20, s5;
	s10 =	sshll.u32 s10, $0x2;
	[smem:$0x7EA] =	sst s17  }
0x35: {  	s0 =	sadd.s32 s4, s9;
	s9 =	sshrl.u32 s26, $0x3;
	[smem:$0x7EC] =	sst s22  }
0x36: {  	s24 =	sadd.s32 s4, s23;
	s25 =	sadd.s32 s1, s8;
	s26 =	sadd.s32 $0x44C0, s5  }
0x37: {  	[smem:$0x7F0] =	sst s13;
	s15 =	sadd.s32 s4, s14;
	s7 =	sshll.u32 s18, $0x2  }
0x38: {  	s17 =	sadd.s32 $0x4B00, s5;
	s22 =	sshrl.u32 s20, $0x3;
	[dreg:$0x1c] =	wrdreg s0  }
0x39: {  	s13 =	sadd.s32 s1, s10;
	s10 =	simm.s32 $0xB;
	[smem:$0x7ED] =	sst s24  }
0x3a: {  	s0 =	sadd.s32 s4, s19;
	s19 =	sshrl.u32 s18, $0x3;
	[smem:$0x7EE] =	sst s25  }
0x3b: {  	[smem:$0x7F1] =	sst s15;
	s16 =	sadd.s32 s1, s7;
	s18 =	sshrl.u32 s17, $0x3  }
0x3c: {  	s23 =	sadd.s32 s4, s22;
	s8 =	sshll.u32 s26, $0x2;
	[smem:$0x7F8] =	sst s13  }
0x3d: {  	s25 =	sadd.s32 $0x5140, s5;
	s7 =	sshll.u32 s17, $0x2;
	[smem:$0x7E3] =	sst s0  }
0x3e: {  	s17 =	sadd.s32 $0x5780, s5;
	s0 =	sadd.s32 s4, s9;
	[smem:$0x7F2] =	sst s16  }
0x3f: {  	s9 =	sshrl.u32 s26, $0x3;
	[smem:$0x7F5] =	sst s23;
	s24 =	sadd.s32 s1, s8  }
0x40: {  	s26 =	sshrl.u32 s6, $0x1;
	s12 =	sshrl.u32 s25, $0x3;
	s16 =	sadd.s32 s1, s7  }
0x41: {  	s11 =	sshll.u32 s25, $0x2;
	s7 =	sshll.u32 s17, $0x2;
	[smem:$0x7E7] =	sst s0  }
0x42: {  	s0 =	sadd.s32 s4, s19;
	s19 =	sshll.u32 s21, $0x2;
	[smem:$0x7F6] =	sst s24  }
0x43: {  	[smem:$0x7FA] =	sst s16;
	s24 =	sadd.s32 $0x5DC0, s5;
	s25 =	sadd.s32 s1, s11  }
0x44: {  	s8 =	sadd.s32 s1, s7;
	s11 =	simm.s32 $0x320;
	s7 =	simm.s32 $0xC  }
0x45: {  	[smem:$0x7EB] =	sst s0;
	s0 =	sadd.s32 s4, s9;
	s21 =	sadd.s32 s1, s19  }
0x46: {  	s9 =	ssub.s32 s6, s26;
	s19 =	sshll.u32 s20, $0x2;
	s20 =	sadd.s32 $0x5AA0, s5  }
0x47: {  	s13 =	sshrl.u32 s24, $0x3;
	[smem:$0x7EF] =	sst s0;
	s0 =	sadd.s32 s4, s18  }
0x48: {  	[smem:$0x7F4] =	sst s21;
	s18 =	sshrl.u32 s17, $0x3;
	s21 =	sadd.s32 s1, s19  }
0x49: {  	s22 =	sshrl.u32 s20, $0x3;
	s26 =	sadd.s32 s4, s13;
	s17 =	sshll.u32 s20, $0x2  }
0x4a: {  	s20 =	sshll.u32 s24, $0x2;
	s24 =	simm.s32 $0x640;
	s13 =	simm.s32 $0xA  }
0x4b: {  	[smem:$0x7F3] =	sst s0;
	s0 =	sadd.s32 s4, s12;
	s12 =	sadd.s32 $0x5460, s5  }
0x4c: {  	[smem:$0x7FC] =	sst s21;
	s23 =	sadd.s32 s4, s22;
	s6 =	sadd.s32 s1, s17  }
0x4d: {  	s21 =	smax.u32 s9, $0x1;
	s22 =	simm.s32 $0xC80;
	s9 =	simm.s32 $0x13880  }
0x4e: {  	s17 =	simm.s32 $0x8;
	[smem:$0x7F7] =	sst s0;
	s14 =	sshrl.u32 s12, $0x3  }
0x4f: {  	s0 =	sadd.s32 s4, s18;
	[smem:$0x7FD] =	sst s23;
	s23 =	simm.s32 $0x4  }
0x50: {  	p1 =	sne.s32 s21, $0x1;
	s15 =	sadd.s32 s4, s14;
	[smem:$0x7FB] =	sst s0  }
0x51: {  	s14 =	sadd.s32 $0x60E0, s5;
	s5 =	sadd.s32 s1, s20;
	s20 =	simm.s32 $0x6  }
.Ltmp0:
0x52: {  	[smem:$0x7F9] =	sst s15;
	s15 =	sshll.u32 s12, $0x2;
	(pc) =	sbr.rel @!p1 .LBB2_3-.Ltmp0, $4  }
0x53: {  	s16 =	sshrl.u32 s14, $0x3;
	s0 =	sshll.u32 s14, $0x2;
	s12 =	simm.s32 $0xD480  }
0x54: {  	s14 =	simm.s32 $0x9;
	s18 =	sadd.s32 s1, s15;
	s19 =	sadd.s32 s4, s16  }
0x55: {  	s4 =	sadd.s32 s1, s0;
	s15 =	simm.s32 $0x960;
	s16 =	simm.s32 $0x7080  }
0x56: {  	s1 =	sadd.s32 $0xFFFFFFFF, s21;
	s21 =	simm.s32 $0x7;
	s0 =	rddreg [dreg:$0x3]  }
0x57: {  	[smem:$0x7E1] =	sst s1  }
0x58: {  	[tilespmem:s2], [sflag:$0x1] =	stream.linear.gather [hbm4b:s0+s2], $0x320, $0x38;
	[tilespmem:$0x19C80] =	vst v63  }
0x59: {  	s1 =	rddreg [dreg:$0x4]  }
0x5a: {  	[tilespmem:s11], [sflag:$0x2] =	stream.linear.gather [hbm4b:s1+s2], $0x320, $0x38;
	[tilespmem:$0x19C80] =	vst v63  }
0x5b: {  	s0 =	rddreg [dreg:$0x5]  }
0x5c: {  	[tilespmem:s24], [sflag:$0x3] =	stream.linear.gather [hbm4b:s0+s2], $0x320, $0x38;
	[tilespmem:$0x19C80] =	vst v63  }
0x5d: {  	s1 =	rddreg [dreg:$0x6]  }
0x5e: {  	[tilespmem:s15], [sflag:$0x4] =	stream.linear.gather [hbm4b:s1+s2], $0x320, $0x38;
	[tilespmem:$0x19C80] =	vst v63  }
0x5f: {  	_ =	swait.ge [sflag:s31], $0x320  }
0x60: {  	[sflag:s31] =	ssyncset.done $0x0  }
0x61: {  	[sflag:s31] =	ssyncadd.s32 $0xFFFFFCE0  }
0x62: {  	[tilespmem:s22], [sflag:$0x5] =	stream.indirect.gather [hbm4b:s3+s11], $0x20, s2, s11, $0xb8;
	[tilespmem:$0x19C80] =	vst v63  }
0x63: {  	_ =	swait.ge [sflag:s30], $0x320  }
0x64: {  	[sflag:s30] =	ssyncset.done $0x0  }
0x65: {  	[sflag:s30] =	ssyncadd.s32 $0xFFFFFCE0  }
0x66: {  	[tilespmem:s16], [sflag:$0x6] =	stream.indirect.gather [hbm4b:s3+s11], $0x20, s11, s11, $0xb8;
	[tilespmem:$0x19C80] =	vst v63  }
0x67: {  	_ =	swait.ge [sflag:s29], $0x320  }
0x68: {  	[sflag:s29] =	ssyncset.done $0x0  }
0x69: {  	[sflag:s29] =	ssyncadd.s32 $0xFFFFFCE0  }
0x6a: {  	[tilespmem:s12], [sflag:$0x7] =	stream.indirect.gather [hbm4b:s3+s11], $0x20, s24, s11, $0xb8;
	[tilespmem:$0x19C80] =	vst v63  }
0x6b: {  	_ =	swait.ge [sflag:s28], $0x6400  }
0x6c: {  	[sflag:s28] =	ssyncset.done $0x0  }
0x6d: {  	s0 =	rddreg [dreg:$0x7];
	[sflag:s28] =	ssyncadd.s32 $0xFFFF9C00  }
0x6e: {  	[hbm4b:s0+s2] =	stream.linear.scatter [tilespmem:s22], [sflag:$0x9], $0x6400, $0x38;
	[tilespmem:$0x19C80] =	vst v63  }
0x6f: {  	s1 =	rddreg [dreg:$0x8]  }
0x70: {  	[tilespmem:s2], [sflag:$0x1] =	stream.linear.gather [hbm4b:s1+s2], $0x320, $0x38;
	[tilespmem:$0x19C80] =	vst v63  }
0x71: {  	_ =	swait.ge [sflag:s23], $0x320  }
0x72: {  	[sflag:s23] =	ssyncset.done $0x0  }
0x73: {  	[sflag:s23] =	ssyncadd.s32 $0xFFFFFCE0  }
0x74: {  	[tilespmem:s9], [sflag:$0x8] =	stream.indirect.gather [hbm4b:s3+s11], $0x20, s15, s11, $0xb8;
	[tilespmem:$0x19C80] =	vst v63  }
0x75: {  	_ =	swait.ge [sflag:s20], $0x6400  }
0x76: {  	[sflag:s20] =	ssyncset.done $0x0  }
0x77: {  	s0 =	rddreg [dreg:$0x9];
	[sflag:s20] =	ssyncadd.s32 $0xFFFF9C00  }
0x78: {  	[hbm4b:s0+s2] =	stream.linear.scatter [tilespmem:s16], [sflag:$0xA], $0x6400, $0x38;
	[tilespmem:$0x19C80] =	vst v63  }
0x79: {  	s1 =	rddreg [dreg:$0xa]  }
0x7a: {  	[tilespmem:s11], [sflag:$0x2] =	stream.linear.gather [hbm4b:s1+s2], $0x320, $0x38;
	[tilespmem:$0x19C80] =	vst v63  }
0x7b: {  	_ =	swait.ge [sflag:s14], $0x6400  }
0x7c: {  	[sflag:s14] =	ssyncset.done $0x0  }
0x7d: {  	[sflag:s14] =	ssyncadd.s32 $0xFFFF9C00  }
0x7e: {  	_ =	swait.ge [sflag:s31], $0x320  }
0x7f: {  	[sflag:s31] =	ssyncset.done $0x0  }
0x80: {  	[sflag:s31] =	ssyncadd.s32 $0xFFFFFCE0  }
0x81: {  	[tilespmem:s22], [sflag:$0x5] =	stream.indirect.gather [hbm4b:s3+s11], $0x20, s2, s11, $0xb8;
	[tilespmem:$0x19C80] =	vst v63  }
0x82: {  	_ =	swait.ge [sflag:s21], $0x6400  }
0x83: {  	[sflag:s21] =	ssyncset.done $0x0  }
0x84: {  	s0 =	rddreg [dreg:$0xb];
	[sflag:s21] =	ssyncadd.s32 $0xFFFF9C00  }
0x85: {  	[hbm4b:s0+s2] =	stream.linear.scatter [tilespmem:s12], [sflag:$0xB], $0x6400, $0x38;
	[tilespmem:$0x19C80] =	vst v63  }
0x86: {  	s1 =	rddreg [dreg:$0xc]  }
0x87: {  	[tilespmem:s24], [sflag:$0x3] =	stream.linear.gather [hbm4b:s1+s2], $0x320, $0x38;
	[tilespmem:$0x19C80] =	vst v63  }
0x88: {  	_ =	swait.ge [sflag:s13], $0x6400  }
0x89: {  	[sflag:s13] =	ssyncset.done $0x0  }
0x8a: {  	[sflag:s13] =	ssyncadd.s32 $0xFFFF9C00  }
0x8b: {  	_ =	swait.ge [sflag:s30], $0x320  }
0x8c: {  	[sflag:s30] =	ssyncset.done $0x0  }
0x8d: {  	[sflag:s30] =	ssyncadd.s32 $0xFFFFFCE0  }
0x8e: {  	[tilespmem:s16], [sflag:$0x6] =	stream.indirect.gather [hbm4b:s3+s11], $0x20, s11, s11, $0xb8;
	[tilespmem:$0x19C80] =	vst v63  }
0x8f: {  	_ =	swait.ge [sflag:s17], $0x6400  }
0x90: {  	[sflag:s17] =	ssyncset.done $0x0  }
0x91: {  	s0 =	rddreg [dreg:$0xd];
	[sflag:s17] =	ssyncadd.s32 $0xFFFF9C00  }
0x92: {  	[hbm4b:s0+s2] =	stream.linear.scatter [tilespmem:s9], [sflag:$0xC], $0x6400, $0x38;
	[tilespmem:$0x19C80] =	vst v63  }
0x93: {  	s1 =	rddreg [dreg:$0xe]  }
0x94: {  	[tilespmem:s15], [sflag:$0x4] =	stream.linear.gather [hbm4b:s1+s2], $0x320, $0x38;
	[tilespmem:$0x19C80] =	vst v63  }
0x95: {  	_ =	swait.ge [sflag:s10], $0x6400  }
0x96: {  	[sflag:s10] =	ssyncset.done $0x0  }
0x97: {  	[sflag:s10] =	ssyncadd.s32 $0xFFFF9C00  }
0x98: {  	_ =	swait.ge [sflag:s29], $0x320  }
0x99: {  	[sflag:s29] =	ssyncset.done $0x0  }
0x9a: {  	[sflag:s29] =	ssyncadd.s32 $0xFFFFFCE0  }
0x9b: {  	[tilespmem:s12], [sflag:$0x7] =	stream.indirect.gather [hbm4b:s3+s11], $0x20, s24, s11, $0xb8;
	[tilespmem:$0x19C80] =	vst v63  }
0x9c: {  	_ =	swait.ge [sflag:s28], $0x6400  }
0x9d: {  	[sflag:s28] =	ssyncset.done $0x0  }
0x9e: {  	s0 =	rddreg [dreg:$0xf];
	[sflag:s28] =	ssyncadd.s32 $0xFFFF9C00  }
0x9f: {  	[hbm4b:s0+s2] =	stream.linear.scatter [tilespmem:s22], [sflag:$0x9], $0x6400, $0x38;
	[tilespmem:$0x19C80] =	vst v63  }
0xa0: {  	s1 =	rddreg [dreg:$0x10]  }
0xa1: {  	[tilespmem:s2], [sflag:$0x1] =	stream.linear.gather [hbm4b:s1+s2], $0x320, $0x38;
	[tilespmem:$0x19C80] =	vst v63  }
0xa2: {  	_ =	swait.ge [sflag:s7], $0x6400  }
0xa3: {  	[sflag:s7] =	ssyncset.done $0x0  }
0xa4: {  	[sflag:s7] =	ssyncadd.s32 $0xFFFF9C00  }
0xa5: {  	_ =	swait.ge [sflag:s23], $0x320  }
0xa6: {  	[sflag:s23] =	ssyncset.done $0x0  }
0xa7: {  	[sflag:s23] =	ssyncadd.s32 $0xFFFFFCE0  }
0xa8: {  	[tilespmem:s9], [sflag:$0x8] =	stream.indirect.gather [hbm4b:s3+s11], $0x20, s15, s11, $0xb8;
	[tilespmem:$0x19C80] =	vst v63  }
0xa9: {  	_ =	swait.ge [sflag:s20], $0x6400  }
0xaa: {  	[sflag:s20] =	ssyncset.done $0x0  }
0xab: {  	s0 =	rddreg [dreg:$0x11];
	[sflag:s20] =	ssyncadd.s32 $0xFFFF9C00  }
0xac: {  	[hbm4b:s0+s2] =	stream.linear.scatter [tilespmem:s16], [sflag:$0xA], $0x6400, $0x38;
	[tilespmem:$0x19C80] =	vst v63  }
0xad: {  	s1 =	rddreg [dreg:$0x12]  }
0xae: {  	[tilespmem:s11], [sflag:$0x2] =	stream.linear.gather [hbm4b:s1+s2], $0x320, $0x38;
	[tilespmem:$0x19C80] =	vst v63  }
0xaf: {  	_ =	swait.ge [sflag:s14], $0x6400  }
0xb0: {  	[sflag:s14] =	ssyncset.done $0x0  }
0xb1: {  	[sflag:s14] =	ssyncadd.s32 $0xFFFF9C00  }
0xb2: {  	_ =	swait.ge [sflag:s31], $0x320  }
0xb3: {  	[sflag:s31] =	ssyncset.done $0x0  }
0xb4: {  	[sflag:s31] =	ssyncadd.s32 $0xFFFFFCE0  }
0xb5: {  	[tilespmem:s22], [sflag:$0x5] =	stream.indirect.gather [hbm4b:s3+s11], $0x20, s2, s11, $0xb8;
	[tilespmem:$0x19C80] =	vst v63  }
0xb6: {  	_ =	swait.ge [sflag:s21], $0x6400  }
0xb7: {  	[sflag:s21] =	ssyncset.done $0x0  }
0xb8: {  	s0 =	rddreg [dreg:$0x13];
	[sflag:s21] =	ssyncadd.s32 $0xFFFF9C00  }
0xb9: {  	[hbm4b:s0+s2] =	stream.linear.scatter [tilespmem:s12], [sflag:$0xB], $0x6400, $0x38;
	[tilespmem:$0x19C80] =	vst v63  }
0xba: {  	s1 =	rddreg [dreg:$0x14]  }
0xbb: {  	[tilespmem:s24], [sflag:$0x3] =	stream.linear.gather [hbm4b:s1+s2], $0x320, $0x38;
	[tilespmem:$0x19C80] =	vst v63  }
0xbc: {  	_ =	swait.ge [sflag:s13], $0x6400  }
0xbd: {  	[sflag:s13] =	ssyncset.done $0x0  }
0xbe: {  	[sflag:s13] =	ssyncadd.s32 $0xFFFF9C00  }
0xbf: {  	_ =	swait.ge [sflag:s30], $0x320  }
0xc0: {  	[sflag:s30] =	ssyncset.done $0x0  }
0xc1: {  	[sflag:s30] =	ssyncadd.s32 $0xFFFFFCE0  }
0xc2: {  	[tilespmem:s16], [sflag:$0x6] =	stream.indirect.gather [hbm4b:s3+s11], $0x20, s11, s11, $0xb8;
	[tilespmem:$0x19C80] =	vst v63  }
0xc3: {  	_ =	swait.ge [sflag:s17], $0x6400  }
0xc4: {  	[sflag:s17] =	ssyncset.done $0x0  }
0xc5: {  	s0 =	rddreg [dreg:$0x15];
	[sflag:s17] =	ssyncadd.s32 $0xFFFF9C00  }
0xc6: {  	[hbm4b:s0+s2] =	stream.linear.scatter [tilespmem:s9], [sflag:$0xC], $0x6400, $0x38;
	[tilespmem:$0x19C80] =	vst v63  }
0xc7: {  	s1 =	rddreg [dreg:$0x16]  }
0xc8: {  	[tilespmem:s15], [sflag:$0x4] =	stream.linear.gather [hbm4b:s1+s2], $0x320, $0x38;
	[tilespmem:$0x19C80] =	vst v63  }
0xc9: {  	_ =	swait.ge [sflag:s10], $0x6400  }
0xca: {  	[sflag:s10] =	ssyncset.done $0x0  }
0xcb: {  	[sflag:s10] =	ssyncadd.s32 $0xFFFF9C00  }
0xcc: {  	_ =	swait.ge [sflag:s29], $0x320  }
0xcd: {  	[sflag:s29] =	ssyncset.done $0x0  }
0xce: {  	[sflag:s29] =	ssyncadd.s32 $0xFFFFFCE0  }
0xcf: {  	[tilespmem:s12], [sflag:$0x7] =	stream.indirect.gather [hbm4b:s3+s11], $0x20, s24, s11, $0xb8;
	[tilespmem:$0x19C80] =	vst v63  }
0xd0: {  	_ =	swait.ge [sflag:s28], $0x6400  }
0xd1: {  	[sflag:s28] =	ssyncset.done $0x0  }
0xd2: {  	s0 =	rddreg [dreg:$0x17];
	[sflag:s28] =	ssyncadd.s32 $0xFFFF9C00  }
0xd3: {  	[hbm4b:s0+s2] =	stream.linear.scatter [tilespmem:s22], [sflag:$0x9], $0x6400, $0x38;
	[tilespmem:$0x19C80] =	vst v63  }
0xd4: {  	s1 =	rddreg [dreg:$0x18]  }
0xd5: {  	[tilespmem:s2], [sflag:$0x1] =	stream.linear.gather [hbm4b:s1+s2], $0x320, $0x38;
	[tilespmem:$0x19C80] =	vst v63  }
0xd6: {  	_ =	swait.ge [sflag:s7], $0x6400  }
0xd7: {  	[sflag:s7] =	ssyncset.done $0x0  }
0xd8: {  	[sflag:s7] =	ssyncadd.s32 $0xFFFF9C00  }
0xd9: {  	_ =	swait.ge [sflag:s23], $0x320  }
0xda: {  	[sflag:s23] =	ssyncset.done $0x0  }
0xdb: {  	[sflag:s23] =	ssyncadd.s32 $0xFFFFFCE0  }
0xdc: {  	[tilespmem:s9], [sflag:$0x8] =	stream.indirect.gather [hbm4b:s3+s11], $0x20, s15, s11, $0xb8;
	[tilespmem:$0x19C80] =	vst v63  }
0xdd: {  	_ =	swait.ge [sflag:s20], $0x6400  }
0xde: {  	[sflag:s20] =	ssyncset.done $0x0  }
0xdf: {  	s0 =	rddreg [dreg:$0x19];
	[sflag:s20] =	ssyncadd.s32 $0xFFFF9C00  }
0xe0: {  	[hbm4b:s0+s2] =	stream.linear.scatter [tilespmem:s16], [sflag:$0xA], $0x6400, $0x38;
	[tilespmem:$0x19C80] =	vst v63  }
0xe1: {  	s1 =	rddreg [dreg:$0x1a]  }
0xe2: {  	[tilespmem:s11], [sflag:$0x2] =	stream.linear.gather [hbm4b:s1+s2], $0x320, $0x38;
	[tilespmem:$0x19C80] =	vst v63  }
0xe3: {  	_ =	swait.ge [sflag:s14], $0x6400  }
0xe4: {  	[sflag:s14] =	ssyncset.done $0x0  }
0xe5: {  	[sflag:s14] =	ssyncadd.s32 $0xFFFF9C00  }
0xe6: {  	_ =	swait.ge [sflag:s31], $0x320  }
0xe7: {  	[sflag:s31] =	ssyncset.done $0x0  }
0xe8: {  	[sflag:s31] =	ssyncadd.s32 $0xFFFFFCE0  }
0xe9: {  	[tilespmem:s22], [sflag:$0x5] =	stream.indirect.gather [hbm4b:s3+s11], $0x20, s2, s11, $0xb8;
	[tilespmem:$0x19C80] =	vst v63  }
0xea: {  	_ =	swait.ge [sflag:s21], $0x6400  }
0xeb: {  	[sflag:s21] =	ssyncset.done $0x0  }
0xec: {  	s0 =	rddreg [dreg:$0x1b];
	[sflag:s21] =	ssyncadd.s32 $0xFFFF9C00  }
0xed: {  	[hbm4b:s0+s2] =	stream.linear.scatter [tilespmem:s12], [sflag:$0xB], $0x6400, $0x38;
	[tilespmem:$0x19C80] =	vst v63  }
0xee: {  	s1 =	rddreg [dreg:$0x1c]  }
0xef: {  	[tilespmem:s24], [sflag:$0x3] =	stream.linear.gather [hbm4b:s1+s2], $0x320, $0x38;
	[tilespmem:$0x19C80] =	vst v63  }
0xf0: {  	_ =	swait.ge [sflag:s13], $0x6400  }
0xf1: {  	[sflag:s13] =	ssyncset.done $0x0  }
0xf2: {  	[sflag:s13] =	ssyncadd.s32 $0xFFFF9C00  }
0xf3: {  	_ =	swait.ge [sflag:s30], $0x320  }
0xf4: {  	[sflag:s30] =	ssyncset.done $0x0  }
0xf5: {  	[sflag:s30] =	ssyncadd.s32 $0xFFFFFCE0  }
0xf6: {  	[tilespmem:s16], [sflag:$0x6] =	stream.indirect.gather [hbm4b:s3+s11], $0x20, s11, s11, $0xb8;
	[tilespmem:$0x19C80] =	vst v63  }
0xf7: {  	_ =	swait.ge [sflag:s17], $0x6400  }
0xf8: {  	[sflag:s17] =	ssyncset.done $0x0  }
0xf9: {  	s0 =	rddreg [dreg:$0x1d];
	[sflag:s17] =	ssyncadd.s32 $0xFFFF9C00  }
0xfa: {  	[hbm4b:s0+s2] =	stream.linear.scatter [tilespmem:s9], [sflag:$0xC], $0x6400, $0x38;
	[tilespmem:$0x19C80] =	vst v63  }
0xfb: {  	s1 =	rddreg [dreg:$0x1e]  }
0xfc: {  	[tilespmem:s15], [sflag:$0x4] =	stream.linear.gather [hbm4b:s1+s2], $0x320, $0x38;
	[tilespmem:$0x19C80] =	vst v63  }
0xfd: {  	_ =	swait.ge [sflag:s10], $0x6400  }
0xfe: {  	[sflag:s10] =	ssyncset.done $0x0  }
0xff: {  	[sflag:s10] =	ssyncadd.s32 $0xFFFF9C00  }
0x100: {  	_ =	swait.ge [sflag:s29], $0x320  }
0x101: {  	[sflag:s29] =	ssyncset.done $0x0  }
0x102: {  	[sflag:s29] =	ssyncadd.s32 $0xFFFFFCE0  }
0x103: {  	[tilespmem:s12], [sflag:$0x7] =	stream.indirect.gather [hbm4b:s3+s11], $0x20, s24, s11, $0xb8;
	[tilespmem:$0x19C80] =	vst v63  }
0x104: {  	_ =	swait.ge [sflag:s28], $0x6400  }
0x105: {  	s0 =	rddreg [dreg:$0x1f];
	[sflag:s28] =	ssyncset.done $0x0  }
0x106: {  	s1 =	sld [smem:$0x7E3];
	[sflag:s28] =	ssyncadd.s32 $0xFFFF9C00  }
0x107: {  	[hbm4b:s0+s2] =	stream.linear.scatter [tilespmem:s22], [sflag:$0x9], $0x6400, $0x38;
	[tilespmem:$0x19C80] =	vst v63  }
0x108: {  	_ = 	snop  }
0x109: {  	[tilespmem:s2], [sflag:$0x1] =	stream.linear.gather [hbm4b:s1+s2], $0x320, $0x38;
	[tilespmem:$0x19C80] =	vst v63  }
0x10a: {  	_ =	swait.ge [sflag:s7], $0x6400  }
0x10b: {  	[sflag:s7] =	ssyncset.done $0x0  }
0x10c: {  	[sflag:s7] =	ssyncadd.s32 $0xFFFF9C00  }
0x10d: {  	_ =	swait.ge [sflag:s23], $0x320  }
0x10e: {  	[sflag:s23] =	ssyncset.done $0x0  }
0x10f: {  	[sflag:s23] =	ssyncadd.s32 $0xFFFFFCE0  }
0x110: {  	[tilespmem:s9], [sflag:$0x8] =	stream.indirect.gather [hbm4b:s3+s11], $0x20, s15, s11, $0xb8;
	[tilespmem:$0x19C80] =	vst v63  }
0x111: {  	_ =	swait.ge [sflag:s20], $0x6400  }
0x112: {  	s0 =	sld [smem:$0x7E4]  }
0x113: {  	[sflag:s20] =	ssyncset.done $0x0  }
0x114: {  	s1 =	sld [smem:$0x7E5];
	[sflag:s20] =	ssyncadd.s32 $0xFFFF9C00  }
0x115: {  	[hbm4b:s0+s2] =	stream.linear.scatter [tilespmem:s16], [sflag:$0xA], $0x6400, $0x38;
	[tilespmem:$0x19C80] =	vst v63  }
0x116: {  	_ = 	snop  }
0x117: {  	[tilespmem:s11], [sflag:$0x2] =	stream.linear.gather [hbm4b:s1+s2], $0x320, $0x38;
	[tilespmem:$0x19C80] =	vst v63  }
0x118: {  	_ =	swait.ge [sflag:s14], $0x6400  }
0x119: {  	[sflag:s14] =	ssyncset.done $0x0  }
0x11a: {  	[sflag:s14] =	ssyncadd.s32 $0xFFFF9C00  }
0x11b: {  	_ =	swait.ge [sflag:s31], $0x320  }
0x11c: {  	[sflag:s31] =	ssyncset.done $0x0  }
0x11d: {  	[sflag:s31] =	ssyncadd.s32 $0xFFFFFCE0  }
0x11e: {  	[tilespmem:s22], [sflag:$0x5] =	stream.indirect.gather [hbm4b:s3+s11], $0x20, s2, s11, $0xb8;
	[tilespmem:$0x19C80] =	vst v63  }
0x11f: {  	_ =	swait.ge [sflag:s21], $0x6400  }
0x120: {  	s0 =	sld [smem:$0x7E6]  }
0x121: {  	[sflag:s21] =	ssyncset.done $0x0  }
0x122: {  	s1 =	sld [smem:$0x7E7];
	[sflag:s21] =	ssyncadd.s32 $0xFFFF9C00  }
0x123: {  	[hbm4b:s0+s2] =	stream.linear.scatter [tilespmem:s12], [sflag:$0xB], $0x6400, $0x38;
	[tilespmem:$0x19C80] =	vst v63  }
0x124: {  	_ = 	snop  }
0x125: {  	[tilespmem:s24], [sflag:$0x3] =	stream.linear.gather [hbm4b:s1+s2], $0x320, $0x38;
	[tilespmem:$0x19C80] =	vst v63  }
0x126: {  	_ =	swait.ge [sflag:s13], $0x6400  }
0x127: {  	[sflag:s13] =	ssyncset.done $0x0  }
0x128: {  	[sflag:s13] =	ssyncadd.s32 $0xFFFF9C00  }
0x129: {  	_ =	swait.ge [sflag:s30], $0x320  }
0x12a: {  	[sflag:s30] =	ssyncset.done $0x0  }
0x12b: {  	[sflag:s30] =	ssyncadd.s32 $0xFFFFFCE0  }
0x12c: {  	[tilespmem:s16], [sflag:$0x6] =	stream.indirect.gather [hbm4b:s3+s11], $0x20, s11, s11, $0xb8;
	[tilespmem:$0x19C80] =	vst v63  }
0x12d: {  	_ =	swait.ge [sflag:s17], $0x6400  }
0x12e: {  	s0 =	sld [smem:$0x7E8]  }
0x12f: {  	[sflag:s17] =	ssyncset.done $0x0  }
0x130: {  	s1 =	sld [smem:$0x7E9];
	[sflag:s17] =	ssyncadd.s32 $0xFFFF9C00  }
0x131: {  	[hbm4b:s0+s2] =	stream.linear.scatter [tilespmem:s9], [sflag:$0xC], $0x6400, $0x38;
	[tilespmem:$0x19C80] =	vst v63  }
0x132: {  	_ = 	snop  }
0x133: {  	[tilespmem:s15], [sflag:$0x4] =	stream.linear.gather [hbm4b:s1+s2], $0x320, $0x38;
	[tilespmem:$0x19C80] =	vst v63  }
0x134: {  	_ =	swait.ge [sflag:s10], $0x6400  }
0x135: {  	[sflag:s10] =	ssyncset.done $0x0  }
0x136: {  	[sflag:s10] =	ssyncadd.s32 $0xFFFF9C00  }
0x137: {  	_ =	swait.ge [sflag:s29], $0x320  }
0x138: {  	[sflag:s29] =	ssyncset.done $0x0  }
0x139: {  	[sflag:s29] =	ssyncadd.s32 $0xFFFFFCE0  }
0x13a: {  	[tilespmem:s12], [sflag:$0x7] =	stream.indirect.gather [hbm4b:s3+s11], $0x20, s24, s11, $0xb8;
	[tilespmem:$0x19C80] =	vst v63  }
0x13b: {  	_ =	swait.ge [sflag:s28], $0x6400  }
0x13c: {  	s0 =	sld [smem:$0x7EA]  }
0x13d: {  	[sflag:s28] =	ssyncset.done $0x0  }
0x13e: {  	s1 =	sld [smem:$0x7EB];
	[sflag:s28] =	ssyncadd.s32 $0xFFFF9C00  }
0x13f: {  	[hbm4b:s0+s2] =	stream.linear.scatter [tilespmem:s22], [sflag:$0x9], $0x6400, $0x38;
	[tilespmem:$0x19C80] =	vst v63  }
0x140: {  	_ = 	snop  }
0x141: {  	[tilespmem:s2], [sflag:$0x1] =	stream.linear.gather [hbm4b:s1+s2], $0x320, $0x38;
	[tilespmem:$0x19C80] =	vst v63  }
0x142: {  	_ =	swait.ge [sflag:s7], $0x6400  }
0x143: {  	[sflag:s7] =	ssyncset.done $0x0  }
0x144: {  	[sflag:s7] =	ssyncadd.s32 $0xFFFF9C00  }
0x145: {  	_ =	swait.ge [sflag:s23], $0x320  }
0x146: {  	[sflag:s23] =	ssyncset.done $0x0  }
0x147: {  	[sflag:s23] =	ssyncadd.s32 $0xFFFFFCE0  }
0x148: {  	[tilespmem:s9], [sflag:$0x8] =	stream.indirect.gather [hbm4b:s3+s11], $0x20, s15, s11, $0xb8;
	[tilespmem:$0x19C80] =	vst v63  }
0x149: {  	_ =	swait.ge [sflag:s20], $0x6400  }
0x14a: {  	s0 =	sld [smem:$0x7EC]  }
0x14b: {  	[sflag:s20] =	ssyncset.done $0x0  }
0x14c: {  	s1 =	sld [smem:$0x7ED];
	[sflag:s20] =	ssyncadd.s32 $0xFFFF9C00  }
0x14d: {  	[hbm4b:s0+s2] =	stream.linear.scatter [tilespmem:s16], [sflag:$0xA], $0x6400, $0x38;
	[tilespmem:$0x19C80] =	vst v63  }
0x14e: {  	_ = 	snop  }
0x14f: {  	[tilespmem:s11], [sflag:$0x2] =	stream.linear.gather [hbm4b:s1+s2], $0x320, $0x38;
	[tilespmem:$0x19C80] =	vst v63  }
0x150: {  	_ =	swait.ge [sflag:s14], $0x6400  }
0x151: {  	[sflag:s14] =	ssyncset.done $0x0  }
0x152: {  	[sflag:s14] =	ssyncadd.s32 $0xFFFF9C00  }
0x153: {  	_ =	swait.ge [sflag:s31], $0x320  }
0x154: {  	[sflag:s31] =	ssyncset.done $0x0  }
0x155: {  	[sflag:s31] =	ssyncadd.s32 $0xFFFFFCE0  }
0x156: {  	[tilespmem:s22], [sflag:$0x5] =	stream.indirect.gather [hbm4b:s3+s11], $0x20, s2, s11, $0xb8;
	[tilespmem:$0x19C80] =	vst v63  }
0x157: {  	_ =	swait.ge [sflag:s21], $0x6400  }
0x158: {  	s0 =	sld [smem:$0x7EE]  }
0x159: {  	[sflag:s21] =	ssyncset.done $0x0  }
0x15a: {  	s1 =	sld [smem:$0x7EF];
	[sflag:s21] =	ssyncadd.s32 $0xFFFF9C00  }
0x15b: {  	[hbm4b:s0+s2] =	stream.linear.scatter [tilespmem:s12], [sflag:$0xB], $0x6400, $0x38;
	[tilespmem:$0x19C80] =	vst v63  }
0x15c: {  	_ = 	snop  }
0x15d: {  	[tilespmem:s24], [sflag:$0x3] =	stream.linear.gather [hbm4b:s1+s2], $0x320, $0x38;
	[tilespmem:$0x19C80] =	vst v63  }
0x15e: {  	_ =	swait.ge [sflag:s13], $0x6400  }
0x15f: {  	[sflag:s13] =	ssyncset.done $0x0  }
0x160: {  	[sflag:s13] =	ssyncadd.s32 $0xFFFF9C00  }
0x161: {  	_ =	swait.ge [sflag:s30], $0x320  }
0x162: {  	[sflag:s30] =	ssyncset.done $0x0  }
0x163: {  	[sflag:s30] =	ssyncadd.s32 $0xFFFFFCE0  }
0x164: {  	[tilespmem:s16], [sflag:$0x6] =	stream.indirect.gather [hbm4b:s3+s11], $0x20, s11, s11, $0xb8;
	[tilespmem:$0x19C80] =	vst v63  }
0x165: {  	_ =	swait.ge [sflag:s17], $0x6400  }
0x166: {  	s0 =	sld [smem:$0x7F0]  }
0x167: {  	[sflag:s17] =	ssyncset.done $0x0  }
0x168: {  	s1 =	sld [smem:$0x7F1];
	[sflag:s17] =	ssyncadd.s32 $0xFFFF9C00  }
0x169: {  	[hbm4b:s0+s2] =	stream.linear.scatter [tilespmem:s9], [sflag:$0xC], $0x6400, $0x38;
	[tilespmem:$0x19C80] =	vst v63  }
0x16a: {  	_ = 	snop  }
0x16b: {  	[tilespmem:s15], [sflag:$0x4] =	stream.linear.gather [hbm4b:s1+s2], $0x320, $0x38;
	[tilespmem:$0x19C80] =	vst v63  }
0x16c: {  	_ =	swait.ge [sflag:s10], $0x6400  }
0x16d: {  	[sflag:s10] =	ssyncset.done $0x0  }
0x16e: {  	[sflag:s10] =	ssyncadd.s32 $0xFFFF9C00  }
0x16f: {  	_ =	swait.ge [sflag:s29], $0x320  }
0x170: {  	[sflag:s29] =	ssyncset.done $0x0  }
0x171: {  	[sflag:s29] =	ssyncadd.s32 $0xFFFFFCE0  }
0x172: {  	[tilespmem:s12], [sflag:$0x7] =	stream.indirect.gather [hbm4b:s3+s11], $0x20, s24, s11, $0xb8;
	[tilespmem:$0x19C80] =	vst v63  }
0x173: {  	_ =	swait.ge [sflag:s28], $0x6400  }
0x174: {  	s0 =	sld [smem:$0x7F2]  }
0x175: {  	[sflag:s28] =	ssyncset.done $0x0  }
0x176: {  	s1 =	sld [smem:$0x7F3];
	[sflag:s28] =	ssyncadd.s32 $0xFFFF9C00  }
0x177: {  	[hbm4b:s0+s2] =	stream.linear.scatter [tilespmem:s22], [sflag:$0x9], $0x6400, $0x38;
	[tilespmem:$0x19C80] =	vst v63  }
0x178: {  	_ = 	snop  }
0x179: {  	[tilespmem:s2], [sflag:$0x1] =	stream.linear.gather [hbm4b:s1+s2], $0x320, $0x38;
	[tilespmem:$0x19C80] =	vst v63  }
0x17a: {  	_ =	swait.ge [sflag:s7], $0x6400  }
0x17b: {  	[sflag:s7] =	ssyncset.done $0x0  }
0x17c: {  	[sflag:s7] =	ssyncadd.s32 $0xFFFF9C00  }
0x17d: {  	_ =	swait.ge [sflag:s23], $0x320  }
0x17e: {  	[sflag:s23] =	ssyncset.done $0x0  }
0x17f: {  	[sflag:s23] =	ssyncadd.s32 $0xFFFFFCE0  }
0x180: {  	[tilespmem:s9], [sflag:$0x8] =	stream.indirect.gather [hbm4b:s3+s11], $0x20, s15, s11, $0xb8;
	[tilespmem:$0x19C80] =	vst v63  }
0x181: {  	_ =	swait.ge [sflag:s20], $0x6400  }
0x182: {  	s0 =	sld [smem:$0x7F4]  }
0x183: {  	[sflag:s20] =	ssyncset.done $0x0  }
0x184: {  	s1 =	sld [smem:$0x7F5];
	[sflag:s20] =	ssyncadd.s32 $0xFFFF9C00  }
0x185: {  	[hbm4b:s0+s2] =	stream.linear.scatter [tilespmem:s16], [sflag:$0xA], $0x6400, $0x38;
	[tilespmem:$0x19C80] =	vst v63  }
0x186: {  	_ = 	snop  }
0x187: {  	[tilespmem:s11], [sflag:$0x2] =	stream.linear.gather [hbm4b:s1+s2], $0x320, $0x38;
	[tilespmem:$0x19C80] =	vst v63  }
0x188: {  	_ =	swait.ge [sflag:s14], $0x6400  }
0x189: {  	[sflag:s14] =	ssyncset.done $0x0  }
0x18a: {  	[sflag:s14] =	ssyncadd.s32 $0xFFFF9C00  }
0x18b: {  	_ =	swait.ge [sflag:s31], $0x320  }
0x18c: {  	[sflag:s31] =	ssyncset.done $0x0  }
0x18d: {  	[sflag:s31] =	ssyncadd.s32 $0xFFFFFCE0  }
0x18e: {  	[tilespmem:s22], [sflag:$0x5] =	stream.indirect.gather [hbm4b:s3+s11], $0x20, s2, s11, $0xb8;
	[tilespmem:$0x19C80] =	vst v63  }
0x18f: {  	_ =	swait.ge [sflag:s21], $0x6400  }
0x190: {  	s0 =	sld [smem:$0x7F6]  }
0x191: {  	[sflag:s21] =	ssyncset.done $0x0  }
0x192: {  	s1 =	sld [smem:$0x7F7];
	[sflag:s21] =	ssyncadd.s32 $0xFFFF9C00  }
0x193: {  	[hbm4b:s0+s2] =	stream.linear.scatter [tilespmem:s12], [sflag:$0xB], $0x6400, $0x38;
	[tilespmem:$0x19C80] =	vst v63  }
0x194: {  	_ = 	snop  }
0x195: {  	[tilespmem:s24], [sflag:$0x3] =	stream.linear.gather [hbm4b:s1+s2], $0x320, $0x38;
	[tilespmem:$0x19C80] =	vst v63  }
0x196: {  	_ =	swait.ge [sflag:s13], $0x6400  }
0x197: {  	[sflag:s13] =	ssyncset.done $0x0  }
0x198: {  	[sflag:s13] =	ssyncadd.s32 $0xFFFF9C00  }
0x199: {  	_ =	swait.ge [sflag:s30], $0x320  }
0x19a: {  	[sflag:s30] =	ssyncset.done $0x0  }
0x19b: {  	[sflag:s30] =	ssyncadd.s32 $0xFFFFFCE0  }
0x19c: {  	[tilespmem:s16], [sflag:$0x6] =	stream.indirect.gather [hbm4b:s3+s11], $0x20, s11, s11, $0xb8;
	[tilespmem:$0x19C80] =	vst v63  }
0x19d: {  	_ =	swait.ge [sflag:s17], $0x6400  }
0x19e: {  	s0 =	sld [smem:$0x7F8]  }
0x19f: {  	[sflag:s17] =	ssyncset.done $0x0  }
0x1a0: {  	s1 =	sld [smem:$0x7F9];
	[sflag:s17] =	ssyncadd.s32 $0xFFFF9C00  }
0x1a1: {  	[hbm4b:s0+s2] =	stream.linear.scatter [tilespmem:s9], [sflag:$0xC], $0x6400, $0x38;
	[tilespmem:$0x19C80] =	vst v63  }
0x1a2: {  	_ = 	snop  }
0x1a3: {  	[tilespmem:s15], [sflag:$0x4] =	stream.linear.gather [hbm4b:s1+s2], $0x320, $0x38;
	[tilespmem:$0x19C80] =	vst v63  }
0x1a4: {  	_ =	swait.ge [sflag:s10], $0x6400  }
0x1a5: {  	[sflag:s10] =	ssyncset.done $0x0  }
0x1a6: {  	[sflag:s10] =	ssyncadd.s32 $0xFFFF9C00  }
0x1a7: {  	_ =	swait.ge [sflag:s29], $0x320  }
0x1a8: {  	[sflag:s29] =	ssyncset.done $0x0  }
0x1a9: {  	[sflag:s29] =	ssyncadd.s32 $0xFFFFFCE0  }
0x1aa: {  	[tilespmem:s12], [sflag:$0x7] =	stream.indirect.gather [hbm4b:s3+s11], $0x20, s24, s11, $0xb8;
	[tilespmem:$0x19C80] =	vst v63  }
0x1ab: {  	_ =	swait.ge [sflag:s28], $0x6400  }
0x1ac: {  	s0 =	sld [smem:$0x7FA]  }
0x1ad: {  	[sflag:s28] =	ssyncset.done $0x0  }
0x1ae: {  	s1 =	sld [smem:$0x7FB];
	[sflag:s28] =	ssyncadd.s32 $0xFFFF9C00  }
0x1af: {  	[hbm4b:s0+s2] =	stream.linear.scatter [tilespmem:s22], [sflag:$0x9], $0x6400, $0x38;
	[tilespmem:$0x19C80] =	vst v63  }
0x1b0: {  	_ = 	snop  }
0x1b1: {  	[tilespmem:s2], [sflag:$0x1] =	stream.linear.gather [hbm4b:s1+s2], $0x320, $0x38;
	[tilespmem:$0x19C80] =	vst v63  }
0x1b2: {  	_ =	swait.ge [sflag:s7], $0x6400  }
0x1b3: {  	[sflag:s7] =	ssyncset.done $0x0  }
0x1b4: {  	[sflag:s7] =	ssyncadd.s32 $0xFFFF9C00  }
0x1b5: {  	_ =	swait.ge [sflag:s23], $0x320  }
0x1b6: {  	[sflag:s23] =	ssyncset.done $0x0  }
0x1b7: {  	[sflag:s23] =	ssyncadd.s32 $0xFFFFFCE0  }
0x1b8: {  	[tilespmem:s9], [sflag:$0x8] =	stream.indirect.gather [hbm4b:s3+s11], $0x20, s15, s11, $0xb8;
	[tilespmem:$0x19C80] =	vst v63  }
0x1b9: {  	_ =	swait.ge [sflag:s20], $0x6400  }
0x1ba: {  	s0 =	sld [smem:$0x7FC]  }
0x1bb: {  	[sflag:s20] =	ssyncset.done $0x0  }
0x1bc: {  	s1 =	sld [smem:$0x7FD];
	[sflag:s20] =	ssyncadd.s32 $0xFFFF9C00  }
0x1bd: {  	[hbm4b:s0+s2] =	stream.linear.scatter [tilespmem:s16], [sflag:$0xA], $0x6400, $0x38;
	[tilespmem:$0x19C80] =	vst v63  }
0x1be: {  	_ = 	snop  }
0x1bf: {  	[tilespmem:s11], [sflag:$0x2] =	stream.linear.gather [hbm4b:s1+s2], $0x320, $0x38;
	[tilespmem:$0x19C80] =	vst v63  }
0x1c0: {  	_ =	swait.ge [sflag:s14], $0x6400  }
0x1c1: {  	[sflag:s14] =	ssyncset.done $0x0  }
0x1c2: {  	[sflag:s14] =	ssyncadd.s32 $0xFFFF9C00  }
0x1c3: {  	_ =	swait.ge [sflag:s31], $0x320  }
0x1c4: {  	[sflag:s31] =	ssyncset.done $0x0  }
0x1c5: {  	[sflag:s31] =	ssyncadd.s32 $0xFFFFFCE0  }
0x1c6: {  	[tilespmem:s22], [sflag:$0x5] =	stream.indirect.gather [hbm4b:s3+s11], $0x20, s2, s11, $0xb8;
	[tilespmem:$0x19C80] =	vst v63  }
0x1c7: {  	_ =	swait.ge [sflag:s21], $0x6400  }
0x1c8: {  	[sflag:s21] =	ssyncset.done $0x0  }
0x1c9: {  	[sflag:s21] =	ssyncadd.s32 $0xFFFF9C00  }
0x1ca: {  	[hbm4b:s25+s2] =	stream.linear.scatter [tilespmem:s12], [sflag:$0xB], $0x6400, $0x38;
	[tilespmem:$0x19C80] =	vst v63  }
0x1cb: {  	_ = 	snop  }
0x1cc: {  	[tilespmem:s24], [sflag:$0x3] =	stream.linear.gather [hbm4b:s26+s2], $0x320, $0x38;
	[tilespmem:$0x19C80] =	vst v63  }
0x1cd: {  	_ =	swait.ge [sflag:s13], $0x6400  }
0x1ce: {  	[sflag:s13] =	ssyncset.done $0x0  }
0x1cf: {  	[sflag:s13] =	ssyncadd.s32 $0xFFFF9C00  }
0x1d0: {  	_ =	swait.ge [sflag:s30], $0x320  }
0x1d1: {  	[sflag:s30] =	ssyncset.done $0x0  }
0x1d2: {  	[sflag:s30] =	ssyncadd.s32 $0xFFFFFCE0  }
0x1d3: {  	[tilespmem:s16], [sflag:$0x6] =	stream.indirect.gather [hbm4b:s3+s11], $0x20, s11, s11, $0xb8;
	[tilespmem:$0x19C80] =	vst v63  }
0x1d4: {  	_ =	swait.ge [sflag:s17], $0x6400  }
0x1d5: {  	[sflag:s17] =	ssyncset.done $0x0  }
0x1d6: {  	[sflag:s17] =	ssyncadd.s32 $0xFFFF9C00  }
0x1d7: {  	[hbm4b:s18+s2] =	stream.linear.scatter [tilespmem:s9], [sflag:$0xC], $0x6400, $0x38;
	[tilespmem:$0x19C80] =	vst v63  }
0x1d8: {  	_ = 	snop  }
0x1d9: {  	[tilespmem:s15], [sflag:$0x4] =	stream.linear.gather [hbm4b:s19+s2], $0x320, $0x38;
	[tilespmem:$0x19C80] =	vst v63  }
0x1da: {  	_ =	swait.ge [sflag:s10], $0x6400  }
0x1db: {  	[sflag:s10] =	ssyncset.done $0x0  }
0x1dc: {  	[sflag:s10] =	ssyncadd.s32 $0xFFFF9C00  }
0x1dd: {  	_ =	swait.ge [sflag:s29], $0x320  }
0x1de: {  	[sflag:s29] =	ssyncset.done $0x0  }
0x1df: {  	[sflag:s29] =	ssyncadd.s32 $0xFFFFFCE0  }
0x1e0: {  	[tilespmem:s12], [sflag:$0x7] =	stream.indirect.gather [hbm4b:s3+s11], $0x20, s24, s11, $0xb8;
	[tilespmem:$0x19C80] =	vst v63  }
0x1e1: {  	_ =	swait.ge [sflag:s28], $0x6400  }
0x1e2: {  	[sflag:s28] =	ssyncset.done $0x0  }
0x1e3: {  	[sflag:s28] =	ssyncadd.s32 $0xFFFF9C00  }
0x1e4: {  	[hbm4b:s8+s2] =	stream.linear.scatter [tilespmem:s22], [sflag:$0x9], $0x6400, $0x38;
	[tilespmem:$0x19C80] =	vst v63  }
0x1e5: {  	_ =	swait.ge [sflag:s7], $0x6400  }
0x1e6: {  	[sflag:s7] =	ssyncset.done $0x0  }
0x1e7: {  	[sflag:s7] =	ssyncadd.s32 $0xFFFF9C00  }
0x1e8: {  	_ =	swait.ge [sflag:s23], $0x320  }
0x1e9: {  	[sflag:s23] =	ssyncset.done $0x0  }
0x1ea: {  	[sflag:s23] =	ssyncadd.s32 $0xFFFFFCE0  }
0x1eb: {  	[tilespmem:s9], [sflag:$0x8] =	stream.indirect.gather [hbm4b:s3+s11], $0x20, s15, s11, $0xb8;
	[tilespmem:$0x19C80] =	vst v63  }
0x1ec: {  	_ =	swait.ge [sflag:s20], $0x6400  }
0x1ed: {  	[sflag:s20] =	ssyncset.done $0x0  }
0x1ee: {  	[sflag:s20] =	ssyncadd.s32 $0xFFFF9C00  }
0x1ef: {  	[hbm4b:s6+s2] =	stream.linear.scatter [tilespmem:s16], [sflag:$0xA], $0x6400, $0x38;
	[tilespmem:$0x19C80] =	vst v63  }
0x1f0: {  	_ =	swait.ge [sflag:s21], $0x6400  }
0x1f1: {  	[sflag:s21] =	ssyncset.done $0x0  }
0x1f2: {  	[sflag:s21] =	ssyncadd.s32 $0xFFFF9C00  }
0x1f3: {  	[hbm4b:s5+s2] =	stream.linear.scatter [tilespmem:s12], [sflag:$0xB], $0x6400, $0x38;
	[tilespmem:$0x19C80] =	vst v63  }
0x1f4: {  	_ =	swait.ge [sflag:s17], $0x6400  }
0x1f5: {  	[sflag:s17] =	ssyncset.done $0x0  }
0x1f6: {  	[sflag:s17] =	ssyncadd.s32 $0xFFFF9C00  }
0x1f7: {  	[hbm4b:s4+s2] =	stream.linear.scatter [tilespmem:s9], [sflag:$0xC], $0x6400, $0x38;
	[tilespmem:$0x19C80] =	vst v63  }
0x1f8: {  	_ =	swait.ge [sflag:s14], $0x6400  }
0x1f9: {  	[sflag:s14] =	ssyncset.done $0x0  }
0x1fa: {  	[sflag:s14] =	ssyncadd.s32 $0xFFFF9C00  }
0x1fb: {  	_ =	swait.ge [sflag:s13], $0x6400  }
0x1fc: {  	[sflag:s13] =	ssyncset.done $0x0  }
0x1fd: {  	[sflag:s13] =	ssyncadd.s32 $0xFFFF9C00  }
0x1fe: {  	_ =	swait.ge [sflag:s10], $0x6400  }
0x1ff: {  	s1 =	sld [smem:$0x7E1];
	_ =	sdelay $0x2  }
0x200: {  	p1 =	sne.s32 s1, $0x1  }
.Ltmp1:
0x201: {  	[sflag:s10] =	ssyncset.done $0x0;
	(pc) =	sbr.rel @!p1 .LBB2_3-.Ltmp1, $4  }
0x202: {  	[sflag:s10] =	ssyncadd.s32 $0xFFFF9C00  }
0x203: {  	_ =	swait.ge [sflag:s7], $0x6400  }
0x204: {  	p0 =	por $0x1, $0x1;
	s0 =	rddreg [dreg:$0x3]  }
0x205: {  	s1 =	sadd.s32 $0xFFFFFFFF, s1;
	[sflag:s7] =	ssyncset.done $0x0;
	[smem:$0x7E2] =	sst s26  }
.LBB2_2:
0x206: {  	[sflag:s7] =	ssyncadd.s32 $0xFFFF9C00;
	s26 =	smov.u32 s25;
	s25 =	smov.u32 s19  }
0x207: {  	s19 =	smov.u32 s18;
	s18 =	smov.u32 s8;
	s8 =	smov.u32 s6  }
0x208: {  	[tilespmem:s2], [sflag:$0x1] =	stream.linear.gather [hbm4b:s0+s2], $0x320, $0x38;
	[tilespmem:$0x19C80] =	vst v63  }
0x209: {  	s6 =	smov.u32 s5;
	s5 =	smov.u32 s4;
	s4 =	rddreg [dreg:$0x4]  }
0x20a: {  	[tilespmem:s11], [sflag:$0x2] =	stream.linear.gather [hbm4b:s4+s2], $0x320, $0x38;
	[tilespmem:$0x19C80] =	vst v63  }
0x20b: {  	s0 =	rddreg [dreg:$0x5]  }
0x20c: {  	[tilespmem:s24], [sflag:$0x3] =	stream.linear.gather [hbm4b:s0+s2], $0x320, $0x38;
	[tilespmem:$0x19C80] =	vst v63  }
0x20d: {  	s4 =	rddreg [dreg:$0x6]  }
0x20e: {  	[tilespmem:s15], [sflag:$0x4] =	stream.linear.gather [hbm4b:s4+s2], $0x320, $0x38;
	[tilespmem:$0x19C80] =	vst v63  }
0x20f: {  	_ =	swait.ge [sflag:s31], $0x320  }
0x210: {  	[sflag:s31] =	ssyncset.done $0x0  }
0x211: {  	[sflag:s31] =	ssyncadd.s32 $0xFFFFFCE0  }
0x212: {  	[tilespmem:s22], [sflag:$0x5] =	stream.indirect.gather [hbm4b:s3+s11], $0x20, s2, s11, $0xb8;
	[tilespmem:$0x19C80] =	vst v63  }
0x213: {  	_ =	swait.ge [sflag:s30], $0x320  }
0x214: {  	[sflag:s30] =	ssyncset.done $0x0  }
0x215: {  	[sflag:s30] =	ssyncadd.s32 $0xFFFFFCE0  }
0x216: {  	[tilespmem:s16], [sflag:$0x6] =	stream.indirect.gather [hbm4b:s3+s11], $0x20, s11, s11, $0xb8;
	[tilespmem:$0x19C80] =	vst v63  }
0x217: {  	_ =	swait.ge [sflag:s29], $0x320  }
0x218: {  	[sflag:s29] =	ssyncset.done $0x0  }
0x219: {  	[sflag:s29] =	ssyncadd.s32 $0xFFFFFCE0  }
0x21a: {  	[tilespmem:s12], [sflag:$0x7] =	stream.indirect.gather [hbm4b:s3+s11], $0x20, s24, s11, $0xb8;
	[tilespmem:$0x19C80] =	vst v63  }
0x21b: {  	_ =	swait.ge [sflag:s28], $0x6400  }
0x21c: {  	[sflag:s28] =	ssyncset.done $0x0  }
0x21d: {  	s0 =	rddreg [dreg:$0x7];
	[sflag:s28] =	ssyncadd.s32 $0xFFFF9C00  }
0x21e: {  	[hbm4b:s0+s2] =	stream.linear.scatter [tilespmem:s22], [sflag:$0x9], $0x6400, $0x38;
	[tilespmem:$0x19C80] =	vst v63  }
0x21f: {  	s4 =	rddreg [dreg:$0x8]  }
0x220: {  	[tilespmem:s2], [sflag:$0x1] =	stream.linear.gather [hbm4b:s4+s2], $0x320, $0x38;
	[tilespmem:$0x19C80] =	vst v63  }
0x221: {  	_ =	swait.ge [sflag:s23], $0x320  }
0x222: {  	[sflag:s23] =	ssyncset.done $0x0  }
0x223: {  	[sflag:s23] =	ssyncadd.s32 $0xFFFFFCE0  }
0x224: {  	[tilespmem:s9], [sflag:$0x8] =	stream.indirect.gather [hbm4b:s3+s11], $0x20, s15, s11, $0xb8;
	[tilespmem:$0x19C80] =	vst v63  }
0x225: {  	_ =	swait.ge [sflag:s20], $0x6400  }
0x226: {  	[sflag:s20] =	ssyncset.done $0x0  }
0x227: {  	s0 =	rddreg [dreg:$0x9];
	[sflag:s20] =	ssyncadd.s32 $0xFFFF9C00  }
0x228: {  	[hbm4b:s0+s2] =	stream.linear.scatter [tilespmem:s16], [sflag:$0xA], $0x6400, $0x38;
	[tilespmem:$0x19C80] =	vst v63  }
0x229: {  	s4 =	rddreg [dreg:$0xa]  }
0x22a: {  	[tilespmem:s11], [sflag:$0x2] =	stream.linear.gather [hbm4b:s4+s2], $0x320, $0x38;
	[tilespmem:$0x19C80] =	vst v63  }
0x22b: {  	_ =	swait.ge [sflag:s14], $0x6400  }
0x22c: {  	[sflag:s14] =	ssyncset.done $0x0  }
0x22d: {  	[sflag:s14] =	ssyncadd.s32 $0xFFFF9C00  }
0x22e: {  	_ =	swait.ge [sflag:s31], $0x320  }
0x22f: {  	[sflag:s31] =	ssyncset.done $0x0  }
0x230: {  	[sflag:s31] =	ssyncadd.s32 $0xFFFFFCE0  }
0x231: {  	[tilespmem:s22], [sflag:$0x5] =	stream.indirect.gather [hbm4b:s3+s11], $0x20, s2, s11, $0xb8;
	[tilespmem:$0x19C80] =	vst v63  }
0x232: {  	_ =	swait.ge [sflag:s21], $0x6400  }
0x233: {  	[sflag:s21] =	ssyncset.done $0x0  }
0x234: {  	s0 =	rddreg [dreg:$0xb];
	[sflag:s21] =	ssyncadd.s32 $0xFFFF9C00  }
0x235: {  	[hbm4b:s0+s2] =	stream.linear.scatter [tilespmem:s12], [sflag:$0xB], $0x6400, $0x38;
	[tilespmem:$0x19C80] =	vst v63  }
0x236: {  	s4 =	rddreg [dreg:$0xc]  }
0x237: {  	[tilespmem:s24], [sflag:$0x3] =	stream.linear.gather [hbm4b:s4+s2], $0x320, $0x38;
	[tilespmem:$0x19C80] =	vst v63  }
0x238: {  	_ =	swait.ge [sflag:s13], $0x6400  }
0x239: {  	[sflag:s13] =	ssyncset.done $0x0  }
0x23a: {  	[sflag:s13] =	ssyncadd.s32 $0xFFFF9C00  }
0x23b: {  	_ =	swait.ge [sflag:s30], $0x320  }
0x23c: {  	[sflag:s30] =	ssyncset.done $0x0  }
0x23d: {  	[sflag:s30] =	ssyncadd.s32 $0xFFFFFCE0  }
0x23e: {  	[tilespmem:s16], [sflag:$0x6] =	stream.indirect.gather [hbm4b:s3+s11], $0x20, s11, s11, $0xb8;
	[tilespmem:$0x19C80] =	vst v63  }
0x23f: {  	_ =	swait.ge [sflag:s17], $0x6400  }
0x240: {  	[sflag:s17] =	ssyncset.done $0x0  }
0x241: {  	s0 =	rddreg [dreg:$0xd];
	[sflag:s17] =	ssyncadd.s32 $0xFFFF9C00  }
0x242: {  	[hbm4b:s0+s2] =	stream.linear.scatter [tilespmem:s9], [sflag:$0xC], $0x6400, $0x38;
	[tilespmem:$0x19C80] =	vst v63  }
0x243: {  	s4 =	rddreg [dreg:$0xe]  }
0x244: {  	[tilespmem:s15], [sflag:$0x4] =	stream.linear.gather [hbm4b:s4+s2], $0x320, $0x38;
	[tilespmem:$0x19C80] =	vst v63  }
0x245: {  	_ =	swait.ge [sflag:s10], $0x6400  }
0x246: {  	[sflag:s10] =	ssyncset.done $0x0  }
0x247: {  	[sflag:s10] =	ssyncadd.s32 $0xFFFF9C00  }
0x248: {  	_ =	swait.ge [sflag:s29], $0x320  }
0x249: {  	[sflag:s29] =	ssyncset.done $0x0  }
0x24a: {  	[sflag:s29] =	ssyncadd.s32 $0xFFFFFCE0  }
0x24b: {  	[tilespmem:s12], [sflag:$0x7] =	stream.indirect.gather [hbm4b:s3+s11], $0x20, s24, s11, $0xb8;
	[tilespmem:$0x19C80] =	vst v63  }
0x24c: {  	_ =	swait.ge [sflag:s28], $0x6400  }
0x24d: {  	[sflag:s28] =	ssyncset.done $0x0  }
0x24e: {  	s0 =	rddreg [dreg:$0xf];
	[sflag:s28] =	ssyncadd.s32 $0xFFFF9C00  }
0x24f: {  	[hbm4b:s0+s2] =	stream.linear.scatter [tilespmem:s22], [sflag:$0x9], $0x6400, $0x38;
	[tilespmem:$0x19C80] =	vst v63  }
0x250: {  	s4 =	rddreg [dreg:$0x10]  }
0x251: {  	[tilespmem:s2], [sflag:$0x1] =	stream.linear.gather [hbm4b:s4+s2], $0x320, $0x38;
	[tilespmem:$0x19C80] =	vst v63  }
0x252: {  	_ =	swait.ge [sflag:s7], $0x6400  }
0x253: {  	[sflag:s7] =	ssyncset.done $0x0  }
0x254: {  	[sflag:s7] =	ssyncadd.s32 $0xFFFF9C00  }
0x255: {  	_ =	swait.ge [sflag:s23], $0x320  }
0x256: {  	[sflag:s23] =	ssyncset.done $0x0  }
0x257: {  	[sflag:s23] =	ssyncadd.s32 $0xFFFFFCE0  }
0x258: {  	[tilespmem:s9], [sflag:$0x8] =	stream.indirect.gather [hbm4b:s3+s11], $0x20, s15, s11, $0xb8;
	[tilespmem:$0x19C80] =	vst v63  }
0x259: {  	_ =	swait.ge [sflag:s20], $0x6400  }
0x25a: {  	[sflag:s20] =	ssyncset.done $0x0  }
0x25b: {  	s0 =	rddreg [dreg:$0x11];
	[sflag:s20] =	ssyncadd.s32 $0xFFFF9C00  }
0x25c: {  	[hbm4b:s0+s2] =	stream.linear.scatter [tilespmem:s16], [sflag:$0xA], $0x6400, $0x38;
	[tilespmem:$0x19C80] =	vst v63  }
0x25d: {  	s4 =	rddreg [dreg:$0x12]  }
0x25e: {  	[tilespmem:s11], [sflag:$0x2] =	stream.linear.gather [hbm4b:s4+s2], $0x320, $0x38;
	[tilespmem:$0x19C80] =	vst v63  }
0x25f: {  	_ =	swait.ge [sflag:s14], $0x6400  }
0x260: {  	[sflag:s14] =	ssyncset.done $0x0  }
0x261: {  	[sflag:s14] =	ssyncadd.s32 $0xFFFF9C00  }
0x262: {  	_ =	swait.ge [sflag:s31], $0x320  }
0x263: {  	[sflag:s31] =	ssyncset.done $0x0  }
0x264: {  	[sflag:s31] =	ssyncadd.s32 $0xFFFFFCE0  }
0x265: {  	[tilespmem:s22], [sflag:$0x5] =	stream.indirect.gather [hbm4b:s3+s11], $0x20, s2, s11, $0xb8;
	[tilespmem:$0x19C80] =	vst v63  }
0x266: {  	_ =	swait.ge [sflag:s21], $0x6400  }
0x267: {  	[sflag:s21] =	ssyncset.done $0x0  }
0x268: {  	s0 =	rddreg [dreg:$0x13];
	[sflag:s21] =	ssyncadd.s32 $0xFFFF9C00  }
0x269: {  	[hbm4b:s0+s2] =	stream.linear.scatter [tilespmem:s12], [sflag:$0xB], $0x6400, $0x38;
	[tilespmem:$0x19C80] =	vst v63  }
0x26a: {  	s4 =	rddreg [dreg:$0x14]  }
0x26b: {  	[tilespmem:s24], [sflag:$0x3] =	stream.linear.gather [hbm4b:s4+s2], $0x320, $0x38;
	[tilespmem:$0x19C80] =	vst v63  }
0x26c: {  	_ =	swait.ge [sflag:s13], $0x6400  }
0x26d: {  	[sflag:s13] =	ssyncset.done $0x0  }
0x26e: {  	[sflag:s13] =	ssyncadd.s32 $0xFFFF9C00  }
0x26f: {  	_ =	swait.ge [sflag:s30], $0x320  }
0x270: {  	[sflag:s30] =	ssyncset.done $0x0  }
0x271: {  	[sflag:s30] =	ssyncadd.s32 $0xFFFFFCE0  }
0x272: {  	[tilespmem:s16], [sflag:$0x6] =	stream.indirect.gather [hbm4b:s3+s11], $0x20, s11, s11, $0xb8;
	[tilespmem:$0x19C80] =	vst v63  }
0x273: {  	_ =	swait.ge [sflag:s17], $0x6400  }
0x274: {  	[sflag:s17] =	ssyncset.done $0x0  }
0x275: {  	s0 =	rddreg [dreg:$0x15];
	[sflag:s17] =	ssyncadd.s32 $0xFFFF9C00  }
0x276: {  	[hbm4b:s0+s2] =	stream.linear.scatter [tilespmem:s9], [sflag:$0xC], $0x6400, $0x38;
	[tilespmem:$0x19C80] =	vst v63  }
0x277: {  	s4 =	rddreg [dreg:$0x16]  }
0x278: {  	[tilespmem:s15], [sflag:$0x4] =	stream.linear.gather [hbm4b:s4+s2], $0x320, $0x38;
	[tilespmem:$0x19C80] =	vst v63  }
0x279: {  	_ =	swait.ge [sflag:s10], $0x6400  }
0x27a: {  	[sflag:s10] =	ssyncset.done $0x0  }
0x27b: {  	[sflag:s10] =	ssyncadd.s32 $0xFFFF9C00  }
0x27c: {  	_ =	swait.ge [sflag:s29], $0x320  }
0x27d: {  	[sflag:s29] =	ssyncset.done $0x0  }
0x27e: {  	[sflag:s29] =	ssyncadd.s32 $0xFFFFFCE0  }
0x27f: {  	[tilespmem:s12], [sflag:$0x7] =	stream.indirect.gather [hbm4b:s3+s11], $0x20, s24, s11, $0xb8;
	[tilespmem:$0x19C80] =	vst v63  }
0x280: {  	_ =	swait.ge [sflag:s28], $0x6400  }
0x281: {  	[sflag:s28] =	ssyncset.done $0x0  }
0x282: {  	s0 =	rddreg [dreg:$0x17];
	[sflag:s28] =	ssyncadd.s32 $0xFFFF9C00  }
0x283: {  	[hbm4b:s0+s2] =	stream.linear.scatter [tilespmem:s22], [sflag:$0x9], $0x6400, $0x38;
	[tilespmem:$0x19C80] =	vst v63  }
0x284: {  	s4 =	rddreg [dreg:$0x18]  }
0x285: {  	[tilespmem:s2], [sflag:$0x1] =	stream.linear.gather [hbm4b:s4+s2], $0x320, $0x38;
	[tilespmem:$0x19C80] =	vst v63  }
0x286: {  	_ =	swait.ge [sflag:s7], $0x6400  }
0x287: {  	[sflag:s7] =	ssyncset.done $0x0  }
0x288: {  	[sflag:s7] =	ssyncadd.s32 $0xFFFF9C00  }
0x289: {  	_ =	swait.ge [sflag:s23], $0x320  }
0x28a: {  	[sflag:s23] =	ssyncset.done $0x0  }
0x28b: {  	[sflag:s23] =	ssyncadd.s32 $0xFFFFFCE0  }
0x28c: {  	[tilespmem:s9], [sflag:$0x8] =	stream.indirect.gather [hbm4b:s3+s11], $0x20, s15, s11, $0xb8;
	[tilespmem:$0x19C80] =	vst v63  }
0x28d: {  	_ =	swait.ge [sflag:s20], $0x6400  }
0x28e: {  	[sflag:s20] =	ssyncset.done $0x0  }
0x28f: {  	s0 =	rddreg [dreg:$0x19];
	[sflag:s20] =	ssyncadd.s32 $0xFFFF9C00  }
0x290: {  	[hbm4b:s0+s2] =	stream.linear.scatter [tilespmem:s16], [sflag:$0xA], $0x6400, $0x38;
	[tilespmem:$0x19C80] =	vst v63  }
0x291: {  	s4 =	rddreg [dreg:$0x1a]  }
0x292: {  	[tilespmem:s11], [sflag:$0x2] =	stream.linear.gather [hbm4b:s4+s2], $0x320, $0x38;
	[tilespmem:$0x19C80] =	vst v63  }
0x293: {  	_ =	swait.ge [sflag:s14], $0x6400  }
0x294: {  	[sflag:s14] =	ssyncset.done $0x0  }
0x295: {  	[sflag:s14] =	ssyncadd.s32 $0xFFFF9C00  }
0x296: {  	_ =	swait.ge [sflag:s31], $0x320  }
0x297: {  	[sflag:s31] =	ssyncset.done $0x0  }
0x298: {  	[sflag:s31] =	ssyncadd.s32 $0xFFFFFCE0  }
0x299: {  	[tilespmem:s22], [sflag:$0x5] =	stream.indirect.gather [hbm4b:s3+s11], $0x20, s2, s11, $0xb8;
	[tilespmem:$0x19C80] =	vst v63  }
0x29a: {  	_ =	swait.ge [sflag:s21], $0x6400  }
0x29b: {  	[sflag:s21] =	ssyncset.done $0x0  }
0x29c: {  	s0 =	rddreg [dreg:$0x1b];
	[sflag:s21] =	ssyncadd.s32 $0xFFFF9C00  }
0x29d: {  	[hbm4b:s0+s2] =	stream.linear.scatter [tilespmem:s12], [sflag:$0xB], $0x6400, $0x38;
	[tilespmem:$0x19C80] =	vst v63  }
0x29e: {  	s4 =	rddreg [dreg:$0x1c]  }
0x29f: {  	[tilespmem:s24], [sflag:$0x3] =	stream.linear.gather [hbm4b:s4+s2], $0x320, $0x38;
	[tilespmem:$0x19C80] =	vst v63  }
0x2a0: {  	_ =	swait.ge [sflag:s13], $0x6400  }
0x2a1: {  	[sflag:s13] =	ssyncset.done $0x0  }
0x2a2: {  	[sflag:s13] =	ssyncadd.s32 $0xFFFF9C00  }
0x2a3: {  	_ =	swait.ge [sflag:s30], $0x320  }
0x2a4: {  	[sflag:s30] =	ssyncset.done $0x0  }
0x2a5: {  	[sflag:s30] =	ssyncadd.s32 $0xFFFFFCE0  }
0x2a6: {  	[tilespmem:s16], [sflag:$0x6] =	stream.indirect.gather [hbm4b:s3+s11], $0x20, s11, s11, $0xb8;
	[tilespmem:$0x19C80] =	vst v63  }
0x2a7: {  	_ =	swait.ge [sflag:s17], $0x6400  }
0x2a8: {  	[sflag:s17] =	ssyncset.done $0x0  }
0x2a9: {  	s0 =	rddreg [dreg:$0x1d];
	[sflag:s17] =	ssyncadd.s32 $0xFFFF9C00  }
0x2aa: {  	[hbm4b:s0+s2] =	stream.linear.scatter [tilespmem:s9], [sflag:$0xC], $0x6400, $0x38;
	[tilespmem:$0x19C80] =	vst v63  }
0x2ab: {  	s4 =	rddreg [dreg:$0x1e]  }
0x2ac: {  	[tilespmem:s15], [sflag:$0x4] =	stream.linear.gather [hbm4b:s4+s2], $0x320, $0x38;
	[tilespmem:$0x19C80] =	vst v63  }
0x2ad: {  	_ =	swait.ge [sflag:s10], $0x6400  }
0x2ae: {  	[sflag:s10] =	ssyncset.done $0x0  }
0x2af: {  	[sflag:s10] =	ssyncadd.s32 $0xFFFF9C00  }
0x2b0: {  	_ =	swait.ge [sflag:s29], $0x320  }
0x2b1: {  	[sflag:s29] =	ssyncset.done $0x0  }
0x2b2: {  	[sflag:s29] =	ssyncadd.s32 $0xFFFFFCE0  }
0x2b3: {  	[tilespmem:s12], [sflag:$0x7] =	stream.indirect.gather [hbm4b:s3+s11], $0x20, s24, s11, $0xb8;
	[tilespmem:$0x19C80] =	vst v63  }
0x2b4: {  	_ =	swait.ge [sflag:s28], $0x6400  }
0x2b5: {  	s0 =	rddreg [dreg:$0x1f];
	[sflag:s28] =	ssyncset.done $0x0  }
0x2b6: {  	s4 =	sld [smem:$0x7E3];
	[sflag:s28] =	ssyncadd.s32 $0xFFFF9C00  }
0x2b7: {  	[hbm4b:s0+s2] =	stream.linear.scatter [tilespmem:s22], [sflag:$0x9], $0x6400, $0x38;
	[tilespmem:$0x19C80] =	vst v63  }
0x2b8: {  	_ = 	snop  }
0x2b9: {  	[tilespmem:s2], [sflag:$0x1] =	stream.linear.gather [hbm4b:s4+s2], $0x320, $0x38;
	[tilespmem:$0x19C80] =	vst v63  }
0x2ba: {  	_ =	swait.ge [sflag:s7], $0x6400  }
0x2bb: {  	[sflag:s7] =	ssyncset.done $0x0  }
0x2bc: {  	[sflag:s7] =	ssyncadd.s32 $0xFFFF9C00  }
0x2bd: {  	_ =	swait.ge [sflag:s23], $0x320  }
0x2be: {  	[sflag:s23] =	ssyncset.done $0x0  }
0x2bf: {  	[sflag:s23] =	ssyncadd.s32 $0xFFFFFCE0  }
0x2c0: {  	[tilespmem:s9], [sflag:$0x8] =	stream.indirect.gather [hbm4b:s3+s11], $0x20, s15, s11, $0xb8;
	[tilespmem:$0x19C80] =	vst v63  }
0x2c1: {  	_ =	swait.ge [sflag:s20], $0x6400  }
0x2c2: {  	s0 =	sld [smem:$0x7E4]  }
0x2c3: {  	[sflag:s20] =	ssyncset.done $0x0  }
0x2c4: {  	s4 =	sld [smem:$0x7E5];
	[sflag:s20] =	ssyncadd.s32 $0xFFFF9C00  }
0x2c5: {  	[hbm4b:s0+s2] =	stream.linear.scatter [tilespmem:s16], [sflag:$0xA], $0x6400, $0x38;
	[tilespmem:$0x19C80] =	vst v63  }
0x2c6: {  	_ = 	snop  }
0x2c7: {  	[tilespmem:s11], [sflag:$0x2] =	stream.linear.gather [hbm4b:s4+s2], $0x320, $0x38;
	[tilespmem:$0x19C80] =	vst v63  }
0x2c8: {  	_ =	swait.ge [sflag:s14], $0x6400  }
0x2c9: {  	[sflag:s14] =	ssyncset.done $0x0  }
0x2ca: {  	[sflag:s14] =	ssyncadd.s32 $0xFFFF9C00  }
0x2cb: {  	_ =	swait.ge [sflag:s31], $0x320  }
0x2cc: {  	[sflag:s31] =	ssyncset.done $0x0  }
0x2cd: {  	[sflag:s31] =	ssyncadd.s32 $0xFFFFFCE0  }
0x2ce: {  	[tilespmem:s22], [sflag:$0x5] =	stream.indirect.gather [hbm4b:s3+s11], $0x20, s2, s11, $0xb8;
	[tilespmem:$0x19C80] =	vst v63  }
0x2cf: {  	_ =	swait.ge [sflag:s21], $0x6400  }
0x2d0: {  	s0 =	sld [smem:$0x7E6]  }
0x2d1: {  	[sflag:s21] =	ssyncset.done $0x0  }
0x2d2: {  	s4 =	sld [smem:$0x7E7];
	[sflag:s21] =	ssyncadd.s32 $0xFFFF9C00  }
0x2d3: {  	[hbm4b:s0+s2] =	stream.linear.scatter [tilespmem:s12], [sflag:$0xB], $0x6400, $0x38;
	[tilespmem:$0x19C80] =	vst v63  }
0x2d4: {  	_ = 	snop  }
0x2d5: {  	[tilespmem:s24], [sflag:$0x3] =	stream.linear.gather [hbm4b:s4+s2], $0x320, $0x38;
	[tilespmem:$0x19C80] =	vst v63  }
0x2d6: {  	_ =	swait.ge [sflag:s13], $0x6400  }
0x2d7: {  	[sflag:s13] =	ssyncset.done $0x0  }
0x2d8: {  	[sflag:s13] =	ssyncadd.s32 $0xFFFF9C00  }
0x2d9: {  	_ =	swait.ge [sflag:s30], $0x320  }
0x2da: {  	[sflag:s30] =	ssyncset.done $0x0  }
0x2db: {  	[sflag:s30] =	ssyncadd.s32 $0xFFFFFCE0  }
0x2dc: {  	[tilespmem:s16], [sflag:$0x6] =	stream.indirect.gather [hbm4b:s3+s11], $0x20, s11, s11, $0xb8;
	[tilespmem:$0x19C80] =	vst v63  }
0x2dd: {  	_ =	swait.ge [sflag:s17], $0x6400  }
0x2de: {  	s0 =	sld [smem:$0x7E8]  }
0x2df: {  	[sflag:s17] =	ssyncset.done $0x0  }
0x2e0: {  	s4 =	sld [smem:$0x7E9];
	[sflag:s17] =	ssyncadd.s32 $0xFFFF9C00  }
0x2e1: {  	[hbm4b:s0+s2] =	stream.linear.scatter [tilespmem:s9], [sflag:$0xC], $0x6400, $0x38;
	[tilespmem:$0x19C80] =	vst v63  }
0x2e2: {  	_ = 	snop  }
0x2e3: {  	[tilespmem:s15], [sflag:$0x4] =	stream.linear.gather [hbm4b:s4+s2], $0x320, $0x38;
	[tilespmem:$0x19C80] =	vst v63  }
0x2e4: {  	_ =	swait.ge [sflag:s10], $0x6400  }
0x2e5: {  	[sflag:s10] =	ssyncset.done $0x0  }
0x2e6: {  	[sflag:s10] =	ssyncadd.s32 $0xFFFF9C00  }
0x2e7: {  	_ =	swait.ge [sflag:s29], $0x320  }
0x2e8: {  	[sflag:s29] =	ssyncset.done $0x0  }
0x2e9: {  	[sflag:s29] =	ssyncadd.s32 $0xFFFFFCE0  }
0x2ea: {  	[tilespmem:s12], [sflag:$0x7] =	stream.indirect.gather [hbm4b:s3+s11], $0x20, s24, s11, $0xb8;
	[tilespmem:$0x19C80] =	vst v63  }
0x2eb: {  	_ =	swait.ge [sflag:s28], $0x6400  }
0x2ec: {  	s0 =	sld [smem:$0x7EA]  }
0x2ed: {  	[sflag:s28] =	ssyncset.done $0x0  }
0x2ee: {  	s4 =	sld [smem:$0x7EB];
	[sflag:s28] =	ssyncadd.s32 $0xFFFF9C00  }
0x2ef: {  	[hbm4b:s0+s2] =	stream.linear.scatter [tilespmem:s22], [sflag:$0x9], $0x6400, $0x38;
	[tilespmem:$0x19C80] =	vst v63  }
0x2f0: {  	_ = 	snop  }
0x2f1: {  	[tilespmem:s2], [sflag:$0x1] =	stream.linear.gather [hbm4b:s4+s2], $0x320, $0x38;
	[tilespmem:$0x19C80] =	vst v63  }
0x2f2: {  	_ =	swait.ge [sflag:s7], $0x6400  }
0x2f3: {  	[sflag:s7] =	ssyncset.done $0x0  }
0x2f4: {  	[sflag:s7] =	ssyncadd.s32 $0xFFFF9C00  }
0x2f5: {  	_ =	swait.ge [sflag:s23], $0x320  }
0x2f6: {  	[sflag:s23] =	ssyncset.done $0x0  }
0x2f7: {  	[sflag:s23] =	ssyncadd.s32 $0xFFFFFCE0  }
0x2f8: {  	[tilespmem:s9], [sflag:$0x8] =	stream.indirect.gather [hbm4b:s3+s11], $0x20, s15, s11, $0xb8;
	[tilespmem:$0x19C80] =	vst v63  }
0x2f9: {  	_ =	swait.ge [sflag:s20], $0x6400  }
0x2fa: {  	s0 =	sld [smem:$0x7EC]  }
0x2fb: {  	[sflag:s20] =	ssyncset.done $0x0  }
0x2fc: {  	s4 =	sld [smem:$0x7ED];
	[sflag:s20] =	ssyncadd.s32 $0xFFFF9C00  }
0x2fd: {  	[hbm4b:s0+s2] =	stream.linear.scatter [tilespmem:s16], [sflag:$0xA], $0x6400, $0x38;
	[tilespmem:$0x19C80] =	vst v63  }
0x2fe: {  	_ = 	snop  }
0x2ff: {  	[tilespmem:s11], [sflag:$0x2] =	stream.linear.gather [hbm4b:s4+s2], $0x320, $0x38;
	[tilespmem:$0x19C80] =	vst v63  }
0x300: {  	_ =	swait.ge [sflag:s14], $0x6400  }
0x301: {  	[sflag:s14] =	ssyncset.done $0x0  }
0x302: {  	[sflag:s14] =	ssyncadd.s32 $0xFFFF9C00  }
0x303: {  	_ =	swait.ge [sflag:s31], $0x320  }
0x304: {  	[sflag:s31] =	ssyncset.done $0x0  }
0x305: {  	[sflag:s31] =	ssyncadd.s32 $0xFFFFFCE0  }
0x306: {  	[tilespmem:s22], [sflag:$0x5] =	stream.indirect.gather [hbm4b:s3+s11], $0x20, s2, s11, $0xb8;
	[tilespmem:$0x19C80] =	vst v63  }
0x307: {  	_ =	swait.ge [sflag:s21], $0x6400  }
0x308: {  	s0 =	sld [smem:$0x7EE]  }
0x309: {  	[sflag:s21] =	ssyncset.done $0x0  }
0x30a: {  	s4 =	sld [smem:$0x7EF];
	[sflag:s21] =	ssyncadd.s32 $0xFFFF9C00  }
0x30b: {  	[hbm4b:s0+s2] =	stream.linear.scatter [tilespmem:s12], [sflag:$0xB], $0x6400, $0x38;
	[tilespmem:$0x19C80] =	vst v63  }
0x30c: {  	_ = 	snop  }
0x30d: {  	[tilespmem:s24], [sflag:$0x3] =	stream.linear.gather [hbm4b:s4+s2], $0x320, $0x38;
	[tilespmem:$0x19C80] =	vst v63  }
0x30e: {  	_ =	swait.ge [sflag:s13], $0x6400  }
0x30f: {  	[sflag:s13] =	ssyncset.done $0x0  }
0x310: {  	[sflag:s13] =	ssyncadd.s32 $0xFFFF9C00  }
0x311: {  	_ =	swait.ge [sflag:s30], $0x320  }
0x312: {  	[sflag:s30] =	ssyncset.done $0x0  }
0x313: {  	[sflag:s30] =	ssyncadd.s32 $0xFFFFFCE0  }
0x314: {  	[tilespmem:s16], [sflag:$0x6] =	stream.indirect.gather [hbm4b:s3+s11], $0x20, s11, s11, $0xb8;
	[tilespmem:$0x19C80] =	vst v63  }
0x315: {  	_ =	swait.ge [sflag:s17], $0x6400  }
0x316: {  	s0 =	sld [smem:$0x7F0]  }
0x317: {  	[sflag:s17] =	ssyncset.done $0x0  }
0x318: {  	s4 =	sld [smem:$0x7F1];
	[sflag:s17] =	ssyncadd.s32 $0xFFFF9C00  }
0x319: {  	[hbm4b:s0+s2] =	stream.linear.scatter [tilespmem:s9], [sflag:$0xC], $0x6400, $0x38;
	[tilespmem:$0x19C80] =	vst v63  }
0x31a: {  	_ = 	snop  }
0x31b: {  	[tilespmem:s15], [sflag:$0x4] =	stream.linear.gather [hbm4b:s4+s2], $0x320, $0x38;
	[tilespmem:$0x19C80] =	vst v63  }
0x31c: {  	_ =	swait.ge [sflag:s10], $0x6400  }
0x31d: {  	[sflag:s10] =	ssyncset.done $0x0  }
0x31e: {  	[sflag:s10] =	ssyncadd.s32 $0xFFFF9C00  }
0x31f: {  	_ =	swait.ge [sflag:s29], $0x320  }
0x320: {  	[sflag:s29] =	ssyncset.done $0x0  }
0x321: {  	[sflag:s29] =	ssyncadd.s32 $0xFFFFFCE0  }
0x322: {  	[tilespmem:s12], [sflag:$0x7] =	stream.indirect.gather [hbm4b:s3+s11], $0x20, s24, s11, $0xb8;
	[tilespmem:$0x19C80] =	vst v63  }
0x323: {  	_ =	swait.ge [sflag:s28], $0x6400  }
0x324: {  	s0 =	sld [smem:$0x7F2]  }
0x325: {  	[sflag:s28] =	ssyncset.done $0x0  }
0x326: {  	s4 =	sld [smem:$0x7F3];
	[sflag:s28] =	ssyncadd.s32 $0xFFFF9C00  }
0x327: {  	[hbm4b:s0+s2] =	stream.linear.scatter [tilespmem:s22], [sflag:$0x9], $0x6400, $0x38;
	[tilespmem:$0x19C80] =	vst v63  }
0x328: {  	_ = 	snop  }
0x329: {  	[tilespmem:s2], [sflag:$0x1] =	stream.linear.gather [hbm4b:s4+s2], $0x320, $0x38;
	[tilespmem:$0x19C80] =	vst v63  }
0x32a: {  	_ =	swait.ge [sflag:s7], $0x6400  }
0x32b: {  	[sflag:s7] =	ssyncset.done $0x0  }
0x32c: {  	[sflag:s7] =	ssyncadd.s32 $0xFFFF9C00  }
0x32d: {  	_ =	swait.ge [sflag:s23], $0x320  }
0x32e: {  	[sflag:s23] =	ssyncset.done $0x0  }
0x32f: {  	[sflag:s23] =	ssyncadd.s32 $0xFFFFFCE0  }
0x330: {  	[tilespmem:s9], [sflag:$0x8] =	stream.indirect.gather [hbm4b:s3+s11], $0x20, s15, s11, $0xb8;
	[tilespmem:$0x19C80] =	vst v63  }
0x331: {  	_ =	swait.ge [sflag:s20], $0x6400  }
0x332: {  	s0 =	sld [smem:$0x7F4]  }
0x333: {  	[sflag:s20] =	ssyncset.done $0x0  }
0x334: {  	s4 =	sld [smem:$0x7F5];
	[sflag:s20] =	ssyncadd.s32 $0xFFFF9C00  }
0x335: {  	[hbm4b:s0+s2] =	stream.linear.scatter [tilespmem:s16], [sflag:$0xA], $0x6400, $0x38;
	[tilespmem:$0x19C80] =	vst v63  }
0x336: {  	_ = 	snop  }
0x337: {  	[tilespmem:s11], [sflag:$0x2] =	stream.linear.gather [hbm4b:s4+s2], $0x320, $0x38;
	[tilespmem:$0x19C80] =	vst v63  }
0x338: {  	_ =	swait.ge [sflag:s14], $0x6400  }
0x339: {  	[sflag:s14] =	ssyncset.done $0x0  }
0x33a: {  	[sflag:s14] =	ssyncadd.s32 $0xFFFF9C00  }
0x33b: {  	_ =	swait.ge [sflag:s31], $0x320  }
0x33c: {  	[sflag:s31] =	ssyncset.done $0x0  }
0x33d: {  	[sflag:s31] =	ssyncadd.s32 $0xFFFFFCE0  }
0x33e: {  	[tilespmem:s22], [sflag:$0x5] =	stream.indirect.gather [hbm4b:s3+s11], $0x20, s2, s11, $0xb8;
	[tilespmem:$0x19C80] =	vst v63  }
0x33f: {  	_ =	swait.ge [sflag:s21], $0x6400  }
0x340: {  	s0 =	sld [smem:$0x7F6]  }
0x341: {  	[sflag:s21] =	ssyncset.done $0x0  }
0x342: {  	s4 =	sld [smem:$0x7F7];
	[sflag:s21] =	ssyncadd.s32 $0xFFFF9C00  }
0x343: {  	[hbm4b:s0+s2] =	stream.linear.scatter [tilespmem:s12], [sflag:$0xB], $0x6400, $0x38;
	[tilespmem:$0x19C80] =	vst v63  }
0x344: {  	_ = 	snop  }
0x345: {  	[tilespmem:s24], [sflag:$0x3] =	stream.linear.gather [hbm4b:s4+s2], $0x320, $0x38;
	[tilespmem:$0x19C80] =	vst v63  }
0x346: {  	_ =	swait.ge [sflag:s13], $0x6400  }
0x347: {  	[sflag:s13] =	ssyncset.done $0x0  }
0x348: {  	[sflag:s13] =	ssyncadd.s32 $0xFFFF9C00  }
0x349: {  	_ =	swait.ge [sflag:s30], $0x320  }
0x34a: {  	[sflag:s30] =	ssyncset.done $0x0  }
0x34b: {  	[sflag:s30] =	ssyncadd.s32 $0xFFFFFCE0  }
0x34c: {  	[tilespmem:s16], [sflag:$0x6] =	stream.indirect.gather [hbm4b:s3+s11], $0x20, s11, s11, $0xb8;
	[tilespmem:$0x19C80] =	vst v63  }
0x34d: {  	_ =	swait.ge [sflag:s17], $0x6400  }
0x34e: {  	s0 =	sld [smem:$0x7F8]  }
0x34f: {  	[sflag:s17] =	ssyncset.done $0x0  }
0x350: {  	s4 =	sld [smem:$0x7F9];
	[sflag:s17] =	ssyncadd.s32 $0xFFFF9C00  }
0x351: {  	[hbm4b:s0+s2] =	stream.linear.scatter [tilespmem:s9], [sflag:$0xC], $0x6400, $0x38;
	[tilespmem:$0x19C80] =	vst v63  }
0x352: {  	_ = 	snop  }
0x353: {  	[tilespmem:s15], [sflag:$0x4] =	stream.linear.gather [hbm4b:s4+s2], $0x320, $0x38;
	[tilespmem:$0x19C80] =	vst v63  }
0x354: {  	_ =	swait.ge [sflag:s10], $0x6400  }
0x355: {  	[sflag:s10] =	ssyncset.done $0x0  }
0x356: {  	[sflag:s10] =	ssyncadd.s32 $0xFFFF9C00  }
0x357: {  	_ =	swait.ge [sflag:s29], $0x320  }
0x358: {  	[sflag:s29] =	ssyncset.done $0x0  }
0x359: {  	[sflag:s29] =	ssyncadd.s32 $0xFFFFFCE0  }
0x35a: {  	[tilespmem:s12], [sflag:$0x7] =	stream.indirect.gather [hbm4b:s3+s11], $0x20, s24, s11, $0xb8;
	[tilespmem:$0x19C80] =	vst v63  }
0x35b: {  	_ =	swait.ge [sflag:s28], $0x6400  }
0x35c: {  	s0 =	sld [smem:$0x7FA]  }
0x35d: {  	[sflag:s28] =	ssyncset.done $0x0  }
0x35e: {  	s4 =	sld [smem:$0x7FB];
	[sflag:s28] =	ssyncadd.s32 $0xFFFF9C00  }
0x35f: {  	[hbm4b:s0+s2] =	stream.linear.scatter [tilespmem:s22], [sflag:$0x9], $0x6400, $0x38;
	[tilespmem:$0x19C80] =	vst v63  }
0x360: {  	_ = 	snop  }
0x361: {  	[tilespmem:s2], [sflag:$0x1] =	stream.linear.gather [hbm4b:s4+s2], $0x320, $0x38;
	[tilespmem:$0x19C80] =	vst v63  }
0x362: {  	_ =	swait.ge [sflag:s7], $0x6400  }
0x363: {  	[sflag:s7] =	ssyncset.done $0x0  }
0x364: {  	[sflag:s7] =	ssyncadd.s32 $0xFFFF9C00  }
0x365: {  	_ =	swait.ge [sflag:s23], $0x320  }
0x366: {  	[sflag:s23] =	ssyncset.done $0x0  }
0x367: {  	[sflag:s23] =	ssyncadd.s32 $0xFFFFFCE0  }
0x368: {  	[tilespmem:s9], [sflag:$0x8] =	stream.indirect.gather [hbm4b:s3+s11], $0x20, s15, s11, $0xb8;
	[tilespmem:$0x19C80] =	vst v63  }
0x369: {  	_ =	swait.ge [sflag:s20], $0x6400  }
0x36a: {  	s0 =	sld [smem:$0x7FC]  }
0x36b: {  	[sflag:s20] =	ssyncset.done $0x0  }
0x36c: {  	s4 =	sld [smem:$0x7FD];
	[sflag:s20] =	ssyncadd.s32 $0xFFFF9C00  }
0x36d: {  	[hbm4b:s0+s2] =	stream.linear.scatter [tilespmem:s16], [sflag:$0xA], $0x6400, $0x38;
	[tilespmem:$0x19C80] =	vst v63  }
0x36e: {  	_ = 	snop  }
0x36f: {  	[tilespmem:s11], [sflag:$0x2] =	stream.linear.gather [hbm4b:s4+s2], $0x320, $0x38;
	[tilespmem:$0x19C80] =	vst v63  }
0x370: {  	s4 =	smov.u32 s5;
	s5 =	smov.u32 s6;
	s6 =	smov.u32 s8  }
0x371: {  	s8 =	smov.u32 s18;
	s18 =	smov.u32 s19;
	s19 =	smov.u32 s25  }
0x372: {  	s25 =	smov.u32 s26;
	s26 =	sld [smem:$0x7E2];
	_ =	swait.ge [sflag:s14], $0x6400  }
0x373: {  	[sflag:s14] =	ssyncset.done $0x0  }
0x374: {  	[sflag:s14] =	ssyncadd.s32 $0xFFFF9C00  }
0x375: {  	_ =	swait.ge [sflag:s31], $0x320  }
0x376: {  	[sflag:s31] =	ssyncset.done $0x0  }
0x377: {  	[sflag:s31] =	ssyncadd.s32 $0xFFFFFCE0  }
0x378: {  	[tilespmem:s22], [sflag:$0x5] =	stream.indirect.gather [hbm4b:s3+s11], $0x20, s2, s11, $0xb8;
	[tilespmem:$0x19C80] =	vst v63  }
0x379: {  	_ =	swait.ge [sflag:s21], $0x6400  }
0x37a: {  	[sflag:s21] =	ssyncset.done $0x0  }
0x37b: {  	[sflag:s21] =	ssyncadd.s32 $0xFFFF9C00  }
0x37c: {  	[hbm4b:s25+s2] =	stream.linear.scatter [tilespmem:s12], [sflag:$0xB], $0x6400, $0x38;
	[tilespmem:$0x19C80] =	vst v63  }
0x37d: {  	_ = 	snop  }
0x37e: {  	[tilespmem:s24], [sflag:$0x3] =	stream.linear.gather [hbm4b:s26+s2], $0x320, $0x38;
	[tilespmem:$0x19C80] =	vst v63  }
0x37f: {  	_ =	swait.ge [sflag:s13], $0x6400  }
0x380: {  	[sflag:s13] =	ssyncset.done $0x0  }
0x381: {  	[sflag:s13] =	ssyncadd.s32 $0xFFFF9C00  }
0x382: {  	_ =	swait.ge [sflag:s30], $0x320  }
0x383: {  	[sflag:s30] =	ssyncset.done $0x0  }
0x384: {  	[sflag:s30] =	ssyncadd.s32 $0xFFFFFCE0  }
0x385: {  	[tilespmem:s16], [sflag:$0x6] =	stream.indirect.gather [hbm4b:s3+s11], $0x20, s11, s11, $0xb8;
	[tilespmem:$0x19C80] =	vst v63  }
0x386: {  	_ =	swait.ge [sflag:s17], $0x6400  }
0x387: {  	[sflag:s17] =	ssyncset.done $0x0  }
0x388: {  	[sflag:s17] =	ssyncadd.s32 $0xFFFF9C00  }
0x389: {  	[hbm4b:s18+s2] =	stream.linear.scatter [tilespmem:s9], [sflag:$0xC], $0x6400, $0x38;
	[tilespmem:$0x19C80] =	vst v63  }
0x38a: {  	_ = 	snop  }
0x38b: {  	[tilespmem:s15], [sflag:$0x4] =	stream.linear.gather [hbm4b:s19+s2], $0x320, $0x38;
	[tilespmem:$0x19C80] =	vst v63  }
0x38c: {  	_ =	swait.ge [sflag:s10], $0x6400  }
0x38d: {  	[sflag:s10] =	ssyncset.done $0x0  }
0x38e: {  	[sflag:s10] =	ssyncadd.s32 $0xFFFF9C00  }
0x38f: {  	_ =	swait.ge [sflag:s29], $0x320  }
0x390: {  	[sflag:s29] =	ssyncset.done $0x0  }
0x391: {  	[sflag:s29] =	ssyncadd.s32 $0xFFFFFCE0  }
0x392: {  	[tilespmem:s12], [sflag:$0x7] =	stream.indirect.gather [hbm4b:s3+s11], $0x20, s24, s11, $0xb8;
	[tilespmem:$0x19C80] =	vst v63  }
0x393: {  	_ =	swait.ge [sflag:s28], $0x6400  }
0x394: {  	[sflag:s28] =	ssyncset.done $0x0  }
0x395: {  	[sflag:s28] =	ssyncadd.s32 $0xFFFF9C00  }
0x396: {  	[hbm4b:s8+s2] =	stream.linear.scatter [tilespmem:s22], [sflag:$0x9], $0x6400, $0x38;
	[tilespmem:$0x19C80] =	vst v63  }
0x397: {  	_ =	swait.ge [sflag:s7], $0x6400  }
0x398: {  	[sflag:s7] =	ssyncset.done $0x0  }
0x399: {  	[sflag:s7] =	ssyncadd.s32 $0xFFFF9C00  }
0x39a: {  	_ =	swait.ge [sflag:s23], $0x320  }
0x39b: {  	[sflag:s23] =	ssyncset.done $0x0  }
0x39c: {  	[sflag:s23] =	ssyncadd.s32 $0xFFFFFCE0  }
0x39d: {  	[tilespmem:s9], [sflag:$0x8] =	stream.indirect.gather [hbm4b:s3+s11], $0x20, s15, s11, $0xb8;
	[tilespmem:$0x19C80] =	vst v63  }
0x39e: {  	_ =	swait.ge [sflag:s20], $0x6400  }
0x39f: {  	[sflag:s20] =	ssyncset.done $0x0  }
0x3a0: {  	[sflag:s20] =	ssyncadd.s32 $0xFFFF9C00  }
0x3a1: {  	[hbm4b:s6+s2] =	stream.linear.scatter [tilespmem:s16], [sflag:$0xA], $0x6400, $0x38;
	[tilespmem:$0x19C80] =	vst v63  }
0x3a2: {  	_ =	swait.ge [sflag:s21], $0x6400  }
0x3a3: {  	[sflag:s21] =	ssyncset.done $0x0  }
0x3a4: {  	[sflag:s21] =	ssyncadd.s32 $0xFFFF9C00  }
0x3a5: {  	[hbm4b:s5+s2] =	stream.linear.scatter [tilespmem:s12], [sflag:$0xB], $0x6400, $0x38;
	[tilespmem:$0x19C80] =	vst v63  }
0x3a6: {  	_ =	swait.ge [sflag:s17], $0x6400  }
0x3a7: {  	[sflag:s17] =	ssyncset.done $0x0  }
0x3a8: {  	[sflag:s17] =	ssyncadd.s32 $0xFFFF9C00  }
0x3a9: {  	[hbm4b:s4+s2] =	stream.linear.scatter [tilespmem:s9], [sflag:$0xC], $0x6400, $0x38;
	[tilespmem:$0x19C80] =	vst v63  }
0x3aa: {  	_ =	swait.ge [sflag:s14], $0x6400  }
0x3ab: {  	[sflag:s14] =	ssyncset.done $0x0  }
0x3ac: {  	[sflag:s14] =	ssyncadd.s32 $0xFFFF9C00  }
0x3ad: {  	_ =	swait.ge [sflag:s13], $0x6400  }
0x3ae: {  	[sflag:s13] =	ssyncset.done $0x0  }
0x3af: {  	p1 =	sne.s32 s1, $0x1;
	[sflag:s13] =	ssyncadd.s32 $0xFFFF9C00  }
.Ltmp2:
0x3b0: {  	_ =	swait.ge [sflag:s10], $0x6400;
	(pc) =	sbr.rel @p1 .LBB2_2-.Ltmp2, $4  }
0x3b1: {  	[sflag:s10] =	ssyncset.done $0x0  }
0x3b2: {  	[sflag:s10] =	ssyncadd.s32 $0xFFFF9C00  }
0x3b3: {  	_ =	swait.ge [sflag:s7], $0x6400  }
0x3b4: {  	s1 =	sadd.s32 $0xFFFFFFFF, s1;
	s0 =	rddreg [dreg:$0x3];
	[sflag:s7] =	ssyncset.done $0x0  }
.LBB2_3:
0x3b5: {  	[sflag:s7] =	ssyncadd.s32 @p0 $0xFFFF9C00  }
0x3b6: {  	[tilespmem:s2], [sflag:$0x1] =	stream.linear.gather [hbm4b:s0+s2], $0x320, $0x38;
	[tilespmem:$0x19C80] =	vst v63  }
0x3b7: {  	s1 =	rddreg [dreg:$0x4]  }
0x3b8: {  	[tilespmem:s11], [sflag:$0x2] =	stream.linear.gather [hbm4b:s1+s2], $0x320, $0x38;
	[tilespmem:$0x19C80] =	vst v63  }
0x3b9: {  	s0 =	rddreg [dreg:$0x5]  }
0x3ba: {  	[tilespmem:s24], [sflag:$0x3] =	stream.linear.gather [hbm4b:s0+s2], $0x320, $0x38;
	[tilespmem:$0x19C80] =	vst v63  }
0x3bb: {  	s1 =	rddreg [dreg:$0x6]  }
0x3bc: {  	[tilespmem:s15], [sflag:$0x4] =	stream.linear.gather [hbm4b:s1+s2], $0x320, $0x38;
	[tilespmem:$0x19C80] =	vst v63  }
0x3bd: {  	_ =	swait.ge [sflag:s31], $0x320  }
0x3be: {  	[sflag:s31] =	ssyncset.done $0x0  }
0x3bf: {  	[sflag:s31] =	ssyncadd.s32 $0xFFFFFCE0  }
0x3c0: {  	[tilespmem:s22], [sflag:$0x5] =	stream.indirect.gather [hbm4b:s3+s11], $0x20, s2, s11, $0xb8;
	[tilespmem:$0x19C80] =	vst v63  }
0x3c1: {  	_ =	swait.ge [sflag:s30], $0x320  }
0x3c2: {  	[sflag:s30] =	ssyncset.done $0x0  }
0x3c3: {  	[sflag:s30] =	ssyncadd.s32 $0xFFFFFCE0  }
0x3c4: {  	[tilespmem:s16], [sflag:$0x6] =	stream.indirect.gather [hbm4b:s3+s11], $0x20, s11, s11, $0xb8;
	[tilespmem:$0x19C80] =	vst v63  }
0x3c5: {  	_ =	swait.ge [sflag:s29], $0x320  }
0x3c6: {  	[sflag:s29] =	ssyncset.done $0x0  }
0x3c7: {  	[sflag:s29] =	ssyncadd.s32 $0xFFFFFCE0  }
0x3c8: {  	[tilespmem:s12], [sflag:$0x7] =	stream.indirect.gather [hbm4b:s3+s11], $0x20, s24, s11, $0xb8;
	[tilespmem:$0x19C80] =	vst v63  }
0x3c9: {  	_ =	swait.ge [sflag:s28], $0x6400  }
0x3ca: {  	[sflag:s28] =	ssyncset.done $0x0  }
0x3cb: {  	s0 =	rddreg [dreg:$0x7];
	[sflag:s28] =	ssyncadd.s32 $0xFFFF9C00  }
0x3cc: {  	[hbm4b:s0+s2] =	stream.linear.scatter [tilespmem:s22], [sflag:$0x9], $0x6400, $0x38;
	[tilespmem:$0x19C80] =	vst v63  }
0x3cd: {  	s1 =	rddreg [dreg:$0x8]  }
0x3ce: {  	[tilespmem:s2], [sflag:$0x1] =	stream.linear.gather [hbm4b:s1+s2], $0x320, $0x38;
	[tilespmem:$0x19C80] =	vst v63  }
0x3cf: {  	_ =	swait.ge [sflag:s23], $0x320  }
0x3d0: {  	[sflag:s23] =	ssyncset.done $0x0  }
0x3d1: {  	[sflag:s23] =	ssyncadd.s32 $0xFFFFFCE0  }
0x3d2: {  	[tilespmem:s9], [sflag:$0x8] =	stream.indirect.gather [hbm4b:s3+s11], $0x20, s15, s11, $0xb8;
	[tilespmem:$0x19C80] =	vst v63  }
0x3d3: {  	_ =	swait.ge [sflag:s20], $0x6400  }
0x3d4: {  	[sflag:s20] =	ssyncset.done $0x0  }
0x3d5: {  	s0 =	rddreg [dreg:$0x9];
	[sflag:s20] =	ssyncadd.s32 $0xFFFF9C00  }
0x3d6: {  	[hbm4b:s0+s2] =	stream.linear.scatter [tilespmem:s16], [sflag:$0xA], $0x6400, $0x38;
	[tilespmem:$0x19C80] =	vst v63  }
0x3d7: {  	s1 =	rddreg [dreg:$0xa]  }
0x3d8: {  	[tilespmem:s11], [sflag:$0x2] =	stream.linear.gather [hbm4b:s1+s2], $0x320, $0x38;
	[tilespmem:$0x19C80] =	vst v63  }
0x3d9: {  	_ =	swait.ge [sflag:s14], $0x6400  }
0x3da: {  	[sflag:s14] =	ssyncset.done $0x0  }
0x3db: {  	[sflag:s14] =	ssyncadd.s32 $0xFFFF9C00  }
0x3dc: {  	_ =	swait.ge [sflag:s31], $0x320  }
0x3dd: {  	[sflag:s31] =	ssyncset.done $0x0  }
0x3de: {  	[sflag:s31] =	ssyncadd.s32 $0xFFFFFCE0  }
0x3df: {  	[tilespmem:s22], [sflag:$0x5] =	stream.indirect.gather [hbm4b:s3+s11], $0x20, s2, s11, $0xb8;
	[tilespmem:$0x19C80] =	vst v63  }
0x3e0: {  	_ =	swait.ge [sflag:s21], $0x6400  }
0x3e1: {  	[sflag:s21] =	ssyncset.done $0x0  }
0x3e2: {  	s0 =	rddreg [dreg:$0xb];
	[sflag:s21] =	ssyncadd.s32 $0xFFFF9C00  }
0x3e3: {  	[hbm4b:s0+s2] =	stream.linear.scatter [tilespmem:s12], [sflag:$0xB], $0x6400, $0x38;
	[tilespmem:$0x19C80] =	vst v63  }
0x3e4: {  	s1 =	rddreg [dreg:$0xc]  }
0x3e5: {  	[tilespmem:s24], [sflag:$0x3] =	stream.linear.gather [hbm4b:s1+s2], $0x320, $0x38;
	[tilespmem:$0x19C80] =	vst v63  }
0x3e6: {  	_ =	swait.ge [sflag:s13], $0x6400  }
0x3e7: {  	[sflag:s13] =	ssyncset.done $0x0  }
0x3e8: {  	[sflag:s13] =	ssyncadd.s32 $0xFFFF9C00  }
0x3e9: {  	_ =	swait.ge [sflag:s30], $0x320  }
0x3ea: {  	[sflag:s30] =	ssyncset.done $0x0  }
0x3eb: {  	[sflag:s30] =	ssyncadd.s32 $0xFFFFFCE0  }
0x3ec: {  	[tilespmem:s16], [sflag:$0x6] =	stream.indirect.gather [hbm4b:s3+s11], $0x20, s11, s11, $0xb8;
	[tilespmem:$0x19C80] =	vst v63  }
0x3ed: {  	_ =	swait.ge [sflag:s17], $0x6400  }
0x3ee: {  	[sflag:s17] =	ssyncset.done $0x0  }
0x3ef: {  	s0 =	rddreg [dreg:$0xd];
	[sflag:s17] =	ssyncadd.s32 $0xFFFF9C00  }
0x3f0: {  	[hbm4b:s0+s2] =	stream.linear.scatter [tilespmem:s9], [sflag:$0xC], $0x6400, $0x38;
	[tilespmem:$0x19C80] =	vst v63  }
0x3f1: {  	s1 =	rddreg [dreg:$0xe]  }
0x3f2: {  	[tilespmem:s15], [sflag:$0x4] =	stream.linear.gather [hbm4b:s1+s2], $0x320, $0x38;
	[tilespmem:$0x19C80] =	vst v63  }
0x3f3: {  	_ =	swait.ge [sflag:s10], $0x6400  }
0x3f4: {  	[sflag:s10] =	ssyncset.done $0x0  }
0x3f5: {  	[sflag:s10] =	ssyncadd.s32 $0xFFFF9C00  }
0x3f6: {  	_ =	swait.ge [sflag:s29], $0x320  }
0x3f7: {  	[sflag:s29] =	ssyncset.done $0x0  }
0x3f8: {  	[sflag:s29] =	ssyncadd.s32 $0xFFFFFCE0  }
0x3f9: {  	[tilespmem:s12], [sflag:$0x7] =	stream.indirect.gather [hbm4b:s3+s11], $0x20, s24, s11, $0xb8;
	[tilespmem:$0x19C80] =	vst v63  }
0x3fa: {  	_ =	swait.ge [sflag:s28], $0x6400  }
0x3fb: {  	[sflag:s28] =	ssyncset.done $0x0  }
0x3fc: {  	s0 =	rddreg [dreg:$0xf];
	[sflag:s28] =	ssyncadd.s32 $0xFFFF9C00  }
0x3fd: {  	[hbm4b:s0+s2] =	stream.linear.scatter [tilespmem:s22], [sflag:$0x9], $0x6400, $0x38;
	[tilespmem:$0x19C80] =	vst v63  }
0x3fe: {  	s1 =	rddreg [dreg:$0x10]  }
0x3ff: {  	[tilespmem:s2], [sflag:$0x1] =	stream.linear.gather [hbm4b:s1+s2], $0x320, $0x38;
	[tilespmem:$0x19C80] =	vst v63  }
0x400: {  	_ =	swait.ge [sflag:s7], $0x6400  }
0x401: {  	[sflag:s7] =	ssyncset.done $0x0  }
0x402: {  	[sflag:s7] =	ssyncadd.s32 $0xFFFF9C00  }
0x403: {  	_ =	swait.ge [sflag:s23], $0x320  }
0x404: {  	[sflag:s23] =	ssyncset.done $0x0  }
0x405: {  	[sflag:s23] =	ssyncadd.s32 $0xFFFFFCE0  }
0x406: {  	[tilespmem:s9], [sflag:$0x8] =	stream.indirect.gather [hbm4b:s3+s11], $0x20, s15, s11, $0xb8;
	[tilespmem:$0x19C80] =	vst v63  }
0x407: {  	_ =	swait.ge [sflag:s20], $0x6400  }
0x408: {  	[sflag:s20] =	ssyncset.done $0x0  }
0x409: {  	s0 =	rddreg [dreg:$0x11];
	[sflag:s20] =	ssyncadd.s32 $0xFFFF9C00  }
0x40a: {  	[hbm4b:s0+s2] =	stream.linear.scatter [tilespmem:s16], [sflag:$0xA], $0x6400, $0x38;
	[tilespmem:$0x19C80] =	vst v63  }
0x40b: {  	s1 =	rddreg [dreg:$0x12]  }
0x40c: {  	[tilespmem:s11], [sflag:$0x2] =	stream.linear.gather [hbm4b:s1+s2], $0x320, $0x38;
	[tilespmem:$0x19C80] =	vst v63  }
0x40d: {  	_ =	swait.ge [sflag:s14], $0x6400  }
0x40e: {  	[sflag:s14] =	ssyncset.done $0x0  }
0x40f: {  	[sflag:s14] =	ssyncadd.s32 $0xFFFF9C00  }
0x410: {  	_ =	swait.ge [sflag:s31], $0x320  }
0x411: {  	[sflag:s31] =	ssyncset.done $0x0  }
0x412: {  	[sflag:s31] =	ssyncadd.s32 $0xFFFFFCE0  }
0x413: {  	[tilespmem:s22], [sflag:$0x5] =	stream.indirect.gather [hbm4b:s3+s11], $0x20, s2, s11, $0xb8;
	[tilespmem:$0x19C80] =	vst v63  }
0x414: {  	_ =	swait.ge [sflag:s21], $0x6400  }
0x415: {  	[sflag:s21] =	ssyncset.done $0x0  }
0x416: {  	s0 =	rddreg [dreg:$0x13];
	[sflag:s21] =	ssyncadd.s32 $0xFFFF9C00  }
0x417: {  	[hbm4b:s0+s2] =	stream.linear.scatter [tilespmem:s12], [sflag:$0xB], $0x6400, $0x38;
	[tilespmem:$0x19C80] =	vst v63  }
0x418: {  	s1 =	rddreg [dreg:$0x14]  }
0x419: {  	[tilespmem:s24], [sflag:$0x3] =	stream.linear.gather [hbm4b:s1+s2], $0x320, $0x38;
	[tilespmem:$0x19C80] =	vst v63  }
0x41a: {  	_ =	swait.ge [sflag:s13], $0x6400  }
0x41b: {  	[sflag:s13] =	ssyncset.done $0x0  }
0x41c: {  	[sflag:s13] =	ssyncadd.s32 $0xFFFF9C00  }
0x41d: {  	_ =	swait.ge [sflag:s30], $0x320  }
0x41e: {  	[sflag:s30] =	ssyncset.done $0x0  }
0x41f: {  	[sflag:s30] =	ssyncadd.s32 $0xFFFFFCE0  }
0x420: {  	[tilespmem:s16], [sflag:$0x6] =	stream.indirect.gather [hbm4b:s3+s11], $0x20, s11, s11, $0xb8;
	[tilespmem:$0x19C80] =	vst v63  }
0x421: {  	_ =	swait.ge [sflag:s17], $0x6400  }
0x422: {  	[sflag:s17] =	ssyncset.done $0x0  }
0x423: {  	s0 =	rddreg [dreg:$0x15];
	[sflag:s17] =	ssyncadd.s32 $0xFFFF9C00  }
0x424: {  	[hbm4b:s0+s2] =	stream.linear.scatter [tilespmem:s9], [sflag:$0xC], $0x6400, $0x38;
	[tilespmem:$0x19C80] =	vst v63  }
0x425: {  	s1 =	rddreg [dreg:$0x16]  }
0x426: {  	[tilespmem:s15], [sflag:$0x4] =	stream.linear.gather [hbm4b:s1+s2], $0x320, $0x38;
	[tilespmem:$0x19C80] =	vst v63  }
0x427: {  	_ =	swait.ge [sflag:s10], $0x6400  }
0x428: {  	[sflag:s10] =	ssyncset.done $0x0  }
0x429: {  	[sflag:s10] =	ssyncadd.s32 $0xFFFF9C00  }
0x42a: {  	_ =	swait.ge [sflag:s29], $0x320  }
0x42b: {  	[sflag:s29] =	ssyncset.done $0x0  }
0x42c: {  	[sflag:s29] =	ssyncadd.s32 $0xFFFFFCE0  }
0x42d: {  	[tilespmem:s12], [sflag:$0x7] =	stream.indirect.gather [hbm4b:s3+s11], $0x20, s24, s11, $0xb8;
	[tilespmem:$0x19C80] =	vst v63  }
0x42e: {  	_ =	swait.ge [sflag:s28], $0x6400  }
0x42f: {  	[sflag:s28] =	ssyncset.done $0x0  }
0x430: {  	s0 =	rddreg [dreg:$0x17];
	[sflag:s28] =	ssyncadd.s32 $0xFFFF9C00  }
0x431: {  	[hbm4b:s0+s2] =	stream.linear.scatter [tilespmem:s22], [sflag:$0x9], $0x6400, $0x38;
	[tilespmem:$0x19C80] =	vst v63  }
0x432: {  	s1 =	rddreg [dreg:$0x18]  }
0x433: {  	[tilespmem:s2], [sflag:$0x1] =	stream.linear.gather [hbm4b:s1+s2], $0x320, $0x38;
	[tilespmem:$0x19C80] =	vst v63  }
0x434: {  	_ =	swait.ge [sflag:s7], $0x6400  }
0x435: {  	[sflag:s7] =	ssyncset.done $0x0  }
0x436: {  	[sflag:s7] =	ssyncadd.s32 $0xFFFF9C00  }
0x437: {  	_ =	swait.ge [sflag:s23], $0x320  }
0x438: {  	[sflag:s23] =	ssyncset.done $0x0  }
0x439: {  	[sflag:s23] =	ssyncadd.s32 $0xFFFFFCE0  }
0x43a: {  	[tilespmem:s9], [sflag:$0x8] =	stream.indirect.gather [hbm4b:s3+s11], $0x20, s15, s11, $0xb8;
	[tilespmem:$0x19C80] =	vst v63  }
0x43b: {  	_ =	swait.ge [sflag:s20], $0x6400  }
0x43c: {  	[sflag:s20] =	ssyncset.done $0x0  }
0x43d: {  	s0 =	rddreg [dreg:$0x19];
	[sflag:s20] =	ssyncadd.s32 $0xFFFF9C00  }
0x43e: {  	[hbm4b:s0+s2] =	stream.linear.scatter [tilespmem:s16], [sflag:$0xA], $0x6400, $0x38;
	[tilespmem:$0x19C80] =	vst v63  }
0x43f: {  	s1 =	rddreg [dreg:$0x1a]  }
0x440: {  	[tilespmem:s11], [sflag:$0x2] =	stream.linear.gather [hbm4b:s1+s2], $0x320, $0x38;
	[tilespmem:$0x19C80] =	vst v63  }
0x441: {  	_ =	swait.ge [sflag:s14], $0x6400  }
0x442: {  	[sflag:s14] =	ssyncset.done $0x0  }
0x443: {  	[sflag:s14] =	ssyncadd.s32 $0xFFFF9C00  }
0x444: {  	_ =	swait.ge [sflag:s31], $0x320  }
0x445: {  	[sflag:s31] =	ssyncset.done $0x0  }
0x446: {  	[sflag:s31] =	ssyncadd.s32 $0xFFFFFCE0  }
0x447: {  	[tilespmem:s22], [sflag:$0x5] =	stream.indirect.gather [hbm4b:s3+s11], $0x20, s2, s11, $0xb8;
	[tilespmem:$0x19C80] =	vst v63  }
0x448: {  	_ =	swait.ge [sflag:s21], $0x6400  }
0x449: {  	[sflag:s21] =	ssyncset.done $0x0  }
0x44a: {  	s0 =	rddreg [dreg:$0x1b];
	[sflag:s21] =	ssyncadd.s32 $0xFFFF9C00  }
0x44b: {  	[hbm4b:s0+s2] =	stream.linear.scatter [tilespmem:s12], [sflag:$0xB], $0x6400, $0x38;
	[tilespmem:$0x19C80] =	vst v63  }
0x44c: {  	s1 =	rddreg [dreg:$0x1c]  }
0x44d: {  	[tilespmem:s24], [sflag:$0x3] =	stream.linear.gather [hbm4b:s1+s2], $0x320, $0x38;
	[tilespmem:$0x19C80] =	vst v63  }
0x44e: {  	_ =	swait.ge [sflag:s13], $0x6400  }
0x44f: {  	[sflag:s13] =	ssyncset.done $0x0  }
0x450: {  	[sflag:s13] =	ssyncadd.s32 $0xFFFF9C00  }
0x451: {  	_ =	swait.ge [sflag:s30], $0x320  }
0x452: {  	[sflag:s30] =	ssyncset.done $0x0  }
0x453: {  	[sflag:s30] =	ssyncadd.s32 $0xFFFFFCE0  }
0x454: {  	[tilespmem:s16], [sflag:$0x6] =	stream.indirect.gather [hbm4b:s3+s11], $0x20, s11, s11, $0xb8;
	[tilespmem:$0x19C80] =	vst v63  }
0x455: {  	_ =	swait.ge [sflag:s17], $0x6400  }
0x456: {  	[sflag:s17] =	ssyncset.done $0x0  }
0x457: {  	s0 =	rddreg [dreg:$0x1d];
	[sflag:s17] =	ssyncadd.s32 $0xFFFF9C00  }
0x458: {  	[hbm4b:s0+s2] =	stream.linear.scatter [tilespmem:s9], [sflag:$0xC], $0x6400, $0x38;
	[tilespmem:$0x19C80] =	vst v63  }
0x459: {  	s1 =	rddreg [dreg:$0x1e]  }
0x45a: {  	[tilespmem:s15], [sflag:$0x4] =	stream.linear.gather [hbm4b:s1+s2], $0x320, $0x38;
	[tilespmem:$0x19C80] =	vst v63  }
0x45b: {  	_ =	swait.ge [sflag:s10], $0x6400  }
0x45c: {  	[sflag:s10] =	ssyncset.done $0x0  }
0x45d: {  	[sflag:s10] =	ssyncadd.s32 $0xFFFF9C00  }
0x45e: {  	_ =	swait.ge [sflag:s29], $0x320  }
0x45f: {  	[sflag:s29] =	ssyncset.done $0x0  }
0x460: {  	[sflag:s29] =	ssyncadd.s32 $0xFFFFFCE0  }
0x461: {  	[tilespmem:s12], [sflag:$0x7] =	stream.indirect.gather [hbm4b:s3+s11], $0x20, s24, s11, $0xb8;
	[tilespmem:$0x19C80] =	vst v63  }
0x462: {  	_ =	swait.ge [sflag:s28], $0x6400  }
0x463: {  	s0 =	rddreg [dreg:$0x1f];
	[sflag:s28] =	ssyncset.done $0x0  }
0x464: {  	s1 =	sld [smem:$0x7E3];
	[sflag:s28] =	ssyncadd.s32 $0xFFFF9C00  }
0x465: {  	[hbm4b:s0+s2] =	stream.linear.scatter [tilespmem:s22], [sflag:$0x9], $0x6400, $0x38;
	[tilespmem:$0x19C80] =	vst v63  }
0x466: {  	_ = 	snop  }
0x467: {  	[tilespmem:s2], [sflag:$0x1] =	stream.linear.gather [hbm4b:s1+s2], $0x320, $0x38;
	[tilespmem:$0x19C80] =	vst v63  }
0x468: {  	_ =	swait.ge [sflag:s7], $0x6400  }
0x469: {  	[sflag:s7] =	ssyncset.done $0x0  }
0x46a: {  	[sflag:s7] =	ssyncadd.s32 $0xFFFF9C00  }
0x46b: {  	_ =	swait.ge [sflag:s23], $0x320  }
0x46c: {  	[sflag:s23] =	ssyncset.done $0x0  }
0x46d: {  	[sflag:s23] =	ssyncadd.s32 $0xFFFFFCE0  }
0x46e: {  	[tilespmem:s9], [sflag:$0x8] =	stream.indirect.gather [hbm4b:s3+s11], $0x20, s15, s11, $0xb8;
	[tilespmem:$0x19C80] =	vst v63  }
0x46f: {  	_ =	swait.ge [sflag:s20], $0x6400  }
0x470: {  	s0 =	sld [smem:$0x7E4]  }
0x471: {  	[sflag:s20] =	ssyncset.done $0x0  }
0x472: {  	s1 =	sld [smem:$0x7E5];
	[sflag:s20] =	ssyncadd.s32 $0xFFFF9C00  }
0x473: {  	[hbm4b:s0+s2] =	stream.linear.scatter [tilespmem:s16], [sflag:$0xA], $0x6400, $0x38;
	[tilespmem:$0x19C80] =	vst v63  }
0x474: {  	_ = 	snop  }
0x475: {  	[tilespmem:s11], [sflag:$0x2] =	stream.linear.gather [hbm4b:s1+s2], $0x320, $0x38;
	[tilespmem:$0x19C80] =	vst v63  }
0x476: {  	_ =	swait.ge [sflag:s14], $0x6400  }
0x477: {  	[sflag:s14] =	ssyncset.done $0x0  }
0x478: {  	[sflag:s14] =	ssyncadd.s32 $0xFFFF9C00  }
0x479: {  	_ =	swait.ge [sflag:s31], $0x320  }
0x47a: {  	[sflag:s31] =	ssyncset.done $0x0  }
0x47b: {  	[sflag:s31] =	ssyncadd.s32 $0xFFFFFCE0  }
0x47c: {  	[tilespmem:s22], [sflag:$0x5] =	stream.indirect.gather [hbm4b:s3+s11], $0x20, s2, s11, $0xb8;
	[tilespmem:$0x19C80] =	vst v63  }
0x47d: {  	_ =	swait.ge [sflag:s21], $0x6400  }
0x47e: {  	s0 =	sld [smem:$0x7E6]  }
0x47f: {  	[sflag:s21] =	ssyncset.done $0x0  }
0x480: {  	s1 =	sld [smem:$0x7E7];
	[sflag:s21] =	ssyncadd.s32 $0xFFFF9C00  }
0x481: {  	[hbm4b:s0+s2] =	stream.linear.scatter [tilespmem:s12], [sflag:$0xB], $0x6400, $0x38;
	[tilespmem:$0x19C80] =	vst v63  }
0x482: {  	_ = 	snop  }
0x483: {  	[tilespmem:s24], [sflag:$0x3] =	stream.linear.gather [hbm4b:s1+s2], $0x320, $0x38;
	[tilespmem:$0x19C80] =	vst v63  }
0x484: {  	_ =	swait.ge [sflag:s13], $0x6400  }
0x485: {  	[sflag:s13] =	ssyncset.done $0x0  }
0x486: {  	[sflag:s13] =	ssyncadd.s32 $0xFFFF9C00  }
0x487: {  	_ =	swait.ge [sflag:s30], $0x320  }
0x488: {  	[sflag:s30] =	ssyncset.done $0x0  }
0x489: {  	[sflag:s30] =	ssyncadd.s32 $0xFFFFFCE0  }
0x48a: {  	[tilespmem:s16], [sflag:$0x6] =	stream.indirect.gather [hbm4b:s3+s11], $0x20, s11, s11, $0xb8;
	[tilespmem:$0x19C80] =	vst v63  }
0x48b: {  	_ =	swait.ge [sflag:s17], $0x6400  }
0x48c: {  	s0 =	sld [smem:$0x7E8]  }
0x48d: {  	[sflag:s17] =	ssyncset.done $0x0  }
0x48e: {  	s1 =	sld [smem:$0x7E9];
	[sflag:s17] =	ssyncadd.s32 $0xFFFF9C00  }
0x48f: {  	[hbm4b:s0+s2] =	stream.linear.scatter [tilespmem:s9], [sflag:$0xC], $0x6400, $0x38;
	[tilespmem:$0x19C80] =	vst v63  }
0x490: {  	_ = 	snop  }
0x491: {  	[tilespmem:s15], [sflag:$0x4] =	stream.linear.gather [hbm4b:s1+s2], $0x320, $0x38;
	[tilespmem:$0x19C80] =	vst v63  }
0x492: {  	_ =	swait.ge [sflag:s10], $0x6400  }
0x493: {  	[sflag:s10] =	ssyncset.done $0x0  }
0x494: {  	[sflag:s10] =	ssyncadd.s32 $0xFFFF9C00  }
0x495: {  	_ =	swait.ge [sflag:s29], $0x320  }
0x496: {  	[sflag:s29] =	ssyncset.done $0x0  }
0x497: {  	[sflag:s29] =	ssyncadd.s32 $0xFFFFFCE0  }
0x498: {  	[tilespmem:s12], [sflag:$0x7] =	stream.indirect.gather [hbm4b:s3+s11], $0x20, s24, s11, $0xb8;
	[tilespmem:$0x19C80] =	vst v63  }
0x499: {  	_ =	swait.ge [sflag:s28], $0x6400  }
0x49a: {  	s0 =	sld [smem:$0x7EA]  }
0x49b: {  	[sflag:s28] =	ssyncset.done $0x0  }
0x49c: {  	s1 =	sld [smem:$0x7EB];
	[sflag:s28] =	ssyncadd.s32 $0xFFFF9C00  }
0x49d: {  	[hbm4b:s0+s2] =	stream.linear.scatter [tilespmem:s22], [sflag:$0x9], $0x6400, $0x38;
	[tilespmem:$0x19C80] =	vst v63  }
0x49e: {  	_ = 	snop  }
0x49f: {  	[tilespmem:s2], [sflag:$0x1] =	stream.linear.gather [hbm4b:s1+s2], $0x320, $0x38;
	[tilespmem:$0x19C80] =	vst v63  }
0x4a0: {  	_ =	swait.ge [sflag:s7], $0x6400  }
0x4a1: {  	[sflag:s7] =	ssyncset.done $0x0  }
0x4a2: {  	[sflag:s7] =	ssyncadd.s32 $0xFFFF9C00  }
0x4a3: {  	_ =	swait.ge [sflag:s23], $0x320  }
0x4a4: {  	[sflag:s23] =	ssyncset.done $0x0  }
0x4a5: {  	[sflag:s23] =	ssyncadd.s32 $0xFFFFFCE0  }
0x4a6: {  	[tilespmem:s9], [sflag:$0x8] =	stream.indirect.gather [hbm4b:s3+s11], $0x20, s15, s11, $0xb8;
	[tilespmem:$0x19C80] =	vst v63  }
0x4a7: {  	_ =	swait.ge [sflag:s20], $0x6400  }
0x4a8: {  	s0 =	sld [smem:$0x7EC]  }
0x4a9: {  	[sflag:s20] =	ssyncset.done $0x0  }
0x4aa: {  	s1 =	sld [smem:$0x7ED];
	[sflag:s20] =	ssyncadd.s32 $0xFFFF9C00  }
0x4ab: {  	[hbm4b:s0+s2] =	stream.linear.scatter [tilespmem:s16], [sflag:$0xA], $0x6400, $0x38;
	[tilespmem:$0x19C80] =	vst v63  }
0x4ac: {  	_ = 	snop  }
0x4ad: {  	[tilespmem:s11], [sflag:$0x2] =	stream.linear.gather [hbm4b:s1+s2], $0x320, $0x38;
	[tilespmem:$0x19C80] =	vst v63  }
0x4ae: {  	_ =	swait.ge [sflag:s14], $0x6400  }
0x4af: {  	[sflag:s14] =	ssyncset.done $0x0  }
0x4b0: {  	[sflag:s14] =	ssyncadd.s32 $0xFFFF9C00  }
0x4b1: {  	_ =	swait.ge [sflag:s31], $0x320  }
0x4b2: {  	[sflag:s31] =	ssyncset.done $0x0  }
0x4b3: {  	[sflag:s31] =	ssyncadd.s32 $0xFFFFFCE0  }
0x4b4: {  	[tilespmem:s22], [sflag:$0x5] =	stream.indirect.gather [hbm4b:s3+s11], $0x20, s2, s11, $0xb8;
	[tilespmem:$0x19C80] =	vst v63  }
0x4b5: {  	_ =	swait.ge [sflag:s21], $0x6400  }
0x4b6: {  	s0 =	sld [smem:$0x7EE]  }
0x4b7: {  	[sflag:s21] =	ssyncset.done $0x0  }
0x4b8: {  	s1 =	sld [smem:$0x7EF];
	[sflag:s21] =	ssyncadd.s32 $0xFFFF9C00  }
0x4b9: {  	[hbm4b:s0+s2] =	stream.linear.scatter [tilespmem:s12], [sflag:$0xB], $0x6400, $0x38;
	[tilespmem:$0x19C80] =	vst v63  }
0x4ba: {  	_ = 	snop  }
0x4bb: {  	[tilespmem:s24], [sflag:$0x3] =	stream.linear.gather [hbm4b:s1+s2], $0x320, $0x38;
	[tilespmem:$0x19C80] =	vst v63  }
0x4bc: {  	_ =	swait.ge [sflag:s13], $0x6400  }
0x4bd: {  	[sflag:s13] =	ssyncset.done $0x0  }
0x4be: {  	[sflag:s13] =	ssyncadd.s32 $0xFFFF9C00  }
0x4bf: {  	_ =	swait.ge [sflag:s30], $0x320  }
0x4c0: {  	[sflag:s30] =	ssyncset.done $0x0  }
0x4c1: {  	[sflag:s30] =	ssyncadd.s32 $0xFFFFFCE0  }
0x4c2: {  	[tilespmem:s16], [sflag:$0x6] =	stream.indirect.gather [hbm4b:s3+s11], $0x20, s11, s11, $0xb8;
	[tilespmem:$0x19C80] =	vst v63  }
0x4c3: {  	_ =	swait.ge [sflag:s17], $0x6400  }
0x4c4: {  	s0 =	sld [smem:$0x7F0]  }
0x4c5: {  	[sflag:s17] =	ssyncset.done $0x0  }
0x4c6: {  	s1 =	sld [smem:$0x7F1];
	[sflag:s17] =	ssyncadd.s32 $0xFFFF9C00  }
0x4c7: {  	[hbm4b:s0+s2] =	stream.linear.scatter [tilespmem:s9], [sflag:$0xC], $0x6400, $0x38;
	[tilespmem:$0x19C80] =	vst v63  }
0x4c8: {  	_ = 	snop  }
0x4c9: {  	[tilespmem:s15], [sflag:$0x4] =	stream.linear.gather [hbm4b:s1+s2], $0x320, $0x38;
	[tilespmem:$0x19C80] =	vst v63  }
0x4ca: {  	_ =	swait.ge [sflag:s10], $0x6400  }
0x4cb: {  	[sflag:s10] =	ssyncset.done $0x0  }
0x4cc: {  	[sflag:s10] =	ssyncadd.s32 $0xFFFF9C00  }
0x4cd: {  	_ =	swait.ge [sflag:s29], $0x320  }
0x4ce: {  	[sflag:s29] =	ssyncset.done $0x0  }
0x4cf: {  	[sflag:s29] =	ssyncadd.s32 $0xFFFFFCE0  }
0x4d0: {  	[tilespmem:s12], [sflag:$0x7] =	stream.indirect.gather [hbm4b:s3+s11], $0x20, s24, s11, $0xb8;
	[tilespmem:$0x19C80] =	vst v63  }
0x4d1: {  	_ =	swait.ge [sflag:s28], $0x6400  }
0x4d2: {  	s0 =	sld [smem:$0x7F2]  }
0x4d3: {  	[sflag:s28] =	ssyncset.done $0x0  }
0x4d4: {  	s1 =	sld [smem:$0x7F3];
	[sflag:s28] =	ssyncadd.s32 $0xFFFF9C00  }
0x4d5: {  	[hbm4b:s0+s2] =	stream.linear.scatter [tilespmem:s22], [sflag:$0x9], $0x6400, $0x38;
	[tilespmem:$0x19C80] =	vst v63  }
0x4d6: {  	_ = 	snop  }
0x4d7: {  	[tilespmem:s2], [sflag:$0x1] =	stream.linear.gather [hbm4b:s1+s2], $0x320, $0x38;
	[tilespmem:$0x19C80] =	vst v63  }
0x4d8: {  	_ =	swait.ge [sflag:s7], $0x6400  }
0x4d9: {  	[sflag:s7] =	ssyncset.done $0x0  }
0x4da: {  	[sflag:s7] =	ssyncadd.s32 $0xFFFF9C00  }
0x4db: {  	_ =	swait.ge [sflag:s23], $0x320  }
0x4dc: {  	[sflag:s23] =	ssyncset.done $0x0  }
0x4dd: {  	[sflag:s23] =	ssyncadd.s32 $0xFFFFFCE0  }
0x4de: {  	[tilespmem:s9], [sflag:$0x8] =	stream.indirect.gather [hbm4b:s3+s11], $0x20, s15, s11, $0xb8;
	[tilespmem:$0x19C80] =	vst v63  }
0x4df: {  	_ =	swait.ge [sflag:s20], $0x6400  }
0x4e0: {  	s0 =	sld [smem:$0x7F4]  }
0x4e1: {  	[sflag:s20] =	ssyncset.done $0x0  }
0x4e2: {  	s1 =	sld [smem:$0x7F5];
	[sflag:s20] =	ssyncadd.s32 $0xFFFF9C00  }
0x4e3: {  	[hbm4b:s0+s2] =	stream.linear.scatter [tilespmem:s16], [sflag:$0xA], $0x6400, $0x38;
	[tilespmem:$0x19C80] =	vst v63  }
0x4e4: {  	_ = 	snop  }
0x4e5: {  	[tilespmem:s11], [sflag:$0x2] =	stream.linear.gather [hbm4b:s1+s2], $0x320, $0x38;
	[tilespmem:$0x19C80] =	vst v63  }
0x4e6: {  	_ =	swait.ge [sflag:s14], $0x6400  }
0x4e7: {  	[sflag:s14] =	ssyncset.done $0x0  }
0x4e8: {  	[sflag:s14] =	ssyncadd.s32 $0xFFFF9C00  }
0x4e9: {  	_ =	swait.ge [sflag:s31], $0x320  }
0x4ea: {  	[sflag:s31] =	ssyncset.done $0x0  }
0x4eb: {  	[sflag:s31] =	ssyncadd.s32 $0xFFFFFCE0  }
0x4ec: {  	[tilespmem:s22], [sflag:$0x5] =	stream.indirect.gather [hbm4b:s3+s11], $0x20, s2, s11, $0xb8;
	[tilespmem:$0x19C80] =	vst v63  }
0x4ed: {  	_ =	swait.ge [sflag:s21], $0x6400  }
0x4ee: {  	s0 =	sld [smem:$0x7F6]  }
0x4ef: {  	[sflag:s21] =	ssyncset.done $0x0  }
0x4f0: {  	s1 =	sld [smem:$0x7F7];
	[sflag:s21] =	ssyncadd.s32 $0xFFFF9C00  }
0x4f1: {  	[hbm4b:s0+s2] =	stream.linear.scatter [tilespmem:s12], [sflag:$0xB], $0x6400, $0x38;
	[tilespmem:$0x19C80] =	vst v63  }
0x4f2: {  	_ = 	snop  }
0x4f3: {  	[tilespmem:s24], [sflag:$0x3] =	stream.linear.gather [hbm4b:s1+s2], $0x320, $0x38;
	[tilespmem:$0x19C80] =	vst v63  }
0x4f4: {  	_ =	swait.ge [sflag:s13], $0x6400  }
0x4f5: {  	[sflag:s13] =	ssyncset.done $0x0  }
0x4f6: {  	[sflag:s13] =	ssyncadd.s32 $0xFFFF9C00  }
0x4f7: {  	_ =	swait.ge [sflag:s30], $0x320  }
0x4f8: {  	[sflag:s30] =	ssyncset.done $0x0  }
0x4f9: {  	[sflag:s30] =	ssyncadd.s32 $0xFFFFFCE0  }
0x4fa: {  	[tilespmem:s16], [sflag:$0x6] =	stream.indirect.gather [hbm4b:s3+s11], $0x20, s11, s11, $0xb8;
	[tilespmem:$0x19C80] =	vst v63  }
0x4fb: {  	_ =	swait.ge [sflag:s17], $0x6400  }
0x4fc: {  	s0 =	sld [smem:$0x7F8]  }
0x4fd: {  	[sflag:s17] =	ssyncset.done $0x0  }
0x4fe: {  	s1 =	sld [smem:$0x7F9];
	[sflag:s17] =	ssyncadd.s32 $0xFFFF9C00  }
0x4ff: {  	[hbm4b:s0+s2] =	stream.linear.scatter [tilespmem:s9], [sflag:$0xC], $0x6400, $0x38;
	[tilespmem:$0x19C80] =	vst v63  }
0x500: {  	_ = 	snop  }
0x501: {  	[tilespmem:s15], [sflag:$0x4] =	stream.linear.gather [hbm4b:s1+s2], $0x320, $0x38;
	[tilespmem:$0x19C80] =	vst v63  }
0x502: {  	_ =	swait.ge [sflag:s10], $0x6400  }
0x503: {  	[sflag:s10] =	ssyncset.done $0x0  }
0x504: {  	[sflag:s10] =	ssyncadd.s32 $0xFFFF9C00  }
0x505: {  	_ =	swait.ge [sflag:s29], $0x320  }
0x506: {  	[sflag:s29] =	ssyncset.done $0x0  }
0x507: {  	[sflag:s29] =	ssyncadd.s32 $0xFFFFFCE0  }
0x508: {  	[tilespmem:s12], [sflag:$0x7] =	stream.indirect.gather [hbm4b:s3+s11], $0x20, s24, s11, $0xb8;
	[tilespmem:$0x19C80] =	vst v63  }
0x509: {  	_ =	swait.ge [sflag:s28], $0x6400  }
0x50a: {  	s0 =	sld [smem:$0x7FA]  }
0x50b: {  	[sflag:s28] =	ssyncset.done $0x0  }
0x50c: {  	s1 =	sld [smem:$0x7FB];
	[sflag:s28] =	ssyncadd.s32 $0xFFFF9C00  }
0x50d: {  	[hbm4b:s0+s2] =	stream.linear.scatter [tilespmem:s22], [sflag:$0x9], $0x6400, $0x38;
	[tilespmem:$0x19C80] =	vst v63  }
0x50e: {  	_ = 	snop  }
0x50f: {  	[tilespmem:s2], [sflag:$0x1] =	stream.linear.gather [hbm4b:s1+s2], $0x320, $0x38;
	[tilespmem:$0x19C80] =	vst v63  }
0x510: {  	_ =	swait.ge [sflag:s7], $0x6400  }
0x511: {  	[sflag:s7] =	ssyncset.done $0x0  }
0x512: {  	[sflag:s7] =	ssyncadd.s32 $0xFFFF9C00  }
0x513: {  	_ =	swait.ge [sflag:s23], $0x320  }
0x514: {  	[sflag:s23] =	ssyncset.done $0x0  }
0x515: {  	[sflag:s23] =	ssyncadd.s32 $0xFFFFFCE0  }
0x516: {  	[tilespmem:s9], [sflag:$0x8] =	stream.indirect.gather [hbm4b:s3+s11], $0x20, s15, s11, $0xb8;
	[tilespmem:$0x19C80] =	vst v63  }
0x517: {  	_ =	swait.ge [sflag:s20], $0x6400  }
0x518: {  	s0 =	sld [smem:$0x7FC]  }
0x519: {  	[sflag:s20] =	ssyncset.done $0x0  }
0x51a: {  	s1 =	sld [smem:$0x7FD];
	[sflag:s20] =	ssyncadd.s32 $0xFFFF9C00  }
0x51b: {  	[hbm4b:s0+s2] =	stream.linear.scatter [tilespmem:s16], [sflag:$0xA], $0x6400, $0x38;
	[tilespmem:$0x19C80] =	vst v63  }
0x51c: {  	_ = 	snop  }
0x51d: {  	[tilespmem:s11], [sflag:$0x2] =	stream.linear.gather [hbm4b:s1+s2], $0x320, $0x38;
	[tilespmem:$0x19C80] =	vst v63  }
0x51e: {  	_ =	swait.ge [sflag:s14], $0x6400  }
0x51f: {  	[sflag:s14] =	ssyncset.done $0x0  }
0x520: {  	[sflag:s14] =	ssyncadd.s32 $0xFFFF9C00  }
0x521: {  	_ =	swait.ge [sflag:s31], $0x320  }
0x522: {  	[sflag:s31] =	ssyncset.done $0x0  }
0x523: {  	[sflag:s31] =	ssyncadd.s32 $0xFFFFFCE0  }
0x524: {  	[tilespmem:s22], [sflag:$0x5] =	stream.indirect.gather [hbm4b:s3+s11], $0x20, s2, s11, $0xb8;
	[tilespmem:$0x19C80] =	vst v63  }
0x525: {  	_ =	swait.ge [sflag:s21], $0x6400  }
0x526: {  	[sflag:s21] =	ssyncset.done $0x0  }
0x527: {  	[sflag:s21] =	ssyncadd.s32 $0xFFFF9C00  }
0x528: {  	[hbm4b:s25+s2] =	stream.linear.scatter [tilespmem:s12], [sflag:$0xB], $0x6400, $0x38;
	[tilespmem:$0x19C80] =	vst v63  }
0x529: {  	_ = 	snop  }
0x52a: {  	[tilespmem:s24], [sflag:$0x3] =	stream.linear.gather [hbm4b:s26+s2], $0x320, $0x38;
	[tilespmem:$0x19C80] =	vst v63  }
0x52b: {  	_ =	swait.ge [sflag:s13], $0x6400  }
0x52c: {  	[sflag:s13] =	ssyncset.done $0x0  }
0x52d: {  	[sflag:s13] =	ssyncadd.s32 $0xFFFF9C00  }
0x52e: {  	_ =	swait.ge [sflag:s30], $0x320  }
0x52f: {  	[sflag:s30] =	ssyncset.done $0x0  }
0x530: {  	[sflag:s30] =	ssyncadd.s32 $0xFFFFFCE0  }
0x531: {  	[tilespmem:s16], [sflag:$0x6] =	stream.indirect.gather [hbm4b:s3+s11], $0x20, s11, s11, $0xb8;
	[tilespmem:$0x19C80] =	vst v63  }
0x532: {  	_ =	swait.ge [sflag:s17], $0x6400  }
0x533: {  	[sflag:s17] =	ssyncset.done $0x0  }
0x534: {  	[sflag:s17] =	ssyncadd.s32 $0xFFFF9C00  }
0x535: {  	[hbm4b:s18+s2] =	stream.linear.scatter [tilespmem:s9], [sflag:$0xC], $0x6400, $0x38;
	[tilespmem:$0x19C80] =	vst v63  }
0x536: {  	_ = 	snop  }
0x537: {  	[tilespmem:s15], [sflag:$0x4] =	stream.linear.gather [hbm4b:s19+s2], $0x320, $0x38;
	[tilespmem:$0x19C80] =	vst v63  }
0x538: {  	_ =	swait.ge [sflag:s10], $0x6400  }
0x539: {  	[sflag:s10] =	ssyncset.done $0x0  }
0x53a: {  	[sflag:s10] =	ssyncadd.s32 $0xFFFF9C00  }
0x53b: {  	_ =	swait.ge [sflag:s29], $0x320  }
0x53c: {  	[sflag:s29] =	ssyncset.done $0x0  }
0x53d: {  	[sflag:s29] =	ssyncadd.s32 $0xFFFFFCE0  }
0x53e: {  	[tilespmem:s12], [sflag:$0x7] =	stream.indirect.gather [hbm4b:s3+s11], $0x20, s24, s11, $0xb8;
	[tilespmem:$0x19C80] =	vst v63  }
0x53f: {  	_ =	swait.ge [sflag:s28], $0x6400  }
0x540: {  	[sflag:s28] =	ssyncset.done $0x0  }
0x541: {  	[sflag:s28] =	ssyncadd.s32 $0xFFFF9C00  }
0x542: {  	[hbm4b:s8+s2] =	stream.linear.scatter [tilespmem:s22], [sflag:$0x9], $0x6400, $0x38;
	[tilespmem:$0x19C80] =	vst v63  }
0x543: {  	_ =	swait.ge [sflag:s7], $0x6400  }
0x544: {  	[sflag:s7] =	ssyncset.done $0x0  }
0x545: {  	[sflag:s7] =	ssyncadd.s32 $0xFFFF9C00  }
0x546: {  	_ =	swait.ge [sflag:s23], $0x320  }
0x547: {  	[sflag:s23] =	ssyncset.done $0x0  }
0x548: {  	[sflag:s23] =	ssyncadd.s32 $0xFFFFFCE0  }
0x549: {  	[tilespmem:s9], [sflag:$0x8] =	stream.indirect.gather [hbm4b:s3+s11], $0x20, s15, s11, $0xb8;
	[tilespmem:$0x19C80] =	vst v63  }
0x54a: {  	_ =	swait.ge [sflag:s20], $0x6400  }
0x54b: {  	[sflag:s20] =	ssyncset.done $0x0  }
0x54c: {  	[sflag:s20] =	ssyncadd.s32 $0xFFFF9C00  }
0x54d: {  	[hbm4b:s6+s2] =	stream.linear.scatter [tilespmem:s16], [sflag:$0xA], $0x6400, $0x38;
	[tilespmem:$0x19C80] =	vst v63  }
0x54e: {  	_ =	swait.ge [sflag:s21], $0x6400  }
0x54f: {  	[sflag:s21] =	ssyncset.done $0x0  }
0x550: {  	[sflag:s21] =	ssyncadd.s32 $0xFFFF9C00  }
0x551: {  	[hbm4b:s5+s2] =	stream.linear.scatter [tilespmem:s12], [sflag:$0xB], $0x6400, $0x38;
	[tilespmem:$0x19C80] =	vst v63  }
0x552: {  	_ =	swait.ge [sflag:s17], $0x6400  }
0x553: {  	[sflag:s17] =	ssyncset.done $0x0  }
0x554: {  	[sflag:s17] =	ssyncadd.s32 $0xFFFF9C00  }
0x555: {  	[hbm4b:s4+s2] =	stream.linear.scatter [tilespmem:s9], [sflag:$0xC], $0x6400, $0x38;
	[tilespmem:$0x19C80] =	vst v63  }
0x556: {  	_ =	swait.ge [sflag:s14], $0x6400  }
0x557: {  	[sflag:s14] =	ssyncset.done $0x0  }
0x558: {  	[sflag:s14] =	ssyncadd.s32 $0xFFFF9C00  }
0x559: {  	_ =	swait.ge [sflag:s13], $0x6400  }
0x55a: {  	[sflag:s13] =	ssyncset.done $0x0  }
0x55b: {  	[sflag:s13] =	ssyncadd.s32 $0xFFFF9C00  }
0x55c: {  	_ =	swait.ge [sflag:s10], $0x6400  }
0x55d: {  	[sflag:s10] =	ssyncset.done $0x0  }
0x55e: {  	[sflag:s10] =	ssyncadd.s32 $0xFFFF9C00  }
0x55f: {  	_ =	swait.ge [sflag:s7], $0x6400  }
0x560: {  	[sflag:s7] =	ssyncset.done $0x0  }
0x561: {  	[sflag:s7] =	ssyncadd.s32 $0xFFFF9C00  }
0x562: {  	_ =	sfence.sel $0x180000  }
0x563: {  	[bflag:$0x0] =	sbarrier.arrive $0xFFFF  }
0x564: {  	_ =	strace $0x90000047  }
0x565: {  	s31 =	stileid.u32;
	[bflag:$0x2] =	sbarrier.arrive $0xFFFF  }
0x566: {  	p0 =	sne.s32 s31, $0x0;
	s0 =	rddreg [dreg:$0x2]  }
0x567: {  	s0 =	sadd.s32 @!p0 $0x100000, s0  }
0x568: {  	[sflag:s0] =	ssyncadd.tile.s32 @!p0 $0x1;
	_ =	shalt  }
.Lfunc_end2:
_tile_overlayer_lowered:
.L_overlay_start_2:
0x569: {  	(tag) =	ssettag $0x2  }
0x56a: {  	s0 =	rddreg [dreg:$0x0];
	s2 =	stileid.u32  }
0x56b: {  	s1 =	rddreg [dreg:$0x1];
	p0 =	sne.s32 s2, $0x0  }
0x56c: {  	s3 =	rddreg [dreg:$0x2];
	[bflag:$0x3] =	sbarrier.arrive $0xFFFF;
	s2 =	simm.s32 @!p0 $0x1C0D  }
0x56d: {  	[timem:s3], [sflag:s2] =	dma.local @!p0 [hbm:s0], s1  }
0x56e: {  	s0 =	simm.s32 @!p0 $0xD  }
0x56f: {  	_ =	swait.ge @!p0 [sflag:s0], s1  }
0x570: {  	s1 =	ssub.s32 @!p0 $0x0, s1;
	[sflag:s0] =	ssyncset.done @!p0 $0x0  }
0x571: {  	[sflag:s0] =	ssyncadd.s32 @!p0 s1  }
0x572: {  	[bflag:$0x3] =	sbarrier.arrive $0xFFFF  }
0x573: {  	_ =	shalt  }

// kernel: sparse-core-data-format-call.1.cloned.1.call-start
scs
called_computation.1_lowered:
.L_overlay_start_0:
0x0: {  	s2 =	sld [smem:$0x3FD9]  }
0x1: {  	s3 =	sld [smem:$0x3FFE];
	_ =	sdelay $0x1  }
0x2: {  	s1 =	srdreg.scid  }
0x3: {  	s0 =	sand.u32 $0x1, s1  }
0x4: {  	s18 =	sshll.u32 s0, $0xA;
	s2 =	sadd.s32 s3, s2  }
0x5: {  	s2 =	sadd.s32 s2, s18  }
0x6: {  	[smem:$0x3FC6] =	sst s2  }
0x7: {  	_ = 	snop  }
0x8: {  	s2 =	sld [smem:$0x3FD0];
	(tm) =	ssettm $0x1  }
0x9: {  	s19 =	sld [smem:$0x3FFB];
	_ =	sdelay $0x3  }
0xa: {  	_ =	strace s19  }
0xb: {  	s3 =	sld [smem:$0x3FFC];
	_ =	sdelay $0x3  }
0xc: {  	_ =	strace s3  }
0xd: {  	s3 =	sld [smem:$0x3FFD];
	_ =	sdelay $0x3  }
0xe: {  	_ =	strace s3  }
0xf: {  	_ =	strace $0x8FFFFFFF  }
0x10: {  	s20 =	sld [smem:$0x3FDB];
	_ =	sdelay $0x1  }
0x11: {  	s4 =	simm.s32 $_scs_section_size  }
0x12: {  	s5 =	simm.s32 $_size__tile_overlayer_lowered;
	s6 =	simm.s32 $_tile_overlayer_lowered  }
0x13: {  	s23 =	simm.s32 $0x1BFF;
	s22 =	sshll.u32 s6, $0x1;
	s3 =	sadd.s32 s4, s20  }
0x14: {  	s7 =	simm.s32 $0x0;
	s21 =	sshll.u32 s5, $0x1;
	s5 =	sadd.s32 s22, s3  }
0x15: {  	[timem:s7], [sflag:s23] =	dma.local [hbm:s5], s21  }
0x16: {  	_ =	swait.ge [sflag:s23], s21  }
0x17: {  	s4 =	ssub.s32 $0x0, s21;
	[sflag:s23] =	ssyncset.done $0x0  }
0x18: {  	[sflag:s23] =	ssyncadd.s32 s4;
	_ =	sdelay $0x1  }
0x19: {  	s24 =	simm.s32 $0x1B8B  }
0x1a: {  	_ =	swait.ge [sflag:s24], $0x1  }
0x1b: {  	[sflag:s24] =	ssyncset.done $0x0  }
0x1c: {  	s26 =	simm.s32 $0x1B8E;
	s25 =	sld [smem:$0x3FFE];
	[sflag:s24] =	ssyncadd.s32 $0xFFFFFFFF  }
0x1d: {  	s27 =	simm.s32 $execute0_lowered;
	[smem:$0x3FD2] =	sst s26  }
0x1e: {  	s5 =	sshll.u32 s27, $0x1;
	_ =	strace $0x80000049;
	[dreg:$0x1] =	wrdreg $0xFFFFFFFF  }
0x1f: {  	s28 =	simm.s32 $_size_execute0_lowered;
	s3 =	sadd.s32 s3, s5;
	[dreg:$0x0] =	wrdreg $0x0  }
0x20: {  	s5 =	sshll.u32 s28, $0x1;
	[dreg:$0x2] =	wrdreg s3  }
0x21: {  	[dreg:$0x3] =	wrdreg s5  }
0x22: {  	[dreg:$0x4] =	wrdreg $0xC0  }
0x23: {  	_ =	task [dreg:s7], $0x5FFFF  }
0x24: {  	[dreg:$0x1] =	wrdreg $0xFFFFFFFF  }
0x25: {  	[dreg:$0x0] =	wrdreg $0x60  }
0x26: {  	[dreg:$0x2] =	wrdreg s25  }
0x27: {  	[dreg:$0x3] =	wrdreg s2  }
0x28: {  	[dreg:$0x4] =	wrdreg $0x9  }
0x29: {  	_ =	task.clear_ibuf [dreg:s7], $0x5FFFF;
	_ =	strace $0x90000049  }
0x2a: {  	s29 =	simm.s32 $0x9;
	_ =	strace $0x8000004B  }
0x2b: {  	_ =	swait.ge [sflag:s29], $0x1  }
0x2c: {  	[sflag:s29] =	ssyncadd.s32 $0xFFFFFFFF  }
0x2d: {  	_ =	strace $0x9000004B  }
0x2e: {  	_ =	sfence  }
0x2f: {  	s30 =	sld [smem:$0x0];
	_ =	sdelay $0x2  }
0x30: {  	s31 =	sshll.u32 s1, $0xD;
	s1 =	sshrl.u32 s1, $0x2  }
0x31: {  	s3 =	sand.u32 $0x4000, s31;
	s1 =	sadd.s32 s1, s30  }
0x32: {  	s0 =	sor.u32 s3, s0;
	s1 =	sshll.u32 s1, $0x11  }
0x33: {  	s0 =	sor.u32 s1, s0  }
0x34: {  	s0 =	sadd.s32 $0x8F2B, s0  }
0x35: {  	[sflag:s0] =	ssyncadd.remote.s32 $0x1  }
0x36: {  	_ =	sfence.sel $0xFFFF  }
0x37: {  	[dreg:$0x0] =	wrdreg $0xFFFFFFFF;
	(pc) =	sbr.abs _section_cstart, $3  }
0x38: {  	[dreg:$0x1] =	wrdreg $0xFFFFFFFF  }
0x39: {  	_ =	task.clear_ibuf [dreg:s7], $0x2FFFF;
	_ =	strace $0x9FFFFFFF  }
0x3a: {  	(tm) =	ssettm $0x7FFFFFFF  }
0x3b: {  	_ =	shalt  }
tec
execute0_lowered:
.L_overlay_start_1:
0x0: {  	(tag) =	ssettag $0x1  }
0x1: {  	s0 =	srdreg.scid  }
0x2: {  	s1 =	sshll.u32 s0, $0x4  }
0x3: {  	s4 =	rddreg [dreg:$0x0];
	s0 =	stileid.u32;
	s1 =	sand.u32 $0x10, s1  }
0x4: {  	s2 =	rddreg [dreg:$0x1];
	s7 =	simm.s32 $0x1;
	s1 =	sor.u32 s0, s1  }
0x5: {  	s8 =	simm.s32 $0x2;
	s11 =	simm.s32 $0x0;
	s3 =	sshll.u32 s1, $0x7  }
0x6: {  	s10 =	simm.s32 $0x0;
	s4 =	sadd.s32 $0xE00, s4;
	s6 =	ssub.s32 $0xC8000, s3  }
.Ltmp0:
0x7: {  	s1 =	rddreg [dreg:$0x2];
	s5 =	sand.u32 $0xF80, s6;
	(pc) =	sbr.rel .LBB1_1-.Ltmp0, $4  }
0x8: {  	_ =	strace $0x8000004A;
	s9 =	smov.u32 s3;
	p0 =	sne.s32 s5, $0x0  }
0x9: {  	s6 =	sshrl.u32 s6, $0xC;
	s5 =	simm.s32 $0x1;
	s7 =	simm.s32 @!p0 $0x0  }
0xa: {  	[sflag:s5] =	ssyncpa.u1 $0x0;
	p0 =	por $0x0, $0x0;
	s6 =	sadd.s32 s7, s6  }
0xb: {  	[sflag:s8] =	ssyncpa.u1 $0x0;
	s8 =	simm.s32 $0x640000;
	s7 =	sadd.s32 $0x1, s6  }
.LBB1_4:
0xc: {  	s14 =	sshll.u32 s11, $0x3  }
0xd: {  	s30 =	sand.u32 $0x7F, s11;
	s15 =	sand.u32 $0xFFFFFC00, s14  }
0xe: {  	s11 =	sor.u32 s30, s15  }
0xf: {  	s15 =	smulhi.u32 $0x51EB851F, s11  }
0x10: {  	s14 =	smulhi.u32 $0x51EB851F, s14  }
0x11: {  	s15 =	sshrl.u32 s15, $0x12  }
0x12: {  	s14 =	sshrl.u32 s14, $0x12;
	s15 =	smul.u32 $0xC8000, s15  }
0x13: {  	s14 =	sand.u32 $0x1F, s14  }
0x14: {  	s14 =	smul.u32 $0x19000, s14;
	s11 =	ssub.s32 s11, s15  }
0x15: {  	s15 =	sand.u32 $0x7, s11  }
0x16: {  	s14 =	sadd.s32 s2, s14;
	s11 =	sshrl.u32 s11, $0x3;
	s15 =	sshll.u32 s15, $0x12  }
0x17: {  	[tilespmem:s13+$0x0 ss:$0x81] =	vst.msk $0xffff, v0;
	s11 =	sadd.s32 s11, s14;
	s31 =	sor.u32 $0x400, s15  }
0x18: {  	[hbm4b:s11+s31] =	stream.strided.scatter [tilespmem:s12], [sflag:$0x2], $0x1000, s8, s31, $0x20;
	[tilespmem:$0x4040] =	vst v63  }
.LBB1_5:
0x19: {  	s13 =	sadd.s32 $0x1000, s9  }
0x1a: {  	p2 =	sgt.s32 s13, $0xC7FFF  }
0x1b: {  	s13 =	smov.u32 @p2 s3;
	p2 =	sne.s32 s10, s7  }
.Ltmp1:
0x1c: {  	p1 =	slt.u32 s10, $0x2;
	(pc) =	sbr.rel @!p2 .LBB1_6-.Ltmp1, $4  }
0x1d: {  	s12 =	simm.s32 @!p1 $0x2  }
0x1e: {  	s14 =	sadd.s32 $0x1, s10;
	_ =	swait.ge @!p1 [sflag:s12], $0x1000  }
0x1f: {  	s11 =	smov.u32 s9;
	p0 =	por !p0, !p0;
	[sflag:s12] =	ssyncset.done @!p1 $0x0  }
0x20: {  	s10 =	smov.u32 s14;
	s9 =	smov.u32 s13;
	[sflag:s12] =	ssyncadd.s32 @!p1 $0xFFFFF000  }
.LBB1_1:
0x21: {  	p1 =	sge.u32 s10, s6  }
0x22: {  	s12 =	sand.u32 @!p1 $0x1FFFFFF, s9  }
0x23: {  	s13 =	smulhi.u32 @!p1 $0x147AE15, s12;
	_ =	sdelay $0x1  }
0x24: {  	s13 =	sshrl.u32 @!p1 s13, $0xC  }
0x25: {  	s13 =	smul.u32 @!p1 $0xC8000, s13;
	_ =	sdelay $0x1  }
0x26: {  	s31 =	sadd.s32 $0xFFFFFFFF, s10;
	s14 =	sxor.u32 @!p1 $0xFFFFFFFF, s10;
	s12 =	ssub.s32 @!p1 s12, s13  }
0x27: {  	s15 =	simm.s32 @!p1 $0x80;
	s14 =	sshll.u32 @!p1 s14, $0xC;
	s12 =	sshll.u32 @!p1 s12, $0x4  }
0x28: {  	s13 =	sand.u32 @!p1 $0x1000, s14;
	s14 =	simm.s32 @!p1 $0x20;
	s12 =	sadd.s32 @!p1 s4, s12  }
0x29: {  	[tilespmem:s13], [sflag:$0x1] =	stream.strided.gather @!p1 [hbm4b:s12+s14], $0x1000, s15, s14, $0x38;
	[tilespmem:$0x4040] =	vst v63  }
0x2a: {  	p1 =	sge.u32 s31, s6  }
.Ltmp2:
0x2b: {  	_ = 	snop;
	(pc) =	sbr.rel @p1 .LBB1_5-.Ltmp2, $1  }
0x2c: {  	_ =	sdelay $0x3  }
0x2d: {  	s12 =	simm.s32 $0x1  }
0x2e: {  	_ =	swait.ge [sflag:s5], $0x1000;
	s12 =	simm.s32 @!p0 $0x0  }
0x2f: {  	[sflag:s5] =	ssyncset.done $0x0;
	s13 =	sshll.u32 s12, $0xC  }
0x30: {  	[sflag:s5] =	ssyncadd.s32 $0xFFFFF000;
	s16 =	sor.u32 $0x10, s13  }
0x31: {  	s12 =	smul.u32 $0x4080, s12;
	v1 =	vld [tilespmem:s16+$0x0]  }
0x32: {  	s30 =	sand.u32 $0x1, s10;
	v0 =	vld [tilespmem:s16+$0xFFFFFFF0]  }
0x33: {  	s13 =	smul.u32 $0x4080, s30;
	s12 =	sshrl.u32 s12, $0x2  }
0x34: {  	s14 =	sor.u32 $0x2000, s12  }
0x35: {  	s31 =	sshrl.u32 s13, $0x2;
	s13 =	sadd.s32 $0x0, s14  }
0x36: {  	s15 =	simm.s32 $0x4;
	s16 =	sadd.s32 $0x20, s16;
	s12 =	sor.u32 $0x2000, s31;
	[tilespmem:s13+$0x810 ss:$0x81] =	vst.msk $0xffff, v1  }
.LBB1_3:
0x37: {  	v1 =	vld [tilespmem:s16+$0x0];
	p1 =	sne.s32 s15, $0x1FC;
	[tilespmem:s13+$0x0 ss:$0x81] =	vst.msk $0xffff, v0;
	s13 =	smov.u32 s15;
	s15 =	sadd.s32 $0x4, s15  }
.Ltmp3:
0x38: {  	v0 =	vld [tilespmem:s16+$0xFFFFFFF0];
	(pc) =	sbr.rel @p1 .LBB1_3-.Ltmp3, $4  }
0x39: {  	_ = 	snop  }
0x3a: {  	s13 =	sshra.s32 s13, $0x2  }
0x3b: {  	s13 =	sadd.s32 s13, s14  }
0x3c: {  	s16 =	sadd.s32 $0x20, s16;
	[tilespmem:s13+$0x810 ss:$0x81] =	vst.msk $0xffff, v1  }
.Ltmp4:
0x3d: {  	_ = 	snop;
	(pc) =	sbr.rel .LBB1_4-.Ltmp4, $1  }
0x3e: {  	_ =	sdelay $0x3  }
.LBB1_6:
0x3f: {  	_ =	sfence.sel $0x180000  }
0x40: {  	s2 =	simm.s32 $0x1;
	[bflag:$0x0] =	sbarrier.arrive $0xFFFF  }
0x41: {  	s31 =	simm.s32 $0x2;
	[sflag:s2] =	ssyncpa.u1 $0x1  }
0x42: {  	[sflag:s31] =	ssyncpa.u1 $0x1  }
0x43: {  	p0 =	sne.s32 s0, $0x0;
	_ =	strace $0x9000004A  }
0x44: {  	s0 =	sadd.s32 @!p0 $0x100000, s1;
	[bflag:$0x2] =	sbarrier.arrive $0xFFFF  }
0x45: {  	[sflag:s0] =	ssyncadd.tile.s32 @!p0 $0x1;
	_ =	shalt  }
.Lfunc_end1:
_tile_overlayer_lowered:
.L_overlay_start_2:
0x46: {  	(tag) =	ssettag $0x2  }
0x47: {  	s0 =	rddreg [dreg:$0x0];
	s2 =	stileid.u32  }
0x48: {  	s1 =	rddreg [dreg:$0x1];
	p0 =	sne.s32 s2, $0x0  }
0x49: {  	s3 =	rddreg [dreg:$0x2];
	[bflag:$0x3] =	sbarrier.arrive $0xFFFF;
	s2 =	simm.s32 @!p0 $0x1C01  }
0x4a: {  	[timem:s3], [sflag:s2] =	dma.local @!p0 [hbm:s0], s1  }
0x4b: {  	s0 =	simm.s32 @!p0 $0x1  }
0x4c: {  	_ =	swait.ge @!p0 [sflag:s0], s1  }
0x4d: {  	s1 =	ssub.s32 @!p0 $0x0, s1;
	[sflag:s0] =	ssyncset.done @!p0 $0x0  }
0x4e: {  	[sflag:s0] =	ssyncadd.s32 @!p0 s1  }
0x4f: {  	[bflag:$0x3] =	sbarrier.arrive $0xFFFF  }
0x50: {  	_ =	shalt  }

// kernel: sparse-core-data-format-call.cloned.1.call-start
scs
called_computation_lowered:
.L_overlay_start_0:
0x0: {  	s2 =	sld [smem:$0x3FD9]  }
0x1: {  	s3 =	sld [smem:$0x3FFE];
	_ =	sdelay $0x1  }
0x2: {  	s1 =	srdreg.scid  }
0x3: {  	s0 =	sand.u32 $0x1, s1  }
0x4: {  	s18 =	sshll.u32 s0, $0xA;
	s2 =	sadd.s32 s3, s2  }
0x5: {  	s2 =	sadd.s32 s2, s18  }
0x6: {  	[smem:$0x3FC6] =	sst s2  }
0x7: {  	_ = 	snop  }
0x8: {  	s2 =	sld [smem:$0x3FD0];
	(tm) =	ssettm $0x1  }
0x9: {  	s19 =	sld [smem:$0x3FFB];
	_ =	sdelay $0x3  }
0xa: {  	_ =	strace s19  }
0xb: {  	s3 =	sld [smem:$0x3FFC];
	_ =	sdelay $0x3  }
0xc: {  	_ =	strace s3  }
0xd: {  	s3 =	sld [smem:$0x3FFD];
	_ =	sdelay $0x3  }
0xe: {  	_ =	strace s3  }
0xf: {  	_ =	strace $0x8FFFFFFF  }
0x10: {  	s20 =	sld [smem:$0x3FDB];
	_ =	sdelay $0x1  }
0x11: {  	s4 =	simm.s32 $_scs_section_size  }
0x12: {  	s5 =	simm.s32 $_size__tile_overlayer_lowered;
	s6 =	simm.s32 $_tile_overlayer_lowered  }
0x13: {  	s23 =	simm.s32 $0x1BFF;
	s22 =	sshll.u32 s6, $0x1;
	s3 =	sadd.s32 s4, s20  }
0x14: {  	s7 =	simm.s32 $0x0;
	s21 =	sshll.u32 s5, $0x1;
	s5 =	sadd.s32 s22, s3  }
0x15: {  	[timem:s7], [sflag:s23] =	dma.local [hbm:s5], s21  }
0x16: {  	_ =	swait.ge [sflag:s23], s21  }
0x17: {  	s4 =	ssub.s32 $0x0, s21;
	[sflag:s23] =	ssyncset.done $0x0  }
0x18: {  	[sflag:s23] =	ssyncadd.s32 s4;
	_ =	sdelay $0x1  }
0x19: {  	s24 =	simm.s32 $0x1B8B  }
0x1a: {  	_ =	swait.ge [sflag:s24], $0x1  }
0x1b: {  	[sflag:s24] =	ssyncset.done $0x0  }
0x1c: {  	s26 =	simm.s32 $0x1B8E;
	s25 =	sld [smem:$0x3FFE];
	[sflag:s24] =	ssyncadd.s32 $0xFFFFFFFF  }
0x1d: {  	s27 =	simm.s32 $execute0_lowered;
	[smem:$0x3FD2] =	sst s26  }
0x1e: {  	s5 =	sshll.u32 s27, $0x1;
	_ =	strace $0x8000004C;
	[dreg:$0x1] =	wrdreg $0xFFFFFFFF  }
0x1f: {  	s28 =	simm.s32 $_size_execute0_lowered;
	s3 =	sadd.s32 s3, s5;
	[dreg:$0x0] =	wrdreg $0x0  }
0x20: {  	s5 =	sshll.u32 s28, $0x1;
	[dreg:$0x2] =	wrdreg s3  }
0x21: {  	[dreg:$0x3] =	wrdreg s5  }
0x22: {  	[dreg:$0x4] =	wrdreg $0xC0  }
0x23: {  	_ =	task [dreg:s7], $0x5FFFF  }
0x24: {  	[dreg:$0x1] =	wrdreg $0xFFFFFFFF  }
0x25: {  	[dreg:$0x0] =	wrdreg $0x60  }
0x26: {  	[dreg:$0x2] =	wrdreg s25  }
0x27: {  	[dreg:$0x3] =	wrdreg s2  }
0x28: {  	[dreg:$0x4] =	wrdreg $0x9  }
0x29: {  	_ =	task.clear_ibuf [dreg:s7], $0x5FFFF;
	_ =	strace $0x9000004C  }
0x2a: {  	s29 =	simm.s32 $0x9;
	_ =	strace $0x8000004E  }
0x2b: {  	_ =	swait.ge [sflag:s29], $0x1  }
0x2c: {  	[sflag:s29] =	ssyncadd.s32 $0xFFFFFFFF  }
0x2d: {  	_ =	strace $0x9000004E  }
0x2e: {  	_ =	sfence  }
0x2f: {  	s30 =	sld [smem:$0x0];
	_ =	sdelay $0x2  }
0x30: {  	s31 =	sshll.u32 s1, $0xD;
	s1 =	sshrl.u32 s1, $0x2  }
0x31: {  	s3 =	sand.u32 $0x4000, s31;
	s1 =	sadd.s32 s1, s30  }
0x32: {  	s0 =	sor.u32 s3, s0;
	s1 =	sshll.u32 s1, $0x11  }
0x33: {  	s0 =	sor.u32 s1, s0  }
0x34: {  	s0 =	sadd.s32 $0x8F2B, s0  }
0x35: {  	[sflag:s0] =	ssyncadd.remote.s32 $0x1  }
0x36: {  	_ =	sfence.sel $0xFFFF  }
0x37: {  	[dreg:$0x0] =	wrdreg $0xFFFFFFFF;
	(pc) =	sbr.abs _section_cstart, $3  }
0x38: {  	[dreg:$0x1] =	wrdreg $0xFFFFFFFF  }
0x39: {  	_ =	task.clear_ibuf [dreg:s7], $0x2FFFF;
	_ =	strace $0x9FFFFFFF  }
0x3a: {  	(tm) =	ssettm $0x7FFFFFFF  }
0x3b: {  	_ =	shalt  }
tec
execute0_lowered:
.L_overlay_start_1:
0x0: {  	(tag) =	ssettag $0x1  }
0x1: {  	s8 =	rddreg [dreg:$0x0]  }
0x2: {  	s2 =	rddreg [dreg:$0x1];
	s1 =	stileid.u32  }
0x3: {  	s4 =	srdreg.scid;
	s0 =	rddreg [dreg:$0x2];
	_ =	strace $0x8000004D  }
0x4: {  	s9 =	simm.s32 $0x1;
	s31 =	simm.s32 $0x2;
	s16 =	simm.s32 $0x0  }
0x5: {  	s17 =	simm.s32 $0x0;
	s11 =	simm.s32 $0x0;
	s12 =	simm.s32 $0x0  }
0x6: {  	s15 =	simm.s32 $0x0;
	s3 =	sshll.u32 s1, $0x1;
	s4 =	sshll.u32 s4, $0x7  }
0x7: {  	s4 =	sand.u32 $0x80, s4;
	s5 =	ssub.s32 $0x20, s3;
	s14 =	smov.u32 s3  }
0x8: {  	s6 =	sshrl.u32 s5, $0x5;
	s5 =	sand.u32 $0x1E, s5;
	s7 =	ssub.s32 $0x4000, s4  }
0x9: {  	p0 =	sne.s32 s5, $0x0;
	s30 =	sshrl.u32 s7, $0x7;
	s7 =	sshrl.u32 s7, $0x8  }
.Ltmp0:
0xa: {  	s9 =	simm.s32 @!p0 $0x0;
	s10 =	sand.u32 $0x1, s30;
	(pc) =	sbr.rel .LBB1_1-.Ltmp0, $4  }
0xb: {  	s5 =	simm.s32 $0x1;
	s6 =	sadd.s32 s9, s6;
	s7 =	sadd.s32 s7, s10  }
0xc: {  	s13 =	smov.u32 s4;
	[sflag:s5] =	ssyncpa.u1 $0x0;
	s6 =	smul.u32 s6, s7  }
0xd: {  	p0 =	por $0x0, $0x0;
	[sflag:s31] =	ssyncpa.u1 $0x0;
	s10 =	simm.s32 $0x80000  }
0xe: {  	s7 =	sadd.s32 $0xE00, s8;
	s8 =	sadd.s32 $0x40E00, s8;
	s9 =	sadd.s32 $0x1, s6  }
.LBB1_7:
0xf: {  	p1 =	slt.u32 s15, $0x2  }
0x10: {  	s19 =	smov.u32 s17;
	p2 =	sgt.s32 @!p1 s17, $0x1E;
	s18 =	sshra.s32 @!p1 s17, $0x1F  }
0x11: {  	p3 =	sgt.s32 @!p1 s16, $0x3F80;
	s20 =	sshra.s32 @!p1 s16, $0x1F;
	p2 =	por !p2, p1  }
0x12: {  	s17 =	sand.u32 @!p1 s18, s17;
	p3 =	por !p3, p1;
	s18 =	smov.u32 s16  }
0x13: {  	s16 =	sand.u32 @!p1 s20, s16;
	s19 =	simm.s32 @p2 $0x1E;
	s18 =	simm.s32 @p3 $0x3F80  }
0x14: {  	s20 =	smov.u32 s14;
	s17 =	ssub.s32 @!p1 s19, s17;
	s16 =	ssub.s32 @!p1 s18, s16  }
0x15: {  	s18 =	sadd.s32 @!p1 $0xFFFFFFE2, s17;
	s17 =	ssub.s32 @!p1 $0x20, s17;
	s19 =	sadd.s32 @!p1 $0xFFFFC080, s16  }
0x16: {  	p2 =	sgt.s32 @!p1 s18, $0x1;
	s17 =	smul.u32 @!p1 $0x32, s17;
	p3 =	sgt.s32 @!p1 s19, $0x7F  }
0x17: {  	s16 =	ssub.s32 @!p1 $0x4000, s16;
	p2 =	por !p2, p1;
	p3 =	por !p3, p1  }
0x18: {  	s18 =	sadd.s32 $0x100, s13;
	s17 =	simm.s32 @!p2 $0x0;
	s16 =	simm.s32 @!p3 $0x0  }
0x19: {  	p2 =	sgt.s32 s18, $0x3FFF;
	s16 =	smul.u32 @!p1 s16, s17;
	s17 =	sadd.s32 $0x20, s14  }
0x1a: {  	s20 =	smov.u32 @p2 s17  }
0x1b: {  	s18 =	smov.u32 @p2 s4;
	p2 =	sgt.s32 s20, $0x1F  }
0x1c: {  	s20 =	smov.u32 @p2 s3;
	p2 =	sne.s32 s15, s9  }
.Ltmp1:
0x1d: {  	p0 =	por !p0, !p0;
	s19 =	simm.s32 @!p1 $0x2;
	(pc) =	sbr.rel @!p2 .LBB1_8-.Ltmp1, $4  }
0x1e: {  	s17 =	smov.u32 s12;
	s12 =	smov.u32 s14;
	s16 =	sand.u32 @!p1 $0x3FFFFFFE, s16  }
0x1f: {  	_ =	swait.ge @!p1 [sflag:s19], s16;
	s21 =	ssub.s32 @!p1 $0x0, s16;
	s16 =	smov.u32 s11  }
0x20: {  	s15 =	sadd.s32 $0x1, s15;
	s11 =	smov.u32 s13;
	[sflag:s19] =	ssyncset.done @!p1 $0x0  }
0x21: {  	s13 =	smov.u32 s18;
	s14 =	smov.u32 s20;
	[sflag:s19] =	ssyncadd.s32 @!p1 s21  }
.LBB1_1:
0x22: {  	p1 =	sge.u32 s15, s6  }
0x23: {  	s18 =	sxor.u32 @!p1 $0xFFFFFFFF, s15;
	s19 =	sshll.u32 @!p1 s14, $0x12  }
0x24: {  	s20 =	sshll.u32 @!p1 s13, $0x4;
	s22 =	simm.s32 @!p1 $0x40;
	s23 =	simm.s32 @!p1 $0x80  }
0x25: {  	s18 =	sshll.u32 @!p1 s18, $0xE;
	s20 =	sand.u32 @!p1 $0x3FFF0, s20;
	s21 =	sadd.s32 @!p1 s7, s19  }
0x26: {  	s19 =	sadd.s32 @!p1 s19, s8;
	s18 =	sand.u32 @!p1 $0x4000, s18;
	s21 =	sadd.s32 @!p1 s20, s21  }
0x27: {  	[tilespmem:s18], [sflag:$0x1] =	stream.strided.gather @!p1 [hbm4b:s21+s22], $0x2000, s23, s22, $0x38;
	[tilespmem:$0x10100] =	vst v63  }
0x28: {  	s31 =	sadd.s32 $0xFFFFFFFF, s15;
	s19 =	sadd.s32 @!p1 s20, s19;
	s18 =	sor.u32 @!p1 $0x2000, s18  }
0x29: {  	[tilespmem:s18], [sflag:$0x1] =	stream.strided.gather @!p1 [hbm4b:s19+s22], $0x2000, s23, s22, $0x38;
	[tilespmem:$0x10100] =	vst v63  }
0x2a: {  	p1 =	sge.u32 s31, s6  }
.Ltmp2:
0x2b: {  	_ = 	snop;
	(pc) =	sbr.rel @p1 .LBB1_7-.Ltmp2, $1  }
0x2c: {  	_ =	sdelay $0x3  }
0x2d: {  	s18 =	simm.s32 $0x1;
	s20 =	sand.u32 $0x1, s15  }
0x2e: {  	_ =	swait.ge [sflag:s5], $0x4000;
	s18 =	simm.s32 @!p0 $0x0;
	s20 =	smul.u32 $0x10200, s20  }
0x2f: {  	p2 =	por $0x1, $0x1;
	[sflag:s5] =	ssyncset.done $0x0;
	s19 =	smul.u32 $0x10200, s18  }
0x30: {  	s21 =	sshll.u32 s18, $0x10;
	[sflag:s5] =	ssyncadd.s32 $0xFFFFC000;
	s30 =	sshrl.u32 s20, $0x2  }
0x31: {  	s31 =	sshrl.u32 s21, $0x2;
	s21 =	simm.s32 $0x0;
	s19 =	sshrl.u32 s19, $0x2  }
0x32: {  	s18 =	sor.u32 $0x8000, s30;
	s20 =	sadd.s32 $0x20, s31;
	s19 =	sor.u32 $0x8000, s19  }
.LBB1_3:
0x33: {  	s22 =	sshll.u32 s21, $0xD  }
0x34: {  	s22 =	sand.u32 $0x3FFFE000, s22  }
0x35: {  	s24 =	sadd.s32 s22, s20  }
0x36: {  	s31 =	smul.u32 $0x204, s21;
	v3 =	vld [tilespmem:s24+$0x10]  }
0x37: {  	v1 =	vld [tilespmem:s24+$0xFFFFFFF0]  }
0x38: {  	s21 =	sshra.s32 s31, $0x2;
	v0 =	vld [tilespmem:s24+$0x0]  }
0x39: {  	s21 =	sadd.s32 s21, s19;
	v2 =	vld [tilespmem:s24+$0xFFFFFFE0]  }
0x3a: {  	s22 =	sadd.s32 $0x0, s21  }
0x3b: {  	p1 =	por p2, p2;
	s23 =	simm.s32 $0x4;
	s24 =	sadd.s32 $0x40, s24;
	[tilespmem:s22+$0x3060 ss:$0x102] =	vst.msk $0xffff, v3  }
.LBB1_4:
0x3c: {  	v3 =	vld [tilespmem:s24+$0x10];
	p2 =	sne.s32 s23, $0x1FC;
	[tilespmem:s22+$0x1020 ss:$0x102] =	vst.msk $0xffff, v1;
	s25 =	smov.u32 s23;
	s23 =	sadd.s32 $0x4, s23  }
.Ltmp3:
0x3d: {  	v1 =	vld [tilespmem:s24+$0xFFFFFFF0];
	[tilespmem:s22+$0x2040 ss:$0x102] =	vst.msk $0xffff, v0;
	(pc) =	sbr.rel @p2 .LBB1_4-.Ltmp3, $4  }
0x3e: {  	v0 =	vld [tilespmem:s24+$0x0];
	[tilespmem:s22+$0x0 ss:$0x102] =	vst.msk $0xffff, v2  }
0x3f: {  	s22 =	sshra.s32 s25, $0x2;
	v2 =	vld [tilespmem:s24+$0xFFFFFFE0]  }
0x40: {  	s22 =	sadd.s32 s22, s21  }
0x41: {  	s24 =	sadd.s32 $0x40, s24;
	[tilespmem:s22+$0x3060 ss:$0x102] =	vst.msk $0xffff, v3  }
.Ltmp4:
0x42: {  	(pc) =	sbr.rel @p1 .LBB1_3-.Ltmp4, $4  }
0x43: {  	_ = 	snop  }
0x44: {  	[tilespmem:s22+$0x1020 ss:$0x102] =	vst.msk $0xffff, v1  }
0x45: {  	[tilespmem:s22+$0x2040 ss:$0x102] =	vst.msk $0xffff, v0  }
0x46: {  	s21 =	simm.s32 $0x1;
	p2 =	por $0x0, $0x0;
	[tilespmem:s22+$0x0 ss:$0x102] =	vst.msk $0xffff, v2  }
0x47: {  	s19 =	sand.u32 $0x78, s11;
	p1 =	sgt.s32 s12, $0x1E;
	s20 =	smov.u32 s12  }
0x48: {  	s21 =	sshra.s32 s12, $0x1F;
	s22 =	sshll.u32 s12, $0xE;
	s23 =	sshll.u32 s11, $0x3  }
0x49: {  	s30 =	sshra.s32 s11, $0x1F;
	s25 =	sshll.u32 s12, $0x7;
	s20 =	simm.s32 @!p1 $0x1E  }
0x4a: {  	s21 =	sand.u32 s21, s12;
	s22 =	sand.u32 $0x60000, s22;
	p1 =	sgt.s32 s11, $0x3F80  }
0x4b: {  	s25 =	sand.u32 $0x380, s25;
	s20 =	ssub.s32 s20, s21;
	s21 =	smov.u32 s11  }
0x4c: {  	s22 =	sadd.s32 s22, s23;
	s24 =	sadd.s32 $0xFFFFFFE2, s20;
	s21 =	simm.s32 @!p1 $0x3F80  }
0x4d: {  	s20 =	ssub.s32 $0x20, s20;
	p1 =	sgt.s32 s24, $0x1;
	s24 =	sand.u32 s30, s11  }
0x4e: {  	s23 =	sand.u32 $0x3C00, s23;
	s20 =	smul.u32 $0x32, s20;
	s21 =	ssub.s32 s21, s24  }
0x4f: {  	s19 =	sor.u32 s25, s19;
	s22 =	sand.u32 $0x7C000, s22;
	s24 =	sadd.s32 $0xFFFFC080, s21  }
0x50: {  	s20 =	simm.s32 @p1 $0x0;
	s21 =	ssub.s32 $0x4000, s21;
	p1 =	sgt.s32 s24, $0x7F  }
.Ltmp5:
0x51: {  	s19 =	sor.u32 s23, s19;
	s21 =	simm.s32 @p1 $0x0;
	(pc) =	sbr.rel .LBB1_7-.Ltmp5, $4  }
0x52: {  	s31 =	sand.u32 $0x7, s11;
	s19 =	sor.u32 s22, s19;
	s20 =	smul.u32 s21, s20  }
0x53: {  	s19 =	sshrl.u32 s19, $0x3;
	s21 =	sshll.u32 s31, $0x12  }
0x54: {  	s19 =	sadd.s32 s2, s19;
	s21 =	sor.u32 $0x100, s21;
	s20 =	sand.u32 $0x3FFFFFFE, s20  }
0x55: {  	[hbm4b:s19+s21] =	stream.strided.scatter [tilespmem:s18], [sflag:$0x2], s20, s10, s21, $0x20;
	[tilespmem:$0x10100] =	vst v63  }
.LBB1_8:
0x56: {  	_ =	sfence.sel $0x180000  }
0x57: {  	s2 =	simm.s32 $0x1;
	[bflag:$0x0] =	sbarrier.arrive $0xFFFF  }
0x58: {  	s31 =	simm.s32 $0x2;
	[sflag:s2] =	ssyncpa.u1 $0x1  }
0x59: {  	[sflag:s31] =	ssyncpa.u1 $0x1  }
0x5a: {  	p0 =	sne.s32 s1, $0x0;
	_ =	strace $0x9000004D  }
0x5b: {  	s0 =	sadd.s32 @!p0 $0x100000, s0;
	[bflag:$0x2] =	sbarrier.arrive $0xFFFF  }
0x5c: {  	[sflag:s0] =	ssyncadd.tile.s32 @!p0 $0x1;
	_ =	shalt  }
.Lfunc_end1:
_tile_overlayer_lowered:
.L_overlay_start_2:
0x5d: {  	(tag) =	ssettag $0x2  }
0x5e: {  	s0 =	rddreg [dreg:$0x0];
	s2 =	stileid.u32  }
0x5f: {  	s1 =	rddreg [dreg:$0x1];
	p0 =	sne.s32 s2, $0x0  }
0x60: {  	s3 =	rddreg [dreg:$0x2];
	[bflag:$0x3] =	sbarrier.arrive $0xFFFF;
	s2 =	simm.s32 @!p0 $0x1C01  }
0x61: {  	[timem:s3], [sflag:s2] =	dma.local @!p0 [hbm:s0], s1  }
0x62: {  	s0 =	simm.s32 @!p0 $0x1  }
0x63: {  	_ =	swait.ge @!p0 [sflag:s0], s1  }
0x64: {  	s1 =	ssub.s32 @!p0 $0x0, s1;
	[sflag:s0] =	ssyncset.done @!p0 $0x0  }
0x65: {  	[sflag:s0] =	ssyncadd.s32 @!p0 s1  }
0x66: {  	[bflag:$0x3] =	sbarrier.arrive $0xFFFF  }
0x67: {  	_ =	shalt  }

</sc_bundles>
